<compile_context>
chip_gen: v7x
topology: tpu7x:2x2x1
jax: 0.10.2.dev20260603
libtpu: 0.0.44.dev20260713+nightly
codegen_flags: <defaults>
</compile_context>

<pallas_src>
import functools

import jax
import jax.numpy as jnp
from jax import lax
from jax.experimental import pallas as pl
from jax.experimental.pallas import tpu as pltpu
from jax.experimental.pallas import tpu_sc as plsc

N = 100000
E = 3200000
NC = 2
NS = 16
NW = NC * NS
NPAD = 102400
TSL = NPAD // NS
G = 125
WB = 100
D = 5

A_GROUPS = E // NW // G
B_CH = 16
B_GPC = E // NS // B_CH // G
C_CH = 100
C_GPC = E // NS // C_CH // G
DC = 8

_mesh = plsc.VectorSubcoreMesh(core_axis_name="c", subcore_axis_name="s")
_sc_params = pltpu.CompilerParams(use_tc_tiling_on_sc=False)
_sc_params_nl = pltpu.CompilerParams(use_tc_tiling_on_sc=False,
                                     needs_layout_passes=False)


def _rsqrt16(d):
    i = plsc.bitcast(d, jnp.int32)
    i = jnp.int32(0x5F3759DF) - (i >> 1)
    y = plsc.bitcast(i, jnp.float32)
    for _ in range(3):
        y = y * (1.5 - 0.5 * d * y * y)
    return y


def _zero_fill(ref, rows):
    def body(i, _):
        ref[i] = jnp.zeros((16,), jnp.float32)
        return 0
    lax.fori_loop(0, rows, body, 0)


def _zero_fill_1d(ref, n16):
    def body(i, _):
        ref[pl.ds(i * 16, 16)] = jnp.zeros((16,), jnp.float32)
        return 0
    lax.fori_loop(0, n16, body, 0)


def _edge_loop(src_hbm, dst_hbm, sidx, gather_fn, scatter_fn,
               srcb, dstb, gsem, ssem, isem, nch, gpc, depth=D):
    pltpu.async_copy(src_hbm.at[sidx, 0], srcb.at[0], isem.at[0])
    pltpu.async_copy(dst_hbm.at[sidx, 0], dstb.at[0], isem.at[1])

    def chunk(k, _):
        b = lax.rem(k, 2)
        pltpu.make_async_copy(src_hbm.at[sidx, k], srcb.at[b],
                              isem.at[0]).wait()
        pltpu.make_async_copy(dst_hbm.at[sidx, k], dstb.at[b],
                              isem.at[1]).wait()
        @pl.when(k + 1 < nch)
        def _():
            pltpu.async_copy(src_hbm.at[sidx, k + 1], srcb.at[1 - b],
                             isem.at[0])
            pltpu.async_copy(dst_hbm.at[sidx, k + 1], dstb.at[1 - b],
                             isem.at[1])
        def quint(q, _):
            gs = [gather_fn(srcb.at[b, q * depth + d], d)
                  for d in range(depth)]
            ss = []
            for d in range(depth):
                gs[d].wait()
                ss.append(scatter_fn(dstb.at[b, q * depth + d], d))
            for d in range(depth):
                ss[d].wait()
            return 0
        lax.fori_loop(0, gpc // depth, quint, 0)
        return 0
    lax.fori_loop(0, nch, chunk, 0)


OF = 10


def _ab_body(xc_hbm, src_hbm, dst_hbm, p1_hbm, dinv_hbm,
             dega, tbl, acc, srcb, dstb, ones_v, rows_v, yb_v, zb_v, dv_v,
             osem, gsem, ssem, isem):
    c = lax.axis_index("c")
    s = lax.axis_index("s")
    sl = pl.ds(s * TSL, TSL)
    _zero_fill_1d(zb_v, TSL // 16)
    pltpu.sync_copy(zb_v, dega.at[sl])
    pltpu.sync_copy(zb_v, acc.at[sl])
    def ones_body(i, _):
        ones_v[pl.ds(i * 16, 16)] = jnp.ones((16,), jnp.float32)
        return 0
    lax.fori_loop(0, 8, ones_body, 0)
    plsc.subcore_barrier()
    pltpu.async_copy(dst_hbm.at[s, 0], dstb.at[0], isem.at[1])
    def cchunk(k, _):
        b = lax.rem(k, 2)
        pltpu.make_async_copy(dst_hbm.at[s, k], dstb.at[b], isem.at[1]).wait()
        @pl.when(k + 1 < B_CH)
        def _():
            pltpu.async_copy(dst_hbm.at[s, k + 1], dstb.at[1 - b], isem.at[1])
        def grp(t, _):
            cs = [pltpu.async_copy(ones_v.at[pl.ds(0, G)],
                                   dega.at[dstb.at[b, t * OF + d]],
                                   osem.at[d], add=True)
                  for d in range(OF)]
            for d in range(OF):
                cs[d].wait()
            return 0
        lax.fori_loop(0, B_GPC // OF, grp, 0)
        return 0
    lax.fori_loop(0, B_CH, cchunk, 0)
    plsc.subcore_barrier()
    pltpu.sync_copy(dega.at[sl], zb_v)
    pltpu.sync_copy(xc_hbm.at[c, sl], yb_v)
    def rs(i, _):
        w = pl.ds(i * 16, 16)
        y = _rsqrt16(zb_v[w] + 1.0)
        dv_v[w] = y
        yb_v[w] = yb_v[w] * y
        return 0
    lax.fori_loop(0, TSL // 16, rs, 0)
    pltpu.sync_copy(yb_v, tbl.at[sl])
    @pl.when(c == 0)
    def _():
        pltpu.sync_copy(dv_v, dinv_hbm.at[0, sl])
    plsc.subcore_barrier()
    def gather(idx, d):
        return pltpu.async_copy(tbl.at[idx], rows_v.at[d], gsem.at[d])
    def scatter(idx, d):
        return pltpu.async_copy(rows_v.at[d], acc.at[idx], ssem.at[d],
                                add=True)
    _edge_loop(src_hbm, dst_hbm, s, gather, scatter,
               srcb, dstb, gsem, ssem, isem, B_CH, B_GPC)
    plsc.subcore_barrier()
    pltpu.sync_copy(acc.at[sl], zb_v)
    pltpu.sync_copy(zb_v, p1_hbm.at[c, sl])


@functools.partial(
    pl.kernel,
    out_type=[
        jax.ShapeDtypeStruct((NC, NPAD), jnp.float32),
        jax.ShapeDtypeStruct((1, NPAD), jnp.float32),
    ],
    mesh=_mesh,
    compiler_params=_sc_params_nl,
    scratch_types=[
        pltpu.VMEM_SHARED((NPAD,), jnp.float32),
        pltpu.VMEM_SHARED((NPAD,), jnp.float32),
        pltpu.VMEM_SHARED((NPAD,), jnp.float32),
        pltpu.VMEM((2, B_GPC, G), jnp.int32),
        pltpu.VMEM((2, B_GPC, G), jnp.int32),
        pltpu.VMEM((128,), jnp.float32),
        pltpu.VMEM((D, G), jnp.float32),
        pltpu.VMEM((TSL,), jnp.float32),
        pltpu.VMEM((TSL,), jnp.float32),
        pltpu.VMEM((TSL,), jnp.float32),
        pltpu.SemaphoreType.DMA((OF,)),
        pltpu.SemaphoreType.DMA((D,)),
        pltpu.SemaphoreType.DMA((D,)),
        pltpu.SemaphoreType.DMA((2,)),
    ],
)
def _sc_ab(xc_hbm, src_hbm, dst_hbm, p1_hbm, dinv_hbm,
           dega, tbl, acc, srcb, dstb, ones_v, rows_v, yb_v, zb_v, dv_v,
           osem, gsem, ssem, isem):
    _ab_body(xc_hbm, src_hbm, dst_hbm, p1_hbm, dinv_hbm,
             dega, tbl, acc, srcb, dstb, ones_v, rows_v, yb_v, zb_v, dv_v,
             osem, gsem, ssem, isem)


def _p2_body(y2v_hbm, src_hbm, dst_hbm, out_hbm, acc,
             srcb, dstb, rows_v, zb_v, gsem, ssem, isem):
    c = lax.axis_index("c")
    s = lax.axis_index("s")
    tbl = y2v_hbm.at[pl.ds(c, 2 * N)]
    _zero_fill(zb_v, WB)
    def zinit(t, _):
        pltpu.sync_copy(zb_v, acc.at[pl.ds(s * TSL + t * WB, WB)])
        return 0
    lax.fori_loop(0, TSL // WB, zinit, 0)
    plsc.subcore_barrier()
    def gather(idx, d):
        return pltpu.async_copy(tbl.at[idx], rows_v.at[d], gsem.at[d])
    def scatter(idx, d):
        return pltpu.async_copy(rows_v.at[d], acc.at[idx], ssem.at[d],
                                add=True)
    _edge_loop(src_hbm, dst_hbm, s, gather, scatter,
               srcb, dstb, gsem, ssem, isem, C_CH, C_GPC, depth=DC)
    plsc.subcore_barrier()
    def wback(t, _):
        pltpu.sync_copy(acc.at[pl.ds(s * TSL + t * WB, WB)], zb_v)
        pltpu.sync_copy(zb_v, out_hbm.at[pl.ds(s * TSL + t * WB, WB), c])
        return 0
    lax.fori_loop(0, TSL // WB, wback, 0)


@functools.partial(
    pl.kernel,
    out_type=jax.ShapeDtypeStruct((NPAD, NC, 16), jnp.float32),
    mesh=_mesh,
    compiler_params=_sc_params,
    scratch_types=[
        pltpu.VMEM_SHARED((NPAD, 16), jnp.float32),
        pltpu.VMEM((2, C_GPC, G), jnp.int32),
        pltpu.VMEM((2, C_GPC, G), jnp.int32),
        pltpu.VMEM((DC, G, 16), jnp.float32),
        pltpu.VMEM((WB, 16), jnp.float32),
        pltpu.SemaphoreType.DMA((DC,)),
        pltpu.SemaphoreType.DMA((DC,)),
        pltpu.SemaphoreType.DMA((2,)),
    ],
)
def _sc_prop16(y2v_hbm, src_hbm, dst_hbm, out_hbm, acc,
               srcb, dstb, rows_v, zb_v, gsem, ssem, isem):
    _p2_body(y2v_hbm, src_hbm, dst_hbm, out_hbm, acc,
             srcb, dstb, rows_v, zb_v, gsem, ssem, isem)


BLK = 6400
GRID = NPAD // BLK
BL8 = BLK // 8


def _tc_mid_body(p1c_ref, dinv_ref, xc_ref, W1_ref, b1_ref, y2_ref):
    dv = dinv_ref[0, :]
    prop0 = dv * (p1c_ref[0, :] + dv * xc_ref[0, :])
    prop1 = dv * (p1c_ref[1, :] + dv * xc_ref[1, :])
    h = (prop0[:, None] * W1_ref[0:1, :]
         + prop1[:, None] * W1_ref[1:2, :]
         + b1_ref[...])
    h = jnp.maximum(h, 0.0)
    y2_ref[...] = h * dv[:, None]


def _tc_mid(p1c, dinv, xc, W1, b1):
    return pl.pallas_call(
        _tc_mid_body,
        grid=(GRID,),
        in_specs=[
            pl.BlockSpec((NC, BLK), lambda i: (0, i)),
            pl.BlockSpec((1, BLK), lambda i: (0, i)),
            pl.BlockSpec((NC, BLK), lambda i: (0, i)),
            pl.BlockSpec((2, 32), lambda i: (0, 0)),
            pl.BlockSpec((1, 32), lambda i: (0, 0)),
        ],
        out_specs=pl.BlockSpec((BLK, 32), lambda i: (i, 0)),
        out_shape=jax.ShapeDtypeStruct((NPAD, 32), jnp.float32),
    )(p1c, dinv, xc, W1, b1.reshape(1, 32))


def _tc_final_body(p2_ref, y2_ref, dinv_ref, W2_ref, b2_ref,
                   Wf1_ref, bf1_ref, Wf2_ref, bf2_ref, out_ref):
    dv = dinv_ref[0, :][:, None]
    prop2 = dv * (p2_ref[...] + y2_ref[...])
    h2 = jnp.maximum(
        jnp.dot(prop2, W2_ref[...], preferred_element_type=jnp.float32)
        + b2_ref[...], 0.0)
    h3 = jnp.maximum(
        jnp.dot(h2, Wf1_ref[...], preferred_element_type=jnp.float32)
        + bf1_ref[...], 0.0)
    out_ref[...] = (
        jnp.dot(h3, Wf2_ref[...], preferred_element_type=jnp.float32)
        + bf2_ref[...])


def _tc_final(p2, y2, dinv, W2, b2, Wf1, bf1, Wf2, bf2):
    return pl.pallas_call(
        _tc_final_body,
        grid=(GRID,),
        in_specs=[
            pl.BlockSpec((BLK, 32), lambda i: (i, 0)),
            pl.BlockSpec((BLK, 32), lambda i: (i, 0)),
            pl.BlockSpec((1, BLK), lambda i: (0, i)),
            pl.BlockSpec((32, 32), lambda i: (0, 0)),
            pl.BlockSpec((1, 32), lambda i: (0, 0)),
            pl.BlockSpec((32, 32), lambda i: (0, 0)),
            pl.BlockSpec((1, 32), lambda i: (0, 0)),
            pl.BlockSpec((32, 1), lambda i: (0, 0)),
            pl.BlockSpec((1, 1), lambda i: (0, 0)),
        ],
        out_specs=pl.BlockSpec((BLK, 1), lambda i: (i, 0)),
        out_shape=jax.ShapeDtypeStruct((NPAD, 1), jnp.float32),
    )(p2, y2, dinv, W2, b2.reshape(1, 32), Wf1, bf1.reshape(1, 32),
      Wf2, bf2.reshape(1, 1))


def _tc_double_body(i_ref, o_ref):
    o_ref[...] = i_ref[...] * 2


def _tc_double(src):
    return pl.pallas_call(
        _tc_double_body,
        grid=(5,),
        in_specs=[pl.BlockSpec((E // 5 // 128, 128), lambda i: (i, 0))],
        out_specs=pl.BlockSpec((E // 5 // 128, 128), lambda i: (i, 0)),
        out_shape=jax.ShapeDtypeStruct((E // 128, 128), jnp.int32),
    )(src.reshape(E // 128, 128))


def kernel(x, edge_index, W1, b1, W2, b2, Wf1, bf1, Wf2, bf2):
    src = edge_index[0].astype(jnp.int32)
    dst = edge_index[1].astype(jnp.int32)
    srcB = src.reshape(NS, B_CH, B_GPC, G)
    dstB = dst.reshape(NS, B_CH, B_GPC, G)
    srcC = _tc_double(src).reshape(NS, C_CH, C_GPC, G)
    dstC = dst.reshape(NS, C_CH, C_GPC, G)
    xc = jnp.pad(x.T, ((0, 0), (0, NPAD - N)))

    p1c, dinv = _sc_ab(xc, srcB, dstB)
    y2 = _tc_mid(p1c, dinv, xc, W1, b1)
    p2 = _sc_prop16(y2.reshape(2 * NPAD, 16), srcC, dstC)
    outp = _tc_final(p2.reshape(NPAD, 32), y2, dinv,
                     W2, b2, Wf1, bf1, Wf2, bf2)
    return outp[:N]

# --- scband reference (transcript-rebuilt; emitter-appended) ---
"""Pipeline reference for scband-net-full-11390253269723 (READ-ONLY COPY).

The authoritative reference and input builder live on the scoring server;
editing this copy changes nothing except your own understanding.
"""

import jax, jax.numpy as jnp
import numpy as np

N_NODES = 100000
N_EDGES = 3200000

def setup_inputs(seed: int = 0) -> dict:
    key = jax.random.key(seed)
    ks = jax.random.split(key, 12)
    x = jax.random.normal(ks[0], (N_NODES, 2), dtype=jnp.float32)
    edge_index = jax.random.randint(ks[1], (2, N_EDGES), 0, N_NODES, dtype=jnp.int64)
    # GCNConv(2, 32)
    W1 = jax.random.normal(ks[2], (2, 32), dtype=jnp.float32) * (1.0 / np.sqrt(2))
    b1 = jnp.zeros((32,), dtype=jnp.float32)
    # GCNConv(32, 32)
    W2 = jax.random.normal(ks[3], (32, 32), dtype=jnp.float32) * (1.0 / np.sqrt(32))
    b2 = jnp.zeros((32,), dtype=jnp.float32)
    # Linear(32, 32)
    Wf1 = jax.random.normal(ks[4], (32, 32), dtype=jnp.float32) * (1.0 / np.sqrt(32))
    bf1 = jnp.zeros((32,), dtype=jnp.float32)
    # Linear(32, 1)
    Wf2 = jax.random.normal(ks[5], (32, 1), dtype=jnp.float32) * (1.0 / np.sqrt(32))
    bf2 = jnp.zeros((1,), dtype=jnp.float32)
    return {"x": x, "edge_index": edge_index, "W1": W1, "b1": b1, "W2": W2, "b2": b2, "Wf1": Wf1, "bf1": bf1, "Wf2": Wf2, "bf2": bf2}

def _gcn_conv(x, edge_index, W, b):
    N = x.shape[0]
    src = edge_index[0]
    dst = edge_index[1]
    # add self loops (PyG GCNConv default add_self_loops=True)
    sl = jnp.arange(N, dtype=edge_index.dtype)
    src = jnp.concatenate([src, sl])
    dst = jnp.concatenate([dst, sl])
    xw = x @ W
    # symmetric normalization D^{-1/2} A_hat D^{-1/2}
    deg = jnp.zeros((N,), dtype=xw.dtype).at[dst].add(1.0)
    dinv = jnp.where(deg > 0, 1.0 / jnp.sqrt(deg), 0.0)
    norm = dinv[src] * dinv[dst]
    msgs = xw[src] * norm[:, None]
    out = jnp.zeros((N, W.shape[1]), dtype=xw.dtype).at[dst].add(msgs)
    return out + b

def reference(x, edge_index, W1, b1, W2, b2, Wf1, bf1, Wf2, bf2):
    h = _gcn_conv(x, edge_index, W1, b1)
    h = jax.nn.relu(h)
    h = _gcn_conv(h, edge_index, W2, b2)
    h = jax.nn.relu(h)
    h = h @ Wf1 + bf1
    h = jax.nn.relu(h)
    h = h @ Wf2 + bf2
    return h

if __name__ == "__main__":
    import jax
    _d = setup_inputs()
    print(jax.jit(kernel)(*tuple(_d.values())))

</pallas_src>

<mosaic_0001>
#map = affine_map<(d0, d1) -> (0, 0)>
#map1 = affine_map<(d0, d1) -> (0, 0, 0, 0)>
module attributes {stable_mosaic.version = 14 : i64} {
  func.func @_sc_ab(%arg0: i32, %arg1: i32, %arg2: memref<2x102400xf32, #tpu.memory_space<hbm>>, %arg3: memref<16x16x100x125xi32, #tpu.memory_space<hbm>>, %arg4: memref<16x16x100x125xi32, #tpu.memory_space<hbm>>, %arg5: memref<2x102400xf32, #tpu.memory_space<hbm>>, %arg6: memref<1x102400xf32, #tpu.memory_space<hbm>>, %arg7: memref<102400xf32, #tpu.memory_space<vmem_shared>>, %arg8: memref<102400xf32, #tpu.memory_space<vmem_shared>>, %arg9: memref<102400xf32, #tpu.memory_space<vmem_shared>>, %arg10: memref<2x100x125xi32, #tpu.memory_space<vmem>>, %arg11: memref<2x100x125xi32, #tpu.memory_space<vmem>>, %arg12: memref<128xf32, #tpu.memory_space<vmem>>, %arg13: memref<5x125xf32, #tpu.memory_space<vmem>>, %arg14: memref<6400xf32, #tpu.memory_space<vmem>>, %arg15: memref<6400xf32, #tpu.memory_space<vmem>>, %arg16: memref<6400xf32, #tpu.memory_space<vmem>>, %arg17: memref<10x!tpu.dma_semaphore, #tpu.memory_space<semaphore_mem>>, %arg18: memref<5x!tpu.dma_semaphore, #tpu.memory_space<semaphore_mem>>, %arg19: memref<5x!tpu.dma_semaphore, #tpu.memory_space<semaphore_mem>>, %arg20: memref<2x!tpu.dma_semaphore, #tpu.memory_space<semaphore_mem>>) attributes {dimension_semantics = [#tpu.dimension_semantics<core_parallel>, #tpu.dimension_semantics<subcore_parallel>], iteration_bounds = array<i64: 2, 16>, scalar_prefetch = 0 : i64, scratch_operands = 14 : i64, tpu.core_type = #tpu.core_type<sc_vector_subcore>, window_params = [{transform_indices = #map}, {transform_indices = #map1}, {transform_indices = #map1}, {transform_indices = #map}, {transform_indices = #map}]} {
    %mul3A = arith.constant 6400 : i32
    %mul3A_0 = arith.muli %arg1, %mul3A : i32
    %scan3A = arith.constant 0 : i32
    %scan3A_1 = arith.constant 0 : i32
    %scan3A_2 = arith.constant 400 : i32
    %scan3A_3 = arith.addi %scan3A_1, %scan3A_2 : i32
    %scan3A_4 = arith.constant 1 : i32
    %scan3A_5 = scf.for %scan3A_102 = %scan3A_1 to %scan3A_3 step %scan3A_4 iter_args(%scan3A_103 = %scan3A) -> (i32)  : i32 {
      %broadcast_in_dim3A = arith.constant 0.000000e+00 : f32
      %broadcast_in_dim3A_104 = vector.broadcast %broadcast_in_dim3A : f32 to vector<16xf32>
      %mul3A_105 = arith.constant 16 : i32
      %mul3A_106 = arith.muli %scan3A_102, %mul3A_105 : i32
      %swap3A = arith.index_cast %mul3A_106 : i32 to index
      %swap3A_107 = tpu.vector_load %arg15[%swap3A] {strides = array<i32>} : memref<6400xf32, #tpu.memory_space<vmem>>, vector<16xf32>,
      tpu.vector_store %arg15[%swap3A], %broadcast_in_dim3A_104 {strides = array<i32>} : memref<6400xf32, #tpu.memory_space<vmem>>, vector<16xf32>,
      %scan3A_108 = arith.constant 0 : i32
      scf.yield %scan3A_108 : i32
    }
    %scan3A_6 = arith.constant 400 : i32
    "tpu.region"() ({
      %run_scoped3A = tpu.sem_alloc : memref<!tpu.dma_semaphore, #tpu.memory_space<semaphore_mem>>
      %dma_start3A_102 = tpu.memref_slice %arg7[%mul3A_0] : memref<102400xf32, #tpu.memory_space<vmem_shared>> -> memref<6400xf32, #tpu.memory_space<vmem_shared>>
      %dma_start3A_103 = tpu.memref_slice %arg7[%mul3A_0] : memref<102400xf32, #tpu.memory_space<vmem_shared>> -> memref<6400xf32, #tpu.memory_space<vmem_shared>>
      tpu.enqueue_dma source(%arg15 : memref<6400xf32, #tpu.memory_space<vmem>>) target(%dma_start3A_103 : memref<6400xf32, #tpu.memory_space<vmem_shared>>) target_semaphore(%run_scoped3A : memref<!tpu.dma_semaphore, #tpu.memory_space<semaphore_mem>>)
      %dma_wait3A = tpu.memref_slice %arg7[%mul3A_0] : memref<102400xf32, #tpu.memory_space<vmem_shared>> -> memref<6400xf32, #tpu.memory_space<vmem_shared>>
      %dma_wait3A_104 = tpu.memref_slice %arg7[%mul3A_0] : memref<102400xf32, #tpu.memory_space<vmem_shared>> -> memref<6400xf32, #tpu.memory_space<vmem_shared>>
      tpu.wait_dma2 semaphore(%run_scoped3A : memref<!tpu.dma_semaphore, #tpu.memory_space<semaphore_mem>>) src(%arg15 : memref<6400xf32, #tpu.memory_space<vmem>>) dst(%dma_wait3A_104 : memref<6400xf32, #tpu.memory_space<vmem_shared>>)
      tpu.yield
    }) : () -> ()
    "tpu.region"() ({
      %run_scoped3A = tpu.sem_alloc : memref<!tpu.dma_semaphore, #tpu.memory_space<semaphore_mem>>
      %dma_start3A_102 = tpu.memref_slice %arg9[%mul3A_0] : memref<102400xf32, #tpu.memory_space<vmem_shared>> -> memref<6400xf32, #tpu.memory_space<vmem_shared>>
      %dma_start3A_103 = tpu.memref_slice %arg9[%mul3A_0] : memref<102400xf32, #tpu.memory_space<vmem_shared>> -> memref<6400xf32, #tpu.memory_space<vmem_shared>>
      tpu.enqueue_dma source(%arg15 : memref<6400xf32, #tpu.memory_space<vmem>>) target(%dma_start3A_103 : memref<6400xf32, #tpu.memory_space<vmem_shared>>) target_semaphore(%run_scoped3A : memref<!tpu.dma_semaphore, #tpu.memory_space<semaphore_mem>>)
      %dma_wait3A = tpu.memref_slice %arg9[%mul3A_0] : memref<102400xf32, #tpu.memory_space<vmem_shared>> -> memref<6400xf32, #tpu.memory_space<vmem_shared>>
      %dma_wait3A_104 = tpu.memref_slice %arg9[%mul3A_0] : memref<102400xf32, #tpu.memory_space<vmem_shared>> -> memref<6400xf32, #tpu.memory_space<vmem_shared>>
      tpu.wait_dma2 semaphore(%run_scoped3A : memref<!tpu.dma_semaphore, #tpu.memory_space<semaphore_mem>>) src(%arg15 : memref<6400xf32, #tpu.memory_space<vmem>>) dst(%dma_wait3A_104 : memref<6400xf32, #tpu.memory_space<vmem_shared>>)
      tpu.yield
    }) : () -> ()
    %scan3A_7 = arith.constant 0 : i32
    %scan3A_8 = arith.constant 0 : i32
    %scan3A_9 = arith.constant 8 : i32
    %scan3A_10 = arith.addi %scan3A_8, %scan3A_9 : i32
    %scan3A_11 = arith.constant 1 : i32
    %scan3A_12 = scf.for %scan3A_102 = %scan3A_8 to %scan3A_10 step %scan3A_11 iter_args(%scan3A_103 = %scan3A_7) -> (i32)  : i32 {
      %broadcast_in_dim3A = arith.constant 1.000000e+00 : f32
      %broadcast_in_dim3A_104 = vector.broadcast %broadcast_in_dim3A : f32 to vector<16xf32>
      %mul3A_105 = arith.constant 16 : i32
      %mul3A_106 = arith.muli %scan3A_102, %mul3A_105 : i32
      %swap3A = arith.index_cast %mul3A_106 : i32 to index
      %swap3A_107 = tpu.vector_load %arg12[%swap3A] {strides = array<i32>} : memref<128xf32, #tpu.memory_space<vmem>>, vector<16xf32>,
      tpu.vector_store %arg12[%swap3A], %broadcast_in_dim3A_104 {strides = array<i32>} : memref<128xf32, #tpu.memory_space<vmem>>, vector<16xf32>,
      %scan3A_108 = arith.constant 0 : i32
      scf.yield %scan3A_108 : i32
    }
    %scan3A_13 = arith.constant 8 : i32
    %barrier3A = arith.constant 0 : index
    tpu.barrier barrier_id(%barrier3A)
    %dma_start3A = arith.constant 0 : i32
    %dma_start3A_14 = arith.constant 0 : i32
    %dma_start3A_15 = arith.constant 1 : i32
    %dma_start3A_16 = arith.constant 0 : i32
    %dma_start3A_17 = arith.constant 0 : i32
    %dma_start3A_18 = tpu.memref_slice %arg11[%dma_start3A_14, %dma_start3A_16, %dma_start3A_17] : memref<2x100x125xi32, #tpu.memory_space<vmem>> -> memref<1x100x125xi32, #tpu.memory_space<vmem>>
    %dma_start3A_19 = tpu.memref_squeeze %dma_start3A_18 : memref<1x100x125xi32, #tpu.memory_space<vmem>> -> memref<100x125xi32, #tpu.memory_space<vmem>>
    %dma_start3A_20 = arith.constant 0 : i32
    %dma_start3A_21 = arith.constant 0 : i32
    %dma_start3A_22 = tpu.memref_slice %arg4[%arg1, %dma_start3A, %dma_start3A_20, %dma_start3A_21] : memref<16x16x100x125xi32, #tpu.memory_space<hbm>> -> memref<1x1x100x125xi32, #tpu.memory_space<hbm>>
    %dma_start3A_23 = tpu.memref_squeeze %dma_start3A_22 : memref<1x1x100x125xi32, #tpu.memory_space<hbm>> -> memref<100x125xi32, #tpu.memory_space<hbm>>
    %dma_start3A_24 = tpu.memref_slice %arg20[%dma_start3A_15] : memref<2x!tpu.dma_semaphore, #tpu.memory_space<semaphore_mem>> -> memref<1x!tpu.dma_semaphore, #tpu.memory_space<semaphore_mem>>
    %dma_start3A_25 = tpu.memref_squeeze %dma_start3A_24 : memref<1x!tpu.dma_semaphore, #tpu.memory_space<semaphore_mem>> -> memref<!tpu.dma_semaphore, #tpu.memory_space<semaphore_mem>>
    %dma_start3A_26 = arith.constant 0 : i32
    %dma_start3A_27 = arith.constant 0 : i32
    %dma_start3A_28 = tpu.memref_slice %arg11[%dma_start3A_14, %dma_start3A_26, %dma_start3A_27] : memref<2x100x125xi32, #tpu.memory_space<vmem>> -> memref<1x100x125xi32, #tpu.memory_space<vmem>>
    %dma_start3A_29 = tpu.memref_squeeze %dma_start3A_28 : memref<1x100x125xi32, #tpu.memory_space<vmem>> -> memref<100x125xi32, #tpu.memory_space<vmem>>
    %dma_start3A_30 = arith.constant 0 : i32
    %dma_start3A_31 = arith.constant 0 : i32
    %dma_start3A_32 = tpu.memref_slice %arg4[%arg1, %dma_start3A, %dma_start3A_30, %dma_start3A_31] : memref<16x16x100x125xi32, #tpu.memory_space<hbm>> -> memref<1x1x100x125xi32, #tpu.memory_space<hbm>>
    %dma_start3A_33 = tpu.memref_squeeze %dma_start3A_32 : memref<1x1x100x125xi32, #tpu.memory_space<hbm>> -> memref<100x125xi32, #tpu.memory_space<hbm>>
    tpu.enqueue_dma source(%dma_start3A_33 : memref<100x125xi32, #tpu.memory_space<hbm>>) target(%dma_start3A_29 : memref<100x125xi32, #tpu.memory_space<vmem>>) target_semaphore(%dma_start3A_25 : memref<!tpu.dma_semaphore, #tpu.memory_space<semaphore_mem>>)
    %scan3A_34 = arith.constant 0 : i32
    %scan3A_35 = arith.constant 0 : i32
    %scan3A_36 = arith.constant 16 : i32
    %scan3A_37 = arith.addi %scan3A_35, %scan3A_36 : i32
    %scan3A_38 = arith.constant 1 : i32
    %scan3A_39 = scf.for %scan3A_102 = %scan3A_35 to %scan3A_37 step %scan3A_38 iter_args(%scan3A_103 = %scan3A_34) -> (i32)  : i32 {
      %rem3A = arith.constant 2 : i32
      %rem3A_104 = arith.remsi %scan3A_102, %rem3A : i32
      %dma_wait3A = arith.constant 1 : i32
      %dma_wait3A_105 = arith.constant 0 : i32
      %dma_wait3A_106 = arith.constant 0 : i32
      %dma_wait3A_107 = tpu.memref_slice %arg11[%rem3A_104, %dma_wait3A_105, %dma_wait3A_106] : memref<2x100x125xi32, #tpu.memory_space<vmem>> -> memref<1x100x125xi32, #tpu.memory_space<vmem>>
      %dma_wait3A_108 = tpu.memref_squeeze %dma_wait3A_107 : memref<1x100x125xi32, #tpu.memory_space<vmem>> -> memref<100x125xi32, #tpu.memory_space<vmem>>
      %dma_wait3A_109 = arith.constant 0 : i32
      %dma_wait3A_110 = arith.constant 0 : i32
      %dma_wait3A_111 = tpu.memref_slice %arg4[%arg1, %scan3A_102, %dma_wait3A_109, %dma_wait3A_110] : memref<16x16x100x125xi32, #tpu.memory_space<hbm>> -> memref<1x1x100x125xi32, #tpu.memory_space<hbm>>
      %dma_wait3A_112 = tpu.memref_squeeze %dma_wait3A_111 : memref<1x1x100x125xi32, #tpu.memory_space<hbm>> -> memref<100x125xi32, #tpu.memory_space<hbm>>
      %dma_wait3A_113 = tpu.memref_slice %arg20[%dma_wait3A] : memref<2x!tpu.dma_semaphore, #tpu.memory_space<semaphore_mem>> -> memref<1x!tpu.dma_semaphore, #tpu.memory_space<semaphore_mem>>
      %dma_wait3A_114 = tpu.memref_squeeze %dma_wait3A_113 : memref<1x!tpu.dma_semaphore, #tpu.memory_space<semaphore_mem>> -> memref<!tpu.dma_semaphore, #tpu.memory_space<semaphore_mem>>
      %dma_wait3A_115 = arith.constant 0 : i32
      %dma_wait3A_116 = arith.constant 0 : i32
      %dma_wait3A_117 = tpu.memref_slice %arg11[%rem3A_104, %dma_wait3A_115, %dma_wait3A_116] : memref<2x100x125xi32, #tpu.memory_space<vmem>> -> memref<1x100x125xi32, #tpu.memory_space<vmem>>
      %dma_wait3A_118 = tpu.memref_squeeze %dma_wait3A_117 : memref<1x100x125xi32, #tpu.memory_space<vmem>> -> memref<100x125xi32, #tpu.memory_space<vmem>>
      %dma_wait3A_119 = arith.constant 0 : i32
      %dma_wait3A_120 = arith.constant 0 : i32
      %dma_wait3A_121 = tpu.memref_slice %arg4[%arg1, %scan3A_102, %dma_wait3A_119, %dma_wait3A_120] : memref<16x16x100x125xi32, #tpu.memory_space<hbm>> -> memref<1x1x100x125xi32, #tpu.memory_space<hbm>>
      %dma_wait3A_122 = tpu.memref_squeeze %dma_wait3A_121 : memref<1x1x100x125xi32, #tpu.memory_space<hbm>> -> memref<100x125xi32, #tpu.memory_space<hbm>>
      tpu.wait_dma2 semaphore(%dma_wait3A_114 : memref<!tpu.dma_semaphore, #tpu.memory_space<semaphore_mem>>) src(%dma_wait3A_122 : memref<100x125xi32, #tpu.memory_space<hbm>>) dst(%dma_wait3A_118 : memref<100x125xi32, #tpu.memory_space<vmem>>)
      %add3A = arith.constant 1 : i32
      %add3A_123 = arith.addi %scan3A_102, %add3A : i32
      %lt3A = arith.constant 16 : i32
      %lt3A_124 = arith.cmpi slt, %add3A_123, %lt3A : i32
      %convert_element_type3A_125 = arith.extui %lt3A_124 : i1 to i32
      %cond3A_126 = arith.constant 0 : i32
      %cond3A_127 = arith.cmpi ne, %convert_element_type3A_125, %cond3A_126 : i32
      scf.if %cond3A_127 {
        %add3A_136 = arith.constant 1 : i32
        %add3A_137 = arith.addi %scan3A_102, %add3A_136 : i32
        %sub3A = arith.constant 1 : i32
        %sub3A_138 = arith.subi %sub3A, %rem3A_104 : i32
        %dma_start3A_139 = arith.constant 1 : i32
        %dma_start3A_140 = arith.constant 0 : i32
        %dma_start3A_141 = arith.constant 0 : i32
        %dma_start3A_142 = tpu.memref_slice %arg11[%sub3A_138, %dma_start3A_140, %dma_start3A_141] : memref<2x100x125xi32, #tpu.memory_space<vmem>> -> memref<1x100x125xi32, #tpu.memory_space<vmem>>
        %dma_start3A_143 = tpu.memref_squeeze %dma_start3A_142 : memref<1x100x125xi32, #tpu.memory_space<vmem>> -> memref<100x125xi32, #tpu.memory_space<vmem>>
        %dma_start3A_144 = arith.constant 0 : i32
        %dma_start3A_145 = arith.constant 0 : i32
        %dma_start3A_146 = tpu.memref_slice %arg4[%arg1, %add3A_137, %dma_start3A_144, %dma_start3A_145] : memref<16x16x100x125xi32, #tpu.memory_space<hbm>> -> memref<1x1x100x125xi32, #tpu.memory_space<hbm>>
        %dma_start3A_147 = tpu.memref_squeeze %dma_start3A_146 : memref<1x1x100x125xi32, #tpu.memory_space<hbm>> -> memref<100x125xi32, #tpu.memory_space<hbm>>
        %dma_start3A_148 = tpu.memref_slice %arg20[%dma_start3A_139] : memref<2x!tpu.dma_semaphore, #tpu.memory_space<semaphore_mem>> -> memref<1x!tpu.dma_semaphore, #tpu.memory_space<semaphore_mem>>
        %dma_start3A_149 = tpu.memref_squeeze %dma_start3A_148 : memref<1x!tpu.dma_semaphore, #tpu.memory_space<semaphore_mem>> -> memref<!tpu.dma_semaphore, #tpu.memory_space<semaphore_mem>>
        %dma_start3A_150 = arith.constant 0 : i32
        %dma_start3A_151 = arith.constant 0 : i32
        %dma_start3A_152 = tpu.memref_slice %arg11[%sub3A_138, %dma_start3A_150, %dma_start3A_151] : memref<2x100x125xi32, #tpu.memory_space<vmem>> -> memref<1x100x125xi32, #tpu.memory_space<vmem>>
        %dma_start3A_153 = tpu.memref_squeeze %dma_start3A_152 : memref<1x100x125xi32, #tpu.memory_space<vmem>> -> memref<100x125xi32, #tpu.memory_space<vmem>>
        %dma_start3A_154 = arith.constant 0 : i32
        %dma_start3A_155 = arith.constant 0 : i32
        %dma_start3A_156 = tpu.memref_slice %arg4[%arg1, %add3A_137, %dma_start3A_154, %dma_start3A_155] : memref<16x16x100x125xi32, #tpu.memory_space<hbm>> -> memref<1x1x100x125xi32, #tpu.memory_space<hbm>>
        %dma_start3A_157 = tpu.memref_squeeze %dma_start3A_156 : memref<1x1x100x125xi32, #tpu.memory_space<hbm>> -> memref<100x125xi32, #tpu.memory_space<hbm>>
        tpu.enqueue_dma source(%dma_start3A_157 : memref<100x125xi32, #tpu.memory_space<hbm>>) target(%dma_start3A_153 : memref<100x125xi32, #tpu.memory_space<vmem>>) target_semaphore(%dma_start3A_149 : memref<!tpu.dma_semaphore, #tpu.memory_space<semaphore_mem>>)
      } else {
      }
      %scan3A_128 = arith.constant 0 : i32
      %scan3A_129 = arith.constant 0 : i32
      %scan3A_130 = arith.constant 10 : i32
      %scan3A_131 = arith.addi %scan3A_129, %scan3A_130 : i32
      %scan3A_132 = arith.constant 1 : i32
      %scan3A_133 = scf.for %scan3A_136 = %scan3A_129 to %scan3A_131 step %scan3A_132 iter_args(%scan3A_137 = %scan3A_128) -> (i32)  : i32 {
        %mul3A_138 = arith.constant 10 : i32
        %mul3A_139 = arith.muli %scan3A_136, %mul3A_138 : i32
        %add3A_140 = arith.constant 0 : i32
        %add3A_141 = arith.addi %mul3A_139, %add3A_140 : i32
        %dma_start3A_142 = arith.constant 0 : i32
        %dma_start3A_143 = arith.constant 0 : i32
        %dma_start3A_144 = tpu.memref_slice %arg12[%dma_start3A_143] : memref<128xf32, #tpu.memory_space<vmem>> -> memref<125xf32, #tpu.memory_space<vmem>>
        %dma_start3A_145 = arith.constant 0 : i32
        %dma_start3A_146 = tpu.memref_slice %arg11[%rem3A_104, %add3A_141, %dma_start3A_145] : memref<2x100x125xi32, #tpu.memory_space<vmem>> -> memref<1x1x125xi32, #tpu.memory_space<vmem>>
        %dma_start3A_147 = tpu.memref_squeeze %dma_start3A_146 : memref<1x1x125xi32, #tpu.memory_space<vmem>> -> memref<125xi32, #tpu.memory_space<vmem>>
        %dma_start3A_148 = arith.constant 0 : i32
        %dma_start3A_149 = tpu.memref_slice %arg7[%dma_start3A_148] : memref<102400xf32, #tpu.memory_space<vmem_shared>> -> memref<102400xf32, #tpu.memory_space<vmem_shared>>
        %dma_start3A_150 = tpu.memref_slice %arg17[%dma_start3A_142] : memref<10x!tpu.dma_semaphore, #tpu.memory_space<semaphore_mem>> -> memref<1x!tpu.dma_semaphore, #tpu.memory_space<semaphore_mem>>
        %dma_start3A_151 = tpu.memref_squeeze %dma_start3A_150 : memref<1x!tpu.dma_semaphore, #tpu.memory_space<semaphore_mem>> -> memref<!tpu.dma_semaphore, #tpu.memory_space<semaphore_mem>>
        tpu.enqueue_indirect_dma source(%dma_start3A_144 : memref<125xf32, #tpu.memory_space<vmem>>) target(%dma_start3A_149 : memref<102400xf32, #tpu.memory_space<vmem_shared>>) offsets(%dma_start3A_147 : memref<125xi32, #tpu.memory_space<vmem>>) semaphore(%dma_start3A_151 : memref<!tpu.dma_semaphore, #tpu.memory_space<semaphore_mem>>) {add = true}
        %mul3A_152 = arith.constant 10 : i32
        %mul3A_153 = arith.muli %scan3A_136, %mul3A_152 : i32
        %add3A_154 = arith.constant 1 : i32
        %add3A_155 = arith.addi %mul3A_153, %add3A_154 : i32
        %dma_start3A_156 = arith.constant 1 : i32
        %dma_start3A_157 = arith.constant 0 : i32
        %dma_start3A_158 = tpu.memref_slice %arg12[%dma_start3A_157] : memref<128xf32, #tpu.memory_space<vmem>> -> memref<125xf32, #tpu.memory_space<vmem>>
        %dma_start3A_159 = arith.constant 0 : i32
        %dma_start3A_160 = tpu.memref_slice %arg11[%rem3A_104, %add3A_155, %dma_start3A_159] : memref<2x100x125xi32, #tpu.memory_space<vmem>> -> memref<1x1x125xi32, #tpu.memory_space<vmem>>
        %dma_start3A_161 = tpu.memref_squeeze %dma_start3A_160 : memref<1x1x125xi32, #tpu.memory_space<vmem>> -> memref<125xi32, #tpu.memory_space<vmem>>
        %dma_start3A_162 = arith.constant 0 : i32
        %dma_start3A_163 = tpu.memref_slice %arg7[%dma_start3A_162] : memref<102400xf32, #tpu.memory_space<vmem_shared>> -> memref<102400xf32, #tpu.memory_space<vmem_shared>>
        %dma_start3A_164 = tpu.memref_slice %arg17[%dma_start3A_156] : memref<10x!tpu.dma_semaphore, #tpu.memory_space<semaphore_mem>> -> memref<1x!tpu.dma_semaphore, #tpu.memory_space<semaphore_mem>>
        %dma_start3A_165 = tpu.memref_squeeze %dma_start3A_164 : memref<1x!tpu.dma_semaphore, #tpu.memory_space<semaphore_mem>> -> memref<!tpu.dma_semaphore, #tpu.memory_space<semaphore_mem>>
        tpu.enqueue_indirect_dma source(%dma_start3A_158 : memref<125xf32, #tpu.memory_space<vmem>>) target(%dma_start3A_163 : memref<102400xf32, #tpu.memory_space<vmem_shared>>) offsets(%dma_start3A_161 : memref<125xi32, #tpu.memory_space<vmem>>) semaphore(%dma_start3A_165 : memref<!tpu.dma_semaphore, #tpu.memory_space<semaphore_mem>>) {add = true}
        %mul3A_166 = arith.constant 10 : i32
        %mul3A_167 = arith.muli %scan3A_136, %mul3A_166 : i32
        %add3A_168 = arith.constant 2 : i32
        %add3A_169 = arith.addi %mul3A_167, %add3A_168 : i32
        %dma_start3A_170 = arith.constant 2 : i32
        %dma_start3A_171 = arith.constant 0 : i32
        %dma_start3A_172 = tpu.memref_slice %arg12[%dma_start3A_171] : memref<128xf32, #tpu.memory_space<vmem>> -> memref<125xf32, #tpu.memory_space<vmem>>
        %dma_start3A_173 = arith.constant 0 : i32
        %dma_start3A_174 = tpu.memref_slice %arg11[%rem3A_104, %add3A_169, %dma_start3A_173] : memref<2x100x125xi32, #tpu.memory_space<vmem>> -> memref<1x1x125xi32, #tpu.memory_space<vmem>>
        %dma_start3A_175 = tpu.memref_squeeze %dma_start3A_174 : memref<1x1x125xi32, #tpu.memory_space<vmem>> -> memref<125xi32, #tpu.memory_space<vmem>>
        %dma_start3A_176 = arith.constant 0 : i32
        %dma_start3A_177 = tpu.memref_slice %arg7[%dma_start3A_176] : memref<102400xf32, #tpu.memory_space<vmem_shared>> -> memref<102400xf32, #tpu.memory_space<vmem_shared>>
        %dma_start3A_178 = tpu.memref_slice %arg17[%dma_start3A_170] : memref<10x!tpu.dma_semaphore, #tpu.memory_space<semaphore_mem>> -> memref<1x!tpu.dma_semaphore, #tpu.memory_space<semaphore_mem>>
        %dma_start3A_179 = tpu.memref_squeeze %dma_start3A_178 : memref<1x!tpu.dma_semaphore, #tpu.memory_space<semaphore_mem>> -> memref<!tpu.dma_semaphore, #tpu.memory_space<semaphore_mem>>
        tpu.enqueue_indirect_dma source(%dma_start3A_172 : memref<125xf32, #tpu.memory_space<vmem>>) target(%dma_start3A_177 : memref<102400xf32, #tpu.memory_space<vmem_shared>>) offsets(%dma_start3A_175 : memref<125xi32, #tpu.memory_space<vmem>>) semaphore(%dma_start3A_179 : memref<!tpu.dma_semaphore, #tpu.memory_space<semaphore_mem>>) {add = true}
        %mul3A_180 = arith.constant 10 : i32
        %mul3A_181 = arith.muli %scan3A_136, %mul3A_180 : i32
        %add3A_182 = arith.constant 3 : i32
        %add3A_183 = arith.addi %mul3A_181, %add3A_182 : i32
        %dma_start3A_184 = arith.constant 3 : i32
        %dma_start3A_185 = arith.constant 0 : i32
        %dma_start3A_186 = tpu.memref_slice %arg12[%dma_start3A_185] : memref<128xf32, #tpu.memory_space<vmem>> -> memref<125xf32, #tpu.memory_space<vmem>>
        %dma_start3A_187 = arith.constant 0 : i32
        %dma_start3A_188 = tpu.memref_slice %arg11[%rem3A_104, %add3A_183, %dma_start3A_187] : memref<2x100x125xi32, #tpu.memory_space<vmem>> -> memref<1x1x125xi32, #tpu.memory_space<vmem>>
        %dma_start3A_189 = tpu.memref_squeeze %dma_start3A_188 : memref<1x1x125xi32, #tpu.memory_space<vmem>> -> memref<125xi32, #tpu.memory_space<vmem>>
        %dma_start3A_190 = arith.constant 0 : i32
        %dma_start3A_191 = tpu.memref_slice %arg7[%dma_start3A_190] : memref<102400xf32, #tpu.memory_space<vmem_shared>> -> memref<102400xf32, #tpu.memory_space<vmem_shared>>
        %dma_start3A_192 = tpu.memref_slice %arg17[%dma_start3A_184] : memref<10x!tpu.dma_semaphore, #tpu.memory_space<semaphore_mem>> -> memref<1x!tpu.dma_semaphore, #tpu.memory_space<semaphore_mem>>
        %dma_start3A_193 = tpu.memref_squeeze %dma_start3A_192 : memref<1x!tpu.dma_semaphore, #tpu.memory_space<semaphore_mem>> -> memref<!tpu.dma_semaphore, #tpu.memory_space<semaphore_mem>>
        tpu.enqueue_indirect_dma source(%dma_start3A_186 : memref<125xf32, #tpu.memory_space<vmem>>) target(%dma_start3A_191 : memref<102400xf32, #tpu.memory_space<vmem_shared>>) offsets(%dma_start3A_189 : memref<125xi32, #tpu.memory_space<vmem>>) semaphore(%dma_start3A_193 : memref<!tpu.dma_semaphore, #tpu.memory_space<semaphore_mem>>) {add = true}
        %mul3A_194 = arith.constant 10 : i32
        %mul3A_195 = arith.muli %scan3A_136, %mul3A_194 : i32
        %add3A_196 = arith.constant 4 : i32
        %add3A_197 = arith.addi %mul3A_195, %add3A_196 : i32
        %dma_start3A_198 = arith.constant 4 : i32
        %dma_start3A_199 = arith.constant 0 : i32
        %dma_start3A_200 = tpu.memref_slice %arg12[%dma_start3A_199] : memref<128xf32, #tpu.memory_space<vmem>> -> memref<125xf32, #tpu.memory_space<vmem>>
        %dma_start3A_201 = arith.constant 0 : i32
        %dma_start3A_202 = tpu.memref_slice %arg11[%rem3A_104, %add3A_197, %dma_start3A_201] : memref<2x100x125xi32, #tpu.memory_space<vmem>> -> memref<1x1x125xi32, #tpu.memory_space<vmem>>
        %dma_start3A_203 = tpu.memref_squeeze %dma_start3A_202 : memref<1x1x125xi32, #tpu.memory_space<vmem>> -> memref<125xi32, #tpu.memory_space<vmem>>
        %dma_start3A_204 = arith.constant 0 : i32
        %dma_start3A_205 = tpu.memref_slice %arg7[%dma_start3A_204] : memref<102400xf32, #tpu.memory_space<vmem_shared>> -> memref<102400xf32, #tpu.memory_space<vmem_shared>>
        %dma_start3A_206 = tpu.memref_slice %arg17[%dma_start3A_198] : memref<10x!tpu.dma_semaphore, #tpu.memory_space<semaphore_mem>> -> memref<1x!tpu.dma_semaphore, #tpu.memory_space<semaphore_mem>>
        %dma_start3A_207 = tpu.memref_squeeze %dma_start3A_206 : memref<1x!tpu.dma_semaphore, #tpu.memory_space<semaphore_mem>> -> memref<!tpu.dma_semaphore, #tpu.memory_space<semaphore_mem>>
        tpu.enqueue_indirect_dma source(%dma_start3A_200 : memref<125xf32, #tpu.memory_space<vmem>>) target(%dma_start3A_205 : memref<102400xf32, #tpu.memory_space<vmem_shared>>) offsets(%dma_start3A_203 : memref<125xi32, #tpu.memory_space<vmem>>) semaphore(%dma_start3A_207 : memref<!tpu.dma_semaphore, #tpu.memory_space<semaphore_mem>>) {add = true}
        %mul3A_208 = arith.constant 10 : i32
        %mul3A_209 = arith.muli %scan3A_136, %mul3A_208 : i32
        %add3A_210 = arith.constant 5 : i32
        %add3A_211 = arith.addi %mul3A_209, %add3A_210 : i32
        %dma_start3A_212 = arith.constant 5 : i32
        %dma_start3A_213 = arith.constant 0 : i32
        %dma_start3A_214 = tpu.memref_slice %arg12[%dma_start3A_213] : memref<128xf32, #tpu.memory_space<vmem>> -> memref<125xf32, #tpu.memory_space<vmem>>
        %dma_start3A_215 = arith.constant 0 : i32
        %dma_start3A_216 = tpu.memref_slice %arg11[%rem3A_104, %add3A_211, %dma_start3A_215] : memref<2x100x125xi32, #tpu.memory_space<vmem>> -> memref<1x1x125xi32, #tpu.memory_space<vmem>>
        %dma_start3A_217 = tpu.memref_squeeze %dma_start3A_216 : memref<1x1x125xi32, #tpu.memory_space<vmem>> -> memref<125xi32, #tpu.memory_space<vmem>>
        %dma_start3A_218 = arith.constant 0 : i32
        %dma_start3A_219 = tpu.memref_slice %arg7[%dma_start3A_218] : memref<102400xf32, #tpu.memory_space<vmem_shared>> -> memref<102400xf32, #tpu.memory_space<vmem_shared>>
        %dma_start3A_220 = tpu.memref_slice %arg17[%dma_start3A_212] : memref<10x!tpu.dma_semaphore, #tpu.memory_space<semaphore_mem>> -> memref<1x!tpu.dma_semaphore, #tpu.memory_space<semaphore_mem>>
        %dma_start3A_221 = tpu.memref_squeeze %dma_start3A_220 : memref<1x!tpu.dma_semaphore, #tpu.memory_space<semaphore_mem>> -> memref<!tpu.dma_semaphore, #tpu.memory_space<semaphore_mem>>
        tpu.enqueue_indirect_dma source(%dma_start3A_214 : memref<125xf32, #tpu.memory_space<vmem>>) target(%dma_start3A_219 : memref<102400xf32, #tpu.memory_space<vmem_shared>>) offsets(%dma_start3A_217 : memref<125xi32, #tpu.memory_space<vmem>>) semaphore(%dma_start3A_221 : memref<!tpu.dma_semaphore, #tpu.memory_space<semaphore_mem>>) {add = true}
        %mul3A_222 = arith.constant 10 : i32
        %mul3A_223 = arith.muli %scan3A_136, %mul3A_222 : i32
        %add3A_224 = arith.constant 6 : i32
        %add3A_225 = arith.addi %mul3A_223, %add3A_224 : i32
        %dma_start3A_226 = arith.constant 6 : i32
        %dma_start3A_227 = arith.constant 0 : i32
        %dma_start3A_228 = tpu.memref_slice %arg12[%dma_start3A_227] : memref<128xf32, #tpu.memory_space<vmem>> -> memref<125xf32, #tpu.memory_space<vmem>>
        %dma_start3A_229 = arith.constant 0 : i32
        %dma_start3A_230 = tpu.memref_slice %arg11[%rem3A_104, %add3A_225, %dma_start3A_229] : memref<2x100x125xi32, #tpu.memory_space<vmem>> -> memref<1x1x125xi32, #tpu.memory_space<vmem>>
        %dma_start3A_231 = tpu.memref_squeeze %dma_start3A_230 : memref<1x1x125xi32, #tpu.memory_space<vmem>> -> memref<125xi32, #tpu.memory_space<vmem>>
        %dma_start3A_232 = arith.constant 0 : i32
        %dma_start3A_233 = tpu.memref_slice %arg7[%dma_start3A_232] : memref<102400xf32, #tpu.memory_space<vmem_shared>> -> memref<102400xf32, #tpu.memory_space<vmem_shared>>
        %dma_start3A_234 = tpu.memref_slice %arg17[%dma_start3A_226] : memref<10x!tpu.dma_semaphore, #tpu.memory_space<semaphore_mem>> -> memref<1x!tpu.dma_semaphore, #tpu.memory_space<semaphore_mem>>
        %dma_start3A_235 = tpu.memref_squeeze %dma_start3A_234 : memref<1x!tpu.dma_semaphore, #tpu.memory_space<semaphore_mem>> -> memref<!tpu.dma_semaphore, #tpu.memory_space<semaphore_mem>>
        tpu.enqueue_indirect_dma source(%dma_start3A_228 : memref<125xf32, #tpu.memory_space<vmem>>) target(%dma_start3A_233 : memref<102400xf32, #tpu.memory_space<vmem_shared>>) offsets(%dma_start3A_231 : memref<125xi32, #tpu.memory_space<vmem>>) semaphore(%dma_start3A_235 : memref<!tpu.dma_semaphore, #tpu.memory_space<semaphore_mem>>) {add = true}
        %mul3A_236 = arith.constant 10 : i32
        %mul3A_237 = arith.muli %scan3A_136, %mul3A_236 : i32
        %add3A_238 = arith.constant 7 : i32
        %add3A_239 = arith.addi %mul3A_237, %add3A_238 : i32
        %dma_start3A_240 = arith.constant 7 : i32
        %dma_start3A_241 = arith.constant 0 : i32
        %dma_start3A_242 = tpu.memref_slice %arg12[%dma_start3A_241] : memref<128xf32, #tpu.memory_space<vmem>> -> memref<125xf32, #tpu.memory_space<vmem>>
        %dma_start3A_243 = arith.constant 0 : i32
        %dma_start3A_244 = tpu.memref_slice %arg11[%rem3A_104, %add3A_239, %dma_start3A_243] : memref<2x100x125xi32, #tpu.memory_space<vmem>> -> memref<1x1x125xi32, #tpu.memory_space<vmem>>
        %dma_start3A_245 = tpu.memref_squeeze %dma_start3A_244 : memref<1x1x125xi32, #tpu.memory_space<vmem>> -> memref<125xi32, #tpu.memory_space<vmem>>
        %dma_start3A_246 = arith.constant 0 : i32
        %dma_start3A_247 = tpu.memref_slice %arg7[%dma_start3A_246] : memref<102400xf32, #tpu.memory_space<vmem_shared>> -> memref<102400xf32, #tpu.memory_space<vmem_shared>>
        %dma_start3A_248 = tpu.memref_slice %arg17[%dma_start3A_240] : memref<10x!tpu.dma_semaphore, #tpu.memory_space<semaphore_mem>> -> memref<1x!tpu.dma_semaphore, #tpu.memory_space<semaphore_mem>>
        %dma_start3A_249 = tpu.memref_squeeze %dma_start3A_248 : memref<1x!tpu.dma_semaphore, #tpu.memory_space<semaphore_mem>> -> memref<!tpu.dma_semaphore, #tpu.memory_space<semaphore_mem>>
        tpu.enqueue_indirect_dma source(%dma_start3A_242 : memref<125xf32, #tpu.memory_space<vmem>>) target(%dma_start3A_247 : memref<102400xf32, #tpu.memory_space<vmem_shared>>) offsets(%dma_start3A_245 : memref<125xi32, #tpu.memory_space<vmem>>) semaphore(%dma_start3A_249 : memref<!tpu.dma_semaphore, #tpu.memory_space<semaphore_mem>>) {add = true}
        %mul3A_250 = arith.constant 10 : i32
        %mul3A_251 = arith.muli %scan3A_136, %mul3A_250 : i32
        %add3A_252 = arith.constant 8 : i32
        %add3A_253 = arith.addi %mul3A_251, %add3A_252 : i32
        %dma_start3A_254 = arith.constant 8 : i32
        %dma_start3A_255 = arith.constant 0 : i32
        %dma_start3A_256 = tpu.memref_slice %arg12[%dma_start3A_255] : memref<128xf32, #tpu.memory_space<vmem>> -> memref<125xf32, #tpu.memory_space<vmem>>
        %dma_start3A_257 = arith.constant 0 : i32
        %dma_start3A_258 = tpu.memref_slice %arg11[%rem3A_104, %add3A_253, %dma_start3A_257] : memref<2x100x125xi32, #tpu.memory_space<vmem>> -> memref<1x1x125xi32, #tpu.memory_space<vmem>>
        %dma_start3A_259 = tpu.memref_squeeze %dma_start3A_258 : memref<1x1x125xi32, #tpu.memory_space<vmem>> -> memref<125xi32, #tpu.memory_space<vmem>>
        %dma_start3A_260 = arith.constant 0 : i32
        %dma_start3A_261 = tpu.memref_slice %arg7[%dma_start3A_260] : memref<102400xf32, #tpu.memory_space<vmem_shared>> -> memref<102400xf32, #tpu.memory_space<vmem_shared>>
        %dma_start3A_262 = tpu.memref_slice %arg17[%dma_start3A_254] : memref<10x!tpu.dma_semaphore, #tpu.memory_space<semaphore_mem>> -> memref<1x!tpu.dma_semaphore, #tpu.memory_space<semaphore_mem>>
        %dma_start3A_263 = tpu.memref_squeeze %dma_start3A_262 : memref<1x!tpu.dma_semaphore, #tpu.memory_space<semaphore_mem>> -> memref<!tpu.dma_semaphore, #tpu.memory_space<semaphore_mem>>
        tpu.enqueue_indirect_dma source(%dma_start3A_256 : memref<125xf32, #tpu.memory_space<vmem>>) target(%dma_start3A_261 : memref<102400xf32, #tpu.memory_space<vmem_shared>>) offsets(%dma_start3A_259 : memref<125xi32, #tpu.memory_space<vmem>>) semaphore(%dma_start3A_263 : memref<!tpu.dma_semaphore, #tpu.memory_space<semaphore_mem>>) {add = true}
        %mul3A_264 = arith.constant 10 : i32
        %mul3A_265 = arith.muli %scan3A_136, %mul3A_264 : i32
        %add3A_266 = arith.constant 9 : i32
        %add3A_267 = arith.addi %mul3A_265, %add3A_266 : i32
        %dma_start3A_268 = arith.constant 9 : i32
        %dma_start3A_269 = arith.constant 0 : i32
        %dma_start3A_270 = tpu.memref_slice %arg12[%dma_start3A_269] : memref<128xf32, #tpu.memory_space<vmem>> -> memref<125xf32, #tpu.memory_space<vmem>>
        %dma_start3A_271 = arith.constant 0 : i32
        %dma_start3A_272 = tpu.memref_slice %arg11[%rem3A_104, %add3A_267, %dma_start3A_271] : memref<2x100x125xi32, #tpu.memory_space<vmem>> -> memref<1x1x125xi32, #tpu.memory_space<vmem>>
        %dma_start3A_273 = tpu.memref_squeeze %dma_start3A_272 : memref<1x1x125xi32, #tpu.memory_space<vmem>> -> memref<125xi32, #tpu.memory_space<vmem>>
        %dma_start3A_274 = arith.constant 0 : i32
        %dma_start3A_275 = tpu.memref_slice %arg7[%dma_start3A_274] : memref<102400xf32, #tpu.memory_space<vmem_shared>> -> memref<102400xf32, #tpu.memory_space<vmem_shared>>
        %dma_start3A_276 = tpu.memref_slice %arg17[%dma_start3A_268] : memref<10x!tpu.dma_semaphore, #tpu.memory_space<semaphore_mem>> -> memref<1x!tpu.dma_semaphore, #tpu.memory_space<semaphore_mem>>
        %dma_start3A_277 = tpu.memref_squeeze %dma_start3A_276 : memref<1x!tpu.dma_semaphore, #tpu.memory_space<semaphore_mem>> -> memref<!tpu.dma_semaphore, #tpu.memory_space<semaphore_mem>>
        tpu.enqueue_indirect_dma source(%dma_start3A_270 : memref<125xf32, #tpu.memory_space<vmem>>) target(%dma_start3A_275 : memref<102400xf32, #tpu.memory_space<vmem_shared>>) offsets(%dma_start3A_273 : memref<125xi32, #tpu.memory_space<vmem>>) semaphore(%dma_start3A_277 : memref<!tpu.dma_semaphore, #tpu.memory_space<semaphore_mem>>) {add = true}
        %dma_wait3A_278 = arith.constant 0 : i32
        %dma_wait3A_279 = arith.constant 0 : i32
        %dma_wait3A_280 = tpu.memref_slice %arg12[%dma_wait3A_279] : memref<128xf32, #tpu.memory_space<vmem>> -> memref<125xf32, #tpu.memory_space<vmem>>
        %dma_wait3A_281 = arith.constant 0 : i32
        %dma_wait3A_282 = tpu.memref_slice %arg11[%rem3A_104, %add3A_141, %dma_wait3A_281] : memref<2x100x125xi32, #tpu.memory_space<vmem>> -> memref<1x1x125xi32, #tpu.memory_space<vmem>>
        %dma_wait3A_283 = tpu.memref_squeeze %dma_wait3A_282 : memref<1x1x125xi32, #tpu.memory_space<vmem>> -> memref<125xi32, #tpu.memory_space<vmem>>
        %dma_wait3A_284 = arith.constant 0 : i32
        %dma_wait3A_285 = tpu.memref_slice %arg7[%dma_wait3A_284] : memref<102400xf32, #tpu.memory_space<vmem_shared>> -> memref<102400xf32, #tpu.memory_space<vmem_shared>>
        %dma_wait3A_286 = tpu.memref_slice %arg17[%dma_wait3A_278] : memref<10x!tpu.dma_semaphore, #tpu.memory_space<semaphore_mem>> -> memref<1x!tpu.dma_semaphore, #tpu.memory_space<semaphore_mem>>
        %dma_wait3A_287 = tpu.memref_squeeze %dma_wait3A_286 : memref<1x!tpu.dma_semaphore, #tpu.memory_space<semaphore_mem>> -> memref<!tpu.dma_semaphore, #tpu.memory_space<semaphore_mem>>
        tpu.wait_indirect_dma semaphore(%dma_wait3A_287 : memref<!tpu.dma_semaphore, #tpu.memory_space<semaphore_mem>>) src(%dma_wait3A_280 : memref<125xf32, #tpu.memory_space<vmem>>) dst(%dma_wait3A_285 : memref<102400xf32, #tpu.memory_space<vmem_shared>>)
        %dma_wait3A_288 = arith.constant 1 : i32
        %dma_wait3A_289 = arith.constant 0 : i32
        %dma_wait3A_290 = tpu.memref_slice %arg12[%dma_wait3A_289] : memref<128xf32, #tpu.memory_space<vmem>> -> memref<125xf32, #tpu.memory_space<vmem>>
        %dma_wait3A_291 = arith.constant 0 : i32
        %dma_wait3A_292 = tpu.memref_slice %arg11[%rem3A_104, %add3A_155, %dma_wait3A_291] : memref<2x100x125xi32, #tpu.memory_space<vmem>> -> memref<1x1x125xi32, #tpu.memory_space<vmem>>
        %dma_wait3A_293 = tpu.memref_squeeze %dma_wait3A_292 : memref<1x1x125xi32, #tpu.memory_space<vmem>> -> memref<125xi32, #tpu.memory_space<vmem>>
        %dma_wait3A_294 = arith.constant 0 : i32
        %dma_wait3A_295 = tpu.memref_slice %arg7[%dma_wait3A_294] : memref<102400xf32, #tpu.memory_space<vmem_shared>> -> memref<102400xf32, #tpu.memory_space<vmem_shared>>
        %dma_wait3A_296 = tpu.memref_slice %arg17[%dma_wait3A_288] : memref<10x!tpu.dma_semaphore, #tpu.memory_space<semaphore_mem>> -> memref<1x!tpu.dma_semaphore, #tpu.memory_space<semaphore_mem>>
        %dma_wait3A_297 = tpu.memref_squeeze %dma_wait3A_296 : memref<1x!tpu.dma_semaphore, #tpu.memory_space<semaphore_mem>> -> memref<!tpu.dma_semaphore, #tpu.memory_space<semaphore_mem>>
        tpu.wait_indirect_dma semaphore(%dma_wait3A_297 : memref<!tpu.dma_semaphore, #tpu.memory_space<semaphore_mem>>) src(%dma_wait3A_290 : memref<125xf32, #tpu.memory_space<vmem>>) dst(%dma_wait3A_295 : memref<102400xf32, #tpu.memory_space<vmem_shared>>)
        %dma_wait3A_298 = arith.constant 2 : i32
        %dma_wait3A_299 = arith.constant 0 : i32
        %dma_wait3A_300 = tpu.memref_slice %arg12[%dma_wait3A_299] : memref<128xf32, #tpu.memory_space<vmem>> -> memref<125xf32, #tpu.memory_space<vmem>>
        %dma_wait3A_301 = arith.constant 0 : i32
        %dma_wait3A_302 = tpu.memref_slice %arg11[%rem3A_104, %add3A_169, %dma_wait3A_301] : memref<2x100x125xi32, #tpu.memory_space<vmem>> -> memref<1x1x125xi32, #tpu.memory_space<vmem>>
        %dma_wait3A_303 = tpu.memref_squeeze %dma_wait3A_302 : memref<1x1x125xi32, #tpu.memory_space<vmem>> -> memref<125xi32, #tpu.memory_space<vmem>>
        %dma_wait3A_304 = arith.constant 0 : i32
        %dma_wait3A_305 = tpu.memref_slice %arg7[%dma_wait3A_304] : memref<102400xf32, #tpu.memory_space<vmem_shared>> -> memref<102400xf32, #tpu.memory_space<vmem_shared>>
        %dma_wait3A_306 = tpu.memref_slice %arg17[%dma_wait3A_298] : memref<10x!tpu.dma_semaphore, #tpu.memory_space<semaphore_mem>> -> memref<1x!tpu.dma_semaphore, #tpu.memory_space<semaphore_mem>>
        %dma_wait3A_307 = tpu.memref_squeeze %dma_wait3A_306 : memref<1x!tpu.dma_semaphore, #tpu.memory_space<semaphore_mem>> -> memref<!tpu.dma_semaphore, #tpu.memory_space<semaphore_mem>>
        tpu.wait_indirect_dma semaphore(%dma_wait3A_307 : memref<!tpu.dma_semaphore, #tpu.memory_space<semaphore_mem>>) src(%dma_wait3A_300 : memref<125xf32, #tpu.memory_space<vmem>>) dst(%dma_wait3A_305 : memref<102400xf32, #tpu.memory_space<vmem_shared>>)
        %dma_wait3A_308 = arith.constant 3 : i32
        %dma_wait3A_309 = arith.constant 0 : i32
        %dma_wait3A_310 = tpu.memref_slice %arg12[%dma_wait3A_309] : memref<128xf32, #tpu.memory_space<vmem>> -> memref<125xf32, #tpu.memory_space<vmem>>
        %dma_wait3A_311 = arith.constant 0 : i32
        %dma_wait3A_312 = tpu.memref_slice %arg11[%rem3A_104, %add3A_183, %dma_wait3A_311] : memref<2x100x125xi32, #tpu.memory_space<vmem>> -> memref<1x1x125xi32, #tpu.memory_space<vmem>>
        %dma_wait3A_313 = tpu.memref_squeeze %dma_wait3A_312 : memref<1x1x125xi32, #tpu.memory_space<vmem>> -> memref<125xi32, #tpu.memory_space<vmem>>
        %dma_wait3A_314 = arith.constant 0 : i32
        %dma_wait3A_315 = tpu.memref_slice %arg7[%dma_wait3A_314] : memref<102400xf32, #tpu.memory_space<vmem_shared>> -> memref<102400xf32, #tpu.memory_space<vmem_shared>>
        %dma_wait3A_316 = tpu.memref_slice %arg17[%dma_wait3A_308] : memref<10x!tpu.dma_semaphore, #tpu.memory_space<semaphore_mem>> -> memref<1x!tpu.dma_semaphore, #tpu.memory_space<semaphore_mem>>
        %dma_wait3A_317 = tpu.memref_squeeze %dma_wait3A_316 : memref<1x!tpu.dma_semaphore, #tpu.memory_space<semaphore_mem>> -> memref<!tpu.dma_semaphore, #tpu.memory_space<semaphore_mem>>
        tpu.wait_indirect_dma semaphore(%dma_wait3A_317 : memref<!tpu.dma_semaphore, #tpu.memory_space<semaphore_mem>>) src(%dma_wait3A_310 : memref<125xf32, #tpu.memory_space<vmem>>) dst(%dma_wait3A_315 : memref<102400xf32, #tpu.memory_space<vmem_shared>>)
        %dma_wait3A_318 = arith.constant 4 : i32
        %dma_wait3A_319 = arith.constant 0 : i32
        %dma_wait3A_320 = tpu.memref_slice %arg12[%dma_wait3A_319] : memref<128xf32, #tpu.memory_space<vmem>> -> memref<125xf32, #tpu.memory_space<vmem>>
        %dma_wait3A_321 = arith.constant 0 : i32
        %dma_wait3A_322 = tpu.memref_slice %arg11[%rem3A_104, %add3A_197, %dma_wait3A_321] : memref<2x100x125xi32, #tpu.memory_space<vmem>> -> memref<1x1x125xi32, #tpu.memory_space<vmem>>
        %dma_wait3A_323 = tpu.memref_squeeze %dma_wait3A_322 : memref<1x1x125xi32, #tpu.memory_space<vmem>> -> memref<125xi32, #tpu.memory_space<vmem>>
        %dma_wait3A_324 = arith.constant 0 : i32
        %dma_wait3A_325 = tpu.memref_slice %arg7[%dma_wait3A_324] : memref<102400xf32, #tpu.memory_space<vmem_shared>> -> memref<102400xf32, #tpu.memory_space<vmem_shared>>
        %dma_wait3A_326 = tpu.memref_slice %arg17[%dma_wait3A_318] : memref<10x!tpu.dma_semaphore, #tpu.memory_space<semaphore_mem>> -> memref<1x!tpu.dma_semaphore, #tpu.memory_space<semaphore_mem>>
        %dma_wait3A_327 = tpu.memref_squeeze %dma_wait3A_326 : memref<1x!tpu.dma_semaphore, #tpu.memory_space<semaphore_mem>> -> memref<!tpu.dma_semaphore, #tpu.memory_space<semaphore_mem>>
        tpu.wait_indirect_dma semaphore(%dma_wait3A_327 : memref<!tpu.dma_semaphore, #tpu.memory_space<semaphore_mem>>) src(%dma_wait3A_320 : memref<125xf32, #tpu.memory_space<vmem>>) dst(%dma_wait3A_325 : memref<102400xf32, #tpu.memory_space<vmem_shared>>)
        %dma_wait3A_328 = arith.constant 5 : i32
        %dma_wait3A_329 = arith.constant 0 : i32
        %dma_wait3A_330 = tpu.memref_slice %arg12[%dma_wait3A_329] : memref<128xf32, #tpu.memory_space<vmem>> -> memref<125xf32, #tpu.memory_space<vmem>>
        %dma_wait3A_331 = arith.constant 0 : i32
        %dma_wait3A_332 = tpu.memref_slice %arg11[%rem3A_104, %add3A_211, %dma_wait3A_331] : memref<2x100x125xi32, #tpu.memory_space<vmem>> -> memref<1x1x125xi32, #tpu.memory_space<vmem>>
        %dma_wait3A_333 = tpu.memref_squeeze %dma_wait3A_332 : memref<1x1x125xi32, #tpu.memory_space<vmem>> -> memref<125xi32, #tpu.memory_space<vmem>>
        %dma_wait3A_334 = arith.constant 0 : i32
        %dma_wait3A_335 = tpu.memref_slice %arg7[%dma_wait3A_334] : memref<102400xf32, #tpu.memory_space<vmem_shared>> -> memref<102400xf32, #tpu.memory_space<vmem_shared>>
        %dma_wait3A_336 = tpu.memref_slice %arg17[%dma_wait3A_328] : memref<10x!tpu.dma_semaphore, #tpu.memory_space<semaphore_mem>> -> memref<1x!tpu.dma_semaphore, #tpu.memory_space<semaphore_mem>>
        %dma_wait3A_337 = tpu.memref_squeeze %dma_wait3A_336 : memref<1x!tpu.dma_semaphore, #tpu.memory_space<semaphore_mem>> -> memref<!tpu.dma_semaphore, #tpu.memory_space<semaphore_mem>>
        tpu.wait_indirect_dma semaphore(%dma_wait3A_337 : memref<!tpu.dma_semaphore, #tpu.memory_space<semaphore_mem>>) src(%dma_wait3A_330 : memref<125xf32, #tpu.memory_space<vmem>>) dst(%dma_wait3A_335 : memref<102400xf32, #tpu.memory_space<vmem_shared>>)
        %dma_wait3A_338 = arith.constant 6 : i32
        %dma_wait3A_339 = arith.constant 0 : i32
        %dma_wait3A_340 = tpu.memref_slice %arg12[%dma_wait3A_339] : memref<128xf32, #tpu.memory_space<vmem>> -> memref<125xf32, #tpu.memory_space<vmem>>
        %dma_wait3A_341 = arith.constant 0 : i32
        %dma_wait3A_342 = tpu.memref_slice %arg11[%rem3A_104, %add3A_225, %dma_wait3A_341] : memref<2x100x125xi32, #tpu.memory_space<vmem>> -> memref<1x1x125xi32, #tpu.memory_space<vmem>>
        %dma_wait3A_343 = tpu.memref_squeeze %dma_wait3A_342 : memref<1x1x125xi32, #tpu.memory_space<vmem>> -> memref<125xi32, #tpu.memory_space<vmem>>
        %dma_wait3A_344 = arith.constant 0 : i32
        %dma_wait3A_345 = tpu.memref_slice %arg7[%dma_wait3A_344] : memref<102400xf32, #tpu.memory_space<vmem_shared>> -> memref<102400xf32, #tpu.memory_space<vmem_shared>>
        %dma_wait3A_346 = tpu.memref_slice %arg17[%dma_wait3A_338] : memref<10x!tpu.dma_semaphore, #tpu.memory_space<semaphore_mem>> -> memref<1x!tpu.dma_semaphore, #tpu.memory_space<semaphore_mem>>
        %dma_wait3A_347 = tpu.memref_squeeze %dma_wait3A_346 : memref<1x!tpu.dma_semaphore, #tpu.memory_space<semaphore_mem>> -> memref<!tpu.dma_semaphore, #tpu.memory_space<semaphore_mem>>
        tpu.wait_indirect_dma semaphore(%dma_wait3A_347 : memref<!tpu.dma_semaphore, #tpu.memory_space<semaphore_mem>>) src(%dma_wait3A_340 : memref<125xf32, #tpu.memory_space<vmem>>) dst(%dma_wait3A_345 : memref<102400xf32, #tpu.memory_space<vmem_shared>>)
        %dma_wait3A_348 = arith.constant 7 : i32
        %dma_wait3A_349 = arith.constant 0 : i32
        %dma_wait3A_350 = tpu.memref_slice %arg12[%dma_wait3A_349] : memref<128xf32, #tpu.memory_space<vmem>> -> memref<125xf32, #tpu.memory_space<vmem>>
        %dma_wait3A_351 = arith.constant 0 : i32
        %dma_wait3A_352 = tpu.memref_slice %arg11[%rem3A_104, %add3A_239, %dma_wait3A_351] : memref<2x100x125xi32, #tpu.memory_space<vmem>> -> memref<1x1x125xi32, #tpu.memory_space<vmem>>
        %dma_wait3A_353 = tpu.memref_squeeze %dma_wait3A_352 : memref<1x1x125xi32, #tpu.memory_space<vmem>> -> memref<125xi32, #tpu.memory_space<vmem>>
        %dma_wait3A_354 = arith.constant 0 : i32
        %dma_wait3A_355 = tpu.memref_slice %arg7[%dma_wait3A_354] : memref<102400xf32, #tpu.memory_space<vmem_shared>> -> memref<102400xf32, #tpu.memory_space<vmem_shared>>
        %dma_wait3A_356 = tpu.memref_slice %arg17[%dma_wait3A_348] : memref<10x!tpu.dma_semaphore, #tpu.memory_space<semaphore_mem>> -> memref<1x!tpu.dma_semaphore, #tpu.memory_space<semaphore_mem>>
        %dma_wait3A_357 = tpu.memref_squeeze %dma_wait3A_356 : memref<1x!tpu.dma_semaphore, #tpu.memory_space<semaphore_mem>> -> memref<!tpu.dma_semaphore, #tpu.memory_space<semaphore_mem>>
        tpu.wait_indirect_dma semaphore(%dma_wait3A_357 : memref<!tpu.dma_semaphore, #tpu.memory_space<semaphore_mem>>) src(%dma_wait3A_350 : memref<125xf32, #tpu.memory_space<vmem>>) dst(%dma_wait3A_355 : memref<102400xf32, #tpu.memory_space<vmem_shared>>)
        %dma_wait3A_358 = arith.constant 8 : i32
        %dma_wait3A_359 = arith.constant 0 : i32
        %dma_wait3A_360 = tpu.memref_slice %arg12[%dma_wait3A_359] : memref<128xf32, #tpu.memory_space<vmem>> -> memref<125xf32, #tpu.memory_space<vmem>>
        %dma_wait3A_361 = arith.constant 0 : i32
        %dma_wait3A_362 = tpu.memref_slice %arg11[%rem3A_104, %add3A_253, %dma_wait3A_361] : memref<2x100x125xi32, #tpu.memory_space<vmem>> -> memref<1x1x125xi32, #tpu.memory_space<vmem>>
        %dma_wait3A_363 = tpu.memref_squeeze %dma_wait3A_362 : memref<1x1x125xi32, #tpu.memory_space<vmem>> -> memref<125xi32, #tpu.memory_space<vmem>>
        %dma_wait3A_364 = arith.constant 0 : i32
        %dma_wait3A_365 = tpu.memref_slice %arg7[%dma_wait3A_364] : memref<102400xf32, #tpu.memory_space<vmem_shared>> -> memref<102400xf32, #tpu.memory_space<vmem_shared>>
        %dma_wait3A_366 = tpu.memref_slice %arg17[%dma_wait3A_358] : memref<10x!tpu.dma_semaphore, #tpu.memory_space<semaphore_mem>> -> memref<1x!tpu.dma_semaphore, #tpu.memory_space<semaphore_mem>>
        %dma_wait3A_367 = tpu.memref_squeeze %dma_wait3A_366 : memref<1x!tpu.dma_semaphore, #tpu.memory_space<semaphore_mem>> -> memref<!tpu.dma_semaphore, #tpu.memory_space<semaphore_mem>>
        tpu.wait_indirect_dma semaphore(%dma_wait3A_367 : memref<!tpu.dma_semaphore, #tpu.memory_space<semaphore_mem>>) src(%dma_wait3A_360 : memref<125xf32, #tpu.memory_space<vmem>>) dst(%dma_wait3A_365 : memref<102400xf32, #tpu.memory_space<vmem_shared>>)
        %dma_wait3A_368 = arith.constant 9 : i32
        %dma_wait3A_369 = arith.constant 0 : i32
        %dma_wait3A_370 = tpu.memref_slice %arg12[%dma_wait3A_369] : memref<128xf32, #tpu.memory_space<vmem>> -> memref<125xf32, #tpu.memory_space<vmem>>
        %dma_wait3A_371 = arith.constant 0 : i32
        %dma_wait3A_372 = tpu.memref_slice %arg11[%rem3A_104, %add3A_267, %dma_wait3A_371] : memref<2x100x125xi32, #tpu.memory_space<vmem>> -> memref<1x1x125xi32, #tpu.memory_space<vmem>>
        %dma_wait3A_373 = tpu.memref_squeeze %dma_wait3A_372 : memref<1x1x125xi32, #tpu.memory_space<vmem>> -> memref<125xi32, #tpu.memory_space<vmem>>
        %dma_wait3A_374 = arith.constant 0 : i32
        %dma_wait3A_375 = tpu.memref_slice %arg7[%dma_wait3A_374] : memref<102400xf32, #tpu.memory_space<vmem_shared>> -> memref<102400xf32, #tpu.memory_space<vmem_shared>>
        %dma_wait3A_376 = tpu.memref_slice %arg17[%dma_wait3A_368] : memref<10x!tpu.dma_semaphore, #tpu.memory_space<semaphore_mem>> -> memref<1x!tpu.dma_semaphore, #tpu.memory_space<semaphore_mem>>
        %dma_wait3A_377 = tpu.memref_squeeze %dma_wait3A_376 : memref<1x!tpu.dma_semaphore, #tpu.memory_space<semaphore_mem>> -> memref<!tpu.dma_semaphore, #tpu.memory_space<semaphore_mem>>
        tpu.wait_indirect_dma semaphore(%dma_wait3A_377 : memref<!tpu.dma_semaphore, #tpu.memory_space<semaphore_mem>>) src(%dma_wait3A_370 : memref<125xf32, #tpu.memory_space<vmem>>) dst(%dma_wait3A_375 : memref<102400xf32, #tpu.memory_space<vmem_shared>>)
        %scan3A_378 = arith.constant 0 : i32
        scf.yield %scan3A_378 : i32
      }
      %scan3A_134 = arith.constant 10 : i32
      %scan3A_135 = arith.constant 0 : i32
      scf.yield %scan3A_135 : i32
    }
    %scan3A_40 = arith.constant 16 : i32
    %barrier3A_41 = arith.constant 0 : index
    tpu.barrier barrier_id(%barrier3A_41)
    "tpu.region"() ({
      %run_scoped3A = tpu.sem_alloc : memref<!tpu.dma_semaphore, #tpu.memory_space<semaphore_mem>>
      %dma_start3A_102 = tpu.memref_slice %arg7[%mul3A_0] : memref<102400xf32, #tpu.memory_space<vmem_shared>> -> memref<6400xf32, #tpu.memory_space<vmem_shared>>
      %dma_start3A_103 = tpu.memref_slice %arg7[%mul3A_0] : memref<102400xf32, #tpu.memory_space<vmem_shared>> -> memref<6400xf32, #tpu.memory_space<vmem_shared>>
      tpu.enqueue_dma source(%dma_start3A_103 : memref<6400xf32, #tpu.memory_space<vmem_shared>>) target(%arg15 : memref<6400xf32, #tpu.memory_space<vmem>>) target_semaphore(%run_scoped3A : memref<!tpu.dma_semaphore, #tpu.memory_space<semaphore_mem>>)
      %dma_wait3A = tpu.memref_slice %arg7[%mul3A_0] : memref<102400xf32, #tpu.memory_space<vmem_shared>> -> memref<6400xf32, #tpu.memory_space<vmem_shared>>
      %dma_wait3A_104 = tpu.memref_slice %arg7[%mul3A_0] : memref<102400xf32, #tpu.memory_space<vmem_shared>> -> memref<6400xf32, #tpu.memory_space<vmem_shared>>
      tpu.wait_dma2 semaphore(%run_scoped3A : memref<!tpu.dma_semaphore, #tpu.memory_space<semaphore_mem>>) src(%dma_wait3A_104 : memref<6400xf32, #tpu.memory_space<vmem_shared>>) dst(%arg15 : memref<6400xf32, #tpu.memory_space<vmem>>)
      tpu.yield
    }) : () -> ()
    "tpu.region"() ({
      %run_scoped3A = tpu.sem_alloc : memref<!tpu.dma_semaphore, #tpu.memory_space<semaphore_mem>>
      %dma_start3A_102 = tpu.memref_slice %arg2[%arg0, %mul3A_0] : memref<2x102400xf32, #tpu.memory_space<hbm>> -> memref<1x6400xf32, #tpu.memory_space<hbm>>
      %dma_start3A_103 = tpu.memref_squeeze %dma_start3A_102 : memref<1x6400xf32, #tpu.memory_space<hbm>> -> memref<6400xf32, #tpu.memory_space<hbm>>
      %dma_start3A_104 = tpu.memref_slice %arg2[%arg0, %mul3A_0] : memref<2x102400xf32, #tpu.memory_space<hbm>> -> memref<1x6400xf32, #tpu.memory_space<hbm>>
      %dma_start3A_105 = tpu.memref_squeeze %dma_start3A_104 : memref<1x6400xf32, #tpu.memory_space<hbm>> -> memref<6400xf32, #tpu.memory_space<hbm>>
      tpu.enqueue_dma source(%dma_start3A_105 : memref<6400xf32, #tpu.memory_space<hbm>>) target(%arg14 : memref<6400xf32, #tpu.memory_space<vmem>>) target_semaphore(%run_scoped3A : memref<!tpu.dma_semaphore, #tpu.memory_space<semaphore_mem>>)
      %dma_wait3A = tpu.memref_slice %arg2[%arg0, %mul3A_0] : memref<2x102400xf32, #tpu.memory_space<hbm>> -> memref<1x6400xf32, #tpu.memory_space<hbm>>
      %dma_wait3A_106 = tpu.memref_squeeze %dma_wait3A : memref<1x6400xf32, #tpu.memory_space<hbm>> -> memref<6400xf32, #tpu.memory_space<hbm>>
      %dma_wait3A_107 = tpu.memref_slice %arg2[%arg0, %mul3A_0] : memref<2x102400xf32, #tpu.memory_space<hbm>> -> memref<1x6400xf32, #tpu.memory_space<hbm>>
      %dma_wait3A_108 = tpu.memref_squeeze %dma_wait3A_107 : memref<1x6400xf32, #tpu.memory_space<hbm>> -> memref<6400xf32, #tpu.memory_space<hbm>>
      tpu.wait_dma2 semaphore(%run_scoped3A : memref<!tpu.dma_semaphore, #tpu.memory_space<semaphore_mem>>) src(%dma_wait3A_108 : memref<6400xf32, #tpu.memory_space<hbm>>) dst(%arg14 : memref<6400xf32, #tpu.memory_space<vmem>>)
      tpu.yield
    }) : () -> ()
    %scan3A_42 = arith.constant 0 : i32
    %scan3A_43 = arith.constant 0 : i32
    %scan3A_44 = arith.constant 400 : i32
    %scan3A_45 = arith.addi %scan3A_43, %scan3A_44 : i32
    %scan3A_46 = arith.constant 1 : i32
    %scan3A_47 = scf.for %scan3A_102 = %scan3A_43 to %scan3A_45 step %scan3A_46 iter_args(%scan3A_103 = %scan3A_42) -> (i32)  : i32 {
      %mul3A_104 = arith.constant 16 : i32
      %mul3A_105 = arith.muli %scan3A_102, %mul3A_104 : i32
      %get3A = arith.index_cast %mul3A_105 : i32 to index
      %get3A_106 = tpu.vector_load %arg15[%get3A] {strides = array<i32>} : memref<6400xf32, #tpu.memory_space<vmem>>, vector<16xf32>,
      %add3A = arith.constant 1.000000e+00 : f32
      %add3A_107 = vector.broadcast %add3A : f32 to vector<16xf32>
      %add3A_108 = arith.addf %get3A_106, %add3A_107 : vector<16xf32>
      %bitcast3A = vector.bitcast %add3A_108 : vector<16xf32> to vector<16xi32>
      %shift_right_arithmetic3A = arith.constant 1 : i32
      %shift_right_arithmetic3A_109 = vector.broadcast %shift_right_arithmetic3A : i32 to vector<16xi32>
      %shift_right_arithmetic3A_110 = arith.shrsi %bitcast3A, %shift_right_arithmetic3A_109 : vector<16xi32>
      %sub3A = arith.constant 1597463007 : i32
      %sub3A_111 = vector.broadcast %sub3A : i32 to vector<16xi32>
      %sub3A_112 = arith.subi %sub3A_111, %shift_right_arithmetic3A_110 : vector<16xi32>
      %bitcast3A_113 = vector.bitcast %sub3A_112 : vector<16xi32> to vector<16xf32>
      %mul3A_114 = arith.constant 5.000000e-01 : f32
      %mul3A_115 = vector.broadcast %mul3A_114 : f32 to vector<16xf32>
      %mul3A_116 = arith.mulf %mul3A_115, %add3A_108 : vector<16xf32>
      %mul3A_117 = arith.mulf %mul3A_116, %bitcast3A_113 : vector<16xf32>
      %mul3A_118 = arith.mulf %mul3A_117, %bitcast3A_113 : vector<16xf32>
      %sub3A_119 = arith.constant 1.500000e+00 : f32
      %sub3A_120 = vector.broadcast %sub3A_119 : f32 to vector<16xf32>
      %sub3A_121 = arith.subf %sub3A_120, %mul3A_118 : vector<16xf32>
      %mul3A_122 = arith.mulf %bitcast3A_113, %sub3A_121 : vector<16xf32>
      %mul3A_123 = arith.constant 5.000000e-01 : f32
      %mul3A_124 = vector.broadcast %mul3A_123 : f32 to vector<16xf32>
      %mul3A_125 = arith.mulf %mul3A_124, %add3A_108 : vector<16xf32>
      %mul3A_126 = arith.mulf %mul3A_125, %mul3A_122 : vector<16xf32>
      %mul3A_127 = arith.mulf %mul3A_126, %mul3A_122 : vector<16xf32>
      %sub3A_128 = arith.constant 1.500000e+00 : f32
      %sub3A_129 = vector.broadcast %sub3A_128 : f32 to vector<16xf32>
      %sub3A_130 = arith.subf %sub3A_129, %mul3A_127 : vector<16xf32>
      %mul3A_131 = arith.mulf %mul3A_122, %sub3A_130 : vector<16xf32>
      %mul3A_132 = arith.constant 5.000000e-01 : f32
      %mul3A_133 = vector.broadcast %mul3A_132 : f32 to vector<16xf32>
      %mul3A_134 = arith.mulf %mul3A_133, %add3A_108 : vector<16xf32>
      %mul3A_135 = arith.mulf %mul3A_134, %mul3A_131 : vector<16xf32>
      %mul3A_136 = arith.mulf %mul3A_135, %mul3A_131 : vector<16xf32>
      %sub3A_137 = arith.constant 1.500000e+00 : f32
      %sub3A_138 = vector.broadcast %sub3A_137 : f32 to vector<16xf32>
      %sub3A_139 = arith.subf %sub3A_138, %mul3A_136 : vector<16xf32>
      %mul3A_140 = arith.mulf %mul3A_131, %sub3A_139 : vector<16xf32>
      %swap3A = arith.index_cast %mul3A_105 : i32 to index
      %swap3A_141 = tpu.vector_load %arg16[%swap3A] {strides = array<i32>} : memref<6400xf32, #tpu.memory_space<vmem>>, vector<16xf32>,
      tpu.vector_store %arg16[%swap3A], %mul3A_140 {strides = array<i32>} : memref<6400xf32, #tpu.memory_space<vmem>>, vector<16xf32>,
      %get3A_142 = arith.index_cast %mul3A_105 : i32 to index
      %get3A_143 = tpu.vector_load %arg14[%get3A_142] {strides = array<i32>} : memref<6400xf32, #tpu.memory_space<vmem>>, vector<16xf32>,
      %mul3A_144 = arith.mulf %get3A_143, %mul3A_140 : vector<16xf32>
      %swap3A_145 = arith.index_cast %mul3A_105 : i32 to index
      %swap3A_146 = tpu.vector_load %arg14[%swap3A_145] {strides = array<i32>} : memref<6400xf32, #tpu.memory_space<vmem>>, vector<16xf32>,
      tpu.vector_store %arg14[%swap3A_145], %mul3A_144 {strides = array<i32>} : memref<6400xf32, #tpu.memory_space<vmem>>, vector<16xf32>,
      %scan3A_147 = arith.constant 0 : i32
      scf.yield %scan3A_147 : i32
    }
    %scan3A_48 = arith.constant 400 : i32
    "tpu.region"() ({
      %run_scoped3A = tpu.sem_alloc : memref<!tpu.dma_semaphore, #tpu.memory_space<semaphore_mem>>
      %dma_start3A_102 = tpu.memref_slice %arg8[%mul3A_0] : memref<102400xf32, #tpu.memory_space<vmem_shared>> -> memref<6400xf32, #tpu.memory_space<vmem_shared>>
      %dma_start3A_103 = tpu.memref_slice %arg8[%mul3A_0] : memref<102400xf32, #tpu.memory_space<vmem_shared>> -> memref<6400xf32, #tpu.memory_space<vmem_shared>>
      tpu.enqueue_dma source(%arg14 : memref<6400xf32, #tpu.memory_space<vmem>>) target(%dma_start3A_103 : memref<6400xf32, #tpu.memory_space<vmem_shared>>) target_semaphore(%run_scoped3A : memref<!tpu.dma_semaphore, #tpu.memory_space<semaphore_mem>>)
      %dma_wait3A = tpu.memref_slice %arg8[%mul3A_0] : memref<102400xf32, #tpu.memory_space<vmem_shared>> -> memref<6400xf32, #tpu.memory_space<vmem_shared>>
      %dma_wait3A_104 = tpu.memref_slice %arg8[%mul3A_0] : memref<102400xf32, #tpu.memory_space<vmem_shared>> -> memref<6400xf32, #tpu.memory_space<vmem_shared>>
      tpu.wait_dma2 semaphore(%run_scoped3A : memref<!tpu.dma_semaphore, #tpu.memory_space<semaphore_mem>>) src(%arg14 : memref<6400xf32, #tpu.memory_space<vmem>>) dst(%dma_wait3A_104 : memref<6400xf32, #tpu.memory_space<vmem_shared>>)
      tpu.yield
    }) : () -> ()
    %eq3A = arith.constant 0 : i32
    %eq3A_49 = arith.cmpi eq, %arg0, %eq3A : i32
    %convert_element_type3A = arith.extui %eq3A_49 : i1 to i32
    %cond3A = arith.constant 0 : i32
    %cond3A_50 = arith.cmpi ne, %convert_element_type3A, %cond3A : i32
    scf.if %cond3A_50 {
      %run_scoped3A = arith.constant 0 : i32
      "tpu.region"() ({
        %run_scoped3A_102 = tpu.sem_alloc : memref<!tpu.dma_semaphore, #tpu.memory_space<semaphore_mem>>
        %dma_start3A_103 = tpu.memref_slice %arg6[%run_scoped3A, %mul3A_0] : memref<1x102400xf32, #tpu.memory_space<hbm>> -> memref<1x6400xf32, #tpu.memory_space<hbm>>
        %dma_start3A_104 = tpu.memref_squeeze %dma_start3A_103 : memref<1x6400xf32, #tpu.memory_space<hbm>> -> memref<6400xf32, #tpu.memory_space<hbm>>
        %dma_start3A_105 = tpu.memref_slice %arg6[%run_scoped3A, %mul3A_0] : memref<1x102400xf32, #tpu.memory_space<hbm>> -> memref<1x6400xf32, #tpu.memory_space<hbm>>
        %dma_start3A_106 = tpu.memref_squeeze %dma_start3A_105 : memref<1x6400xf32, #tpu.memory_space<hbm>> -> memref<6400xf32, #tpu.memory_space<hbm>>
        tpu.enqueue_dma source(%arg16 : memref<6400xf32, #tpu.memory_space<vmem>>) target(%dma_start3A_106 : memref<6400xf32, #tpu.memory_space<hbm>>) target_semaphore(%run_scoped3A_102 : memref<!tpu.dma_semaphore, #tpu.memory_space<semaphore_mem>>)
        %dma_wait3A = tpu.memref_slice %arg6[%run_scoped3A, %mul3A_0] : memref<1x102400xf32, #tpu.memory_space<hbm>> -> memref<1x6400xf32, #tpu.memory_space<hbm>>
        %dma_wait3A_107 = tpu.memref_squeeze %dma_wait3A : memref<1x6400xf32, #tpu.memory_space<hbm>> -> memref<6400xf32, #tpu.memory_space<hbm>>
        %dma_wait3A_108 = tpu.memref_slice %arg6[%run_scoped3A, %mul3A_0] : memref<1x102400xf32, #tpu.memory_space<hbm>> -> memref<1x6400xf32, #tpu.memory_space<hbm>>
        %dma_wait3A_109 = tpu.memref_squeeze %dma_wait3A_108 : memref<1x6400xf32, #tpu.memory_space<hbm>> -> memref<6400xf32, #tpu.memory_space<hbm>>
        tpu.wait_dma2 semaphore(%run_scoped3A_102 : memref<!tpu.dma_semaphore, #tpu.memory_space<semaphore_mem>>) src(%arg16 : memref<6400xf32, #tpu.memory_space<vmem>>) dst(%dma_wait3A_109 : memref<6400xf32, #tpu.memory_space<hbm>>)
        tpu.yield
      }) : () -> ()
    } else {
    }
    %barrier3A_51 = arith.constant 0 : index
    tpu.barrier barrier_id(%barrier3A_51)
    %dma_start3A_52 = arith.constant 0 : i32
    %dma_start3A_53 = arith.constant 0 : i32
    %dma_start3A_54 = arith.constant 0 : i32
    %dma_start3A_55 = arith.constant 0 : i32
    %dma_start3A_56 = arith.constant 0 : i32
    %dma_start3A_57 = tpu.memref_slice %arg10[%dma_start3A_53, %dma_start3A_55, %dma_start3A_56] : memref<2x100x125xi32, #tpu.memory_space<vmem>> -> memref<1x100x125xi32, #tpu.memory_space<vmem>>
    %dma_start3A_58 = tpu.memref_squeeze %dma_start3A_57 : memref<1x100x125xi32, #tpu.memory_space<vmem>> -> memref<100x125xi32, #tpu.memory_space<vmem>>
    %dma_start3A_59 = arith.constant 0 : i32
    %dma_start3A_60 = arith.constant 0 : i32
    %dma_start3A_61 = tpu.memref_slice %arg3[%arg1, %dma_start3A_52, %dma_start3A_59, %dma_start3A_60] : memref<16x16x100x125xi32, #tpu.memory_space<hbm>> -> memref<1x1x100x125xi32, #tpu.memory_space<hbm>>
    %dma_start3A_62 = tpu.memref_squeeze %dma_start3A_61 : memref<1x1x100x125xi32, #tpu.memory_space<hbm>> -> memref<100x125xi32, #tpu.memory_space<hbm>>
    %dma_start3A_63 = tpu.memref_slice %arg20[%dma_start3A_54] : memref<2x!tpu.dma_semaphore, #tpu.memory_space<semaphore_mem>> -> memref<1x!tpu.dma_semaphore, #tpu.memory_space<semaphore_mem>>
    %dma_start3A_64 = tpu.memref_squeeze %dma_start3A_63 : memref<1x!tpu.dma_semaphore, #tpu.memory_space<semaphore_mem>> -> memref<!tpu.dma_semaphore, #tpu.memory_space<semaphore_mem>>
    %dma_start3A_65 = arith.constant 0 : i32
    %dma_start3A_66 = arith.constant 0 : i32
    %dma_start3A_67 = tpu.memref_slice %arg10[%dma_start3A_53, %dma_start3A_65, %dma_start3A_66] : memref<2x100x125xi32, #tpu.memory_space<vmem>> -> memref<1x100x125xi32, #tpu.memory_space<vmem>>
    %dma_start3A_68 = tpu.memref_squeeze %dma_start3A_67 : memref<1x100x125xi32, #tpu.memory_space<vmem>> -> memref<100x125xi32, #tpu.memory_space<vmem>>
    %dma_start3A_69 = arith.constant 0 : i32
    %dma_start3A_70 = arith.constant 0 : i32
    %dma_start3A_71 = tpu.memref_slice %arg3[%arg1, %dma_start3A_52, %dma_start3A_69, %dma_start3A_70] : memref<16x16x100x125xi32, #tpu.memory_space<hbm>> -> memref<1x1x100x125xi32, #tpu.memory_space<hbm>>
    %dma_start3A_72 = tpu.memref_squeeze %dma_start3A_71 : memref<1x1x100x125xi32, #tpu.memory_space<hbm>> -> memref<100x125xi32, #tpu.memory_space<hbm>>
    tpu.enqueue_dma source(%dma_start3A_72 : memref<100x125xi32, #tpu.memory_space<hbm>>) target(%dma_start3A_68 : memref<100x125xi32, #tpu.memory_space<vmem>>) target_semaphore(%dma_start3A_64 : memref<!tpu.dma_semaphore, #tpu.memory_space<semaphore_mem>>)
    %dma_start3A_73 = arith.constant 0 : i32
    %dma_start3A_74 = arith.constant 0 : i32
    %dma_start3A_75 = arith.constant 1 : i32
    %dma_start3A_76 = arith.constant 0 : i32
    %dma_start3A_77 = arith.constant 0 : i32
    %dma_start3A_78 = tpu.memref_slice %arg11[%dma_start3A_74, %dma_start3A_76, %dma_start3A_77] : memref<2x100x125xi32, #tpu.memory_space<vmem>> -> memref<1x100x125xi32, #tpu.memory_space<vmem>>
    %dma_start3A_79 = tpu.memref_squeeze %dma_start3A_78 : memref<1x100x125xi32, #tpu.memory_space<vmem>> -> memref<100x125xi32, #tpu.memory_space<vmem>>
    %dma_start3A_80 = arith.constant 0 : i32
    %dma_start3A_81 = arith.constant 0 : i32
    %dma_start3A_82 = tpu.memref_slice %arg4[%arg1, %dma_start3A_73, %dma_start3A_80, %dma_start3A_81] : memref<16x16x100x125xi32, #tpu.memory_space<hbm>> -> memref<1x1x100x125xi32, #tpu.memory_space<hbm>>
    %dma_start3A_83 = tpu.memref_squeeze %dma_start3A_82 : memref<1x1x100x125xi32, #tpu.memory_space<hbm>> -> memref<100x125xi32, #tpu.memory_space<hbm>>
    %dma_start3A_84 = tpu.memref_slice %arg20[%dma_start3A_75] : memref<2x!tpu.dma_semaphore, #tpu.memory_space<semaphore_mem>> -> memref<1x!tpu.dma_semaphore, #tpu.memory_space<semaphore_mem>>
    %dma_start3A_85 = tpu.memref_squeeze %dma_start3A_84 : memref<1x!tpu.dma_semaphore, #tpu.memory_space<semaphore_mem>> -> memref<!tpu.dma_semaphore, #tpu.memory_space<semaphore_mem>>
    %dma_start3A_86 = arith.constant 0 : i32
    %dma_start3A_87 = arith.constant 0 : i32
    %dma_start3A_88 = tpu.memref_slice %arg11[%dma_start3A_74, %dma_start3A_86, %dma_start3A_87] : memref<2x100x125xi32, #tpu.memory_space<vmem>> -> memref<1x100x125xi32, #tpu.memory_space<vmem>>
    %dma_start3A_89 = tpu.memref_squeeze %dma_start3A_88 : memref<1x100x125xi32, #tpu.memory_space<vmem>> -> memref<100x125xi32, #tpu.memory_space<vmem>>
    %dma_start3A_90 = arith.constant 0 : i32
    %dma_start3A_91 = arith.constant 0 : i32
    %dma_start3A_92 = tpu.memref_slice %arg4[%arg1, %dma_start3A_73, %dma_start3A_90, %dma_start3A_91] : memref<16x16x100x125xi32, #tpu.memory_space<hbm>> -> memref<1x1x100x125xi32, #tpu.memory_space<hbm>>
    %dma_start3A_93 = tpu.memref_squeeze %dma_start3A_92 : memref<1x1x100x125xi32, #tpu.memory_space<hbm>> -> memref<100x125xi32, #tpu.memory_space<hbm>>
    tpu.enqueue_dma source(%dma_start3A_93 : memref<100x125xi32, #tpu.memory_space<hbm>>) target(%dma_start3A_89 : memref<100x125xi32, #tpu.memory_space<vmem>>) target_semaphore(%dma_start3A_85 : memref<!tpu.dma_semaphore, #tpu.memory_space<semaphore_mem>>)
    %scan3A_94 = arith.constant 0 : i32
    %scan3A_95 = arith.constant 0 : i32
    %scan3A_96 = arith.constant 16 : i32
    %scan3A_97 = arith.addi %scan3A_95, %scan3A_96 : i32
    %scan3A_98 = arith.constant 1 : i32
    %scan3A_99 = scf.for %scan3A_102 = %scan3A_95 to %scan3A_97 step %scan3A_98 iter_args(%scan3A_103 = %scan3A_94) -> (i32)  : i32 {
      %rem3A = arith.constant 2 : i32
      %rem3A_104 = arith.remsi %scan3A_102, %rem3A : i32
      %dma_wait3A = arith.constant 0 : i32
      %dma_wait3A_105 = arith.constant 0 : i32
      %dma_wait3A_106 = arith.constant 0 : i32
      %dma_wait3A_107 = tpu.memref_slice %arg10[%rem3A_104, %dma_wait3A_105, %dma_wait3A_106] : memref<2x100x125xi32, #tpu.memory_space<vmem>> -> memref<1x100x125xi32, #tpu.memory_space<vmem>>
      %dma_wait3A_108 = tpu.memref_squeeze %dma_wait3A_107 : memref<1x100x125xi32, #tpu.memory_space<vmem>> -> memref<100x125xi32, #tpu.memory_space<vmem>>
      %dma_wait3A_109 = arith.constant 0 : i32
      %dma_wait3A_110 = arith.constant 0 : i32
      %dma_wait3A_111 = tpu.memref_slice %arg3[%arg1, %scan3A_102, %dma_wait3A_109, %dma_wait3A_110] : memref<16x16x100x125xi32, #tpu.memory_space<hbm>> -> memref<1x1x100x125xi32, #tpu.memory_space<hbm>>
      %dma_wait3A_112 = tpu.memref_squeeze %dma_wait3A_111 : memref<1x1x100x125xi32, #tpu.memory_space<hbm>> -> memref<100x125xi32, #tpu.memory_space<hbm>>
      %dma_wait3A_113 = tpu.memref_slice %arg20[%dma_wait3A] : memref<2x!tpu.dma_semaphore, #tpu.memory_space<semaphore_mem>> -> memref<1x!tpu.dma_semaphore, #tpu.memory_space<semaphore_mem>>
      %dma_wait3A_114 = tpu.memref_squeeze %dma_wait3A_113 : memref<1x!tpu.dma_semaphore, #tpu.memory_space<semaphore_mem>> -> memref<!tpu.dma_semaphore, #tpu.memory_space<semaphore_mem>>
      %dma_wait3A_115 = arith.constant 0 : i32
      %dma_wait3A_116 = arith.constant 0 : i32
      %dma_wait3A_117 = tpu.memref_slice %arg10[%rem3A_104, %dma_wait3A_115, %dma_wait3A_116] : memref<2x100x125xi32, #tpu.memory_space<vmem>> -> memref<1x100x125xi32, #tpu.memory_space<vmem>>
      %dma_wait3A_118 = tpu.memref_squeeze %dma_wait3A_117 : memref<1x100x125xi32, #tpu.memory_space<vmem>> -> memref<100x125xi32, #tpu.memory_space<vmem>>
      %dma_wait3A_119 = arith.constant 0 : i32
      %dma_wait3A_120 = arith.constant 0 : i32
      %dma_wait3A_121 = tpu.memref_slice %arg3[%arg1, %scan3A_102, %dma_wait3A_119, %dma_wait3A_120] : memref<16x16x100x125xi32, #tpu.memory_space<hbm>> -> memref<1x1x100x125xi32, #tpu.memory_space<hbm>>
      %dma_wait3A_122 = tpu.memref_squeeze %dma_wait3A_121 : memref<1x1x100x125xi32, #tpu.memory_space<hbm>> -> memref<100x125xi32, #tpu.memory_space<hbm>>
      tpu.wait_dma2 semaphore(%dma_wait3A_114 : memref<!tpu.dma_semaphore, #tpu.memory_space<semaphore_mem>>) src(%dma_wait3A_122 : memref<100x125xi32, #tpu.memory_space<hbm>>) dst(%dma_wait3A_118 : memref<100x125xi32, #tpu.memory_space<vmem>>)
      %dma_wait3A_123 = arith.constant 1 : i32
      %dma_wait3A_124 = arith.constant 0 : i32
      %dma_wait3A_125 = arith.constant 0 : i32
      %dma_wait3A_126 = tpu.memref_slice %arg11[%rem3A_104, %dma_wait3A_124, %dma_wait3A_125] : memref<2x100x125xi32, #tpu.memory_space<vmem>> -> memref<1x100x125xi32, #tpu.memory_space<vmem>>
      %dma_wait3A_127 = tpu.memref_squeeze %dma_wait3A_126 : memref<1x100x125xi32, #tpu.memory_space<vmem>> -> memref<100x125xi32, #tpu.memory_space<vmem>>
      %dma_wait3A_128 = arith.constant 0 : i32
      %dma_wait3A_129 = arith.constant 0 : i32
      %dma_wait3A_130 = tpu.memref_slice %arg4[%arg1, %scan3A_102, %dma_wait3A_128, %dma_wait3A_129] : memref<16x16x100x125xi32, #tpu.memory_space<hbm>> -> memref<1x1x100x125xi32, #tpu.memory_space<hbm>>
      %dma_wait3A_131 = tpu.memref_squeeze %dma_wait3A_130 : memref<1x1x100x125xi32, #tpu.memory_space<hbm>> -> memref<100x125xi32, #tpu.memory_space<hbm>>
      %dma_wait3A_132 = tpu.memref_slice %arg20[%dma_wait3A_123] : memref<2x!tpu.dma_semaphore, #tpu.memory_space<semaphore_mem>> -> memref<1x!tpu.dma_semaphore, #tpu.memory_space<semaphore_mem>>
      %dma_wait3A_133 = tpu.memref_squeeze %dma_wait3A_132 : memref<1x!tpu.dma_semaphore, #tpu.memory_space<semaphore_mem>> -> memref<!tpu.dma_semaphore, #tpu.memory_space<semaphore_mem>>
      %dma_wait3A_134 = arith.constant 0 : i32
      %dma_wait3A_135 = arith.constant 0 : i32
      %dma_wait3A_136 = tpu.memref_slice %arg11[%rem3A_104, %dma_wait3A_134, %dma_wait3A_135] : memref<2x100x125xi32, #tpu.memory_space<vmem>> -> memref<1x100x125xi32, #tpu.memory_space<vmem>>
      %dma_wait3A_137 = tpu.memref_squeeze %dma_wait3A_136 : memref<1x100x125xi32, #tpu.memory_space<vmem>> -> memref<100x125xi32, #tpu.memory_space<vmem>>
      %dma_wait3A_138 = arith.constant 0 : i32
      %dma_wait3A_139 = arith.constant 0 : i32
      %dma_wait3A_140 = tpu.memref_slice %arg4[%arg1, %scan3A_102, %dma_wait3A_138, %dma_wait3A_139] : memref<16x16x100x125xi32, #tpu.memory_space<hbm>> -> memref<1x1x100x125xi32, #tpu.memory_space<hbm>>
      %dma_wait3A_141 = tpu.memref_squeeze %dma_wait3A_140 : memref<1x1x100x125xi32, #tpu.memory_space<hbm>> -> memref<100x125xi32, #tpu.memory_space<hbm>>
      tpu.wait_dma2 semaphore(%dma_wait3A_133 : memref<!tpu.dma_semaphore, #tpu.memory_space<semaphore_mem>>) src(%dma_wait3A_141 : memref<100x125xi32, #tpu.memory_space<hbm>>) dst(%dma_wait3A_137 : memref<100x125xi32, #tpu.memory_space<vmem>>)
      %add3A = arith.constant 1 : i32
      %add3A_142 = arith.addi %scan3A_102, %add3A : i32
      %lt3A = arith.constant 16 : i32
      %lt3A_143 = arith.cmpi slt, %add3A_142, %lt3A : i32
      %convert_element_type3A_144 = arith.extui %lt3A_143 : i1 to i32
      %cond3A_145 = arith.constant 0 : i32
      %cond3A_146 = arith.cmpi ne, %convert_element_type3A_144, %cond3A_145 : i32
      scf.if %cond3A_146 {
        %add3A_155 = arith.constant 1 : i32
        %add3A_156 = arith.addi %scan3A_102, %add3A_155 : i32
        %sub3A = arith.constant 1 : i32
        %sub3A_157 = arith.subi %sub3A, %rem3A_104 : i32
        %dma_start3A_158 = arith.constant 0 : i32
        %dma_start3A_159 = arith.constant 0 : i32
        %dma_start3A_160 = arith.constant 0 : i32
        %dma_start3A_161 = tpu.memref_slice %arg10[%sub3A_157, %dma_start3A_159, %dma_start3A_160] : memref<2x100x125xi32, #tpu.memory_space<vmem>> -> memref<1x100x125xi32, #tpu.memory_space<vmem>>
        %dma_start3A_162 = tpu.memref_squeeze %dma_start3A_161 : memref<1x100x125xi32, #tpu.memory_space<vmem>> -> memref<100x125xi32, #tpu.memory_space<vmem>>
        %dma_start3A_163 = arith.constant 0 : i32
        %dma_start3A_164 = arith.constant 0 : i32
        %dma_start3A_165 = tpu.memref_slice %arg3[%arg1, %add3A_156, %dma_start3A_163, %dma_start3A_164] : memref<16x16x100x125xi32, #tpu.memory_space<hbm>> -> memref<1x1x100x125xi32, #tpu.memory_space<hbm>>
        %dma_start3A_166 = tpu.memref_squeeze %dma_start3A_165 : memref<1x1x100x125xi32, #tpu.memory_space<hbm>> -> memref<100x125xi32, #tpu.memory_space<hbm>>
        %dma_start3A_167 = tpu.memref_slice %arg20[%dma_start3A_158] : memref<2x!tpu.dma_semaphore, #tpu.memory_space<semaphore_mem>> -> memref<1x!tpu.dma_semaphore, #tpu.memory_space<semaphore_mem>>
        %dma_start3A_168 = tpu.memref_squeeze %dma_start3A_167 : memref<1x!tpu.dma_semaphore, #tpu.memory_space<semaphore_mem>> -> memref<!tpu.dma_semaphore, #tpu.memory_space<semaphore_mem>>
        %dma_start3A_169 = arith.constant 0 : i32
        %dma_start3A_170 = arith.constant 0 : i32
        %dma_start3A_171 = tpu.memref_slice %arg10[%sub3A_157, %dma_start3A_169, %dma_start3A_170] : memref<2x100x125xi32, #tpu.memory_space<vmem>> -> memref<1x100x125xi32, #tpu.memory_space<vmem>>
        %dma_start3A_172 = tpu.memref_squeeze %dma_start3A_171 : memref<1x100x125xi32, #tpu.memory_space<vmem>> -> memref<100x125xi32, #tpu.memory_space<vmem>>
        %dma_start3A_173 = arith.constant 0 : i32
        %dma_start3A_174 = arith.constant 0 : i32
        %dma_start3A_175 = tpu.memref_slice %arg3[%arg1, %add3A_156, %dma_start3A_173, %dma_start3A_174] : memref<16x16x100x125xi32, #tpu.memory_space<hbm>> -> memref<1x1x100x125xi32, #tpu.memory_space<hbm>>
        %dma_start3A_176 = tpu.memref_squeeze %dma_start3A_175 : memref<1x1x100x125xi32, #tpu.memory_space<hbm>> -> memref<100x125xi32, #tpu.memory_space<hbm>>
        tpu.enqueue_dma source(%dma_start3A_176 : memref<100x125xi32, #tpu.memory_space<hbm>>) target(%dma_start3A_172 : memref<100x125xi32, #tpu.memory_space<vmem>>) target_semaphore(%dma_start3A_168 : memref<!tpu.dma_semaphore, #tpu.memory_space<semaphore_mem>>)
        %add3A_177 = arith.constant 1 : i32
        %add3A_178 = arith.addi %scan3A_102, %add3A_177 : i32
        %sub3A_179 = arith.constant 1 : i32
        %sub3A_180 = arith.subi %sub3A_179, %rem3A_104 : i32
        %dma_start3A_181 = arith.constant 1 : i32
        %dma_start3A_182 = arith.constant 0 : i32
        %dma_start3A_183 = arith.constant 0 : i32
        %dma_start3A_184 = tpu.memref_slice %arg11[%sub3A_180, %dma_start3A_182, %dma_start3A_183] : memref<2x100x125xi32, #tpu.memory_space<vmem>> -> memref<1x100x125xi32, #tpu.memory_space<vmem>>
        %dma_start3A_185 = tpu.memref_squeeze %dma_start3A_184 : memref<1x100x125xi32, #tpu.memory_space<vmem>> -> memref<100x125xi32, #tpu.memory_space<vmem>>
        %dma_start3A_186 = arith.constant 0 : i32
        %dma_start3A_187 = arith.constant 0 : i32
        %dma_start3A_188 = tpu.memref_slice %arg4[%arg1, %add3A_178, %dma_start3A_186, %dma_start3A_187] : memref<16x16x100x125xi32, #tpu.memory_space<hbm>> -> memref<1x1x100x125xi32, #tpu.memory_space<hbm>>
        %dma_start3A_189 = tpu.memref_squeeze %dma_start3A_188 : memref<1x1x100x125xi32, #tpu.memory_space<hbm>> -> memref<100x125xi32, #tpu.memory_space<hbm>>
        %dma_start3A_190 = tpu.memref_slice %arg20[%dma_start3A_181] : memref<2x!tpu.dma_semaphore, #tpu.memory_space<semaphore_mem>> -> memref<1x!tpu.dma_semaphore, #tpu.memory_space<semaphore_mem>>
        %dma_start3A_191 = tpu.memref_squeeze %dma_start3A_190 : memref<1x!tpu.dma_semaphore, #tpu.memory_space<semaphore_mem>> -> memref<!tpu.dma_semaphore, #tpu.memory_space<semaphore_mem>>
        %dma_start3A_192 = arith.constant 0 : i32
        %dma_start3A_193 = arith.constant 0 : i32
        %dma_start3A_194 = tpu.memref_slice %arg11[%sub3A_180, %dma_start3A_192, %dma_start3A_193] : memref<2x100x125xi32, #tpu.memory_space<vmem>> -> memref<1x100x125xi32, #tpu.memory_space<vmem>>
        %dma_start3A_195 = tpu.memref_squeeze %dma_start3A_194 : memref<1x100x125xi32, #tpu.memory_space<vmem>> -> memref<100x125xi32, #tpu.memory_space<vmem>>
        %dma_start3A_196 = arith.constant 0 : i32
        %dma_start3A_197 = arith.constant 0 : i32
        %dma_start3A_198 = tpu.memref_slice %arg4[%arg1, %add3A_178, %dma_start3A_196, %dma_start3A_197] : memref<16x16x100x125xi32, #tpu.memory_space<hbm>> -> memref<1x1x100x125xi32, #tpu.memory_space<hbm>>
        %dma_start3A_199 = tpu.memref_squeeze %dma_start3A_198 : memref<1x1x100x125xi32, #tpu.memory_space<hbm>> -> memref<100x125xi32, #tpu.memory_space<hbm>>
        tpu.enqueue_dma source(%dma_start3A_199 : memref<100x125xi32, #tpu.memory_space<hbm>>) target(%dma_start3A_195 : memref<100x125xi32, #tpu.memory_space<vmem>>) target_semaphore(%dma_start3A_191 : memref<!tpu.dma_semaphore, #tpu.memory_space<semaphore_mem>>)
      } else {
      }
      %scan3A_147 = arith.constant 0 : i32
      %scan3A_148 = arith.constant 0 : i32
      %scan3A_149 = arith.constant 20 : i32
      %scan3A_150 = arith.addi %scan3A_148, %scan3A_149 : i32
      %scan3A_151 = arith.constant 1 : i32
      %scan3A_152 = scf.for %scan3A_155 = %scan3A_148 to %scan3A_150 step %scan3A_151 iter_args(%scan3A_156 = %scan3A_147) -> (i32)  : i32 {
        %mul3A_157 = arith.constant 5 : i32
        %mul3A_158 = arith.muli %scan3A_155, %mul3A_157 : i32
        %add3A_159 = arith.constant 0 : i32
        %add3A_160 = arith.addi %mul3A_158, %add3A_159 : i32
        %dma_start3A_161 = arith.constant 0 : i32
        %dma_start3A_162 = arith.constant 0 : i32
        %dma_start3A_163 = arith.constant 0 : i32
        %dma_start3A_164 = tpu.memref_slice %arg13[%dma_start3A_161, %dma_start3A_163] : memref<5x125xf32, #tpu.memory_space<vmem>> -> memref<1x125xf32, #tpu.memory_space<vmem>>
        %dma_start3A_165 = tpu.memref_squeeze %dma_start3A_164 : memref<1x125xf32, #tpu.memory_space<vmem>> -> memref<125xf32, #tpu.memory_space<vmem>>
        %dma_start3A_166 = arith.constant 0 : i32
        %dma_start3A_167 = tpu.memref_slice %arg10[%rem3A_104, %add3A_160, %dma_start3A_166] : memref<2x100x125xi32, #tpu.memory_space<vmem>> -> memref<1x1x125xi32, #tpu.memory_space<vmem>>
        %dma_start3A_168 = tpu.memref_squeeze %dma_start3A_167 : memref<1x1x125xi32, #tpu.memory_space<vmem>> -> memref<125xi32, #tpu.memory_space<vmem>>
        %dma_start3A_169 = arith.constant 0 : i32
        %dma_start3A_170 = tpu.memref_slice %arg8[%dma_start3A_169] : memref<102400xf32, #tpu.memory_space<vmem_shared>> -> memref<102400xf32, #tpu.memory_space<vmem_shared>>
        %dma_start3A_171 = tpu.memref_slice %arg18[%dma_start3A_162] : memref<5x!tpu.dma_semaphore, #tpu.memory_space<semaphore_mem>> -> memref<1x!tpu.dma_semaphore, #tpu.memory_space<semaphore_mem>>
        %dma_start3A_172 = tpu.memref_squeeze %dma_start3A_171 : memref<1x!tpu.dma_semaphore, #tpu.memory_space<semaphore_mem>> -> memref<!tpu.dma_semaphore, #tpu.memory_space<semaphore_mem>>
        tpu.enqueue_indirect_dma source(%dma_start3A_170 : memref<102400xf32, #tpu.memory_space<vmem_shared>>) target(%dma_start3A_165 : memref<125xf32, #tpu.memory_space<vmem>>) offsets(%dma_start3A_168 : memref<125xi32, #tpu.memory_space<vmem>>) semaphore(%dma_start3A_172 : memref<!tpu.dma_semaphore, #tpu.memory_space<semaphore_mem>>)
        %mul3A_173 = arith.constant 5 : i32
        %mul3A_174 = arith.muli %scan3A_155, %mul3A_173 : i32
        %add3A_175 = arith.constant 1 : i32
        %add3A_176 = arith.addi %mul3A_174, %add3A_175 : i32
        %dma_start3A_177 = arith.constant 1 : i32
        %dma_start3A_178 = arith.constant 1 : i32
        %dma_start3A_179 = arith.constant 0 : i32
        %dma_start3A_180 = tpu.memref_slice %arg13[%dma_start3A_177, %dma_start3A_179] : memref<5x125xf32, #tpu.memory_space<vmem>> -> memref<1x125xf32, #tpu.memory_space<vmem>>
        %dma_start3A_181 = tpu.memref_squeeze %dma_start3A_180 : memref<1x125xf32, #tpu.memory_space<vmem>> -> memref<125xf32, #tpu.memory_space<vmem>>
        %dma_start3A_182 = arith.constant 0 : i32
        %dma_start3A_183 = tpu.memref_slice %arg10[%rem3A_104, %add3A_176, %dma_start3A_182] : memref<2x100x125xi32, #tpu.memory_space<vmem>> -> memref<1x1x125xi32, #tpu.memory_space<vmem>>
        %dma_start3A_184 = tpu.memref_squeeze %dma_start3A_183 : memref<1x1x125xi32, #tpu.memory_space<vmem>> -> memref<125xi32, #tpu.memory_space<vmem>>
        %dma_start3A_185 = arith.constant 0 : i32
        %dma_start3A_186 = tpu.memref_slice %arg8[%dma_start3A_185] : memref<102400xf32, #tpu.memory_space<vmem_shared>> -> memref<102400xf32, #tpu.memory_space<vmem_shared>>
        %dma_start3A_187 = tpu.memref_slice %arg18[%dma_start3A_178] : memref<5x!tpu.dma_semaphore, #tpu.memory_space<semaphore_mem>> -> memref<1x!tpu.dma_semaphore, #tpu.memory_space<semaphore_mem>>
        %dma_start3A_188 = tpu.memref_squeeze %dma_start3A_187 : memref<1x!tpu.dma_semaphore, #tpu.memory_space<semaphore_mem>> -> memref<!tpu.dma_semaphore, #tpu.memory_space<semaphore_mem>>
        tpu.enqueue_indirect_dma source(%dma_start3A_186 : memref<102400xf32, #tpu.memory_space<vmem_shared>>) target(%dma_start3A_181 : memref<125xf32, #tpu.memory_space<vmem>>) offsets(%dma_start3A_184 : memref<125xi32, #tpu.memory_space<vmem>>) semaphore(%dma_start3A_188 : memref<!tpu.dma_semaphore, #tpu.memory_space<semaphore_mem>>)
        %mul3A_189 = arith.constant 5 : i32
        %mul3A_190 = arith.muli %scan3A_155, %mul3A_189 : i32
        %add3A_191 = arith.constant 2 : i32
        %add3A_192 = arith.addi %mul3A_190, %add3A_191 : i32
        %dma_start3A_193 = arith.constant 2 : i32
        %dma_start3A_194 = arith.constant 2 : i32
        %dma_start3A_195 = arith.constant 0 : i32
        %dma_start3A_196 = tpu.memref_slice %arg13[%dma_start3A_193, %dma_start3A_195] : memref<5x125xf32, #tpu.memory_space<vmem>> -> memref<1x125xf32, #tpu.memory_space<vmem>>
        %dma_start3A_197 = tpu.memref_squeeze %dma_start3A_196 : memref<1x125xf32, #tpu.memory_space<vmem>> -> memref<125xf32, #tpu.memory_space<vmem>>
        %dma_start3A_198 = arith.constant 0 : i32
        %dma_start3A_199 = tpu.memref_slice %arg10[%rem3A_104, %add3A_192, %dma_start3A_198] : memref<2x100x125xi32, #tpu.memory_space<vmem>> -> memref<1x1x125xi32, #tpu.memory_space<vmem>>
        %dma_start3A_200 = tpu.memref_squeeze %dma_start3A_199 : memref<1x1x125xi32, #tpu.memory_space<vmem>> -> memref<125xi32, #tpu.memory_space<vmem>>
        %dma_start3A_201 = arith.constant 0 : i32
        %dma_start3A_202 = tpu.memref_slice %arg8[%dma_start3A_201] : memref<102400xf32, #tpu.memory_space<vmem_shared>> -> memref<102400xf32, #tpu.memory_space<vmem_shared>>
        %dma_start3A_203 = tpu.memref_slice %arg18[%dma_start3A_194] : memref<5x!tpu.dma_semaphore, #tpu.memory_space<semaphore_mem>> -> memref<1x!tpu.dma_semaphore, #tpu.memory_space<semaphore_mem>>
        %dma_start3A_204 = tpu.memref_squeeze %dma_start3A_203 : memref<1x!tpu.dma_semaphore, #tpu.memory_space<semaphore_mem>> -> memref<!tpu.dma_semaphore, #tpu.memory_space<semaphore_mem>>
        tpu.enqueue_indirect_dma source(%dma_start3A_202 : memref<102400xf32, #tpu.memory_space<vmem_shared>>) target(%dma_start3A_197 : memref<125xf32, #tpu.memory_space<vmem>>) offsets(%dma_start3A_200 : memref<125xi32, #tpu.memory_space<vmem>>) semaphore(%dma_start3A_204 : memref<!tpu.dma_semaphore, #tpu.memory_space<semaphore_mem>>)
        %mul3A_205 = arith.constant 5 : i32
        %mul3A_206 = arith.muli %scan3A_155, %mul3A_205 : i32
        %add3A_207 = arith.constant 3 : i32
        %add3A_208 = arith.addi %mul3A_206, %add3A_207 : i32
        %dma_start3A_209 = arith.constant 3 : i32
        %dma_start3A_210 = arith.constant 3 : i32
        %dma_start3A_211 = arith.constant 0 : i32
        %dma_start3A_212 = tpu.memref_slice %arg13[%dma_start3A_209, %dma_start3A_211] : memref<5x125xf32, #tpu.memory_space<vmem>> -> memref<1x125xf32, #tpu.memory_space<vmem>>
        %dma_start3A_213 = tpu.memref_squeeze %dma_start3A_212 : memref<1x125xf32, #tpu.memory_space<vmem>> -> memref<125xf32, #tpu.memory_space<vmem>>
        %dma_start3A_214 = arith.constant 0 : i32
        %dma_start3A_215 = tpu.memref_slice %arg10[%rem3A_104, %add3A_208, %dma_start3A_214] : memref<2x100x125xi32, #tpu.memory_space<vmem>> -> memref<1x1x125xi32, #tpu.memory_space<vmem>>
        %dma_start3A_216 = tpu.memref_squeeze %dma_start3A_215 : memref<1x1x125xi32, #tpu.memory_space<vmem>> -> memref<125xi32, #tpu.memory_space<vmem>>
        %dma_start3A_217 = arith.constant 0 : i32
        %dma_start3A_218 = tpu.memref_slice %arg8[%dma_start3A_217] : memref<102400xf32, #tpu.memory_space<vmem_shared>> -> memref<102400xf32, #tpu.memory_space<vmem_shared>>
        %dma_start3A_219 = tpu.memref_slice %arg18[%dma_start3A_210] : memref<5x!tpu.dma_semaphore, #tpu.memory_space<semaphore_mem>> -> memref<1x!tpu.dma_semaphore, #tpu.memory_space<semaphore_mem>>
        %dma_start3A_220 = tpu.memref_squeeze %dma_start3A_219 : memref<1x!tpu.dma_semaphore, #tpu.memory_space<semaphore_mem>> -> memref<!tpu.dma_semaphore, #tpu.memory_space<semaphore_mem>>
        tpu.enqueue_indirect_dma source(%dma_start3A_218 : memref<102400xf32, #tpu.memory_space<vmem_shared>>) target(%dma_start3A_213 : memref<125xf32, #tpu.memory_space<vmem>>) offsets(%dma_start3A_216 : memref<125xi32, #tpu.memory_space<vmem>>) semaphore(%dma_start3A_220 : memref<!tpu.dma_semaphore, #tpu.memory_space<semaphore_mem>>)
        %mul3A_221 = arith.constant 5 : i32
        %mul3A_222 = arith.muli %scan3A_155, %mul3A_221 : i32
        %add3A_223 = arith.constant 4 : i32
        %add3A_224 = arith.addi %mul3A_222, %add3A_223 : i32
        %dma_start3A_225 = arith.constant 4 : i32
        %dma_start3A_226 = arith.constant 4 : i32
        %dma_start3A_227 = arith.constant 0 : i32
        %dma_start3A_228 = tpu.memref_slice %arg13[%dma_start3A_225, %dma_start3A_227] : memref<5x125xf32, #tpu.memory_space<vmem>> -> memref<1x125xf32, #tpu.memory_space<vmem>>
        %dma_start3A_229 = tpu.memref_squeeze %dma_start3A_228 : memref<1x125xf32, #tpu.memory_space<vmem>> -> memref<125xf32, #tpu.memory_space<vmem>>
        %dma_start3A_230 = arith.constant 0 : i32
        %dma_start3A_231 = tpu.memref_slice %arg10[%rem3A_104, %add3A_224, %dma_start3A_230] : memref<2x100x125xi32, #tpu.memory_space<vmem>> -> memref<1x1x125xi32, #tpu.memory_space<vmem>>
        %dma_start3A_232 = tpu.memref_squeeze %dma_start3A_231 : memref<1x1x125xi32, #tpu.memory_space<vmem>> -> memref<125xi32, #tpu.memory_space<vmem>>
        %dma_start3A_233 = arith.constant 0 : i32
        %dma_start3A_234 = tpu.memref_slice %arg8[%dma_start3A_233] : memref<102400xf32, #tpu.memory_space<vmem_shared>> -> memref<102400xf32, #tpu.memory_space<vmem_shared>>
        %dma_start3A_235 = tpu.memref_slice %arg18[%dma_start3A_226] : memref<5x!tpu.dma_semaphore, #tpu.memory_space<semaphore_mem>> -> memref<1x!tpu.dma_semaphore, #tpu.memory_space<semaphore_mem>>
        %dma_start3A_236 = tpu.memref_squeeze %dma_start3A_235 : memref<1x!tpu.dma_semaphore, #tpu.memory_space<semaphore_mem>> -> memref<!tpu.dma_semaphore, #tpu.memory_space<semaphore_mem>>
        tpu.enqueue_indirect_dma source(%dma_start3A_234 : memref<102400xf32, #tpu.memory_space<vmem_shared>>) target(%dma_start3A_229 : memref<125xf32, #tpu.memory_space<vmem>>) offsets(%dma_start3A_232 : memref<125xi32, #tpu.memory_space<vmem>>) semaphore(%dma_start3A_236 : memref<!tpu.dma_semaphore, #tpu.memory_space<semaphore_mem>>)
        %dma_wait3A_237 = arith.constant 0 : i32
        %dma_wait3A_238 = arith.constant 0 : i32
        %dma_wait3A_239 = arith.constant 0 : i32
        %dma_wait3A_240 = tpu.memref_slice %arg13[%dma_wait3A_237, %dma_wait3A_239] : memref<5x125xf32, #tpu.memory_space<vmem>> -> memref<1x125xf32, #tpu.memory_space<vmem>>
        %dma_wait3A_241 = tpu.memref_squeeze %dma_wait3A_240 : memref<1x125xf32, #tpu.memory_space<vmem>> -> memref<125xf32, #tpu.memory_space<vmem>>
        %dma_wait3A_242 = arith.constant 0 : i32
        %dma_wait3A_243 = tpu.memref_slice %arg10[%rem3A_104, %add3A_160, %dma_wait3A_242] : memref<2x100x125xi32, #tpu.memory_space<vmem>> -> memref<1x1x125xi32, #tpu.memory_space<vmem>>
        %dma_wait3A_244 = tpu.memref_squeeze %dma_wait3A_243 : memref<1x1x125xi32, #tpu.memory_space<vmem>> -> memref<125xi32, #tpu.memory_space<vmem>>
        %dma_wait3A_245 = arith.constant 0 : i32
        %dma_wait3A_246 = tpu.memref_slice %arg8[%dma_wait3A_245] : memref<102400xf32, #tpu.memory_space<vmem_shared>> -> memref<102400xf32, #tpu.memory_space<vmem_shared>>
        %dma_wait3A_247 = tpu.memref_slice %arg18[%dma_wait3A_238] : memref<5x!tpu.dma_semaphore, #tpu.memory_space<semaphore_mem>> -> memref<1x!tpu.dma_semaphore, #tpu.memory_space<semaphore_mem>>
        %dma_wait3A_248 = tpu.memref_squeeze %dma_wait3A_247 : memref<1x!tpu.dma_semaphore, #tpu.memory_space<semaphore_mem>> -> memref<!tpu.dma_semaphore, #tpu.memory_space<semaphore_mem>>
        tpu.wait_indirect_dma semaphore(%dma_wait3A_248 : memref<!tpu.dma_semaphore, #tpu.memory_space<semaphore_mem>>) src(%dma_wait3A_246 : memref<102400xf32, #tpu.memory_space<vmem_shared>>) dst(%dma_wait3A_241 : memref<125xf32, #tpu.memory_space<vmem>>)
        %mul3A_249 = arith.constant 5 : i32
        %mul3A_250 = arith.muli %scan3A_155, %mul3A_249 : i32
        %add3A_251 = arith.constant 0 : i32
        %add3A_252 = arith.addi %mul3A_250, %add3A_251 : i32
        %dma_start3A_253 = arith.constant 0 : i32
        %dma_start3A_254 = arith.constant 0 : i32
        %dma_start3A_255 = arith.constant 0 : i32
        %dma_start3A_256 = tpu.memref_slice %arg13[%dma_start3A_253, %dma_start3A_255] : memref<5x125xf32, #tpu.memory_space<vmem>> -> memref<1x125xf32, #tpu.memory_space<vmem>>
        %dma_start3A_257 = tpu.memref_squeeze %dma_start3A_256 : memref<1x125xf32, #tpu.memory_space<vmem>> -> memref<125xf32, #tpu.memory_space<vmem>>
        %dma_start3A_258 = arith.constant 0 : i32
        %dma_start3A_259 = tpu.memref_slice %arg11[%rem3A_104, %add3A_252, %dma_start3A_258] : memref<2x100x125xi32, #tpu.memory_space<vmem>> -> memref<1x1x125xi32, #tpu.memory_space<vmem>>
        %dma_start3A_260 = tpu.memref_squeeze %dma_start3A_259 : memref<1x1x125xi32, #tpu.memory_space<vmem>> -> memref<125xi32, #tpu.memory_space<vmem>>
        %dma_start3A_261 = arith.constant 0 : i32
        %dma_start3A_262 = tpu.memref_slice %arg9[%dma_start3A_261] : memref<102400xf32, #tpu.memory_space<vmem_shared>> -> memref<102400xf32, #tpu.memory_space<vmem_shared>>
        %dma_start3A_263 = tpu.memref_slice %arg19[%dma_start3A_254] : memref<5x!tpu.dma_semaphore, #tpu.memory_space<semaphore_mem>> -> memref<1x!tpu.dma_semaphore, #tpu.memory_space<semaphore_mem>>
        %dma_start3A_264 = tpu.memref_squeeze %dma_start3A_263 : memref<1x!tpu.dma_semaphore, #tpu.memory_space<semaphore_mem>> -> memref<!tpu.dma_semaphore, #tpu.memory_space<semaphore_mem>>
        tpu.enqueue_indirect_dma source(%dma_start3A_257 : memref<125xf32, #tpu.memory_space<vmem>>) target(%dma_start3A_262 : memref<102400xf32, #tpu.memory_space<vmem_shared>>) offsets(%dma_start3A_260 : memref<125xi32, #tpu.memory_space<vmem>>) semaphore(%dma_start3A_264 : memref<!tpu.dma_semaphore, #tpu.memory_space<semaphore_mem>>) {add = true}
        %dma_wait3A_265 = arith.constant 1 : i32
        %dma_wait3A_266 = arith.constant 1 : i32
        %dma_wait3A_267 = arith.constant 0 : i32
        %dma_wait3A_268 = tpu.memref_slice %arg13[%dma_wait3A_265, %dma_wait3A_267] : memref<5x125xf32, #tpu.memory_space<vmem>> -> memref<1x125xf32, #tpu.memory_space<vmem>>
        %dma_wait3A_269 = tpu.memref_squeeze %dma_wait3A_268 : memref<1x125xf32, #tpu.memory_space<vmem>> -> memref<125xf32, #tpu.memory_space<vmem>>
        %dma_wait3A_270 = arith.constant 0 : i32
        %dma_wait3A_271 = tpu.memref_slice %arg10[%rem3A_104, %add3A_176, %dma_wait3A_270] : memref<2x100x125xi32, #tpu.memory_space<vmem>> -> memref<1x1x125xi32, #tpu.memory_space<vmem>>
        %dma_wait3A_272 = tpu.memref_squeeze %dma_wait3A_271 : memref<1x1x125xi32, #tpu.memory_space<vmem>> -> memref<125xi32, #tpu.memory_space<vmem>>
        %dma_wait3A_273 = arith.constant 0 : i32
        %dma_wait3A_274 = tpu.memref_slice %arg8[%dma_wait3A_273] : memref<102400xf32, #tpu.memory_space<vmem_shared>> -> memref<102400xf32, #tpu.memory_space<vmem_shared>>
        %dma_wait3A_275 = tpu.memref_slice %arg18[%dma_wait3A_266] : memref<5x!tpu.dma_semaphore, #tpu.memory_space<semaphore_mem>> -> memref<1x!tpu.dma_semaphore, #tpu.memory_space<semaphore_mem>>
        %dma_wait3A_276 = tpu.memref_squeeze %dma_wait3A_275 : memref<1x!tpu.dma_semaphore, #tpu.memory_space<semaphore_mem>> -> memref<!tpu.dma_semaphore, #tpu.memory_space<semaphore_mem>>
        tpu.wait_indirect_dma semaphore(%dma_wait3A_276 : memref<!tpu.dma_semaphore, #tpu.memory_space<semaphore_mem>>) src(%dma_wait3A_274 : memref<102400xf32, #tpu.memory_space<vmem_shared>>) dst(%dma_wait3A_269 : memref<125xf32, #tpu.memory_space<vmem>>)
        %mul3A_277 = arith.constant 5 : i32
        %mul3A_278 = arith.muli %scan3A_155, %mul3A_277 : i32
        %add3A_279 = arith.constant 1 : i32
        %add3A_280 = arith.addi %mul3A_278, %add3A_279 : i32
        %dma_start3A_281 = arith.constant 1 : i32
        %dma_start3A_282 = arith.constant 1 : i32
        %dma_start3A_283 = arith.constant 0 : i32
        %dma_start3A_284 = tpu.memref_slice %arg13[%dma_start3A_281, %dma_start3A_283] : memref<5x125xf32, #tpu.memory_space<vmem>> -> memref<1x125xf32, #tpu.memory_space<vmem>>
        %dma_start3A_285 = tpu.memref_squeeze %dma_start3A_284 : memref<1x125xf32, #tpu.memory_space<vmem>> -> memref<125xf32, #tpu.memory_space<vmem>>
        %dma_start3A_286 = arith.constant 0 : i32
        %dma_start3A_287 = tpu.memref_slice %arg11[%rem3A_104, %add3A_280, %dma_start3A_286] : memref<2x100x125xi32, #tpu.memory_space<vmem>> -> memref<1x1x125xi32, #tpu.memory_space<vmem>>
        %dma_start3A_288 = tpu.memref_squeeze %dma_start3A_287 : memref<1x1x125xi32, #tpu.memory_space<vmem>> -> memref<125xi32, #tpu.memory_space<vmem>>
        %dma_start3A_289 = arith.constant 0 : i32
        %dma_start3A_290 = tpu.memref_slice %arg9[%dma_start3A_289] : memref<102400xf32, #tpu.memory_space<vmem_shared>> -> memref<102400xf32, #tpu.memory_space<vmem_shared>>
        %dma_start3A_291 = tpu.memref_slice %arg19[%dma_start3A_282] : memref<5x!tpu.dma_semaphore, #tpu.memory_space<semaphore_mem>> -> memref<1x!tpu.dma_semaphore, #tpu.memory_space<semaphore_mem>>
        %dma_start3A_292 = tpu.memref_squeeze %dma_start3A_291 : memref<1x!tpu.dma_semaphore, #tpu.memory_space<semaphore_mem>> -> memref<!tpu.dma_semaphore, #tpu.memory_space<semaphore_mem>>
        tpu.enqueue_indirect_dma source(%dma_start3A_285 : memref<125xf32, #tpu.memory_space<vmem>>) target(%dma_start3A_290 : memref<102400xf32, #tpu.memory_space<vmem_shared>>) offsets(%dma_start3A_288 : memref<125xi32, #tpu.memory_space<vmem>>) semaphore(%dma_start3A_292 : memref<!tpu.dma_semaphore, #tpu.memory_space<semaphore_mem>>) {add = true}
        %dma_wait3A_293 = arith.constant 2 : i32
        %dma_wait3A_294 = arith.constant 2 : i32
        %dma_wait3A_295 = arith.constant 0 : i32
        %dma_wait3A_296 = tpu.memref_slice %arg13[%dma_wait3A_293, %dma_wait3A_295] : memref<5x125xf32, #tpu.memory_space<vmem>> -> memref<1x125xf32, #tpu.memory_space<vmem>>
        %dma_wait3A_297 = tpu.memref_squeeze %dma_wait3A_296 : memref<1x125xf32, #tpu.memory_space<vmem>> -> memref<125xf32, #tpu.memory_space<vmem>>
        %dma_wait3A_298 = arith.constant 0 : i32
        %dma_wait3A_299 = tpu.memref_slice %arg10[%rem3A_104, %add3A_192, %dma_wait3A_298] : memref<2x100x125xi32, #tpu.memory_space<vmem>> -> memref<1x1x125xi32, #tpu.memory_space<vmem>>
        %dma_wait3A_300 = tpu.memref_squeeze %dma_wait3A_299 : memref<1x1x125xi32, #tpu.memory_space<vmem>> -> memref<125xi32, #tpu.memory_space<vmem>>
        %dma_wait3A_301 = arith.constant 0 : i32
        %dma_wait3A_302 = tpu.memref_slice %arg8[%dma_wait3A_301] : memref<102400xf32, #tpu.memory_space<vmem_shared>> -> memref<102400xf32, #tpu.memory_space<vmem_shared>>
        %dma_wait3A_303 = tpu.memref_slice %arg18[%dma_wait3A_294] : memref<5x!tpu.dma_semaphore, #tpu.memory_space<semaphore_mem>> -> memref<1x!tpu.dma_semaphore, #tpu.memory_space<semaphore_mem>>
        %dma_wait3A_304 = tpu.memref_squeeze %dma_wait3A_303 : memref<1x!tpu.dma_semaphore, #tpu.memory_space<semaphore_mem>> -> memref<!tpu.dma_semaphore, #tpu.memory_space<semaphore_mem>>
        tpu.wait_indirect_dma semaphore(%dma_wait3A_304 : memref<!tpu.dma_semaphore, #tpu.memory_space<semaphore_mem>>) src(%dma_wait3A_302 : memref<102400xf32, #tpu.memory_space<vmem_shared>>) dst(%dma_wait3A_297 : memref<125xf32, #tpu.memory_space<vmem>>)
        %mul3A_305 = arith.constant 5 : i32
        %mul3A_306 = arith.muli %scan3A_155, %mul3A_305 : i32
        %add3A_307 = arith.constant 2 : i32
        %add3A_308 = arith.addi %mul3A_306, %add3A_307 : i32
        %dma_start3A_309 = arith.constant 2 : i32
        %dma_start3A_310 = arith.constant 2 : i32
        %dma_start3A_311 = arith.constant 0 : i32
        %dma_start3A_312 = tpu.memref_slice %arg13[%dma_start3A_309, %dma_start3A_311] : memref<5x125xf32, #tpu.memory_space<vmem>> -> memref<1x125xf32, #tpu.memory_space<vmem>>
        %dma_start3A_313 = tpu.memref_squeeze %dma_start3A_312 : memref<1x125xf32, #tpu.memory_space<vmem>> -> memref<125xf32, #tpu.memory_space<vmem>>
        %dma_start3A_314 = arith.constant 0 : i32
        %dma_start3A_315 = tpu.memref_slice %arg11[%rem3A_104, %add3A_308, %dma_start3A_314] : memref<2x100x125xi32, #tpu.memory_space<vmem>> -> memref<1x1x125xi32, #tpu.memory_space<vmem>>
        %dma_start3A_316 = tpu.memref_squeeze %dma_start3A_315 : memref<1x1x125xi32, #tpu.memory_space<vmem>> -> memref<125xi32, #tpu.memory_space<vmem>>
        %dma_start3A_317 = arith.constant 0 : i32
        %dma_start3A_318 = tpu.memref_slice %arg9[%dma_start3A_317] : memref<102400xf32, #tpu.memory_space<vmem_shared>> -> memref<102400xf32, #tpu.memory_space<vmem_shared>>
        %dma_start3A_319 = tpu.memref_slice %arg19[%dma_start3A_310] : memref<5x!tpu.dma_semaphore, #tpu.memory_space<semaphore_mem>> -> memref<1x!tpu.dma_semaphore, #tpu.memory_space<semaphore_mem>>
        %dma_start3A_320 = tpu.memref_squeeze %dma_start3A_319 : memref<1x!tpu.dma_semaphore, #tpu.memory_space<semaphore_mem>> -> memref<!tpu.dma_semaphore, #tpu.memory_space<semaphore_mem>>
        tpu.enqueue_indirect_dma source(%dma_start3A_313 : memref<125xf32, #tpu.memory_space<vmem>>) target(%dma_start3A_318 : memref<102400xf32, #tpu.memory_space<vmem_shared>>) offsets(%dma_start3A_316 : memref<125xi32, #tpu.memory_space<vmem>>) semaphore(%dma_start3A_320 : memref<!tpu.dma_semaphore, #tpu.memory_space<semaphore_mem>>) {add = true}
        %dma_wait3A_321 = arith.constant 3 : i32
        %dma_wait3A_322 = arith.constant 3 : i32
        %dma_wait3A_323 = arith.constant 0 : i32
        %dma_wait3A_324 = tpu.memref_slice %arg13[%dma_wait3A_321, %dma_wait3A_323] : memref<5x125xf32, #tpu.memory_space<vmem>> -> memref<1x125xf32, #tpu.memory_space<vmem>>
        %dma_wait3A_325 = tpu.memref_squeeze %dma_wait3A_324 : memref<1x125xf32, #tpu.memory_space<vmem>> -> memref<125xf32, #tpu.memory_space<vmem>>
        %dma_wait3A_326 = arith.constant 0 : i32
        %dma_wait3A_327 = tpu.memref_slice %arg10[%rem3A_104, %add3A_208, %dma_wait3A_326] : memref<2x100x125xi32, #tpu.memory_space<vmem>> -> memref<1x1x125xi32, #tpu.memory_space<vmem>>
        %dma_wait3A_328 = tpu.memref_squeeze %dma_wait3A_327 : memref<1x1x125xi32, #tpu.memory_space<vmem>> -> memref<125xi32, #tpu.memory_space<vmem>>
        %dma_wait3A_329 = arith.constant 0 : i32
        %dma_wait3A_330 = tpu.memref_slice %arg8[%dma_wait3A_329] : memref<102400xf32, #tpu.memory_space<vmem_shared>> -> memref<102400xf32, #tpu.memory_space<vmem_shared>>
        %dma_wait3A_331 = tpu.memref_slice %arg18[%dma_wait3A_322] : memref<5x!tpu.dma_semaphore, #tpu.memory_space<semaphore_mem>> -> memref<1x!tpu.dma_semaphore, #tpu.memory_space<semaphore_mem>>
        %dma_wait3A_332 = tpu.memref_squeeze %dma_wait3A_331 : memref<1x!tpu.dma_semaphore, #tpu.memory_space<semaphore_mem>> -> memref<!tpu.dma_semaphore, #tpu.memory_space<semaphore_mem>>
        tpu.wait_indirect_dma semaphore(%dma_wait3A_332 : memref<!tpu.dma_semaphore, #tpu.memory_space<semaphore_mem>>) src(%dma_wait3A_330 : memref<102400xf32, #tpu.memory_space<vmem_shared>>) dst(%dma_wait3A_325 : memref<125xf32, #tpu.memory_space<vmem>>)
        %mul3A_333 = arith.constant 5 : i32
        %mul3A_334 = arith.muli %scan3A_155, %mul3A_333 : i32
        %add3A_335 = arith.constant 3 : i32
        %add3A_336 = arith.addi %mul3A_334, %add3A_335 : i32
        %dma_start3A_337 = arith.constant 3 : i32
        %dma_start3A_338 = arith.constant 3 : i32
        %dma_start3A_339 = arith.constant 0 : i32
        %dma_start3A_340 = tpu.memref_slice %arg13[%dma_start3A_337, %dma_start3A_339] : memref<5x125xf32, #tpu.memory_space<vmem>> -> memref<1x125xf32, #tpu.memory_space<vmem>>
        %dma_start3A_341 = tpu.memref_squeeze %dma_start3A_340 : memref<1x125xf32, #tpu.memory_space<vmem>> -> memref<125xf32, #tpu.memory_space<vmem>>
        %dma_start3A_342 = arith.constant 0 : i32
        %dma_start3A_343 = tpu.memref_slice %arg11[%rem3A_104, %add3A_336, %dma_start3A_342] : memref<2x100x125xi32, #tpu.memory_space<vmem>> -> memref<1x1x125xi32, #tpu.memory_space<vmem>>
        %dma_start3A_344 = tpu.memref_squeeze %dma_start3A_343 : memref<1x1x125xi32, #tpu.memory_space<vmem>> -> memref<125xi32, #tpu.memory_space<vmem>>
        %dma_start3A_345 = arith.constant 0 : i32
        %dma_start3A_346 = tpu.memref_slice %arg9[%dma_start3A_345] : memref<102400xf32, #tpu.memory_space<vmem_shared>> -> memref<102400xf32, #tpu.memory_space<vmem_shared>>
        %dma_start3A_347 = tpu.memref_slice %arg19[%dma_start3A_338] : memref<5x!tpu.dma_semaphore, #tpu.memory_space<semaphore_mem>> -> memref<1x!tpu.dma_semaphore, #tpu.memory_space<semaphore_mem>>
        %dma_start3A_348 = tpu.memref_squeeze %dma_start3A_347 : memref<1x!tpu.dma_semaphore, #tpu.memory_space<semaphore_mem>> -> memref<!tpu.dma_semaphore, #tpu.memory_space<semaphore_mem>>
        tpu.enqueue_indirect_dma source(%dma_start3A_341 : memref<125xf32, #tpu.memory_space<vmem>>) target(%dma_start3A_346 : memref<102400xf32, #tpu.memory_space<vmem_shared>>) offsets(%dma_start3A_344 : memref<125xi32, #tpu.memory_space<vmem>>) semaphore(%dma_start3A_348 : memref<!tpu.dma_semaphore, #tpu.memory_space<semaphore_mem>>) {add = true}
        %dma_wait3A_349 = arith.constant 4 : i32
        %dma_wait3A_350 = arith.constant 4 : i32
        %dma_wait3A_351 = arith.constant 0 : i32
        %dma_wait3A_352 = tpu.memref_slice %arg13[%dma_wait3A_349, %dma_wait3A_351] : memref<5x125xf32, #tpu.memory_space<vmem>> -> memref<1x125xf32, #tpu.memory_space<vmem>>
        %dma_wait3A_353 = tpu.memref_squeeze %dma_wait3A_352 : memref<1x125xf32, #tpu.memory_space<vmem>> -> memref<125xf32, #tpu.memory_space<vmem>>
        %dma_wait3A_354 = arith.constant 0 : i32
        %dma_wait3A_355 = tpu.memref_slice %arg10[%rem3A_104, %add3A_224, %dma_wait3A_354] : memref<2x100x125xi32, #tpu.memory_space<vmem>> -> memref<1x1x125xi32, #tpu.memory_space<vmem>>
        %dma_wait3A_356 = tpu.memref_squeeze %dma_wait3A_355 : memref<1x1x125xi32, #tpu.memory_space<vmem>> -> memref<125xi32, #tpu.memory_space<vmem>>
        %dma_wait3A_357 = arith.constant 0 : i32
        %dma_wait3A_358 = tpu.memref_slice %arg8[%dma_wait3A_357] : memref<102400xf32, #tpu.memory_space<vmem_shared>> -> memref<102400xf32, #tpu.memory_space<vmem_shared>>
        %dma_wait3A_359 = tpu.memref_slice %arg18[%dma_wait3A_350] : memref<5x!tpu.dma_semaphore, #tpu.memory_space<semaphore_mem>> -> memref<1x!tpu.dma_semaphore, #tpu.memory_space<semaphore_mem>>
        %dma_wait3A_360 = tpu.memref_squeeze %dma_wait3A_359 : memref<1x!tpu.dma_semaphore, #tpu.memory_space<semaphore_mem>> -> memref<!tpu.dma_semaphore, #tpu.memory_space<semaphore_mem>>
        tpu.wait_indirect_dma semaphore(%dma_wait3A_360 : memref<!tpu.dma_semaphore, #tpu.memory_space<semaphore_mem>>) src(%dma_wait3A_358 : memref<102400xf32, #tpu.memory_space<vmem_shared>>) dst(%dma_wait3A_353 : memref<125xf32, #tpu.memory_space<vmem>>)
        %mul3A_361 = arith.constant 5 : i32
        %mul3A_362 = arith.muli %scan3A_155, %mul3A_361 : i32
        %add3A_363 = arith.constant 4 : i32
        %add3A_364 = arith.addi %mul3A_362, %add3A_363 : i32
        %dma_start3A_365 = arith.constant 4 : i32
        %dma_start3A_366 = arith.constant 4 : i32
        %dma_start3A_367 = arith.constant 0 : i32
        %dma_start3A_368 = tpu.memref_slice %arg13[%dma_start3A_365, %dma_start3A_367] : memref<5x125xf32, #tpu.memory_space<vmem>> -> memref<1x125xf32, #tpu.memory_space<vmem>>
        %dma_start3A_369 = tpu.memref_squeeze %dma_start3A_368 : memref<1x125xf32, #tpu.memory_space<vmem>> -> memref<125xf32, #tpu.memory_space<vmem>>
        %dma_start3A_370 = arith.constant 0 : i32
        %dma_start3A_371 = tpu.memref_slice %arg11[%rem3A_104, %add3A_364, %dma_start3A_370] : memref<2x100x125xi32, #tpu.memory_space<vmem>> -> memref<1x1x125xi32, #tpu.memory_space<vmem>>
        %dma_start3A_372 = tpu.memref_squeeze %dma_start3A_371 : memref<1x1x125xi32, #tpu.memory_space<vmem>> -> memref<125xi32, #tpu.memory_space<vmem>>
        %dma_start3A_373 = arith.constant 0 : i32
        %dma_start3A_374 = tpu.memref_slice %arg9[%dma_start3A_373] : memref<102400xf32, #tpu.memory_space<vmem_shared>> -> memref<102400xf32, #tpu.memory_space<vmem_shared>>
        %dma_start3A_375 = tpu.memref_slice %arg19[%dma_start3A_366] : memref<5x!tpu.dma_semaphore, #tpu.memory_space<semaphore_mem>> -> memref<1x!tpu.dma_semaphore, #tpu.memory_space<semaphore_mem>>
        %dma_start3A_376 = tpu.memref_squeeze %dma_start3A_375 : memref<1x!tpu.dma_semaphore, #tpu.memory_space<semaphore_mem>> -> memref<!tpu.dma_semaphore, #tpu.memory_space<semaphore_mem>>
        tpu.enqueue_indirect_dma source(%dma_start3A_369 : memref<125xf32, #tpu.memory_space<vmem>>) target(%dma_start3A_374 : memref<102400xf32, #tpu.memory_space<vmem_shared>>) offsets(%dma_start3A_372 : memref<125xi32, #tpu.memory_space<vmem>>) semaphore(%dma_start3A_376 : memref<!tpu.dma_semaphore, #tpu.memory_space<semaphore_mem>>) {add = true}
        %dma_wait3A_377 = arith.constant 0 : i32
        %dma_wait3A_378 = arith.constant 0 : i32
        %dma_wait3A_379 = arith.constant 0 : i32
        %dma_wait3A_380 = tpu.memref_slice %arg13[%dma_wait3A_377, %dma_wait3A_379] : memref<5x125xf32, #tpu.memory_space<vmem>> -> memref<1x125xf32, #tpu.memory_space<vmem>>
        %dma_wait3A_381 = tpu.memref_squeeze %dma_wait3A_380 : memref<1x125xf32, #tpu.memory_space<vmem>> -> memref<125xf32, #tpu.memory_space<vmem>>
        %dma_wait3A_382 = arith.constant 0 : i32
        %dma_wait3A_383 = tpu.memref_slice %arg11[%rem3A_104, %add3A_252, %dma_wait3A_382] : memref<2x100x125xi32, #tpu.memory_space<vmem>> -> memref<1x1x125xi32, #tpu.memory_space<vmem>>
        %dma_wait3A_384 = tpu.memref_squeeze %dma_wait3A_383 : memref<1x1x125xi32, #tpu.memory_space<vmem>> -> memref<125xi32, #tpu.memory_space<vmem>>
        %dma_wait3A_385 = arith.constant 0 : i32
        %dma_wait3A_386 = tpu.memref_slice %arg9[%dma_wait3A_385] : memref<102400xf32, #tpu.memory_space<vmem_shared>> -> memref<102400xf32, #tpu.memory_space<vmem_shared>>
        %dma_wait3A_387 = tpu.memref_slice %arg19[%dma_wait3A_378] : memref<5x!tpu.dma_semaphore, #tpu.memory_space<semaphore_mem>> -> memref<1x!tpu.dma_semaphore, #tpu.memory_space<semaphore_mem>>
        %dma_wait3A_388 = tpu.memref_squeeze %dma_wait3A_387 : memref<1x!tpu.dma_semaphore, #tpu.memory_space<semaphore_mem>> -> memref<!tpu.dma_semaphore, #tpu.memory_space<semaphore_mem>>
        tpu.wait_indirect_dma semaphore(%dma_wait3A_388 : memref<!tpu.dma_semaphore, #tpu.memory_space<semaphore_mem>>) src(%dma_wait3A_381 : memref<125xf32, #tpu.memory_space<vmem>>) dst(%dma_wait3A_386 : memref<102400xf32, #tpu.memory_space<vmem_shared>>)
        %dma_wait3A_389 = arith.constant 1 : i32
        %dma_wait3A_390 = arith.constant 1 : i32
        %dma_wait3A_391 = arith.constant 0 : i32
        %dma_wait3A_392 = tpu.memref_slice %arg13[%dma_wait3A_389, %dma_wait3A_391] : memref<5x125xf32, #tpu.memory_space<vmem>> -> memref<1x125xf32, #tpu.memory_space<vmem>>
        %dma_wait3A_393 = tpu.memref_squeeze %dma_wait3A_392 : memref<1x125xf32, #tpu.memory_space<vmem>> -> memref<125xf32, #tpu.memory_space<vmem>>
        %dma_wait3A_394 = arith.constant 0 : i32
        %dma_wait3A_395 = tpu.memref_slice %arg11[%rem3A_104, %add3A_280, %dma_wait3A_394] : memref<2x100x125xi32, #tpu.memory_space<vmem>> -> memref<1x1x125xi32, #tpu.memory_space<vmem>>
        %dma_wait3A_396 = tpu.memref_squeeze %dma_wait3A_395 : memref<1x1x125xi32, #tpu.memory_space<vmem>> -> memref<125xi32, #tpu.memory_space<vmem>>
        %dma_wait3A_397 = arith.constant 0 : i32
        %dma_wait3A_398 = tpu.memref_slice %arg9[%dma_wait3A_397] : memref<102400xf32, #tpu.memory_space<vmem_shared>> -> memref<102400xf32, #tpu.memory_space<vmem_shared>>
        %dma_wait3A_399 = tpu.memref_slice %arg19[%dma_wait3A_390] : memref<5x!tpu.dma_semaphore, #tpu.memory_space<semaphore_mem>> -> memref<1x!tpu.dma_semaphore, #tpu.memory_space<semaphore_mem>>
        %dma_wait3A_400 = tpu.memref_squeeze %dma_wait3A_399 : memref<1x!tpu.dma_semaphore, #tpu.memory_space<semaphore_mem>> -> memref<!tpu.dma_semaphore, #tpu.memory_space<semaphore_mem>>
        tpu.wait_indirect_dma semaphore(%dma_wait3A_400 : memref<!tpu.dma_semaphore, #tpu.memory_space<semaphore_mem>>) src(%dma_wait3A_393 : memref<125xf32, #tpu.memory_space<vmem>>) dst(%dma_wait3A_398 : memref<102400xf32, #tpu.memory_space<vmem_shared>>)
        %dma_wait3A_401 = arith.constant 2 : i32
        %dma_wait3A_402 = arith.constant 2 : i32
        %dma_wait3A_403 = arith.constant 0 : i32
        %dma_wait3A_404 = tpu.memref_slice %arg13[%dma_wait3A_401, %dma_wait3A_403] : memref<5x125xf32, #tpu.memory_space<vmem>> -> memref<1x125xf32, #tpu.memory_space<vmem>>
        %dma_wait3A_405 = tpu.memref_squeeze %dma_wait3A_404 : memref<1x125xf32, #tpu.memory_space<vmem>> -> memref<125xf32, #tpu.memory_space<vmem>>
        %dma_wait3A_406 = arith.constant 0 : i32
        %dma_wait3A_407 = tpu.memref_slice %arg11[%rem3A_104, %add3A_308, %dma_wait3A_406] : memref<2x100x125xi32, #tpu.memory_space<vmem>> -> memref<1x1x125xi32, #tpu.memory_space<vmem>>
        %dma_wait3A_408 = tpu.memref_squeeze %dma_wait3A_407 : memref<1x1x125xi32, #tpu.memory_space<vmem>> -> memref<125xi32, #tpu.memory_space<vmem>>
        %dma_wait3A_409 = arith.constant 0 : i32
        %dma_wait3A_410 = tpu.memref_slice %arg9[%dma_wait3A_409] : memref<102400xf32, #tpu.memory_space<vmem_shared>> -> memref<102400xf32, #tpu.memory_space<vmem_shared>>
        %dma_wait3A_411 = tpu.memref_slice %arg19[%dma_wait3A_402] : memref<5x!tpu.dma_semaphore, #tpu.memory_space<semaphore_mem>> -> memref<1x!tpu.dma_semaphore, #tpu.memory_space<semaphore_mem>>
        %dma_wait3A_412 = tpu.memref_squeeze %dma_wait3A_411 : memref<1x!tpu.dma_semaphore, #tpu.memory_space<semaphore_mem>> -> memref<!tpu.dma_semaphore, #tpu.memory_space<semaphore_mem>>
        tpu.wait_indirect_dma semaphore(%dma_wait3A_412 : memref<!tpu.dma_semaphore, #tpu.memory_space<semaphore_mem>>) src(%dma_wait3A_405 : memref<125xf32, #tpu.memory_space<vmem>>) dst(%dma_wait3A_410 : memref<102400xf32, #tpu.memory_space<vmem_shared>>)
        %dma_wait3A_413 = arith.constant 3 : i32
        %dma_wait3A_414 = arith.constant 3 : i32
        %dma_wait3A_415 = arith.constant 0 : i32
        %dma_wait3A_416 = tpu.memref_slice %arg13[%dma_wait3A_413, %dma_wait3A_415] : memref<5x125xf32, #tpu.memory_space<vmem>> -> memref<1x125xf32, #tpu.memory_space<vmem>>
        %dma_wait3A_417 = tpu.memref_squeeze %dma_wait3A_416 : memref<1x125xf32, #tpu.memory_space<vmem>> -> memref<125xf32, #tpu.memory_space<vmem>>
        %dma_wait3A_418 = arith.constant 0 : i32
        %dma_wait3A_419 = tpu.memref_slice %arg11[%rem3A_104, %add3A_336, %dma_wait3A_418] : memref<2x100x125xi32, #tpu.memory_space<vmem>> -> memref<1x1x125xi32, #tpu.memory_space<vmem>>
        %dma_wait3A_420 = tpu.memref_squeeze %dma_wait3A_419 : memref<1x1x125xi32, #tpu.memory_space<vmem>> -> memref<125xi32, #tpu.memory_space<vmem>>
        %dma_wait3A_421 = arith.constant 0 : i32
        %dma_wait3A_422 = tpu.memref_slice %arg9[%dma_wait3A_421] : memref<102400xf32, #tpu.memory_space<vmem_shared>> -> memref<102400xf32, #tpu.memory_space<vmem_shared>>
        %dma_wait3A_423 = tpu.memref_slice %arg19[%dma_wait3A_414] : memref<5x!tpu.dma_semaphore, #tpu.memory_space<semaphore_mem>> -> memref<1x!tpu.dma_semaphore, #tpu.memory_space<semaphore_mem>>
        %dma_wait3A_424 = tpu.memref_squeeze %dma_wait3A_423 : memref<1x!tpu.dma_semaphore, #tpu.memory_space<semaphore_mem>> -> memref<!tpu.dma_semaphore, #tpu.memory_space<semaphore_mem>>
        tpu.wait_indirect_dma semaphore(%dma_wait3A_424 : memref<!tpu.dma_semaphore, #tpu.memory_space<semaphore_mem>>) src(%dma_wait3A_417 : memref<125xf32, #tpu.memory_space<vmem>>) dst(%dma_wait3A_422 : memref<102400xf32, #tpu.memory_space<vmem_shared>>)
        %dma_wait3A_425 = arith.constant 4 : i32
        %dma_wait3A_426 = arith.constant 4 : i32
        %dma_wait3A_427 = arith.constant 0 : i32
        %dma_wait3A_428 = tpu.memref_slice %arg13[%dma_wait3A_425, %dma_wait3A_427] : memref<5x125xf32, #tpu.memory_space<vmem>> -> memref<1x125xf32, #tpu.memory_space<vmem>>
        %dma_wait3A_429 = tpu.memref_squeeze %dma_wait3A_428 : memref<1x125xf32, #tpu.memory_space<vmem>> -> memref<125xf32, #tpu.memory_space<vmem>>
        %dma_wait3A_430 = arith.constant 0 : i32
        %dma_wait3A_431 = tpu.memref_slice %arg11[%rem3A_104, %add3A_364, %dma_wait3A_430] : memref<2x100x125xi32, #tpu.memory_space<vmem>> -> memref<1x1x125xi32, #tpu.memory_space<vmem>>
        %dma_wait3A_432 = tpu.memref_squeeze %dma_wait3A_431 : memref<1x1x125xi32, #tpu.memory_space<vmem>> -> memref<125xi32, #tpu.memory_space<vmem>>
        %dma_wait3A_433 = arith.constant 0 : i32
        %dma_wait3A_434 = tpu.memref_slice %arg9[%dma_wait3A_433] : memref<102400xf32, #tpu.memory_space<vmem_shared>> -> memref<102400xf32, #tpu.memory_space<vmem_shared>>
        %dma_wait3A_435 = tpu.memref_slice %arg19[%dma_wait3A_426] : memref<5x!tpu.dma_semaphore, #tpu.memory_space<semaphore_mem>> -> memref<1x!tpu.dma_semaphore, #tpu.memory_space<semaphore_mem>>
        %dma_wait3A_436 = tpu.memref_squeeze %dma_wait3A_435 : memref<1x!tpu.dma_semaphore, #tpu.memory_space<semaphore_mem>> -> memref<!tpu.dma_semaphore, #tpu.memory_space<semaphore_mem>>
        tpu.wait_indirect_dma semaphore(%dma_wait3A_436 : memref<!tpu.dma_semaphore, #tpu.memory_space<semaphore_mem>>) src(%dma_wait3A_429 : memref<125xf32, #tpu.memory_space<vmem>>) dst(%dma_wait3A_434 : memref<102400xf32, #tpu.memory_space<vmem_shared>>)
        %scan3A_437 = arith.constant 0 : i32
        scf.yield %scan3A_437 : i32
      }
      %scan3A_153 = arith.constant 20 : i32
      %scan3A_154 = arith.constant 0 : i32
      scf.yield %scan3A_154 : i32
    }
    %scan3A_100 = arith.constant 16 : i32
    %barrier3A_101 = arith.constant 0 : index
    tpu.barrier barrier_id(%barrier3A_101)
    "tpu.region"() ({
      %run_scoped3A = tpu.sem_alloc : memref<!tpu.dma_semaphore, #tpu.memory_space<semaphore_mem>>
      %dma_start3A_102 = tpu.memref_slice %arg9[%mul3A_0] : memref<102400xf32, #tpu.memory_space<vmem_shared>> -> memref<6400xf32, #tpu.memory_space<vmem_shared>>
      %dma_start3A_103 = tpu.memref_slice %arg9[%mul3A_0] : memref<102400xf32, #tpu.memory_space<vmem_shared>> -> memref<6400xf32, #tpu.memory_space<vmem_shared>>
      tpu.enqueue_dma source(%dma_start3A_103 : memref<6400xf32, #tpu.memory_space<vmem_shared>>) target(%arg15 : memref<6400xf32, #tpu.memory_space<vmem>>) target_semaphore(%run_scoped3A : memref<!tpu.dma_semaphore, #tpu.memory_space<semaphore_mem>>)
      %dma_wait3A = tpu.memref_slice %arg9[%mul3A_0] : memref<102400xf32, #tpu.memory_space<vmem_shared>> -> memref<6400xf32, #tpu.memory_space<vmem_shared>>
      %dma_wait3A_104 = tpu.memref_slice %arg9[%mul3A_0] : memref<102400xf32, #tpu.memory_space<vmem_shared>> -> memref<6400xf32, #tpu.memory_space<vmem_shared>>
      tpu.wait_dma2 semaphore(%run_scoped3A : memref<!tpu.dma_semaphore, #tpu.memory_space<semaphore_mem>>) src(%dma_wait3A_104 : memref<6400xf32, #tpu.memory_space<vmem_shared>>) dst(%arg15 : memref<6400xf32, #tpu.memory_space<vmem>>)
      tpu.yield
    }) : () -> ()
    "tpu.region"() ({
      %run_scoped3A = tpu.sem_alloc : memref<!tpu.dma_semaphore, #tpu.memory_space<semaphore_mem>>
      %dma_start3A_102 = tpu.memref_slice %arg5[%arg0, %mul3A_0] : memref<2x102400xf32, #tpu.memory_space<hbm>> -> memref<1x6400xf32, #tpu.memory_space<hbm>>
      %dma_start3A_103 = tpu.memref_squeeze %dma_start3A_102 : memref<1x6400xf32, #tpu.memory_space<hbm>> -> memref<6400xf32, #tpu.memory_space<hbm>>
      %dma_start3A_104 = tpu.memref_slice %arg5[%arg0, %mul3A_0] : memref<2x102400xf32, #tpu.memory_space<hbm>> -> memref<1x6400xf32, #tpu.memory_space<hbm>>
      %dma_start3A_105 = tpu.memref_squeeze %dma_start3A_104 : memref<1x6400xf32, #tpu.memory_space<hbm>> -> memref<6400xf32, #tpu.memory_space<hbm>>
      tpu.enqueue_dma source(%arg15 : memref<6400xf32, #tpu.memory_space<vmem>>) target(%dma_start3A_105 : memref<6400xf32, #tpu.memory_space<hbm>>) target_semaphore(%run_scoped3A : memref<!tpu.dma_semaphore, #tpu.memory_space<semaphore_mem>>)
      %dma_wait3A = tpu.memref_slice %arg5[%arg0, %mul3A_0] : memref<2x102400xf32, #tpu.memory_space<hbm>> -> memref<1x6400xf32, #tpu.memory_space<hbm>>
      %dma_wait3A_106 = tpu.memref_squeeze %dma_wait3A : memref<1x6400xf32, #tpu.memory_space<hbm>> -> memref<6400xf32, #tpu.memory_space<hbm>>
      %dma_wait3A_107 = tpu.memref_slice %arg5[%arg0, %mul3A_0] : memref<2x102400xf32, #tpu.memory_space<hbm>> -> memref<1x6400xf32, #tpu.memory_space<hbm>>
      %dma_wait3A_108 = tpu.memref_squeeze %dma_wait3A_107 : memref<1x6400xf32, #tpu.memory_space<hbm>> -> memref<6400xf32, #tpu.memory_space<hbm>>
      tpu.wait_dma2 semaphore(%run_scoped3A : memref<!tpu.dma_semaphore, #tpu.memory_space<semaphore_mem>>) src(%arg15 : memref<6400xf32, #tpu.memory_space<vmem>>) dst(%dma_wait3A_108 : memref<6400xf32, #tpu.memory_space<hbm>>)
      tpu.yield
    }) : () -> ()
    return
  }
}

#map = affine_map<(d0, d1) -> (0, 0)>
#map1 = affine_map<(d0, d1) -> (0, 0, 0, 0)>
#map2 = affine_map<(d0, d1) -> (0, 0, 0)>
module attributes {stable_mosaic.version = 14 : i64} {
  func.func @_sc_prop16(%arg0: i32, %arg1: i32, %arg2: memref<204800x16xf32, #tpu.memory_space<hbm>>, %arg3: memref<16x100x16x125xi32, #tpu.memory_space<hbm>>, %arg4: memref<16x100x16x125xi32, #tpu.memory_space<hbm>>, %arg5: memref<102400x2x16xf32, #tpu.memory_space<hbm>>, %arg6: memref<102400x16xf32, #tpu.memory_space<vmem_shared>>, %arg7: memref<2x16x125xi32, #tpu.memory_space<vmem>>, %arg8: memref<2x16x125xi32, #tpu.memory_space<vmem>>, %arg9: memref<8x125x16xf32, #tpu.memory_space<vmem>>, %arg10: memref<100x16xf32, #tpu.memory_space<vmem>>, %arg11: memref<8x!tpu.dma_semaphore, #tpu.memory_space<semaphore_mem>>, %arg12: memref<8x!tpu.dma_semaphore, #tpu.memory_space<semaphore_mem>>, %arg13: memref<2x!tpu.dma_semaphore, #tpu.memory_space<semaphore_mem>>) attributes {dimension_semantics = [#tpu.dimension_semantics<core_parallel>, #tpu.dimension_semantics<subcore_parallel>], iteration_bounds = array<i64: 2, 16>, scalar_prefetch = 0 : i64, scratch_operands = 8 : i64, tpu.core_type = #tpu.core_type<sc_vector_subcore>, window_params = [{transform_indices = #map}, {transform_indices = #map1}, {transform_indices = #map1}, {transform_indices = #map2}]} {
    %scan3A = arith.constant 0 : i32
    %scan3A_0 = arith.constant 0 : i32
    %scan3A_1 = arith.constant 100 : i32
    %scan3A_2 = arith.addi %scan3A_0, %scan3A_1 : i32
    %scan3A_3 = arith.constant 1 : i32
    %scan3A_4 = scf.for %scan3A_69 = %scan3A_0 to %scan3A_2 step %scan3A_3 iter_args(%scan3A_70 = %scan3A) -> (i32)  : i32 {
      %broadcast_in_dim3A = arith.constant 0.000000e+00 : f32
      %broadcast_in_dim3A_71 = vector.broadcast %broadcast_in_dim3A : f32 to vector<16xf32>
      %swap3A = arith.index_cast %scan3A_69 : i32 to index
      %swap3A_72 = arith.constant 0 : index
      %swap3A_73 = tpu.vector_load %arg10[%swap3A, %swap3A_72] {strides = array<i32>} : memref<100x16xf32, #tpu.memory_space<vmem>>, vector<1x16xf32>,
      %swap3A_74 = vector.shape_cast %swap3A_73 : vector<1x16xf32> to vector<16xf32>
      %swap3A_75 = vector.shape_cast %broadcast_in_dim3A_71 : vector<16xf32> to vector<1x16xf32>
      tpu.vector_store %arg10[%swap3A, %swap3A_72], %swap3A_75 {strides = array<i32>} : memref<100x16xf32, #tpu.memory_space<vmem>>, vector<1x16xf32>,
      %scan3A_76 = arith.constant 0 : i32
      scf.yield %scan3A_76 : i32
    }
    %scan3A_5 = arith.constant 100 : i32
    %scan3A_6 = arith.constant 0 : i32
    %scan3A_7 = arith.constant 0 : i32
    %scan3A_8 = arith.constant 64 : i32
    %scan3A_9 = arith.addi %scan3A_7, %scan3A_8 : i32
    %scan3A_10 = arith.constant 1 : i32
    %scan3A_11 = scf.for %scan3A_69 = %scan3A_7 to %scan3A_9 step %scan3A_10 iter_args(%scan3A_70 = %scan3A_6) -> (i32)  : i32 {
      %mul3A = arith.constant 6400 : i32
      %mul3A_71 = arith.muli %arg1, %mul3A : i32
      %mul3A_72 = arith.constant 100 : i32
      %mul3A_73 = arith.muli %scan3A_69, %mul3A_72 : i32
      %add3A = arith.addi %mul3A_71, %mul3A_73 : i32
      "tpu.region"() ({
        %run_scoped3A = tpu.sem_alloc : memref<!tpu.dma_semaphore, #tpu.memory_space<semaphore_mem>>
        %dma_start3A_75 = arith.constant 0 : i32
        %dma_start3A_76 = tpu.memref_slice %arg6[%add3A, %dma_start3A_75] : memref<102400x16xf32, #tpu.memory_space<vmem_shared>> -> memref<100x16xf32, #tpu.memory_space<vmem_shared>>
        %dma_start3A_77 = arith.constant 0 : i32
        %dma_start3A_78 = tpu.memref_slice %arg6[%add3A, %dma_start3A_77] : memref<102400x16xf32, #tpu.memory_space<vmem_shared>> -> memref<100x16xf32, #tpu.memory_space<vmem_shared>>
        tpu.enqueue_dma source(%arg10 : memref<100x16xf32, #tpu.memory_space<vmem>>) target(%dma_start3A_78 : memref<100x16xf32, #tpu.memory_space<vmem_shared>>) target_semaphore(%run_scoped3A : memref<!tpu.dma_semaphore, #tpu.memory_space<semaphore_mem>>)
        %dma_wait3A = arith.constant 0 : i32
        %dma_wait3A_79 = tpu.memref_slice %arg6[%add3A, %dma_wait3A] : memref<102400x16xf32, #tpu.memory_space<vmem_shared>> -> memref<100x16xf32, #tpu.memory_space<vmem_shared>>
        %dma_wait3A_80 = arith.constant 0 : i32
        %dma_wait3A_81 = tpu.memref_slice %arg6[%add3A, %dma_wait3A_80] : memref<102400x16xf32, #tpu.memory_space<vmem_shared>> -> memref<100x16xf32, #tpu.memory_space<vmem_shared>>
        tpu.wait_dma2 semaphore(%run_scoped3A : memref<!tpu.dma_semaphore, #tpu.memory_space<semaphore_mem>>) src(%arg10 : memref<100x16xf32, #tpu.memory_space<vmem>>) dst(%dma_wait3A_81 : memref<100x16xf32, #tpu.memory_space<vmem_shared>>)
        tpu.yield
      }) : () -> ()
      %scan3A_74 = arith.constant 0 : i32
      scf.yield %scan3A_74 : i32
    }
    %scan3A_12 = arith.constant 64 : i32
    %barrier3A = arith.constant 0 : index
    tpu.barrier barrier_id(%barrier3A)
    %dma_start3A = arith.constant 0 : i32
    %dma_start3A_13 = arith.constant 0 : i32
    %dma_start3A_14 = arith.constant 0 : i32
    %dma_start3A_15 = arith.constant 0 : i32
    %dma_start3A_16 = arith.constant 0 : i32
    %dma_start3A_17 = tpu.memref_slice %arg7[%dma_start3A_13, %dma_start3A_15, %dma_start3A_16] : memref<2x16x125xi32, #tpu.memory_space<vmem>> -> memref<1x16x125xi32, #tpu.memory_space<vmem>>
    %dma_start3A_18 = tpu.memref_squeeze %dma_start3A_17 : memref<1x16x125xi32, #tpu.memory_space<vmem>> -> memref<16x125xi32, #tpu.memory_space<vmem>>
    %dma_start3A_19 = arith.constant 0 : i32
    %dma_start3A_20 = arith.constant 0 : i32
    %dma_start3A_21 = tpu.memref_slice %arg3[%arg1, %dma_start3A, %dma_start3A_19, %dma_start3A_20] : memref<16x100x16x125xi32, #tpu.memory_space<hbm>> -> memref<1x1x16x125xi32, #tpu.memory_space<hbm>>
    %dma_start3A_22 = tpu.memref_squeeze %dma_start3A_21 : memref<1x1x16x125xi32, #tpu.memory_space<hbm>> -> memref<16x125xi32, #tpu.memory_space<hbm>>
    %dma_start3A_23 = tpu.memref_slice %arg13[%dma_start3A_14] : memref<2x!tpu.dma_semaphore, #tpu.memory_space<semaphore_mem>> -> memref<1x!tpu.dma_semaphore, #tpu.memory_space<semaphore_mem>>
    %dma_start3A_24 = tpu.memref_squeeze %dma_start3A_23 : memref<1x!tpu.dma_semaphore, #tpu.memory_space<semaphore_mem>> -> memref<!tpu.dma_semaphore, #tpu.memory_space<semaphore_mem>>
    %dma_start3A_25 = arith.constant 0 : i32
    %dma_start3A_26 = arith.constant 0 : i32
    %dma_start3A_27 = tpu.memref_slice %arg7[%dma_start3A_13, %dma_start3A_25, %dma_start3A_26] : memref<2x16x125xi32, #tpu.memory_space<vmem>> -> memref<1x16x125xi32, #tpu.memory_space<vmem>>
    %dma_start3A_28 = tpu.memref_squeeze %dma_start3A_27 : memref<1x16x125xi32, #tpu.memory_space<vmem>> -> memref<16x125xi32, #tpu.memory_space<vmem>>
    %dma_start3A_29 = arith.constant 0 : i32
    %dma_start3A_30 = arith.constant 0 : i32
    %dma_start3A_31 = tpu.memref_slice %arg3[%arg1, %dma_start3A, %dma_start3A_29, %dma_start3A_30] : memref<16x100x16x125xi32, #tpu.memory_space<hbm>> -> memref<1x1x16x125xi32, #tpu.memory_space<hbm>>
    %dma_start3A_32 = tpu.memref_squeeze %dma_start3A_31 : memref<1x1x16x125xi32, #tpu.memory_space<hbm>> -> memref<16x125xi32, #tpu.memory_space<hbm>>
    tpu.enqueue_dma source(%dma_start3A_32 : memref<16x125xi32, #tpu.memory_space<hbm>>) target(%dma_start3A_28 : memref<16x125xi32, #tpu.memory_space<vmem>>) target_semaphore(%dma_start3A_24 : memref<!tpu.dma_semaphore, #tpu.memory_space<semaphore_mem>>)
    %dma_start3A_33 = arith.constant 0 : i32
    %dma_start3A_34 = arith.constant 0 : i32
    %dma_start3A_35 = arith.constant 1 : i32
    %dma_start3A_36 = arith.constant 0 : i32
    %dma_start3A_37 = arith.constant 0 : i32
    %dma_start3A_38 = tpu.memref_slice %arg8[%dma_start3A_34, %dma_start3A_36, %dma_start3A_37] : memref<2x16x125xi32, #tpu.memory_space<vmem>> -> memref<1x16x125xi32, #tpu.memory_space<vmem>>
    %dma_start3A_39 = tpu.memref_squeeze %dma_start3A_38 : memref<1x16x125xi32, #tpu.memory_space<vmem>> -> memref<16x125xi32, #tpu.memory_space<vmem>>
    %dma_start3A_40 = arith.constant 0 : i32
    %dma_start3A_41 = arith.constant 0 : i32
    %dma_start3A_42 = tpu.memref_slice %arg4[%arg1, %dma_start3A_33, %dma_start3A_40, %dma_start3A_41] : memref<16x100x16x125xi32, #tpu.memory_space<hbm>> -> memref<1x1x16x125xi32, #tpu.memory_space<hbm>>
    %dma_start3A_43 = tpu.memref_squeeze %dma_start3A_42 : memref<1x1x16x125xi32, #tpu.memory_space<hbm>> -> memref<16x125xi32, #tpu.memory_space<hbm>>
    %dma_start3A_44 = tpu.memref_slice %arg13[%dma_start3A_35] : memref<2x!tpu.dma_semaphore, #tpu.memory_space<semaphore_mem>> -> memref<1x!tpu.dma_semaphore, #tpu.memory_space<semaphore_mem>>
    %dma_start3A_45 = tpu.memref_squeeze %dma_start3A_44 : memref<1x!tpu.dma_semaphore, #tpu.memory_space<semaphore_mem>> -> memref<!tpu.dma_semaphore, #tpu.memory_space<semaphore_mem>>
    %dma_start3A_46 = arith.constant 0 : i32
    %dma_start3A_47 = arith.constant 0 : i32
    %dma_start3A_48 = tpu.memref_slice %arg8[%dma_start3A_34, %dma_start3A_46, %dma_start3A_47] : memref<2x16x125xi32, #tpu.memory_space<vmem>> -> memref<1x16x125xi32, #tpu.memory_space<vmem>>
    %dma_start3A_49 = tpu.memref_squeeze %dma_start3A_48 : memref<1x16x125xi32, #tpu.memory_space<vmem>> -> memref<16x125xi32, #tpu.memory_space<vmem>>
    %dma_start3A_50 = arith.constant 0 : i32
    %dma_start3A_51 = arith.constant 0 : i32
    %dma_start3A_52 = tpu.memref_slice %arg4[%arg1, %dma_start3A_33, %dma_start3A_50, %dma_start3A_51] : memref<16x100x16x125xi32, #tpu.memory_space<hbm>> -> memref<1x1x16x125xi32, #tpu.memory_space<hbm>>
    %dma_start3A_53 = tpu.memref_squeeze %dma_start3A_52 : memref<1x1x16x125xi32, #tpu.memory_space<hbm>> -> memref<16x125xi32, #tpu.memory_space<hbm>>
    tpu.enqueue_dma source(%dma_start3A_53 : memref<16x125xi32, #tpu.memory_space<hbm>>) target(%dma_start3A_49 : memref<16x125xi32, #tpu.memory_space<vmem>>) target_semaphore(%dma_start3A_45 : memref<!tpu.dma_semaphore, #tpu.memory_space<semaphore_mem>>)
    %scan3A_54 = arith.constant 0 : i32
    %scan3A_55 = arith.constant 0 : i32
    %scan3A_56 = arith.constant 100 : i32
    %scan3A_57 = arith.addi %scan3A_55, %scan3A_56 : i32
    %scan3A_58 = arith.constant 1 : i32
    %scan3A_59 = scf.for %scan3A_69 = %scan3A_55 to %scan3A_57 step %scan3A_58 iter_args(%scan3A_70 = %scan3A_54) -> (i32)  : i32 {
      %rem3A = arith.constant 2 : i32
      %rem3A_71 = arith.remsi %scan3A_69, %rem3A : i32
      %dma_wait3A = arith.constant 0 : i32
      %dma_wait3A_72 = arith.constant 0 : i32
      %dma_wait3A_73 = arith.constant 0 : i32
      %dma_wait3A_74 = tpu.memref_slice %arg7[%rem3A_71, %dma_wait3A_72, %dma_wait3A_73] : memref<2x16x125xi32, #tpu.memory_space<vmem>> -> memref<1x16x125xi32, #tpu.memory_space<vmem>>
      %dma_wait3A_75 = tpu.memref_squeeze %dma_wait3A_74 : memref<1x16x125xi32, #tpu.memory_space<vmem>> -> memref<16x125xi32, #tpu.memory_space<vmem>>
      %dma_wait3A_76 = arith.constant 0 : i32
      %dma_wait3A_77 = arith.constant 0 : i32
      %dma_wait3A_78 = tpu.memref_slice %arg3[%arg1, %scan3A_69, %dma_wait3A_76, %dma_wait3A_77] : memref<16x100x16x125xi32, #tpu.memory_space<hbm>> -> memref<1x1x16x125xi32, #tpu.memory_space<hbm>>
      %dma_wait3A_79 = tpu.memref_squeeze %dma_wait3A_78 : memref<1x1x16x125xi32, #tpu.memory_space<hbm>> -> memref<16x125xi32, #tpu.memory_space<hbm>>
      %dma_wait3A_80 = tpu.memref_slice %arg13[%dma_wait3A] : memref<2x!tpu.dma_semaphore, #tpu.memory_space<semaphore_mem>> -> memref<1x!tpu.dma_semaphore, #tpu.memory_space<semaphore_mem>>
      %dma_wait3A_81 = tpu.memref_squeeze %dma_wait3A_80 : memref<1x!tpu.dma_semaphore, #tpu.memory_space<semaphore_mem>> -> memref<!tpu.dma_semaphore, #tpu.memory_space<semaphore_mem>>
      %dma_wait3A_82 = arith.constant 0 : i32
      %dma_wait3A_83 = arith.constant 0 : i32
      %dma_wait3A_84 = tpu.memref_slice %arg7[%rem3A_71, %dma_wait3A_82, %dma_wait3A_83] : memref<2x16x125xi32, #tpu.memory_space<vmem>> -> memref<1x16x125xi32, #tpu.memory_space<vmem>>
      %dma_wait3A_85 = tpu.memref_squeeze %dma_wait3A_84 : memref<1x16x125xi32, #tpu.memory_space<vmem>> -> memref<16x125xi32, #tpu.memory_space<vmem>>
      %dma_wait3A_86 = arith.constant 0 : i32
      %dma_wait3A_87 = arith.constant 0 : i32
      %dma_wait3A_88 = tpu.memref_slice %arg3[%arg1, %scan3A_69, %dma_wait3A_86, %dma_wait3A_87] : memref<16x100x16x125xi32, #tpu.memory_space<hbm>> -> memref<1x1x16x125xi32, #tpu.memory_space<hbm>>
      %dma_wait3A_89 = tpu.memref_squeeze %dma_wait3A_88 : memref<1x1x16x125xi32, #tpu.memory_space<hbm>> -> memref<16x125xi32, #tpu.memory_space<hbm>>
      tpu.wait_dma2 semaphore(%dma_wait3A_81 : memref<!tpu.dma_semaphore, #tpu.memory_space<semaphore_mem>>) src(%dma_wait3A_89 : memref<16x125xi32, #tpu.memory_space<hbm>>) dst(%dma_wait3A_85 : memref<16x125xi32, #tpu.memory_space<vmem>>)
      %dma_wait3A_90 = arith.constant 1 : i32
      %dma_wait3A_91 = arith.constant 0 : i32
      %dma_wait3A_92 = arith.constant 0 : i32
      %dma_wait3A_93 = tpu.memref_slice %arg8[%rem3A_71, %dma_wait3A_91, %dma_wait3A_92] : memref<2x16x125xi32, #tpu.memory_space<vmem>> -> memref<1x16x125xi32, #tpu.memory_space<vmem>>
      %dma_wait3A_94 = tpu.memref_squeeze %dma_wait3A_93 : memref<1x16x125xi32, #tpu.memory_space<vmem>> -> memref<16x125xi32, #tpu.memory_space<vmem>>
      %dma_wait3A_95 = arith.constant 0 : i32
      %dma_wait3A_96 = arith.constant 0 : i32
      %dma_wait3A_97 = tpu.memref_slice %arg4[%arg1, %scan3A_69, %dma_wait3A_95, %dma_wait3A_96] : memref<16x100x16x125xi32, #tpu.memory_space<hbm>> -> memref<1x1x16x125xi32, #tpu.memory_space<hbm>>
      %dma_wait3A_98 = tpu.memref_squeeze %dma_wait3A_97 : memref<1x1x16x125xi32, #tpu.memory_space<hbm>> -> memref<16x125xi32, #tpu.memory_space<hbm>>
      %dma_wait3A_99 = tpu.memref_slice %arg13[%dma_wait3A_90] : memref<2x!tpu.dma_semaphore, #tpu.memory_space<semaphore_mem>> -> memref<1x!tpu.dma_semaphore, #tpu.memory_space<semaphore_mem>>
      %dma_wait3A_100 = tpu.memref_squeeze %dma_wait3A_99 : memref<1x!tpu.dma_semaphore, #tpu.memory_space<semaphore_mem>> -> memref<!tpu.dma_semaphore, #tpu.memory_space<semaphore_mem>>
      %dma_wait3A_101 = arith.constant 0 : i32
      %dma_wait3A_102 = arith.constant 0 : i32
      %dma_wait3A_103 = tpu.memref_slice %arg8[%rem3A_71, %dma_wait3A_101, %dma_wait3A_102] : memref<2x16x125xi32, #tpu.memory_space<vmem>> -> memref<1x16x125xi32, #tpu.memory_space<vmem>>
      %dma_wait3A_104 = tpu.memref_squeeze %dma_wait3A_103 : memref<1x16x125xi32, #tpu.memory_space<vmem>> -> memref<16x125xi32, #tpu.memory_space<vmem>>
      %dma_wait3A_105 = arith.constant 0 : i32
      %dma_wait3A_106 = arith.constant 0 : i32
      %dma_wait3A_107 = tpu.memref_slice %arg4[%arg1, %scan3A_69, %dma_wait3A_105, %dma_wait3A_106] : memref<16x100x16x125xi32, #tpu.memory_space<hbm>> -> memref<1x1x16x125xi32, #tpu.memory_space<hbm>>
      %dma_wait3A_108 = tpu.memref_squeeze %dma_wait3A_107 : memref<1x1x16x125xi32, #tpu.memory_space<hbm>> -> memref<16x125xi32, #tpu.memory_space<hbm>>
      tpu.wait_dma2 semaphore(%dma_wait3A_100 : memref<!tpu.dma_semaphore, #tpu.memory_space<semaphore_mem>>) src(%dma_wait3A_108 : memref<16x125xi32, #tpu.memory_space<hbm>>) dst(%dma_wait3A_104 : memref<16x125xi32, #tpu.memory_space<vmem>>)
      %add3A = arith.constant 1 : i32
      %add3A_109 = arith.addi %scan3A_69, %add3A : i32
      %lt3A = arith.constant 100 : i32
      %lt3A_110 = arith.cmpi slt, %add3A_109, %lt3A : i32
      %convert_element_type3A = arith.extui %lt3A_110 : i1 to i32
      %cond3A = arith.constant 0 : i32
      %cond3A_111 = arith.cmpi ne, %convert_element_type3A, %cond3A : i32
      scf.if %cond3A_111 {
        %add3A_120 = arith.constant 1 : i32
        %add3A_121 = arith.addi %scan3A_69, %add3A_120 : i32
        %sub3A = arith.constant 1 : i32
        %sub3A_122 = arith.subi %sub3A, %rem3A_71 : i32
        %dma_start3A_123 = arith.constant 0 : i32
        %dma_start3A_124 = arith.constant 0 : i32
        %dma_start3A_125 = arith.constant 0 : i32
        %dma_start3A_126 = tpu.memref_slice %arg7[%sub3A_122, %dma_start3A_124, %dma_start3A_125] : memref<2x16x125xi32, #tpu.memory_space<vmem>> -> memref<1x16x125xi32, #tpu.memory_space<vmem>>
        %dma_start3A_127 = tpu.memref_squeeze %dma_start3A_126 : memref<1x16x125xi32, #tpu.memory_space<vmem>> -> memref<16x125xi32, #tpu.memory_space<vmem>>
        %dma_start3A_128 = arith.constant 0 : i32
        %dma_start3A_129 = arith.constant 0 : i32
        %dma_start3A_130 = tpu.memref_slice %arg3[%arg1, %add3A_121, %dma_start3A_128, %dma_start3A_129] : memref<16x100x16x125xi32, #tpu.memory_space<hbm>> -> memref<1x1x16x125xi32, #tpu.memory_space<hbm>>
        %dma_start3A_131 = tpu.memref_squeeze %dma_start3A_130 : memref<1x1x16x125xi32, #tpu.memory_space<hbm>> -> memref<16x125xi32, #tpu.memory_space<hbm>>
        %dma_start3A_132 = tpu.memref_slice %arg13[%dma_start3A_123] : memref<2x!tpu.dma_semaphore, #tpu.memory_space<semaphore_mem>> -> memref<1x!tpu.dma_semaphore, #tpu.memory_space<semaphore_mem>>
        %dma_start3A_133 = tpu.memref_squeeze %dma_start3A_132 : memref<1x!tpu.dma_semaphore, #tpu.memory_space<semaphore_mem>> -> memref<!tpu.dma_semaphore, #tpu.memory_space<semaphore_mem>>
        %dma_start3A_134 = arith.constant 0 : i32
        %dma_start3A_135 = arith.constant 0 : i32
        %dma_start3A_136 = tpu.memref_slice %arg7[%sub3A_122, %dma_start3A_134, %dma_start3A_135] : memref<2x16x125xi32, #tpu.memory_space<vmem>> -> memref<1x16x125xi32, #tpu.memory_space<vmem>>
        %dma_start3A_137 = tpu.memref_squeeze %dma_start3A_136 : memref<1x16x125xi32, #tpu.memory_space<vmem>> -> memref<16x125xi32, #tpu.memory_space<vmem>>
        %dma_start3A_138 = arith.constant 0 : i32
        %dma_start3A_139 = arith.constant 0 : i32
        %dma_start3A_140 = tpu.memref_slice %arg3[%arg1, %add3A_121, %dma_start3A_138, %dma_start3A_139] : memref<16x100x16x125xi32, #tpu.memory_space<hbm>> -> memref<1x1x16x125xi32, #tpu.memory_space<hbm>>
        %dma_start3A_141 = tpu.memref_squeeze %dma_start3A_140 : memref<1x1x16x125xi32, #tpu.memory_space<hbm>> -> memref<16x125xi32, #tpu.memory_space<hbm>>
        tpu.enqueue_dma source(%dma_start3A_141 : memref<16x125xi32, #tpu.memory_space<hbm>>) target(%dma_start3A_137 : memref<16x125xi32, #tpu.memory_space<vmem>>) target_semaphore(%dma_start3A_133 : memref<!tpu.dma_semaphore, #tpu.memory_space<semaphore_mem>>)
        %add3A_142 = arith.constant 1 : i32
        %add3A_143 = arith.addi %scan3A_69, %add3A_142 : i32
        %sub3A_144 = arith.constant 1 : i32
        %sub3A_145 = arith.subi %sub3A_144, %rem3A_71 : i32
        %dma_start3A_146 = arith.constant 1 : i32
        %dma_start3A_147 = arith.constant 0 : i32
        %dma_start3A_148 = arith.constant 0 : i32
        %dma_start3A_149 = tpu.memref_slice %arg8[%sub3A_145, %dma_start3A_147, %dma_start3A_148] : memref<2x16x125xi32, #tpu.memory_space<vmem>> -> memref<1x16x125xi32, #tpu.memory_space<vmem>>
        %dma_start3A_150 = tpu.memref_squeeze %dma_start3A_149 : memref<1x16x125xi32, #tpu.memory_space<vmem>> -> memref<16x125xi32, #tpu.memory_space<vmem>>
        %dma_start3A_151 = arith.constant 0 : i32
        %dma_start3A_152 = arith.constant 0 : i32
        %dma_start3A_153 = tpu.memref_slice %arg4[%arg1, %add3A_143, %dma_start3A_151, %dma_start3A_152] : memref<16x100x16x125xi32, #tpu.memory_space<hbm>> -> memref<1x1x16x125xi32, #tpu.memory_space<hbm>>
        %dma_start3A_154 = tpu.memref_squeeze %dma_start3A_153 : memref<1x1x16x125xi32, #tpu.memory_space<hbm>> -> memref<16x125xi32, #tpu.memory_space<hbm>>
        %dma_start3A_155 = tpu.memref_slice %arg13[%dma_start3A_146] : memref<2x!tpu.dma_semaphore, #tpu.memory_space<semaphore_mem>> -> memref<1x!tpu.dma_semaphore, #tpu.memory_space<semaphore_mem>>
        %dma_start3A_156 = tpu.memref_squeeze %dma_start3A_155 : memref<1x!tpu.dma_semaphore, #tpu.memory_space<semaphore_mem>> -> memref<!tpu.dma_semaphore, #tpu.memory_space<semaphore_mem>>
        %dma_start3A_157 = arith.constant 0 : i32
        %dma_start3A_158 = arith.constant 0 : i32
        %dma_start3A_159 = tpu.memref_slice %arg8[%sub3A_145, %dma_start3A_157, %dma_start3A_158] : memref<2x16x125xi32, #tpu.memory_space<vmem>> -> memref<1x16x125xi32, #tpu.memory_space<vmem>>
        %dma_start3A_160 = tpu.memref_squeeze %dma_start3A_159 : memref<1x16x125xi32, #tpu.memory_space<vmem>> -> memref<16x125xi32, #tpu.memory_space<vmem>>
        %dma_start3A_161 = arith.constant 0 : i32
        %dma_start3A_162 = arith.constant 0 : i32
        %dma_start3A_163 = tpu.memref_slice %arg4[%arg1, %add3A_143, %dma_start3A_161, %dma_start3A_162] : memref<16x100x16x125xi32, #tpu.memory_space<hbm>> -> memref<1x1x16x125xi32, #tpu.memory_space<hbm>>
        %dma_start3A_164 = tpu.memref_squeeze %dma_start3A_163 : memref<1x1x16x125xi32, #tpu.memory_space<hbm>> -> memref<16x125xi32, #tpu.memory_space<hbm>>
        tpu.enqueue_dma source(%dma_start3A_164 : memref<16x125xi32, #tpu.memory_space<hbm>>) target(%dma_start3A_160 : memref<16x125xi32, #tpu.memory_space<vmem>>) target_semaphore(%dma_start3A_156 : memref<!tpu.dma_semaphore, #tpu.memory_space<semaphore_mem>>)
      } else {
      }
      %scan3A_112 = arith.constant 0 : i32
      %scan3A_113 = arith.constant 0 : i32
      %scan3A_114 = arith.constant 2 : i32
      %scan3A_115 = arith.addi %scan3A_113, %scan3A_114 : i32
      %scan3A_116 = arith.constant 1 : i32
      %scan3A_117 = scf.for %scan3A_120 = %scan3A_113 to %scan3A_115 step %scan3A_116 iter_args(%scan3A_121 = %scan3A_112) -> (i32)  : i32 {
        %mul3A = arith.constant 8 : i32
        %mul3A_122 = arith.muli %scan3A_120, %mul3A : i32
        %add3A_123 = arith.constant 0 : i32
        %add3A_124 = arith.addi %mul3A_122, %add3A_123 : i32
        %dma_start3A_125 = arith.constant 0 : i32
        %dma_start3A_126 = arith.constant 0 : i32
        %dma_start3A_127 = arith.constant 0 : i32
        %dma_start3A_128 = arith.constant 0 : i32
        %dma_start3A_129 = tpu.memref_slice %arg9[%dma_start3A_125, %dma_start3A_127, %dma_start3A_128] : memref<8x125x16xf32, #tpu.memory_space<vmem>> -> memref<1x125x16xf32, #tpu.memory_space<vmem>>
        %dma_start3A_130 = tpu.memref_squeeze %dma_start3A_129 : memref<1x125x16xf32, #tpu.memory_space<vmem>> -> memref<125x16xf32, #tpu.memory_space<vmem>>
        %dma_start3A_131 = arith.constant 0 : i32
        %dma_start3A_132 = tpu.memref_slice %arg7[%rem3A_71, %add3A_124, %dma_start3A_131] : memref<2x16x125xi32, #tpu.memory_space<vmem>> -> memref<1x1x125xi32, #tpu.memory_space<vmem>>
        %dma_start3A_133 = tpu.memref_squeeze %dma_start3A_132 : memref<1x1x125xi32, #tpu.memory_space<vmem>> -> memref<125xi32, #tpu.memory_space<vmem>>
        %dma_start3A_134 = arith.constant 0 : i32
        %dma_start3A_135 = tpu.memref_slice %arg2[%arg0, %dma_start3A_134] : memref<204800x16xf32, #tpu.memory_space<hbm>> -> memref<200000x16xf32, #tpu.memory_space<hbm>>
        %dma_start3A_136 = arith.constant 0 : i32
        %dma_start3A_137 = arith.constant 0 : i32
        %dma_start3A_138 = tpu.memref_slice %dma_start3A_135[%dma_start3A_136, %dma_start3A_137] : memref<200000x16xf32, #tpu.memory_space<hbm>> -> memref<200000x16xf32, #tpu.memory_space<hbm>>
        %dma_start3A_139 = tpu.memref_slice %arg11[%dma_start3A_126] : memref<8x!tpu.dma_semaphore, #tpu.memory_space<semaphore_mem>> -> memref<1x!tpu.dma_semaphore, #tpu.memory_space<semaphore_mem>>
        %dma_start3A_140 = tpu.memref_squeeze %dma_start3A_139 : memref<1x!tpu.dma_semaphore, #tpu.memory_space<semaphore_mem>> -> memref<!tpu.dma_semaphore, #tpu.memory_space<semaphore_mem>>
        tpu.enqueue_indirect_dma source(%dma_start3A_138 : memref<200000x16xf32, #tpu.memory_space<hbm>>) target(%dma_start3A_130 : memref<125x16xf32, #tpu.memory_space<vmem>>) offsets(%dma_start3A_133 : memref<125xi32, #tpu.memory_space<vmem>>) semaphore(%dma_start3A_140 : memref<!tpu.dma_semaphore, #tpu.memory_space<semaphore_mem>>)
        %mul3A_141 = arith.constant 8 : i32
        %mul3A_142 = arith.muli %scan3A_120, %mul3A_141 : i32
        %add3A_143 = arith.constant 1 : i32
        %add3A_144 = arith.addi %mul3A_142, %add3A_143 : i32
        %dma_start3A_145 = arith.constant 1 : i32
        %dma_start3A_146 = arith.constant 1 : i32
        %dma_start3A_147 = arith.constant 0 : i32
        %dma_start3A_148 = arith.constant 0 : i32
        %dma_start3A_149 = tpu.memref_slice %arg9[%dma_start3A_145, %dma_start3A_147, %dma_start3A_148] : memref<8x125x16xf32, #tpu.memory_space<vmem>> -> memref<1x125x16xf32, #tpu.memory_space<vmem>>
        %dma_start3A_150 = tpu.memref_squeeze %dma_start3A_149 : memref<1x125x16xf32, #tpu.memory_space<vmem>> -> memref<125x16xf32, #tpu.memory_space<vmem>>
        %dma_start3A_151 = arith.constant 0 : i32
        %dma_start3A_152 = tpu.memref_slice %arg7[%rem3A_71, %add3A_144, %dma_start3A_151] : memref<2x16x125xi32, #tpu.memory_space<vmem>> -> memref<1x1x125xi32, #tpu.memory_space<vmem>>
        %dma_start3A_153 = tpu.memref_squeeze %dma_start3A_152 : memref<1x1x125xi32, #tpu.memory_space<vmem>> -> memref<125xi32, #tpu.memory_space<vmem>>
        %dma_start3A_154 = arith.constant 0 : i32
        %dma_start3A_155 = tpu.memref_slice %arg2[%arg0, %dma_start3A_154] : memref<204800x16xf32, #tpu.memory_space<hbm>> -> memref<200000x16xf32, #tpu.memory_space<hbm>>
        %dma_start3A_156 = arith.constant 0 : i32
        %dma_start3A_157 = arith.constant 0 : i32
        %dma_start3A_158 = tpu.memref_slice %dma_start3A_155[%dma_start3A_156, %dma_start3A_157] : memref<200000x16xf32, #tpu.memory_space<hbm>> -> memref<200000x16xf32, #tpu.memory_space<hbm>>
        %dma_start3A_159 = tpu.memref_slice %arg11[%dma_start3A_146] : memref<8x!tpu.dma_semaphore, #tpu.memory_space<semaphore_mem>> -> memref<1x!tpu.dma_semaphore, #tpu.memory_space<semaphore_mem>>
        %dma_start3A_160 = tpu.memref_squeeze %dma_start3A_159 : memref<1x!tpu.dma_semaphore, #tpu.memory_space<semaphore_mem>> -> memref<!tpu.dma_semaphore, #tpu.memory_space<semaphore_mem>>
        tpu.enqueue_indirect_dma source(%dma_start3A_158 : memref<200000x16xf32, #tpu.memory_space<hbm>>) target(%dma_start3A_150 : memref<125x16xf32, #tpu.memory_space<vmem>>) offsets(%dma_start3A_153 : memref<125xi32, #tpu.memory_space<vmem>>) semaphore(%dma_start3A_160 : memref<!tpu.dma_semaphore, #tpu.memory_space<semaphore_mem>>)
        %mul3A_161 = arith.constant 8 : i32
        %mul3A_162 = arith.muli %scan3A_120, %mul3A_161 : i32
        %add3A_163 = arith.constant 2 : i32
        %add3A_164 = arith.addi %mul3A_162, %add3A_163 : i32
        %dma_start3A_165 = arith.constant 2 : i32
        %dma_start3A_166 = arith.constant 2 : i32
        %dma_start3A_167 = arith.constant 0 : i32
        %dma_start3A_168 = arith.constant 0 : i32
        %dma_start3A_169 = tpu.memref_slice %arg9[%dma_start3A_165, %dma_start3A_167, %dma_start3A_168] : memref<8x125x16xf32, #tpu.memory_space<vmem>> -> memref<1x125x16xf32, #tpu.memory_space<vmem>>
        %dma_start3A_170 = tpu.memref_squeeze %dma_start3A_169 : memref<1x125x16xf32, #tpu.memory_space<vmem>> -> memref<125x16xf32, #tpu.memory_space<vmem>>
        %dma_start3A_171 = arith.constant 0 : i32
        %dma_start3A_172 = tpu.memref_slice %arg7[%rem3A_71, %add3A_164, %dma_start3A_171] : memref<2x16x125xi32, #tpu.memory_space<vmem>> -> memref<1x1x125xi32, #tpu.memory_space<vmem>>
        %dma_start3A_173 = tpu.memref_squeeze %dma_start3A_172 : memref<1x1x125xi32, #tpu.memory_space<vmem>> -> memref<125xi32, #tpu.memory_space<vmem>>
        %dma_start3A_174 = arith.constant 0 : i32
        %dma_start3A_175 = tpu.memref_slice %arg2[%arg0, %dma_start3A_174] : memref<204800x16xf32, #tpu.memory_space<hbm>> -> memref<200000x16xf32, #tpu.memory_space<hbm>>
        %dma_start3A_176 = arith.constant 0 : i32
        %dma_start3A_177 = arith.constant 0 : i32
        %dma_start3A_178 = tpu.memref_slice %dma_start3A_175[%dma_start3A_176, %dma_start3A_177] : memref<200000x16xf32, #tpu.memory_space<hbm>> -> memref<200000x16xf32, #tpu.memory_space<hbm>>
        %dma_start3A_179 = tpu.memref_slice %arg11[%dma_start3A_166] : memref<8x!tpu.dma_semaphore, #tpu.memory_space<semaphore_mem>> -> memref<1x!tpu.dma_semaphore, #tpu.memory_space<semaphore_mem>>
        %dma_start3A_180 = tpu.memref_squeeze %dma_start3A_179 : memref<1x!tpu.dma_semaphore, #tpu.memory_space<semaphore_mem>> -> memref<!tpu.dma_semaphore, #tpu.memory_space<semaphore_mem>>
        tpu.enqueue_indirect_dma source(%dma_start3A_178 : memref<200000x16xf32, #tpu.memory_space<hbm>>) target(%dma_start3A_170 : memref<125x16xf32, #tpu.memory_space<vmem>>) offsets(%dma_start3A_173 : memref<125xi32, #tpu.memory_space<vmem>>) semaphore(%dma_start3A_180 : memref<!tpu.dma_semaphore, #tpu.memory_space<semaphore_mem>>)
        %mul3A_181 = arith.constant 8 : i32
        %mul3A_182 = arith.muli %scan3A_120, %mul3A_181 : i32
        %add3A_183 = arith.constant 3 : i32
        %add3A_184 = arith.addi %mul3A_182, %add3A_183 : i32
        %dma_start3A_185 = arith.constant 3 : i32
        %dma_start3A_186 = arith.constant 3 : i32
        %dma_start3A_187 = arith.constant 0 : i32
        %dma_start3A_188 = arith.constant 0 : i32
        %dma_start3A_189 = tpu.memref_slice %arg9[%dma_start3A_185, %dma_start3A_187, %dma_start3A_188] : memref<8x125x16xf32, #tpu.memory_space<vmem>> -> memref<1x125x16xf32, #tpu.memory_space<vmem>>
        %dma_start3A_190 = tpu.memref_squeeze %dma_start3A_189 : memref<1x125x16xf32, #tpu.memory_space<vmem>> -> memref<125x16xf32, #tpu.memory_space<vmem>>
        %dma_start3A_191 = arith.constant 0 : i32
        %dma_start3A_192 = tpu.memref_slice %arg7[%rem3A_71, %add3A_184, %dma_start3A_191] : memref<2x16x125xi32, #tpu.memory_space<vmem>> -> memref<1x1x125xi32, #tpu.memory_space<vmem>>
        %dma_start3A_193 = tpu.memref_squeeze %dma_start3A_192 : memref<1x1x125xi32, #tpu.memory_space<vmem>> -> memref<125xi32, #tpu.memory_space<vmem>>
        %dma_start3A_194 = arith.constant 0 : i32
        %dma_start3A_195 = tpu.memref_slice %arg2[%arg0, %dma_start3A_194] : memref<204800x16xf32, #tpu.memory_space<hbm>> -> memref<200000x16xf32, #tpu.memory_space<hbm>>
        %dma_start3A_196 = arith.constant 0 : i32
        %dma_start3A_197 = arith.constant 0 : i32
        %dma_start3A_198 = tpu.memref_slice %dma_start3A_195[%dma_start3A_196, %dma_start3A_197] : memref<200000x16xf32, #tpu.memory_space<hbm>> -> memref<200000x16xf32, #tpu.memory_space<hbm>>
        %dma_start3A_199 = tpu.memref_slice %arg11[%dma_start3A_186] : memref<8x!tpu.dma_semaphore, #tpu.memory_space<semaphore_mem>> -> memref<1x!tpu.dma_semaphore, #tpu.memory_space<semaphore_mem>>
        %dma_start3A_200 = tpu.memref_squeeze %dma_start3A_199 : memref<1x!tpu.dma_semaphore, #tpu.memory_space<semaphore_mem>> -> memref<!tpu.dma_semaphore, #tpu.memory_space<semaphore_mem>>
        tpu.enqueue_indirect_dma source(%dma_start3A_198 : memref<200000x16xf32, #tpu.memory_space<hbm>>) target(%dma_start3A_190 : memref<125x16xf32, #tpu.memory_space<vmem>>) offsets(%dma_start3A_193 : memref<125xi32, #tpu.memory_space<vmem>>) semaphore(%dma_start3A_200 : memref<!tpu.dma_semaphore, #tpu.memory_space<semaphore_mem>>)
        %mul3A_201 = arith.constant 8 : i32
        %mul3A_202 = arith.muli %scan3A_120, %mul3A_201 : i32
        %add3A_203 = arith.constant 4 : i32
        %add3A_204 = arith.addi %mul3A_202, %add3A_203 : i32
        %dma_start3A_205 = arith.constant 4 : i32
        %dma_start3A_206 = arith.constant 4 : i32
        %dma_start3A_207 = arith.constant 0 : i32
        %dma_start3A_208 = arith.constant 0 : i32
        %dma_start3A_209 = tpu.memref_slice %arg9[%dma_start3A_205, %dma_start3A_207, %dma_start3A_208] : memref<8x125x16xf32, #tpu.memory_space<vmem>> -> memref<1x125x16xf32, #tpu.memory_space<vmem>>
        %dma_start3A_210 = tpu.memref_squeeze %dma_start3A_209 : memref<1x125x16xf32, #tpu.memory_space<vmem>> -> memref<125x16xf32, #tpu.memory_space<vmem>>
        %dma_start3A_211 = arith.constant 0 : i32
        %dma_start3A_212 = tpu.memref_slice %arg7[%rem3A_71, %add3A_204, %dma_start3A_211] : memref<2x16x125xi32, #tpu.memory_space<vmem>> -> memref<1x1x125xi32, #tpu.memory_space<vmem>>
        %dma_start3A_213 = tpu.memref_squeeze %dma_start3A_212 : memref<1x1x125xi32, #tpu.memory_space<vmem>> -> memref<125xi32, #tpu.memory_space<vmem>>
        %dma_start3A_214 = arith.constant 0 : i32
        %dma_start3A_215 = tpu.memref_slice %arg2[%arg0, %dma_start3A_214] : memref<204800x16xf32, #tpu.memory_space<hbm>> -> memref<200000x16xf32, #tpu.memory_space<hbm>>
        %dma_start3A_216 = arith.constant 0 : i32
        %dma_start3A_217 = arith.constant 0 : i32
        %dma_start3A_218 = tpu.memref_slice %dma_start3A_215[%dma_start3A_216, %dma_start3A_217] : memref<200000x16xf32, #tpu.memory_space<hbm>> -> memref<200000x16xf32, #tpu.memory_space<hbm>>
        %dma_start3A_219 = tpu.memref_slice %arg11[%dma_start3A_206] : memref<8x!tpu.dma_semaphore, #tpu.memory_space<semaphore_mem>> -> memref<1x!tpu.dma_semaphore, #tpu.memory_space<semaphore_mem>>
        %dma_start3A_220 = tpu.memref_squeeze %dma_start3A_219 : memref<1x!tpu.dma_semaphore, #tpu.memory_space<semaphore_mem>> -> memref<!tpu.dma_semaphore, #tpu.memory_space<semaphore_mem>>
        tpu.enqueue_indirect_dma source(%dma_start3A_218 : memref<200000x16xf32, #tpu.memory_space<hbm>>) target(%dma_start3A_210 : memref<125x16xf32, #tpu.memory_space<vmem>>) offsets(%dma_start3A_213 : memref<125xi32, #tpu.memory_space<vmem>>) semaphore(%dma_start3A_220 : memref<!tpu.dma_semaphore, #tpu.memory_space<semaphore_mem>>)
        %mul3A_221 = arith.constant 8 : i32
        %mul3A_222 = arith.muli %scan3A_120, %mul3A_221 : i32
        %add3A_223 = arith.constant 5 : i32
        %add3A_224 = arith.addi %mul3A_222, %add3A_223 : i32
        %dma_start3A_225 = arith.constant 5 : i32
        %dma_start3A_226 = arith.constant 5 : i32
        %dma_start3A_227 = arith.constant 0 : i32
        %dma_start3A_228 = arith.constant 0 : i32
        %dma_start3A_229 = tpu.memref_slice %arg9[%dma_start3A_225, %dma_start3A_227, %dma_start3A_228] : memref<8x125x16xf32, #tpu.memory_space<vmem>> -> memref<1x125x16xf32, #tpu.memory_space<vmem>>
        %dma_start3A_230 = tpu.memref_squeeze %dma_start3A_229 : memref<1x125x16xf32, #tpu.memory_space<vmem>> -> memref<125x16xf32, #tpu.memory_space<vmem>>
        %dma_start3A_231 = arith.constant 0 : i32
        %dma_start3A_232 = tpu.memref_slice %arg7[%rem3A_71, %add3A_224, %dma_start3A_231] : memref<2x16x125xi32, #tpu.memory_space<vmem>> -> memref<1x1x125xi32, #tpu.memory_space<vmem>>
        %dma_start3A_233 = tpu.memref_squeeze %dma_start3A_232 : memref<1x1x125xi32, #tpu.memory_space<vmem>> -> memref<125xi32, #tpu.memory_space<vmem>>
        %dma_start3A_234 = arith.constant 0 : i32
        %dma_start3A_235 = tpu.memref_slice %arg2[%arg0, %dma_start3A_234] : memref<204800x16xf32, #tpu.memory_space<hbm>> -> memref<200000x16xf32, #tpu.memory_space<hbm>>
        %dma_start3A_236 = arith.constant 0 : i32
        %dma_start3A_237 = arith.constant 0 : i32
        %dma_start3A_238 = tpu.memref_slice %dma_start3A_235[%dma_start3A_236, %dma_start3A_237] : memref<200000x16xf32, #tpu.memory_space<hbm>> -> memref<200000x16xf32, #tpu.memory_space<hbm>>
        %dma_start3A_239 = tpu.memref_slice %arg11[%dma_start3A_226] : memref<8x!tpu.dma_semaphore, #tpu.memory_space<semaphore_mem>> -> memref<1x!tpu.dma_semaphore, #tpu.memory_space<semaphore_mem>>
        %dma_start3A_240 = tpu.memref_squeeze %dma_start3A_239 : memref<1x!tpu.dma_semaphore, #tpu.memory_space<semaphore_mem>> -> memref<!tpu.dma_semaphore, #tpu.memory_space<semaphore_mem>>
        tpu.enqueue_indirect_dma source(%dma_start3A_238 : memref<200000x16xf32, #tpu.memory_space<hbm>>) target(%dma_start3A_230 : memref<125x16xf32, #tpu.memory_space<vmem>>) offsets(%dma_start3A_233 : memref<125xi32, #tpu.memory_space<vmem>>) semaphore(%dma_start3A_240 : memref<!tpu.dma_semaphore, #tpu.memory_space<semaphore_mem>>)
        %mul3A_241 = arith.constant 8 : i32
        %mul3A_242 = arith.muli %scan3A_120, %mul3A_241 : i32
        %add3A_243 = arith.constant 6 : i32
        %add3A_244 = arith.addi %mul3A_242, %add3A_243 : i32
        %dma_start3A_245 = arith.constant 6 : i32
        %dma_start3A_246 = arith.constant 6 : i32
        %dma_start3A_247 = arith.constant 0 : i32
        %dma_start3A_248 = arith.constant 0 : i32
        %dma_start3A_249 = tpu.memref_slice %arg9[%dma_start3A_245, %dma_start3A_247, %dma_start3A_248] : memref<8x125x16xf32, #tpu.memory_space<vmem>> -> memref<1x125x16xf32, #tpu.memory_space<vmem>>
        %dma_start3A_250 = tpu.memref_squeeze %dma_start3A_249 : memref<1x125x16xf32, #tpu.memory_space<vmem>> -> memref<125x16xf32, #tpu.memory_space<vmem>>
        %dma_start3A_251 = arith.constant 0 : i32
        %dma_start3A_252 = tpu.memref_slice %arg7[%rem3A_71, %add3A_244, %dma_start3A_251] : memref<2x16x125xi32, #tpu.memory_space<vmem>> -> memref<1x1x125xi32, #tpu.memory_space<vmem>>
        %dma_start3A_253 = tpu.memref_squeeze %dma_start3A_252 : memref<1x1x125xi32, #tpu.memory_space<vmem>> -> memref<125xi32, #tpu.memory_space<vmem>>
        %dma_start3A_254 = arith.constant 0 : i32
        %dma_start3A_255 = tpu.memref_slice %arg2[%arg0, %dma_start3A_254] : memref<204800x16xf32, #tpu.memory_space<hbm>> -> memref<200000x16xf32, #tpu.memory_space<hbm>>
        %dma_start3A_256 = arith.constant 0 : i32
        %dma_start3A_257 = arith.constant 0 : i32
        %dma_start3A_258 = tpu.memref_slice %dma_start3A_255[%dma_start3A_256, %dma_start3A_257] : memref<200000x16xf32, #tpu.memory_space<hbm>> -> memref<200000x16xf32, #tpu.memory_space<hbm>>
        %dma_start3A_259 = tpu.memref_slice %arg11[%dma_start3A_246] : memref<8x!tpu.dma_semaphore, #tpu.memory_space<semaphore_mem>> -> memref<1x!tpu.dma_semaphore, #tpu.memory_space<semaphore_mem>>
        %dma_start3A_260 = tpu.memref_squeeze %dma_start3A_259 : memref<1x!tpu.dma_semaphore, #tpu.memory_space<semaphore_mem>> -> memref<!tpu.dma_semaphore, #tpu.memory_space<semaphore_mem>>
        tpu.enqueue_indirect_dma source(%dma_start3A_258 : memref<200000x16xf32, #tpu.memory_space<hbm>>) target(%dma_start3A_250 : memref<125x16xf32, #tpu.memory_space<vmem>>) offsets(%dma_start3A_253 : memref<125xi32, #tpu.memory_space<vmem>>) semaphore(%dma_start3A_260 : memref<!tpu.dma_semaphore, #tpu.memory_space<semaphore_mem>>)
        %mul3A_261 = arith.constant 8 : i32
        %mul3A_262 = arith.muli %scan3A_120, %mul3A_261 : i32
        %add3A_263 = arith.constant 7 : i32
        %add3A_264 = arith.addi %mul3A_262, %add3A_263 : i32
        %dma_start3A_265 = arith.constant 7 : i32
        %dma_start3A_266 = arith.constant 7 : i32
        %dma_start3A_267 = arith.constant 0 : i32
        %dma_start3A_268 = arith.constant 0 : i32
        %dma_start3A_269 = tpu.memref_slice %arg9[%dma_start3A_265, %dma_start3A_267, %dma_start3A_268] : memref<8x125x16xf32, #tpu.memory_space<vmem>> -> memref<1x125x16xf32, #tpu.memory_space<vmem>>
        %dma_start3A_270 = tpu.memref_squeeze %dma_start3A_269 : memref<1x125x16xf32, #tpu.memory_space<vmem>> -> memref<125x16xf32, #tpu.memory_space<vmem>>
        %dma_start3A_271 = arith.constant 0 : i32
        %dma_start3A_272 = tpu.memref_slice %arg7[%rem3A_71, %add3A_264, %dma_start3A_271] : memref<2x16x125xi32, #tpu.memory_space<vmem>> -> memref<1x1x125xi32, #tpu.memory_space<vmem>>
        %dma_start3A_273 = tpu.memref_squeeze %dma_start3A_272 : memref<1x1x125xi32, #tpu.memory_space<vmem>> -> memref<125xi32, #tpu.memory_space<vmem>>
        %dma_start3A_274 = arith.constant 0 : i32
        %dma_start3A_275 = tpu.memref_slice %arg2[%arg0, %dma_start3A_274] : memref<204800x16xf32, #tpu.memory_space<hbm>> -> memref<200000x16xf32, #tpu.memory_space<hbm>>
        %dma_start3A_276 = arith.constant 0 : i32
        %dma_start3A_277 = arith.constant 0 : i32
        %dma_start3A_278 = tpu.memref_slice %dma_start3A_275[%dma_start3A_276, %dma_start3A_277] : memref<200000x16xf32, #tpu.memory_space<hbm>> -> memref<200000x16xf32, #tpu.memory_space<hbm>>
        %dma_start3A_279 = tpu.memref_slice %arg11[%dma_start3A_266] : memref<8x!tpu.dma_semaphore, #tpu.memory_space<semaphore_mem>> -> memref<1x!tpu.dma_semaphore, #tpu.memory_space<semaphore_mem>>
        %dma_start3A_280 = tpu.memref_squeeze %dma_start3A_279 : memref<1x!tpu.dma_semaphore, #tpu.memory_space<semaphore_mem>> -> memref<!tpu.dma_semaphore, #tpu.memory_space<semaphore_mem>>
        tpu.enqueue_indirect_dma source(%dma_start3A_278 : memref<200000x16xf32, #tpu.memory_space<hbm>>) target(%dma_start3A_270 : memref<125x16xf32, #tpu.memory_space<vmem>>) offsets(%dma_start3A_273 : memref<125xi32, #tpu.memory_space<vmem>>) semaphore(%dma_start3A_280 : memref<!tpu.dma_semaphore, #tpu.memory_space<semaphore_mem>>)
        %dma_wait3A_281 = arith.constant 0 : i32
        %dma_wait3A_282 = arith.constant 0 : i32
        %dma_wait3A_283 = arith.constant 0 : i32
        %dma_wait3A_284 = arith.constant 0 : i32
        %dma_wait3A_285 = tpu.memref_slice %arg9[%dma_wait3A_281, %dma_wait3A_283, %dma_wait3A_284] : memref<8x125x16xf32, #tpu.memory_space<vmem>> -> memref<1x125x16xf32, #tpu.memory_space<vmem>>
        %dma_wait3A_286 = tpu.memref_squeeze %dma_wait3A_285 : memref<1x125x16xf32, #tpu.memory_space<vmem>> -> memref<125x16xf32, #tpu.memory_space<vmem>>
        %dma_wait3A_287 = arith.constant 0 : i32
        %dma_wait3A_288 = tpu.memref_slice %arg7[%rem3A_71, %add3A_124, %dma_wait3A_287] : memref<2x16x125xi32, #tpu.memory_space<vmem>> -> memref<1x1x125xi32, #tpu.memory_space<vmem>>
        %dma_wait3A_289 = tpu.memref_squeeze %dma_wait3A_288 : memref<1x1x125xi32, #tpu.memory_space<vmem>> -> memref<125xi32, #tpu.memory_space<vmem>>
        %dma_wait3A_290 = arith.constant 0 : i32
        %dma_wait3A_291 = tpu.memref_slice %arg2[%arg0, %dma_wait3A_290] : memref<204800x16xf32, #tpu.memory_space<hbm>> -> memref<200000x16xf32, #tpu.memory_space<hbm>>
        %dma_wait3A_292 = arith.constant 0 : i32
        %dma_wait3A_293 = arith.constant 0 : i32
        %dma_wait3A_294 = tpu.memref_slice %dma_wait3A_291[%dma_wait3A_292, %dma_wait3A_293] : memref<200000x16xf32, #tpu.memory_space<hbm>> -> memref<200000x16xf32, #tpu.memory_space<hbm>>
        %dma_wait3A_295 = tpu.memref_slice %arg11[%dma_wait3A_282] : memref<8x!tpu.dma_semaphore, #tpu.memory_space<semaphore_mem>> -> memref<1x!tpu.dma_semaphore, #tpu.memory_space<semaphore_mem>>
        %dma_wait3A_296 = tpu.memref_squeeze %dma_wait3A_295 : memref<1x!tpu.dma_semaphore, #tpu.memory_space<semaphore_mem>> -> memref<!tpu.dma_semaphore, #tpu.memory_space<semaphore_mem>>
        tpu.wait_indirect_dma semaphore(%dma_wait3A_296 : memref<!tpu.dma_semaphore, #tpu.memory_space<semaphore_mem>>) src(%dma_wait3A_294 : memref<200000x16xf32, #tpu.memory_space<hbm>>) dst(%dma_wait3A_286 : memref<125x16xf32, #tpu.memory_space<vmem>>)
        %mul3A_297 = arith.constant 8 : i32
        %mul3A_298 = arith.muli %scan3A_120, %mul3A_297 : i32
        %add3A_299 = arith.constant 0 : i32
        %add3A_300 = arith.addi %mul3A_298, %add3A_299 : i32
        %dma_start3A_301 = arith.constant 0 : i32
        %dma_start3A_302 = arith.constant 0 : i32
        %dma_start3A_303 = arith.constant 0 : i32
        %dma_start3A_304 = arith.constant 0 : i32
        %dma_start3A_305 = tpu.memref_slice %arg9[%dma_start3A_301, %dma_start3A_303, %dma_start3A_304] : memref<8x125x16xf32, #tpu.memory_space<vmem>> -> memref<1x125x16xf32, #tpu.memory_space<vmem>>
        %dma_start3A_306 = tpu.memref_squeeze %dma_start3A_305 : memref<1x125x16xf32, #tpu.memory_space<vmem>> -> memref<125x16xf32, #tpu.memory_space<vmem>>
        %dma_start3A_307 = arith.constant 0 : i32
        %dma_start3A_308 = tpu.memref_slice %arg8[%rem3A_71, %add3A_300, %dma_start3A_307] : memref<2x16x125xi32, #tpu.memory_space<vmem>> -> memref<1x1x125xi32, #tpu.memory_space<vmem>>
        %dma_start3A_309 = tpu.memref_squeeze %dma_start3A_308 : memref<1x1x125xi32, #tpu.memory_space<vmem>> -> memref<125xi32, #tpu.memory_space<vmem>>
        %dma_start3A_310 = arith.constant 0 : i32
        %dma_start3A_311 = arith.constant 0 : i32
        %dma_start3A_312 = tpu.memref_slice %arg6[%dma_start3A_310, %dma_start3A_311] : memref<102400x16xf32, #tpu.memory_space<vmem_shared>> -> memref<102400x16xf32, #tpu.memory_space<vmem_shared>>
        %dma_start3A_313 = tpu.memref_slice %arg12[%dma_start3A_302] : memref<8x!tpu.dma_semaphore, #tpu.memory_space<semaphore_mem>> -> memref<1x!tpu.dma_semaphore, #tpu.memory_space<semaphore_mem>>
        %dma_start3A_314 = tpu.memref_squeeze %dma_start3A_313 : memref<1x!tpu.dma_semaphore, #tpu.memory_space<semaphore_mem>> -> memref<!tpu.dma_semaphore, #tpu.memory_space<semaphore_mem>>
        tpu.enqueue_indirect_dma source(%dma_start3A_306 : memref<125x16xf32, #tpu.memory_space<vmem>>) target(%dma_start3A_312 : memref<102400x16xf32, #tpu.memory_space<vmem_shared>>) offsets(%dma_start3A_309 : memref<125xi32, #tpu.memory_space<vmem>>) semaphore(%dma_start3A_314 : memref<!tpu.dma_semaphore, #tpu.memory_space<semaphore_mem>>) {add = true}
        %dma_wait3A_315 = arith.constant 1 : i32
        %dma_wait3A_316 = arith.constant 1 : i32
        %dma_wait3A_317 = arith.constant 0 : i32
        %dma_wait3A_318 = arith.constant 0 : i32
        %dma_wait3A_319 = tpu.memref_slice %arg9[%dma_wait3A_315, %dma_wait3A_317, %dma_wait3A_318] : memref<8x125x16xf32, #tpu.memory_space<vmem>> -> memref<1x125x16xf32, #tpu.memory_space<vmem>>
        %dma_wait3A_320 = tpu.memref_squeeze %dma_wait3A_319 : memref<1x125x16xf32, #tpu.memory_space<vmem>> -> memref<125x16xf32, #tpu.memory_space<vmem>>
        %dma_wait3A_321 = arith.constant 0 : i32
        %dma_wait3A_322 = tpu.memref_slice %arg7[%rem3A_71, %add3A_144, %dma_wait3A_321] : memref<2x16x125xi32, #tpu.memory_space<vmem>> -> memref<1x1x125xi32, #tpu.memory_space<vmem>>
        %dma_wait3A_323 = tpu.memref_squeeze %dma_wait3A_322 : memref<1x1x125xi32, #tpu.memory_space<vmem>> -> memref<125xi32, #tpu.memory_space<vmem>>
        %dma_wait3A_324 = arith.constant 0 : i32
        %dma_wait3A_325 = tpu.memref_slice %arg2[%arg0, %dma_wait3A_324] : memref<204800x16xf32, #tpu.memory_space<hbm>> -> memref<200000x16xf32, #tpu.memory_space<hbm>>
        %dma_wait3A_326 = arith.constant 0 : i32
        %dma_wait3A_327 = arith.constant 0 : i32
        %dma_wait3A_328 = tpu.memref_slice %dma_wait3A_325[%dma_wait3A_326, %dma_wait3A_327] : memref<200000x16xf32, #tpu.memory_space<hbm>> -> memref<200000x16xf32, #tpu.memory_space<hbm>>
        %dma_wait3A_329 = tpu.memref_slice %arg11[%dma_wait3A_316] : memref<8x!tpu.dma_semaphore, #tpu.memory_space<semaphore_mem>> -> memref<1x!tpu.dma_semaphore, #tpu.memory_space<semaphore_mem>>
        %dma_wait3A_330 = tpu.memref_squeeze %dma_wait3A_329 : memref<1x!tpu.dma_semaphore, #tpu.memory_space<semaphore_mem>> -> memref<!tpu.dma_semaphore, #tpu.memory_space<semaphore_mem>>
        tpu.wait_indirect_dma semaphore(%dma_wait3A_330 : memref<!tpu.dma_semaphore, #tpu.memory_space<semaphore_mem>>) src(%dma_wait3A_328 : memref<200000x16xf32, #tpu.memory_space<hbm>>) dst(%dma_wait3A_320 : memref<125x16xf32, #tpu.memory_space<vmem>>)
        %mul3A_331 = arith.constant 8 : i32
        %mul3A_332 = arith.muli %scan3A_120, %mul3A_331 : i32
        %add3A_333 = arith.constant 1 : i32
        %add3A_334 = arith.addi %mul3A_332, %add3A_333 : i32
        %dma_start3A_335 = arith.constant 1 : i32
        %dma_start3A_336 = arith.constant 1 : i32
        %dma_start3A_337 = arith.constant 0 : i32
        %dma_start3A_338 = arith.constant 0 : i32
        %dma_start3A_339 = tpu.memref_slice %arg9[%dma_start3A_335, %dma_start3A_337, %dma_start3A_338] : memref<8x125x16xf32, #tpu.memory_space<vmem>> -> memref<1x125x16xf32, #tpu.memory_space<vmem>>
        %dma_start3A_340 = tpu.memref_squeeze %dma_start3A_339 : memref<1x125x16xf32, #tpu.memory_space<vmem>> -> memref<125x16xf32, #tpu.memory_space<vmem>>
        %dma_start3A_341 = arith.constant 0 : i32
        %dma_start3A_342 = tpu.memref_slice %arg8[%rem3A_71, %add3A_334, %dma_start3A_341] : memref<2x16x125xi32, #tpu.memory_space<vmem>> -> memref<1x1x125xi32, #tpu.memory_space<vmem>>
        %dma_start3A_343 = tpu.memref_squeeze %dma_start3A_342 : memref<1x1x125xi32, #tpu.memory_space<vmem>> -> memref<125xi32, #tpu.memory_space<vmem>>
        %dma_start3A_344 = arith.constant 0 : i32
        %dma_start3A_345 = arith.constant 0 : i32
        %dma_start3A_346 = tpu.memref_slice %arg6[%dma_start3A_344, %dma_start3A_345] : memref<102400x16xf32, #tpu.memory_space<vmem_shared>> -> memref<102400x16xf32, #tpu.memory_space<vmem_shared>>
        %dma_start3A_347 = tpu.memref_slice %arg12[%dma_start3A_336] : memref<8x!tpu.dma_semaphore, #tpu.memory_space<semaphore_mem>> -> memref<1x!tpu.dma_semaphore, #tpu.memory_space<semaphore_mem>>
        %dma_start3A_348 = tpu.memref_squeeze %dma_start3A_347 : memref<1x!tpu.dma_semaphore, #tpu.memory_space<semaphore_mem>> -> memref<!tpu.dma_semaphore, #tpu.memory_space<semaphore_mem>>
        tpu.enqueue_indirect_dma source(%dma_start3A_340 : memref<125x16xf32, #tpu.memory_space<vmem>>) target(%dma_start3A_346 : memref<102400x16xf32, #tpu.memory_space<vmem_shared>>) offsets(%dma_start3A_343 : memref<125xi32, #tpu.memory_space<vmem>>) semaphore(%dma_start3A_348 : memref<!tpu.dma_semaphore, #tpu.memory_space<semaphore_mem>>) {add = true}
        %dma_wait3A_349 = arith.constant 2 : i32
        %dma_wait3A_350 = arith.constant 2 : i32
        %dma_wait3A_351 = arith.constant 0 : i32
        %dma_wait3A_352 = arith.constant 0 : i32
        %dma_wait3A_353 = tpu.memref_slice %arg9[%dma_wait3A_349, %dma_wait3A_351, %dma_wait3A_352] : memref<8x125x16xf32, #tpu.memory_space<vmem>> -> memref<1x125x16xf32, #tpu.memory_space<vmem>>
        %dma_wait3A_354 = tpu.memref_squeeze %dma_wait3A_353 : memref<1x125x16xf32, #tpu.memory_space<vmem>> -> memref<125x16xf32, #tpu.memory_space<vmem>>
        %dma_wait3A_355 = arith.constant 0 : i32
        %dma_wait3A_356 = tpu.memref_slice %arg7[%rem3A_71, %add3A_164, %dma_wait3A_355] : memref<2x16x125xi32, #tpu.memory_space<vmem>> -> memref<1x1x125xi32, #tpu.memory_space<vmem>>
        %dma_wait3A_357 = tpu.memref_squeeze %dma_wait3A_356 : memref<1x1x125xi32, #tpu.memory_space<vmem>> -> memref<125xi32, #tpu.memory_space<vmem>>
        %dma_wait3A_358 = arith.constant 0 : i32
        %dma_wait3A_359 = tpu.memref_slice %arg2[%arg0, %dma_wait3A_358] : memref<204800x16xf32, #tpu.memory_space<hbm>> -> memref<200000x16xf32, #tpu.memory_space<hbm>>
        %dma_wait3A_360 = arith.constant 0 : i32
        %dma_wait3A_361 = arith.constant 0 : i32
        %dma_wait3A_362 = tpu.memref_slice %dma_wait3A_359[%dma_wait3A_360, %dma_wait3A_361] : memref<200000x16xf32, #tpu.memory_space<hbm>> -> memref<200000x16xf32, #tpu.memory_space<hbm>>
        %dma_wait3A_363 = tpu.memref_slice %arg11[%dma_wait3A_350] : memref<8x!tpu.dma_semaphore, #tpu.memory_space<semaphore_mem>> -> memref<1x!tpu.dma_semaphore, #tpu.memory_space<semaphore_mem>>
        %dma_wait3A_364 = tpu.memref_squeeze %dma_wait3A_363 : memref<1x!tpu.dma_semaphore, #tpu.memory_space<semaphore_mem>> -> memref<!tpu.dma_semaphore, #tpu.memory_space<semaphore_mem>>
        tpu.wait_indirect_dma semaphore(%dma_wait3A_364 : memref<!tpu.dma_semaphore, #tpu.memory_space<semaphore_mem>>) src(%dma_wait3A_362 : memref<200000x16xf32, #tpu.memory_space<hbm>>) dst(%dma_wait3A_354 : memref<125x16xf32, #tpu.memory_space<vmem>>)
        %mul3A_365 = arith.constant 8 : i32
        %mul3A_366 = arith.muli %scan3A_120, %mul3A_365 : i32
        %add3A_367 = arith.constant 2 : i32
        %add3A_368 = arith.addi %mul3A_366, %add3A_367 : i32
        %dma_start3A_369 = arith.constant 2 : i32
        %dma_start3A_370 = arith.constant 2 : i32
        %dma_start3A_371 = arith.constant 0 : i32
        %dma_start3A_372 = arith.constant 0 : i32
        %dma_start3A_373 = tpu.memref_slice %arg9[%dma_start3A_369, %dma_start3A_371, %dma_start3A_372] : memref<8x125x16xf32, #tpu.memory_space<vmem>> -> memref<1x125x16xf32, #tpu.memory_space<vmem>>
        %dma_start3A_374 = tpu.memref_squeeze %dma_start3A_373 : memref<1x125x16xf32, #tpu.memory_space<vmem>> -> memref<125x16xf32, #tpu.memory_space<vmem>>
        %dma_start3A_375 = arith.constant 0 : i32
        %dma_start3A_376 = tpu.memref_slice %arg8[%rem3A_71, %add3A_368, %dma_start3A_375] : memref<2x16x125xi32, #tpu.memory_space<vmem>> -> memref<1x1x125xi32, #tpu.memory_space<vmem>>
        %dma_start3A_377 = tpu.memref_squeeze %dma_start3A_376 : memref<1x1x125xi32, #tpu.memory_space<vmem>> -> memref<125xi32, #tpu.memory_space<vmem>>
        %dma_start3A_378 = arith.constant 0 : i32
        %dma_start3A_379 = arith.constant 0 : i32
        %dma_start3A_380 = tpu.memref_slice %arg6[%dma_start3A_378, %dma_start3A_379] : memref<102400x16xf32, #tpu.memory_space<vmem_shared>> -> memref<102400x16xf32, #tpu.memory_space<vmem_shared>>
        %dma_start3A_381 = tpu.memref_slice %arg12[%dma_start3A_370] : memref<8x!tpu.dma_semaphore, #tpu.memory_space<semaphore_mem>> -> memref<1x!tpu.dma_semaphore, #tpu.memory_space<semaphore_mem>>
        %dma_start3A_382 = tpu.memref_squeeze %dma_start3A_381 : memref<1x!tpu.dma_semaphore, #tpu.memory_space<semaphore_mem>> -> memref<!tpu.dma_semaphore, #tpu.memory_space<semaphore_mem>>
        tpu.enqueue_indirect_dma source(%dma_start3A_374 : memref<125x16xf32, #tpu.memory_space<vmem>>) target(%dma_start3A_380 : memref<102400x16xf32, #tpu.memory_space<vmem_shared>>) offsets(%dma_start3A_377 : memref<125xi32, #tpu.memory_space<vmem>>) semaphore(%dma_start3A_382 : memref<!tpu.dma_semaphore, #tpu.memory_space<semaphore_mem>>) {add = true}
        %dma_wait3A_383 = arith.constant 3 : i32
        %dma_wait3A_384 = arith.constant 3 : i32
        %dma_wait3A_385 = arith.constant 0 : i32
        %dma_wait3A_386 = arith.constant 0 : i32
        %dma_wait3A_387 = tpu.memref_slice %arg9[%dma_wait3A_383, %dma_wait3A_385, %dma_wait3A_386] : memref<8x125x16xf32, #tpu.memory_space<vmem>> -> memref<1x125x16xf32, #tpu.memory_space<vmem>>
        %dma_wait3A_388 = tpu.memref_squeeze %dma_wait3A_387 : memref<1x125x16xf32, #tpu.memory_space<vmem>> -> memref<125x16xf32, #tpu.memory_space<vmem>>
        %dma_wait3A_389 = arith.constant 0 : i32
        %dma_wait3A_390 = tpu.memref_slice %arg7[%rem3A_71, %add3A_184, %dma_wait3A_389] : memref<2x16x125xi32, #tpu.memory_space<vmem>> -> memref<1x1x125xi32, #tpu.memory_space<vmem>>
        %dma_wait3A_391 = tpu.memref_squeeze %dma_wait3A_390 : memref<1x1x125xi32, #tpu.memory_space<vmem>> -> memref<125xi32, #tpu.memory_space<vmem>>
        %dma_wait3A_392 = arith.constant 0 : i32
        %dma_wait3A_393 = tpu.memref_slice %arg2[%arg0, %dma_wait3A_392] : memref<204800x16xf32, #tpu.memory_space<hbm>> -> memref<200000x16xf32, #tpu.memory_space<hbm>>
        %dma_wait3A_394 = arith.constant 0 : i32
        %dma_wait3A_395 = arith.constant 0 : i32
        %dma_wait3A_396 = tpu.memref_slice %dma_wait3A_393[%dma_wait3A_394, %dma_wait3A_395] : memref<200000x16xf32, #tpu.memory_space<hbm>> -> memref<200000x16xf32, #tpu.memory_space<hbm>>
        %dma_wait3A_397 = tpu.memref_slice %arg11[%dma_wait3A_384] : memref<8x!tpu.dma_semaphore, #tpu.memory_space<semaphore_mem>> -> memref<1x!tpu.dma_semaphore, #tpu.memory_space<semaphore_mem>>
        %dma_wait3A_398 = tpu.memref_squeeze %dma_wait3A_397 : memref<1x!tpu.dma_semaphore, #tpu.memory_space<semaphore_mem>> -> memref<!tpu.dma_semaphore, #tpu.memory_space<semaphore_mem>>
        tpu.wait_indirect_dma semaphore(%dma_wait3A_398 : memref<!tpu.dma_semaphore, #tpu.memory_space<semaphore_mem>>) src(%dma_wait3A_396 : memref<200000x16xf32, #tpu.memory_space<hbm>>) dst(%dma_wait3A_388 : memref<125x16xf32, #tpu.memory_space<vmem>>)
        %mul3A_399 = arith.constant 8 : i32
        %mul3A_400 = arith.muli %scan3A_120, %mul3A_399 : i32
        %add3A_401 = arith.constant 3 : i32
        %add3A_402 = arith.addi %mul3A_400, %add3A_401 : i32
        %dma_start3A_403 = arith.constant 3 : i32
        %dma_start3A_404 = arith.constant 3 : i32
        %dma_start3A_405 = arith.constant 0 : i32
        %dma_start3A_406 = arith.constant 0 : i32
        %dma_start3A_407 = tpu.memref_slice %arg9[%dma_start3A_403, %dma_start3A_405, %dma_start3A_406] : memref<8x125x16xf32, #tpu.memory_space<vmem>> -> memref<1x125x16xf32, #tpu.memory_space<vmem>>
        %dma_start3A_408 = tpu.memref_squeeze %dma_start3A_407 : memref<1x125x16xf32, #tpu.memory_space<vmem>> -> memref<125x16xf32, #tpu.memory_space<vmem>>
        %dma_start3A_409 = arith.constant 0 : i32
        %dma_start3A_410 = tpu.memref_slice %arg8[%rem3A_71, %add3A_402, %dma_start3A_409] : memref<2x16x125xi32, #tpu.memory_space<vmem>> -> memref<1x1x125xi32, #tpu.memory_space<vmem>>
        %dma_start3A_411 = tpu.memref_squeeze %dma_start3A_410 : memref<1x1x125xi32, #tpu.memory_space<vmem>> -> memref<125xi32, #tpu.memory_space<vmem>>
        %dma_start3A_412 = arith.constant 0 : i32
        %dma_start3A_413 = arith.constant 0 : i32
        %dma_start3A_414 = tpu.memref_slice %arg6[%dma_start3A_412, %dma_start3A_413] : memref<102400x16xf32, #tpu.memory_space<vmem_shared>> -> memref<102400x16xf32, #tpu.memory_space<vmem_shared>>
        %dma_start3A_415 = tpu.memref_slice %arg12[%dma_start3A_404] : memref<8x!tpu.dma_semaphore, #tpu.memory_space<semaphore_mem>> -> memref<1x!tpu.dma_semaphore, #tpu.memory_space<semaphore_mem>>
        %dma_start3A_416 = tpu.memref_squeeze %dma_start3A_415 : memref<1x!tpu.dma_semaphore, #tpu.memory_space<semaphore_mem>> -> memref<!tpu.dma_semaphore, #tpu.memory_space<semaphore_mem>>
        tpu.enqueue_indirect_dma source(%dma_start3A_408 : memref<125x16xf32, #tpu.memory_space<vmem>>) target(%dma_start3A_414 : memref<102400x16xf32, #tpu.memory_space<vmem_shared>>) offsets(%dma_start3A_411 : memref<125xi32, #tpu.memory_space<vmem>>) semaphore(%dma_start3A_416 : memref<!tpu.dma_semaphore, #tpu.memory_space<semaphore_mem>>) {add = true}
        %dma_wait3A_417 = arith.constant 4 : i32
        %dma_wait3A_418 = arith.constant 4 : i32
        %dma_wait3A_419 = arith.constant 0 : i32
        %dma_wait3A_420 = arith.constant 0 : i32
        %dma_wait3A_421 = tpu.memref_slice %arg9[%dma_wait3A_417, %dma_wait3A_419, %dma_wait3A_420] : memref<8x125x16xf32, #tpu.memory_space<vmem>> -> memref<1x125x16xf32, #tpu.memory_space<vmem>>
        %dma_wait3A_422 = tpu.memref_squeeze %dma_wait3A_421 : memref<1x125x16xf32, #tpu.memory_space<vmem>> -> memref<125x16xf32, #tpu.memory_space<vmem>>
        %dma_wait3A_423 = arith.constant 0 : i32
        %dma_wait3A_424 = tpu.memref_slice %arg7[%rem3A_71, %add3A_204, %dma_wait3A_423] : memref<2x16x125xi32, #tpu.memory_space<vmem>> -> memref<1x1x125xi32, #tpu.memory_space<vmem>>
        %dma_wait3A_425 = tpu.memref_squeeze %dma_wait3A_424 : memref<1x1x125xi32, #tpu.memory_space<vmem>> -> memref<125xi32, #tpu.memory_space<vmem>>
        %dma_wait3A_426 = arith.constant 0 : i32
        %dma_wait3A_427 = tpu.memref_slice %arg2[%arg0, %dma_wait3A_426] : memref<204800x16xf32, #tpu.memory_space<hbm>> -> memref<200000x16xf32, #tpu.memory_space<hbm>>
        %dma_wait3A_428 = arith.constant 0 : i32
        %dma_wait3A_429 = arith.constant 0 : i32
        %dma_wait3A_430 = tpu.memref_slice %dma_wait3A_427[%dma_wait3A_428, %dma_wait3A_429] : memref<200000x16xf32, #tpu.memory_space<hbm>> -> memref<200000x16xf32, #tpu.memory_space<hbm>>
        %dma_wait3A_431 = tpu.memref_slice %arg11[%dma_wait3A_418] : memref<8x!tpu.dma_semaphore, #tpu.memory_space<semaphore_mem>> -> memref<1x!tpu.dma_semaphore, #tpu.memory_space<semaphore_mem>>
        %dma_wait3A_432 = tpu.memref_squeeze %dma_wait3A_431 : memref<1x!tpu.dma_semaphore, #tpu.memory_space<semaphore_mem>> -> memref<!tpu.dma_semaphore, #tpu.memory_space<semaphore_mem>>
        tpu.wait_indirect_dma semaphore(%dma_wait3A_432 : memref<!tpu.dma_semaphore, #tpu.memory_space<semaphore_mem>>) src(%dma_wait3A_430 : memref<200000x16xf32, #tpu.memory_space<hbm>>) dst(%dma_wait3A_422 : memref<125x16xf32, #tpu.memory_space<vmem>>)
        %mul3A_433 = arith.constant 8 : i32
        %mul3A_434 = arith.muli %scan3A_120, %mul3A_433 : i32
        %add3A_435 = arith.constant 4 : i32
        %add3A_436 = arith.addi %mul3A_434, %add3A_435 : i32
        %dma_start3A_437 = arith.constant 4 : i32
        %dma_start3A_438 = arith.constant 4 : i32
        %dma_start3A_439 = arith.constant 0 : i32
        %dma_start3A_440 = arith.constant 0 : i32
        %dma_start3A_441 = tpu.memref_slice %arg9[%dma_start3A_437, %dma_start3A_439, %dma_start3A_440] : memref<8x125x16xf32, #tpu.memory_space<vmem>> -> memref<1x125x16xf32, #tpu.memory_space<vmem>>
        %dma_start3A_442 = tpu.memref_squeeze %dma_start3A_441 : memref<1x125x16xf32, #tpu.memory_space<vmem>> -> memref<125x16xf32, #tpu.memory_space<vmem>>
        %dma_start3A_443 = arith.constant 0 : i32
        %dma_start3A_444 = tpu.memref_slice %arg8[%rem3A_71, %add3A_436, %dma_start3A_443] : memref<2x16x125xi32, #tpu.memory_space<vmem>> -> memref<1x1x125xi32, #tpu.memory_space<vmem>>
        %dma_start3A_445 = tpu.memref_squeeze %dma_start3A_444 : memref<1x1x125xi32, #tpu.memory_space<vmem>> -> memref<125xi32, #tpu.memory_space<vmem>>
        %dma_start3A_446 = arith.constant 0 : i32
        %dma_start3A_447 = arith.constant 0 : i32
        %dma_start3A_448 = tpu.memref_slice %arg6[%dma_start3A_446, %dma_start3A_447] : memref<102400x16xf32, #tpu.memory_space<vmem_shared>> -> memref<102400x16xf32, #tpu.memory_space<vmem_shared>>
        %dma_start3A_449 = tpu.memref_slice %arg12[%dma_start3A_438] : memref<8x!tpu.dma_semaphore, #tpu.memory_space<semaphore_mem>> -> memref<1x!tpu.dma_semaphore, #tpu.memory_space<semaphore_mem>>
        %dma_start3A_450 = tpu.memref_squeeze %dma_start3A_449 : memref<1x!tpu.dma_semaphore, #tpu.memory_space<semaphore_mem>> -> memref<!tpu.dma_semaphore, #tpu.memory_space<semaphore_mem>>
        tpu.enqueue_indirect_dma source(%dma_start3A_442 : memref<125x16xf32, #tpu.memory_space<vmem>>) target(%dma_start3A_448 : memref<102400x16xf32, #tpu.memory_space<vmem_shared>>) offsets(%dma_start3A_445 : memref<125xi32, #tpu.memory_space<vmem>>) semaphore(%dma_start3A_450 : memref<!tpu.dma_semaphore, #tpu.memory_space<semaphore_mem>>) {add = true}
        %dma_wait3A_451 = arith.constant 5 : i32
        %dma_wait3A_452 = arith.constant 5 : i32
        %dma_wait3A_453 = arith.constant 0 : i32
        %dma_wait3A_454 = arith.constant 0 : i32
        %dma_wait3A_455 = tpu.memref_slice %arg9[%dma_wait3A_451, %dma_wait3A_453, %dma_wait3A_454] : memref<8x125x16xf32, #tpu.memory_space<vmem>> -> memref<1x125x16xf32, #tpu.memory_space<vmem>>
        %dma_wait3A_456 = tpu.memref_squeeze %dma_wait3A_455 : memref<1x125x16xf32, #tpu.memory_space<vmem>> -> memref<125x16xf32, #tpu.memory_space<vmem>>
        %dma_wait3A_457 = arith.constant 0 : i32
        %dma_wait3A_458 = tpu.memref_slice %arg7[%rem3A_71, %add3A_224, %dma_wait3A_457] : memref<2x16x125xi32, #tpu.memory_space<vmem>> -> memref<1x1x125xi32, #tpu.memory_space<vmem>>
        %dma_wait3A_459 = tpu.memref_squeeze %dma_wait3A_458 : memref<1x1x125xi32, #tpu.memory_space<vmem>> -> memref<125xi32, #tpu.memory_space<vmem>>
        %dma_wait3A_460 = arith.constant 0 : i32
        %dma_wait3A_461 = tpu.memref_slice %arg2[%arg0, %dma_wait3A_460] : memref<204800x16xf32, #tpu.memory_space<hbm>> -> memref<200000x16xf32, #tpu.memory_space<hbm>>
        %dma_wait3A_462 = arith.constant 0 : i32
        %dma_wait3A_463 = arith.constant 0 : i32
        %dma_wait3A_464 = tpu.memref_slice %dma_wait3A_461[%dma_wait3A_462, %dma_wait3A_463] : memref<200000x16xf32, #tpu.memory_space<hbm>> -> memref<200000x16xf32, #tpu.memory_space<hbm>>
        %dma_wait3A_465 = tpu.memref_slice %arg11[%dma_wait3A_452] : memref<8x!tpu.dma_semaphore, #tpu.memory_space<semaphore_mem>> -> memref<1x!tpu.dma_semaphore, #tpu.memory_space<semaphore_mem>>
        %dma_wait3A_466 = tpu.memref_squeeze %dma_wait3A_465 : memref<1x!tpu.dma_semaphore, #tpu.memory_space<semaphore_mem>> -> memref<!tpu.dma_semaphore, #tpu.memory_space<semaphore_mem>>
        tpu.wait_indirect_dma semaphore(%dma_wait3A_466 : memref<!tpu.dma_semaphore, #tpu.memory_space<semaphore_mem>>) src(%dma_wait3A_464 : memref<200000x16xf32, #tpu.memory_space<hbm>>) dst(%dma_wait3A_456 : memref<125x16xf32, #tpu.memory_space<vmem>>)
        %mul3A_467 = arith.constant 8 : i32
        %mul3A_468 = arith.muli %scan3A_120, %mul3A_467 : i32
        %add3A_469 = arith.constant 5 : i32
        %add3A_470 = arith.addi %mul3A_468, %add3A_469 : i32
        %dma_start3A_471 = arith.constant 5 : i32
        %dma_start3A_472 = arith.constant 5 : i32
        %dma_start3A_473 = arith.constant 0 : i32
        %dma_start3A_474 = arith.constant 0 : i32
        %dma_start3A_475 = tpu.memref_slice %arg9[%dma_start3A_471, %dma_start3A_473, %dma_start3A_474] : memref<8x125x16xf32, #tpu.memory_space<vmem>> -> memref<1x125x16xf32, #tpu.memory_space<vmem>>
        %dma_start3A_476 = tpu.memref_squeeze %dma_start3A_475 : memref<1x125x16xf32, #tpu.memory_space<vmem>> -> memref<125x16xf32, #tpu.memory_space<vmem>>
        %dma_start3A_477 = arith.constant 0 : i32
        %dma_start3A_478 = tpu.memref_slice %arg8[%rem3A_71, %add3A_470, %dma_start3A_477] : memref<2x16x125xi32, #tpu.memory_space<vmem>> -> memref<1x1x125xi32, #tpu.memory_space<vmem>>
        %dma_start3A_479 = tpu.memref_squeeze %dma_start3A_478 : memref<1x1x125xi32, #tpu.memory_space<vmem>> -> memref<125xi32, #tpu.memory_space<vmem>>
        %dma_start3A_480 = arith.constant 0 : i32
        %dma_start3A_481 = arith.constant 0 : i32
        %dma_start3A_482 = tpu.memref_slice %arg6[%dma_start3A_480, %dma_start3A_481] : memref<102400x16xf32, #tpu.memory_space<vmem_shared>> -> memref<102400x16xf32, #tpu.memory_space<vmem_shared>>
        %dma_start3A_483 = tpu.memref_slice %arg12[%dma_start3A_472] : memref<8x!tpu.dma_semaphore, #tpu.memory_space<semaphore_mem>> -> memref<1x!tpu.dma_semaphore, #tpu.memory_space<semaphore_mem>>
        %dma_start3A_484 = tpu.memref_squeeze %dma_start3A_483 : memref<1x!tpu.dma_semaphore, #tpu.memory_space<semaphore_mem>> -> memref<!tpu.dma_semaphore, #tpu.memory_space<semaphore_mem>>
        tpu.enqueue_indirect_dma source(%dma_start3A_476 : memref<125x16xf32, #tpu.memory_space<vmem>>) target(%dma_start3A_482 : memref<102400x16xf32, #tpu.memory_space<vmem_shared>>) offsets(%dma_start3A_479 : memref<125xi32, #tpu.memory_space<vmem>>) semaphore(%dma_start3A_484 : memref<!tpu.dma_semaphore, #tpu.memory_space<semaphore_mem>>) {add = true}
        %dma_wait3A_485 = arith.constant 6 : i32
        %dma_wait3A_486 = arith.constant 6 : i32
        %dma_wait3A_487 = arith.constant 0 : i32
        %dma_wait3A_488 = arith.constant 0 : i32
        %dma_wait3A_489 = tpu.memref_slice %arg9[%dma_wait3A_485, %dma_wait3A_487, %dma_wait3A_488] : memref<8x125x16xf32, #tpu.memory_space<vmem>> -> memref<1x125x16xf32, #tpu.memory_space<vmem>>
        %dma_wait3A_490 = tpu.memref_squeeze %dma_wait3A_489 : memref<1x125x16xf32, #tpu.memory_space<vmem>> -> memref<125x16xf32, #tpu.memory_space<vmem>>
        %dma_wait3A_491 = arith.constant 0 : i32
        %dma_wait3A_492 = tpu.memref_slice %arg7[%rem3A_71, %add3A_244, %dma_wait3A_491] : memref<2x16x125xi32, #tpu.memory_space<vmem>> -> memref<1x1x125xi32, #tpu.memory_space<vmem>>
        %dma_wait3A_493 = tpu.memref_squeeze %dma_wait3A_492 : memref<1x1x125xi32, #tpu.memory_space<vmem>> -> memref<125xi32, #tpu.memory_space<vmem>>
        %dma_wait3A_494 = arith.constant 0 : i32
        %dma_wait3A_495 = tpu.memref_slice %arg2[%arg0, %dma_wait3A_494] : memref<204800x16xf32, #tpu.memory_space<hbm>> -> memref<200000x16xf32, #tpu.memory_space<hbm>>
        %dma_wait3A_496 = arith.constant 0 : i32
        %dma_wait3A_497 = arith.constant 0 : i32
        %dma_wait3A_498 = tpu.memref_slice %dma_wait3A_495[%dma_wait3A_496, %dma_wait3A_497] : memref<200000x16xf32, #tpu.memory_space<hbm>> -> memref<200000x16xf32, #tpu.memory_space<hbm>>
        %dma_wait3A_499 = tpu.memref_slice %arg11[%dma_wait3A_486] : memref<8x!tpu.dma_semaphore, #tpu.memory_space<semaphore_mem>> -> memref<1x!tpu.dma_semaphore, #tpu.memory_space<semaphore_mem>>
        %dma_wait3A_500 = tpu.memref_squeeze %dma_wait3A_499 : memref<1x!tpu.dma_semaphore, #tpu.memory_space<semaphore_mem>> -> memref<!tpu.dma_semaphore, #tpu.memory_space<semaphore_mem>>
        tpu.wait_indirect_dma semaphore(%dma_wait3A_500 : memref<!tpu.dma_semaphore, #tpu.memory_space<semaphore_mem>>) src(%dma_wait3A_498 : memref<200000x16xf32, #tpu.memory_space<hbm>>) dst(%dma_wait3A_490 : memref<125x16xf32, #tpu.memory_space<vmem>>)
        %mul3A_501 = arith.constant 8 : i32
        %mul3A_502 = arith.muli %scan3A_120, %mul3A_501 : i32
        %add3A_503 = arith.constant 6 : i32
        %add3A_504 = arith.addi %mul3A_502, %add3A_503 : i32
        %dma_start3A_505 = arith.constant 6 : i32
        %dma_start3A_506 = arith.constant 6 : i32
        %dma_start3A_507 = arith.constant 0 : i32
        %dma_start3A_508 = arith.constant 0 : i32
        %dma_start3A_509 = tpu.memref_slice %arg9[%dma_start3A_505, %dma_start3A_507, %dma_start3A_508] : memref<8x125x16xf32, #tpu.memory_space<vmem>> -> memref<1x125x16xf32, #tpu.memory_space<vmem>>
        %dma_start3A_510 = tpu.memref_squeeze %dma_start3A_509 : memref<1x125x16xf32, #tpu.memory_space<vmem>> -> memref<125x16xf32, #tpu.memory_space<vmem>>
        %dma_start3A_511 = arith.constant 0 : i32
        %dma_start3A_512 = tpu.memref_slice %arg8[%rem3A_71, %add3A_504, %dma_start3A_511] : memref<2x16x125xi32, #tpu.memory_space<vmem>> -> memref<1x1x125xi32, #tpu.memory_space<vmem>>
        %dma_start3A_513 = tpu.memref_squeeze %dma_start3A_512 : memref<1x1x125xi32, #tpu.memory_space<vmem>> -> memref<125xi32, #tpu.memory_space<vmem>>
        %dma_start3A_514 = arith.constant 0 : i32
        %dma_start3A_515 = arith.constant 0 : i32
        %dma_start3A_516 = tpu.memref_slice %arg6[%dma_start3A_514, %dma_start3A_515] : memref<102400x16xf32, #tpu.memory_space<vmem_shared>> -> memref<102400x16xf32, #tpu.memory_space<vmem_shared>>
        %dma_start3A_517 = tpu.memref_slice %arg12[%dma_start3A_506] : memref<8x!tpu.dma_semaphore, #tpu.memory_space<semaphore_mem>> -> memref<1x!tpu.dma_semaphore, #tpu.memory_space<semaphore_mem>>
        %dma_start3A_518 = tpu.memref_squeeze %dma_start3A_517 : memref<1x!tpu.dma_semaphore, #tpu.memory_space<semaphore_mem>> -> memref<!tpu.dma_semaphore, #tpu.memory_space<semaphore_mem>>
        tpu.enqueue_indirect_dma source(%dma_start3A_510 : memref<125x16xf32, #tpu.memory_space<vmem>>) target(%dma_start3A_516 : memref<102400x16xf32, #tpu.memory_space<vmem_shared>>) offsets(%dma_start3A_513 : memref<125xi32, #tpu.memory_space<vmem>>) semaphore(%dma_start3A_518 : memref<!tpu.dma_semaphore, #tpu.memory_space<semaphore_mem>>) {add = true}
        %dma_wait3A_519 = arith.constant 7 : i32
        %dma_wait3A_520 = arith.constant 7 : i32
        %dma_wait3A_521 = arith.constant 0 : i32
        %dma_wait3A_522 = arith.constant 0 : i32
        %dma_wait3A_523 = tpu.memref_slice %arg9[%dma_wait3A_519, %dma_wait3A_521, %dma_wait3A_522] : memref<8x125x16xf32, #tpu.memory_space<vmem>> -> memref<1x125x16xf32, #tpu.memory_space<vmem>>
        %dma_wait3A_524 = tpu.memref_squeeze %dma_wait3A_523 : memref<1x125x16xf32, #tpu.memory_space<vmem>> -> memref<125x16xf32, #tpu.memory_space<vmem>>
        %dma_wait3A_525 = arith.constant 0 : i32
        %dma_wait3A_526 = tpu.memref_slice %arg7[%rem3A_71, %add3A_264, %dma_wait3A_525] : memref<2x16x125xi32, #tpu.memory_space<vmem>> -> memref<1x1x125xi32, #tpu.memory_space<vmem>>
        %dma_wait3A_527 = tpu.memref_squeeze %dma_wait3A_526 : memref<1x1x125xi32, #tpu.memory_space<vmem>> -> memref<125xi32, #tpu.memory_space<vmem>>
        %dma_wait3A_528 = arith.constant 0 : i32
        %dma_wait3A_529 = tpu.memref_slice %arg2[%arg0, %dma_wait3A_528] : memref<204800x16xf32, #tpu.memory_space<hbm>> -> memref<200000x16xf32, #tpu.memory_space<hbm>>
        %dma_wait3A_530 = arith.constant 0 : i32
        %dma_wait3A_531 = arith.constant 0 : i32
        %dma_wait3A_532 = tpu.memref_slice %dma_wait3A_529[%dma_wait3A_530, %dma_wait3A_531] : memref<200000x16xf32, #tpu.memory_space<hbm>> -> memref<200000x16xf32, #tpu.memory_space<hbm>>
        %dma_wait3A_533 = tpu.memref_slice %arg11[%dma_wait3A_520] : memref<8x!tpu.dma_semaphore, #tpu.memory_space<semaphore_mem>> -> memref<1x!tpu.dma_semaphore, #tpu.memory_space<semaphore_mem>>
        %dma_wait3A_534 = tpu.memref_squeeze %dma_wait3A_533 : memref<1x!tpu.dma_semaphore, #tpu.memory_space<semaphore_mem>> -> memref<!tpu.dma_semaphore, #tpu.memory_space<semaphore_mem>>
        tpu.wait_indirect_dma semaphore(%dma_wait3A_534 : memref<!tpu.dma_semaphore, #tpu.memory_space<semaphore_mem>>) src(%dma_wait3A_532 : memref<200000x16xf32, #tpu.memory_space<hbm>>) dst(%dma_wait3A_524 : memref<125x16xf32, #tpu.memory_space<vmem>>)
        %mul3A_535 = arith.constant 8 : i32
        %mul3A_536 = arith.muli %scan3A_120, %mul3A_535 : i32
        %add3A_537 = arith.constant 7 : i32
        %add3A_538 = arith.addi %mul3A_536, %add3A_537 : i32
        %dma_start3A_539 = arith.constant 7 : i32
        %dma_start3A_540 = arith.constant 7 : i32
        %dma_start3A_541 = arith.constant 0 : i32
        %dma_start3A_542 = arith.constant 0 : i32
        %dma_start3A_543 = tpu.memref_slice %arg9[%dma_start3A_539, %dma_start3A_541, %dma_start3A_542] : memref<8x125x16xf32, #tpu.memory_space<vmem>> -> memref<1x125x16xf32, #tpu.memory_space<vmem>>
        %dma_start3A_544 = tpu.memref_squeeze %dma_start3A_543 : memref<1x125x16xf32, #tpu.memory_space<vmem>> -> memref<125x16xf32, #tpu.memory_space<vmem>>
        %dma_start3A_545 = arith.constant 0 : i32
        %dma_start3A_546 = tpu.memref_slice %arg8[%rem3A_71, %add3A_538, %dma_start3A_545] : memref<2x16x125xi32, #tpu.memory_space<vmem>> -> memref<1x1x125xi32, #tpu.memory_space<vmem>>
        %dma_start3A_547 = tpu.memref_squeeze %dma_start3A_546 : memref<1x1x125xi32, #tpu.memory_space<vmem>> -> memref<125xi32, #tpu.memory_space<vmem>>
        %dma_start3A_548 = arith.constant 0 : i32
        %dma_start3A_549 = arith.constant 0 : i32
        %dma_start3A_550 = tpu.memref_slice %arg6[%dma_start3A_548, %dma_start3A_549] : memref<102400x16xf32, #tpu.memory_space<vmem_shared>> -> memref<102400x16xf32, #tpu.memory_space<vmem_shared>>
        %dma_start3A_551 = tpu.memref_slice %arg12[%dma_start3A_540] : memref<8x!tpu.dma_semaphore, #tpu.memory_space<semaphore_mem>> -> memref<1x!tpu.dma_semaphore, #tpu.memory_space<semaphore_mem>>
        %dma_start3A_552 = tpu.memref_squeeze %dma_start3A_551 : memref<1x!tpu.dma_semaphore, #tpu.memory_space<semaphore_mem>> -> memref<!tpu.dma_semaphore, #tpu.memory_space<semaphore_mem>>
        tpu.enqueue_indirect_dma source(%dma_start3A_544 : memref<125x16xf32, #tpu.memory_space<vmem>>) target(%dma_start3A_550 : memref<102400x16xf32, #tpu.memory_space<vmem_shared>>) offsets(%dma_start3A_547 : memref<125xi32, #tpu.memory_space<vmem>>) semaphore(%dma_start3A_552 : memref<!tpu.dma_semaphore, #tpu.memory_space<semaphore_mem>>) {add = true}
        %dma_wait3A_553 = arith.constant 0 : i32
        %dma_wait3A_554 = arith.constant 0 : i32
        %dma_wait3A_555 = arith.constant 0 : i32
        %dma_wait3A_556 = arith.constant 0 : i32
        %dma_wait3A_557 = tpu.memref_slice %arg9[%dma_wait3A_553, %dma_wait3A_555, %dma_wait3A_556] : memref<8x125x16xf32, #tpu.memory_space<vmem>> -> memref<1x125x16xf32, #tpu.memory_space<vmem>>
        %dma_wait3A_558 = tpu.memref_squeeze %dma_wait3A_557 : memref<1x125x16xf32, #tpu.memory_space<vmem>> -> memref<125x16xf32, #tpu.memory_space<vmem>>
        %dma_wait3A_559 = arith.constant 0 : i32
        %dma_wait3A_560 = tpu.memref_slice %arg8[%rem3A_71, %add3A_300, %dma_wait3A_559] : memref<2x16x125xi32, #tpu.memory_space<vmem>> -> memref<1x1x125xi32, #tpu.memory_space<vmem>>
        %dma_wait3A_561 = tpu.memref_squeeze %dma_wait3A_560 : memref<1x1x125xi32, #tpu.memory_space<vmem>> -> memref<125xi32, #tpu.memory_space<vmem>>
        %dma_wait3A_562 = arith.constant 0 : i32
        %dma_wait3A_563 = arith.constant 0 : i32
        %dma_wait3A_564 = tpu.memref_slice %arg6[%dma_wait3A_562, %dma_wait3A_563] : memref<102400x16xf32, #tpu.memory_space<vmem_shared>> -> memref<102400x16xf32, #tpu.memory_space<vmem_shared>>
        %dma_wait3A_565 = tpu.memref_slice %arg12[%dma_wait3A_554] : memref<8x!tpu.dma_semaphore, #tpu.memory_space<semaphore_mem>> -> memref<1x!tpu.dma_semaphore, #tpu.memory_space<semaphore_mem>>
        %dma_wait3A_566 = tpu.memref_squeeze %dma_wait3A_565 : memref<1x!tpu.dma_semaphore, #tpu.memory_space<semaphore_mem>> -> memref<!tpu.dma_semaphore, #tpu.memory_space<semaphore_mem>>
        tpu.wait_indirect_dma semaphore(%dma_wait3A_566 : memref<!tpu.dma_semaphore, #tpu.memory_space<semaphore_mem>>) src(%dma_wait3A_558 : memref<125x16xf32, #tpu.memory_space<vmem>>) dst(%dma_wait3A_564 : memref<102400x16xf32, #tpu.memory_space<vmem_shared>>)
        %dma_wait3A_567 = arith.constant 1 : i32
        %dma_wait3A_568 = arith.constant 1 : i32
        %dma_wait3A_569 = arith.constant 0 : i32
        %dma_wait3A_570 = arith.constant 0 : i32
        %dma_wait3A_571 = tpu.memref_slice %arg9[%dma_wait3A_567, %dma_wait3A_569, %dma_wait3A_570] : memref<8x125x16xf32, #tpu.memory_space<vmem>> -> memref<1x125x16xf32, #tpu.memory_space<vmem>>
        %dma_wait3A_572 = tpu.memref_squeeze %dma_wait3A_571 : memref<1x125x16xf32, #tpu.memory_space<vmem>> -> memref<125x16xf32, #tpu.memory_space<vmem>>
        %dma_wait3A_573 = arith.constant 0 : i32
        %dma_wait3A_574 = tpu.memref_slice %arg8[%rem3A_71, %add3A_334, %dma_wait3A_573] : memref<2x16x125xi32, #tpu.memory_space<vmem>> -> memref<1x1x125xi32, #tpu.memory_space<vmem>>
        %dma_wait3A_575 = tpu.memref_squeeze %dma_wait3A_574 : memref<1x1x125xi32, #tpu.memory_space<vmem>> -> memref<125xi32, #tpu.memory_space<vmem>>
        %dma_wait3A_576 = arith.constant 0 : i32
        %dma_wait3A_577 = arith.constant 0 : i32
        %dma_wait3A_578 = tpu.memref_slice %arg6[%dma_wait3A_576, %dma_wait3A_577] : memref<102400x16xf32, #tpu.memory_space<vmem_shared>> -> memref<102400x16xf32, #tpu.memory_space<vmem_shared>>
        %dma_wait3A_579 = tpu.memref_slice %arg12[%dma_wait3A_568] : memref<8x!tpu.dma_semaphore, #tpu.memory_space<semaphore_mem>> -> memref<1x!tpu.dma_semaphore, #tpu.memory_space<semaphore_mem>>
        %dma_wait3A_580 = tpu.memref_squeeze %dma_wait3A_579 : memref<1x!tpu.dma_semaphore, #tpu.memory_space<semaphore_mem>> -> memref<!tpu.dma_semaphore, #tpu.memory_space<semaphore_mem>>
        tpu.wait_indirect_dma semaphore(%dma_wait3A_580 : memref<!tpu.dma_semaphore, #tpu.memory_space<semaphore_mem>>) src(%dma_wait3A_572 : memref<125x16xf32, #tpu.memory_space<vmem>>) dst(%dma_wait3A_578 : memref<102400x16xf32, #tpu.memory_space<vmem_shared>>)
        %dma_wait3A_581 = arith.constant 2 : i32
        %dma_wait3A_582 = arith.constant 2 : i32
        %dma_wait3A_583 = arith.constant 0 : i32
        %dma_wait3A_584 = arith.constant 0 : i32
        %dma_wait3A_585 = tpu.memref_slice %arg9[%dma_wait3A_581, %dma_wait3A_583, %dma_wait3A_584] : memref<8x125x16xf32, #tpu.memory_space<vmem>> -> memref<1x125x16xf32, #tpu.memory_space<vmem>>
        %dma_wait3A_586 = tpu.memref_squeeze %dma_wait3A_585 : memref<1x125x16xf32, #tpu.memory_space<vmem>> -> memref<125x16xf32, #tpu.memory_space<vmem>>
        %dma_wait3A_587 = arith.constant 0 : i32
        %dma_wait3A_588 = tpu.memref_slice %arg8[%rem3A_71, %add3A_368, %dma_wait3A_587] : memref<2x16x125xi32, #tpu.memory_space<vmem>> -> memref<1x1x125xi32, #tpu.memory_space<vmem>>
        %dma_wait3A_589 = tpu.memref_squeeze %dma_wait3A_588 : memref<1x1x125xi32, #tpu.memory_space<vmem>> -> memref<125xi32, #tpu.memory_space<vmem>>
        %dma_wait3A_590 = arith.constant 0 : i32
        %dma_wait3A_591 = arith.constant 0 : i32
        %dma_wait3A_592 = tpu.memref_slice %arg6[%dma_wait3A_590, %dma_wait3A_591] : memref<102400x16xf32, #tpu.memory_space<vmem_shared>> -> memref<102400x16xf32, #tpu.memory_space<vmem_shared>>
        %dma_wait3A_593 = tpu.memref_slice %arg12[%dma_wait3A_582] : memref<8x!tpu.dma_semaphore, #tpu.memory_space<semaphore_mem>> -> memref<1x!tpu.dma_semaphore, #tpu.memory_space<semaphore_mem>>
        %dma_wait3A_594 = tpu.memref_squeeze %dma_wait3A_593 : memref<1x!tpu.dma_semaphore, #tpu.memory_space<semaphore_mem>> -> memref<!tpu.dma_semaphore, #tpu.memory_space<semaphore_mem>>
        tpu.wait_indirect_dma semaphore(%dma_wait3A_594 : memref<!tpu.dma_semaphore, #tpu.memory_space<semaphore_mem>>) src(%dma_wait3A_586 : memref<125x16xf32, #tpu.memory_space<vmem>>) dst(%dma_wait3A_592 : memref<102400x16xf32, #tpu.memory_space<vmem_shared>>)
        %dma_wait3A_595 = arith.constant 3 : i32
        %dma_wait3A_596 = arith.constant 3 : i32
        %dma_wait3A_597 = arith.constant 0 : i32
        %dma_wait3A_598 = arith.constant 0 : i32
        %dma_wait3A_599 = tpu.memref_slice %arg9[%dma_wait3A_595, %dma_wait3A_597, %dma_wait3A_598] : memref<8x125x16xf32, #tpu.memory_space<vmem>> -> memref<1x125x16xf32, #tpu.memory_space<vmem>>
        %dma_wait3A_600 = tpu.memref_squeeze %dma_wait3A_599 : memref<1x125x16xf32, #tpu.memory_space<vmem>> -> memref<125x16xf32, #tpu.memory_space<vmem>>
        %dma_wait3A_601 = arith.constant 0 : i32
        %dma_wait3A_602 = tpu.memref_slice %arg8[%rem3A_71, %add3A_402, %dma_wait3A_601] : memref<2x16x125xi32, #tpu.memory_space<vmem>> -> memref<1x1x125xi32, #tpu.memory_space<vmem>>
        %dma_wait3A_603 = tpu.memref_squeeze %dma_wait3A_602 : memref<1x1x125xi32, #tpu.memory_space<vmem>> -> memref<125xi32, #tpu.memory_space<vmem>>
        %dma_wait3A_604 = arith.constant 0 : i32
        %dma_wait3A_605 = arith.constant 0 : i32
        %dma_wait3A_606 = tpu.memref_slice %arg6[%dma_wait3A_604, %dma_wait3A_605] : memref<102400x16xf32, #tpu.memory_space<vmem_shared>> -> memref<102400x16xf32, #tpu.memory_space<vmem_shared>>
        %dma_wait3A_607 = tpu.memref_slice %arg12[%dma_wait3A_596] : memref<8x!tpu.dma_semaphore, #tpu.memory_space<semaphore_mem>> -> memref<1x!tpu.dma_semaphore, #tpu.memory_space<semaphore_mem>>
        %dma_wait3A_608 = tpu.memref_squeeze %dma_wait3A_607 : memref<1x!tpu.dma_semaphore, #tpu.memory_space<semaphore_mem>> -> memref<!tpu.dma_semaphore, #tpu.memory_space<semaphore_mem>>
        tpu.wait_indirect_dma semaphore(%dma_wait3A_608 : memref<!tpu.dma_semaphore, #tpu.memory_space<semaphore_mem>>) src(%dma_wait3A_600 : memref<125x16xf32, #tpu.memory_space<vmem>>) dst(%dma_wait3A_606 : memref<102400x16xf32, #tpu.memory_space<vmem_shared>>)
        %dma_wait3A_609 = arith.constant 4 : i32
        %dma_wait3A_610 = arith.constant 4 : i32
        %dma_wait3A_611 = arith.constant 0 : i32
        %dma_wait3A_612 = arith.constant 0 : i32
        %dma_wait3A_613 = tpu.memref_slice %arg9[%dma_wait3A_609, %dma_wait3A_611, %dma_wait3A_612] : memref<8x125x16xf32, #tpu.memory_space<vmem>> -> memref<1x125x16xf32, #tpu.memory_space<vmem>>
        %dma_wait3A_614 = tpu.memref_squeeze %dma_wait3A_613 : memref<1x125x16xf32, #tpu.memory_space<vmem>> -> memref<125x16xf32, #tpu.memory_space<vmem>>
        %dma_wait3A_615 = arith.constant 0 : i32
        %dma_wait3A_616 = tpu.memref_slice %arg8[%rem3A_71, %add3A_436, %dma_wait3A_615] : memref<2x16x125xi32, #tpu.memory_space<vmem>> -> memref<1x1x125xi32, #tpu.memory_space<vmem>>
        %dma_wait3A_617 = tpu.memref_squeeze %dma_wait3A_616 : memref<1x1x125xi32, #tpu.memory_space<vmem>> -> memref<125xi32, #tpu.memory_space<vmem>>
        %dma_wait3A_618 = arith.constant 0 : i32
        %dma_wait3A_619 = arith.constant 0 : i32
        %dma_wait3A_620 = tpu.memref_slice %arg6[%dma_wait3A_618, %dma_wait3A_619] : memref<102400x16xf32, #tpu.memory_space<vmem_shared>> -> memref<102400x16xf32, #tpu.memory_space<vmem_shared>>
        %dma_wait3A_621 = tpu.memref_slice %arg12[%dma_wait3A_610] : memref<8x!tpu.dma_semaphore, #tpu.memory_space<semaphore_mem>> -> memref<1x!tpu.dma_semaphore, #tpu.memory_space<semaphore_mem>>
        %dma_wait3A_622 = tpu.memref_squeeze %dma_wait3A_621 : memref<1x!tpu.dma_semaphore, #tpu.memory_space<semaphore_mem>> -> memref<!tpu.dma_semaphore, #tpu.memory_space<semaphore_mem>>
        tpu.wait_indirect_dma semaphore(%dma_wait3A_622 : memref<!tpu.dma_semaphore, #tpu.memory_space<semaphore_mem>>) src(%dma_wait3A_614 : memref<125x16xf32, #tpu.memory_space<vmem>>) dst(%dma_wait3A_620 : memref<102400x16xf32, #tpu.memory_space<vmem_shared>>)
        %dma_wait3A_623 = arith.constant 5 : i32
        %dma_wait3A_624 = arith.constant 5 : i32
        %dma_wait3A_625 = arith.constant 0 : i32
        %dma_wait3A_626 = arith.constant 0 : i32
        %dma_wait3A_627 = tpu.memref_slice %arg9[%dma_wait3A_623, %dma_wait3A_625, %dma_wait3A_626] : memref<8x125x16xf32, #tpu.memory_space<vmem>> -> memref<1x125x16xf32, #tpu.memory_space<vmem>>
        %dma_wait3A_628 = tpu.memref_squeeze %dma_wait3A_627 : memref<1x125x16xf32, #tpu.memory_space<vmem>> -> memref<125x16xf32, #tpu.memory_space<vmem>>
        %dma_wait3A_629 = arith.constant 0 : i32
        %dma_wait3A_630 = tpu.memref_slice %arg8[%rem3A_71, %add3A_470, %dma_wait3A_629] : memref<2x16x125xi32, #tpu.memory_space<vmem>> -> memref<1x1x125xi32, #tpu.memory_space<vmem>>
        %dma_wait3A_631 = tpu.memref_squeeze %dma_wait3A_630 : memref<1x1x125xi32, #tpu.memory_space<vmem>> -> memref<125xi32, #tpu.memory_space<vmem>>
        %dma_wait3A_632 = arith.constant 0 : i32
        %dma_wait3A_633 = arith.constant 0 : i32
        %dma_wait3A_634 = tpu.memref_slice %arg6[%dma_wait3A_632, %dma_wait3A_633] : memref<102400x16xf32, #tpu.memory_space<vmem_shared>> -> memref<102400x16xf32, #tpu.memory_space<vmem_shared>>
        %dma_wait3A_635 = tpu.memref_slice %arg12[%dma_wait3A_624] : memref<8x!tpu.dma_semaphore, #tpu.memory_space<semaphore_mem>> -> memref<1x!tpu.dma_semaphore, #tpu.memory_space<semaphore_mem>>
        %dma_wait3A_636 = tpu.memref_squeeze %dma_wait3A_635 : memref<1x!tpu.dma_semaphore, #tpu.memory_space<semaphore_mem>> -> memref<!tpu.dma_semaphore, #tpu.memory_space<semaphore_mem>>
        tpu.wait_indirect_dma semaphore(%dma_wait3A_636 : memref<!tpu.dma_semaphore, #tpu.memory_space<semaphore_mem>>) src(%dma_wait3A_628 : memref<125x16xf32, #tpu.memory_space<vmem>>) dst(%dma_wait3A_634 : memref<102400x16xf32, #tpu.memory_space<vmem_shared>>)
        %dma_wait3A_637 = arith.constant 6 : i32
        %dma_wait3A_638 = arith.constant 6 : i32
        %dma_wait3A_639 = arith.constant 0 : i32
        %dma_wait3A_640 = arith.constant 0 : i32
        %dma_wait3A_641 = tpu.memref_slice %arg9[%dma_wait3A_637, %dma_wait3A_639, %dma_wait3A_640] : memref<8x125x16xf32, #tpu.memory_space<vmem>> -> memref<1x125x16xf32, #tpu.memory_space<vmem>>
        %dma_wait3A_642 = tpu.memref_squeeze %dma_wait3A_641 : memref<1x125x16xf32, #tpu.memory_space<vmem>> -> memref<125x16xf32, #tpu.memory_space<vmem>>
        %dma_wait3A_643 = arith.constant 0 : i32
        %dma_wait3A_644 = tpu.memref_slice %arg8[%rem3A_71, %add3A_504, %dma_wait3A_643] : memref<2x16x125xi32, #tpu.memory_space<vmem>> -> memref<1x1x125xi32, #tpu.memory_space<vmem>>
        %dma_wait3A_645 = tpu.memref_squeeze %dma_wait3A_644 : memref<1x1x125xi32, #tpu.memory_space<vmem>> -> memref<125xi32, #tpu.memory_space<vmem>>
        %dma_wait3A_646 = arith.constant 0 : i32
        %dma_wait3A_647 = arith.constant 0 : i32
        %dma_wait3A_648 = tpu.memref_slice %arg6[%dma_wait3A_646, %dma_wait3A_647] : memref<102400x16xf32, #tpu.memory_space<vmem_shared>> -> memref<102400x16xf32, #tpu.memory_space<vmem_shared>>
        %dma_wait3A_649 = tpu.memref_slice %arg12[%dma_wait3A_638] : memref<8x!tpu.dma_semaphore, #tpu.memory_space<semaphore_mem>> -> memref<1x!tpu.dma_semaphore, #tpu.memory_space<semaphore_mem>>
        %dma_wait3A_650 = tpu.memref_squeeze %dma_wait3A_649 : memref<1x!tpu.dma_semaphore, #tpu.memory_space<semaphore_mem>> -> memref<!tpu.dma_semaphore, #tpu.memory_space<semaphore_mem>>
        tpu.wait_indirect_dma semaphore(%dma_wait3A_650 : memref<!tpu.dma_semaphore, #tpu.memory_space<semaphore_mem>>) src(%dma_wait3A_642 : memref<125x16xf32, #tpu.memory_space<vmem>>) dst(%dma_wait3A_648 : memref<102400x16xf32, #tpu.memory_space<vmem_shared>>)
        %dma_wait3A_651 = arith.constant 7 : i32
        %dma_wait3A_652 = arith.constant 7 : i32
        %dma_wait3A_653 = arith.constant 0 : i32
        %dma_wait3A_654 = arith.constant 0 : i32
        %dma_wait3A_655 = tpu.memref_slice %arg9[%dma_wait3A_651, %dma_wait3A_653, %dma_wait3A_654] : memref<8x125x16xf32, #tpu.memory_space<vmem>> -> memref<1x125x16xf32, #tpu.memory_space<vmem>>
        %dma_wait3A_656 = tpu.memref_squeeze %dma_wait3A_655 : memref<1x125x16xf32, #tpu.memory_space<vmem>> -> memref<125x16xf32, #tpu.memory_space<vmem>>
        %dma_wait3A_657 = arith.constant 0 : i32
        %dma_wait3A_658 = tpu.memref_slice %arg8[%rem3A_71, %add3A_538, %dma_wait3A_657] : memref<2x16x125xi32, #tpu.memory_space<vmem>> -> memref<1x1x125xi32, #tpu.memory_space<vmem>>
        %dma_wait3A_659 = tpu.memref_squeeze %dma_wait3A_658 : memref<1x1x125xi32, #tpu.memory_space<vmem>> -> memref<125xi32, #tpu.memory_space<vmem>>
        %dma_wait3A_660 = arith.constant 0 : i32
        %dma_wait3A_661 = arith.constant 0 : i32
        %dma_wait3A_662 = tpu.memref_slice %arg6[%dma_wait3A_660, %dma_wait3A_661] : memref<102400x16xf32, #tpu.memory_space<vmem_shared>> -> memref<102400x16xf32, #tpu.memory_space<vmem_shared>>
        %dma_wait3A_663 = tpu.memref_slice %arg12[%dma_wait3A_652] : memref<8x!tpu.dma_semaphore, #tpu.memory_space<semaphore_mem>> -> memref<1x!tpu.dma_semaphore, #tpu.memory_space<semaphore_mem>>
        %dma_wait3A_664 = tpu.memref_squeeze %dma_wait3A_663 : memref<1x!tpu.dma_semaphore, #tpu.memory_space<semaphore_mem>> -> memref<!tpu.dma_semaphore, #tpu.memory_space<semaphore_mem>>
        tpu.wait_indirect_dma semaphore(%dma_wait3A_664 : memref<!tpu.dma_semaphore, #tpu.memory_space<semaphore_mem>>) src(%dma_wait3A_656 : memref<125x16xf32, #tpu.memory_space<vmem>>) dst(%dma_wait3A_662 : memref<102400x16xf32, #tpu.memory_space<vmem_shared>>)
        %scan3A_665 = arith.constant 0 : i32
        scf.yield %scan3A_665 : i32
      }
      %scan3A_118 = arith.constant 2 : i32
      %scan3A_119 = arith.constant 0 : i32
      scf.yield %scan3A_119 : i32
    }
    %scan3A_60 = arith.constant 100 : i32
    %barrier3A_61 = arith.constant 0 : index
    tpu.barrier barrier_id(%barrier3A_61)
    %scan3A_62 = arith.constant 0 : i32
    %scan3A_63 = arith.constant 0 : i32
    %scan3A_64 = arith.constant 64 : i32
    %scan3A_65 = arith.addi %scan3A_63, %scan3A_64 : i32
    %scan3A_66 = arith.constant 1 : i32
    %scan3A_67 = scf.for %scan3A_69 = %scan3A_63 to %scan3A_65 step %scan3A_66 iter_args(%scan3A_70 = %scan3A_62) -> (i32)  : i32 {
      %mul3A = arith.constant 6400 : i32
      %mul3A_71 = arith.muli %arg1, %mul3A : i32
      %mul3A_72 = arith.constant 100 : i32
      %mul3A_73 = arith.muli %scan3A_69, %mul3A_72 : i32
      %add3A = arith.addi %mul3A_71, %mul3A_73 : i32
      "tpu.region"() ({
        %run_scoped3A = tpu.sem_alloc : memref<!tpu.dma_semaphore, #tpu.memory_space<semaphore_mem>>
        %dma_start3A_80 = arith.constant 0 : i32
        %dma_start3A_81 = tpu.memref_slice %arg6[%add3A, %dma_start3A_80] : memref<102400x16xf32, #tpu.memory_space<vmem_shared>> -> memref<100x16xf32, #tpu.memory_space<vmem_shared>>
        %dma_start3A_82 = arith.constant 0 : i32
        %dma_start3A_83 = tpu.memref_slice %arg6[%add3A, %dma_start3A_82] : memref<102400x16xf32, #tpu.memory_space<vmem_shared>> -> memref<100x16xf32, #tpu.memory_space<vmem_shared>>
        tpu.enqueue_dma source(%dma_start3A_83 : memref<100x16xf32, #tpu.memory_space<vmem_shared>>) target(%arg10 : memref<100x16xf32, #tpu.memory_space<vmem>>) target_semaphore(%run_scoped3A : memref<!tpu.dma_semaphore, #tpu.memory_space<semaphore_mem>>)
        %dma_wait3A = arith.constant 0 : i32
        %dma_wait3A_84 = tpu.memref_slice %arg6[%add3A, %dma_wait3A] : memref<102400x16xf32, #tpu.memory_space<vmem_shared>> -> memref<100x16xf32, #tpu.memory_space<vmem_shared>>
        %dma_wait3A_85 = arith.constant 0 : i32
        %dma_wait3A_86 = tpu.memref_slice %arg6[%add3A, %dma_wait3A_85] : memref<102400x16xf32, #tpu.memory_space<vmem_shared>> -> memref<100x16xf32, #tpu.memory_space<vmem_shared>>
        tpu.wait_dma2 semaphore(%run_scoped3A : memref<!tpu.dma_semaphore, #tpu.memory_space<semaphore_mem>>) src(%dma_wait3A_86 : memref<100x16xf32, #tpu.memory_space<vmem_shared>>) dst(%arg10 : memref<100x16xf32, #tpu.memory_space<vmem>>)
        tpu.yield
      }) : () -> ()
      %mul3A_74 = arith.constant 6400 : i32
      %mul3A_75 = arith.muli %arg1, %mul3A_74 : i32
      %mul3A_76 = arith.constant 100 : i32
      %mul3A_77 = arith.muli %scan3A_69, %mul3A_76 : i32
      %add3A_78 = arith.addi %mul3A_75, %mul3A_77 : i32
      "tpu.region"() ({
        %run_scoped3A = tpu.sem_alloc : memref<!tpu.dma_semaphore, #tpu.memory_space<semaphore_mem>>
        %dma_start3A_80 = arith.constant 0 : i32
        %dma_start3A_81 = tpu.memref_slice %arg5[%add3A_78, %arg0, %dma_start3A_80] : memref<102400x2x16xf32, #tpu.memory_space<hbm>> -> memref<100x1x16xf32, #tpu.memory_space<hbm>>
        %dma_start3A_82 = tpu.memref_squeeze %dma_start3A_81 : memref<100x1x16xf32, #tpu.memory_space<hbm>> -> memref<100x16xf32, #tpu.memory_space<hbm>>
        %dma_start3A_83 = arith.constant 0 : i32
        %dma_start3A_84 = tpu.memref_slice %arg5[%add3A_78, %arg0, %dma_start3A_83] : memref<102400x2x16xf32, #tpu.memory_space<hbm>> -> memref<100x1x16xf32, #tpu.memory_space<hbm>>
        %dma_start3A_85 = tpu.memref_squeeze %dma_start3A_84 : memref<100x1x16xf32, #tpu.memory_space<hbm>> -> memref<100x16xf32, #tpu.memory_space<hbm>>
        tpu.enqueue_dma source(%arg10 : memref<100x16xf32, #tpu.memory_space<vmem>>) target(%dma_start3A_85 : memref<100x16xf32, #tpu.memory_space<hbm>>) target_semaphore(%run_scoped3A : memref<!tpu.dma_semaphore, #tpu.memory_space<semaphore_mem>>)
        %dma_wait3A = arith.constant 0 : i32
        %dma_wait3A_86 = tpu.memref_slice %arg5[%add3A_78, %arg0, %dma_wait3A] : memref<102400x2x16xf32, #tpu.memory_space<hbm>> -> memref<100x1x16xf32, #tpu.memory_space<hbm>>
        %dma_wait3A_87 = tpu.memref_squeeze %dma_wait3A_86 : memref<100x1x16xf32, #tpu.memory_space<hbm>> -> memref<100x16xf32, #tpu.memory_space<hbm>>
        %dma_wait3A_88 = arith.constant 0 : i32
        %dma_wait3A_89 = tpu.memref_slice %arg5[%add3A_78, %arg0, %dma_wait3A_88] : memref<102400x2x16xf32, #tpu.memory_space<hbm>> -> memref<100x1x16xf32, #tpu.memory_space<hbm>>
        %dma_wait3A_90 = tpu.memref_squeeze %dma_wait3A_89 : memref<100x1x16xf32, #tpu.memory_space<hbm>> -> memref<100x16xf32, #tpu.memory_space<hbm>>
        tpu.wait_dma2 semaphore(%run_scoped3A : memref<!tpu.dma_semaphore, #tpu.memory_space<semaphore_mem>>) src(%arg10 : memref<100x16xf32, #tpu.memory_space<vmem>>) dst(%dma_wait3A_90 : memref<100x16xf32, #tpu.memory_space<hbm>>)
        tpu.yield
      }) : () -> ()
      %scan3A_79 = arith.constant 0 : i32
      scf.yield %scan3A_79 : i32
    }
    %scan3A_68 = arith.constant 64 : i32
    return
  }
}

module attributes {stable_mosaic.version = 14 : i64} {
  func.func @_tc_double_body(%arg0: i32, %arg1: memref<5000x128xi32, #tpu.memory_space<vmem>>, %arg2: memref<5000x128xi32, #tpu.memory_space<vmem>>) attributes {dimension_semantics = [#tpu.dimension_semantics<arbitrary>], iteration_bounds = array<i64: 5>, scalar_prefetch = 0 : i64, scratch_operands = 0 : i64, tpu.core_type = #tpu.core_type<tc>, window_params = [{transform_indices = @transform_0, window_bounds = array<i64: 5000, 128>}, {transform_indices = @transform_1, window_bounds = array<i64: 5000, 128>}]} {
    %get3A = arith.constant 0 : index
    %get3A_0 = arith.constant 0 : index
    %get3A_1 = vector.load %arg1[%get3A, %get3A_0] : memref<5000x128xi32, #tpu.memory_space<vmem>>, vector<5000x128xi32>
    %mul3A = arith.constant 2 : i32
    %mul3A_2 = vector.broadcast %mul3A : i32 to vector<5000x128xi32>
    %mul3A_3 = arith.muli %get3A_1, %mul3A_2 : vector<5000x128xi32>
    %swap3A = arith.constant 0 : index
    %swap3A_4 = arith.constant 0 : index
    %swap3A_5 = vector.load %arg2[%swap3A, %swap3A_4] : memref<5000x128xi32, #tpu.memory_space<vmem>>, vector<5000x128xi32>
    tpu.vector_store %arg2[%swap3A, %swap3A_4], %mul3A_3 {strides = array<i32>} : memref<5000x128xi32, #tpu.memory_space<vmem>>, vector<5000x128xi32>,
    return
  }
  func.func @transform_0(%arg0: i32) -> (i32, i32) {
    %c0_i32 = arith.constant 0 : i32
    %c0_i32_0 = arith.constant 0 : i32
    return %arg0, %c0_i32 : i32, i32
  }
  func.func @transform_1(%arg0: i32) -> (i32, i32) {
    %c0_i32 = arith.constant 0 : i32
    %c0_i32_0 = arith.constant 0 : i32
    return %arg0, %c0_i32 : i32, i32
  }
}

module attributes {stable_mosaic.version = 14 : i64} {
  func.func @_tc_mid_body(%arg0: i32, %arg1: memref<2x6400xf32, #tpu.memory_space<vmem>>, %arg2: memref<1x6400xf32, #tpu.memory_space<vmem>>, %arg3: memref<2x6400xf32, #tpu.memory_space<vmem>>, %arg4: memref<2x32xf32, #tpu.memory_space<vmem>>, %arg5: memref<1x32xf32, #tpu.memory_space<vmem>>, %arg6: memref<6400x32xf32, #tpu.memory_space<vmem>>) attributes {dimension_semantics = [#tpu.dimension_semantics<arbitrary>], iteration_bounds = array<i64: 16>, scalar_prefetch = 0 : i64, scratch_operands = 0 : i64, tpu.core_type = #tpu.core_type<tc>, window_params = [{transform_indices = @transform_0, window_bounds = array<i64: 2, 6400>}, {transform_indices = @transform_1, window_bounds = array<i64: 1, 6400>}, {transform_indices = @transform_2, window_bounds = array<i64: 2, 6400>}, {pipeline_mode = #tpu.pipeline_mode<synchronous>, transform_indices = @transform_3, window_bounds = array<i64: 2, 32>}, {pipeline_mode = #tpu.pipeline_mode<synchronous>, transform_indices = @transform_4, window_bounds = array<i64: 1, 32>}, {transform_indices = @transform_5, window_bounds = array<i64: 6400, 32>}]} {
    %get3A = arith.constant 0 : index
    %get3A_0 = arith.constant 0 : index
    %get3A_1 = vector.load %arg2[%get3A, %get3A_0] : memref<1x6400xf32, #tpu.memory_space<vmem>>, vector<1x6400xf32>
    %get3A_2 = vector.shape_cast %get3A_1 : vector<1x6400xf32> to vector<6400xf32>
    %get3A_3 = arith.constant 0 : index
    %get3A_4 = arith.constant 0 : index
    %get3A_5 = vector.load %arg1[%get3A_3, %get3A_4] : memref<2x6400xf32, #tpu.memory_space<vmem>>, vector<1x6400xf32>
    %get3A_6 = vector.shape_cast %get3A_5 : vector<1x6400xf32> to vector<6400xf32>
    %get3A_7 = arith.constant 0 : index
    %get3A_8 = arith.constant 0 : index
    %get3A_9 = vector.load %arg3[%get3A_7, %get3A_8] : memref<2x6400xf32, #tpu.memory_space<vmem>>, vector<1x6400xf32>
    %get3A_10 = vector.shape_cast %get3A_9 : vector<1x6400xf32> to vector<6400xf32>
    %mul3A = arith.mulf %get3A_2, %get3A_10 : vector<6400xf32>
    %add3A = arith.addf %get3A_6, %mul3A : vector<6400xf32>
    %mul3A_11 = arith.mulf %get3A_2, %add3A : vector<6400xf32>
    %get3A_12 = arith.constant 1 : index
    %get3A_13 = arith.constant 0 : index
    %get3A_14 = vector.load %arg1[%get3A_12, %get3A_13] : memref<2x6400xf32, #tpu.memory_space<vmem>>, vector<1x6400xf32>
    %get3A_15 = vector.shape_cast %get3A_14 : vector<1x6400xf32> to vector<6400xf32>
    %get3A_16 = arith.constant 1 : index
    %get3A_17 = arith.constant 0 : index
    %get3A_18 = vector.load %arg3[%get3A_16, %get3A_17] : memref<2x6400xf32, #tpu.memory_space<vmem>>, vector<1x6400xf32>
    %get3A_19 = vector.shape_cast %get3A_18 : vector<1x6400xf32> to vector<6400xf32>
    %mul3A_20 = arith.mulf %get3A_2, %get3A_19 : vector<6400xf32>
    %add3A_21 = arith.addf %get3A_15, %mul3A_20 : vector<6400xf32>
    %mul3A_22 = arith.mulf %get3A_2, %add3A_21 : vector<6400xf32>
    %broadcast_in_dim3A = vector.shape_cast %mul3A_11 : vector<6400xf32> to vector<6400x1xf32>
    %get3A_23 = arith.constant 0 : index
    %get3A_24 = arith.constant 0 : index
    %get3A_25 = vector.load %arg4[%get3A_23, %get3A_24] : memref<2x32xf32, #tpu.memory_space<vmem>>, vector<1x32xf32>
    %mul3A_26 = vector.broadcast %broadcast_in_dim3A : vector<6400x1xf32> to vector<6400x32xf32>
    %mul3A_27 = vector.broadcast %get3A_25 : vector<1x32xf32> to vector<6400x32xf32>
    %mul3A_28 = arith.mulf %mul3A_26, %mul3A_27 : vector<6400x32xf32>
    %broadcast_in_dim3A_29 = vector.shape_cast %mul3A_22 : vector<6400xf32> to vector<6400x1xf32>
    %get3A_30 = arith.constant 1 : index
    %get3A_31 = arith.constant 0 : index
    %get3A_32 = vector.load %arg4[%get3A_30, %get3A_31] : memref<2x32xf32, #tpu.memory_space<vmem>>, vector<1x32xf32>
    %mul3A_33 = vector.broadcast %broadcast_in_dim3A_29 : vector<6400x1xf32> to vector<6400x32xf32>
    %mul3A_34 = vector.broadcast %get3A_32 : vector<1x32xf32> to vector<6400x32xf32>
    %mul3A_35 = arith.mulf %mul3A_33, %mul3A_34 : vector<6400x32xf32>
    %add3A_36 = arith.addf %mul3A_28, %mul3A_35 : vector<6400x32xf32>
    %get3A_37 = arith.constant 0 : index
    %get3A_38 = arith.constant 0 : index
    %get3A_39 = vector.load %arg5[%get3A_37, %get3A_38] : memref<1x32xf32, #tpu.memory_space<vmem>>, vector<1x32xf32>
    %add3A_40 = vector.broadcast %get3A_39 : vector<1x32xf32> to vector<6400x32xf32>
    %add3A_41 = arith.addf %add3A_36, %add3A_40 : vector<6400x32xf32>
    %max3A = arith.constant 0.000000e+00 : f32
    %max3A_42 = vector.broadcast %max3A : f32 to vector<6400x32xf32>
    %max3A_43 = arith.maximumf %add3A_41, %max3A_42 : vector<6400x32xf32>
    %broadcast_in_dim3A_44 = vector.shape_cast %get3A_2 : vector<6400xf32> to vector<6400x1xf32>
    %mul3A_45 = vector.broadcast %broadcast_in_dim3A_44 : vector<6400x1xf32> to vector<6400x32xf32>
    %mul3A_46 = arith.mulf %max3A_43, %mul3A_45 : vector<6400x32xf32>
    %swap3A = arith.constant 0 : index
    %swap3A_47 = arith.constant 0 : index
    %swap3A_48 = vector.load %arg6[%swap3A, %swap3A_47] : memref<6400x32xf32, #tpu.memory_space<vmem>>, vector<6400x32xf32>
    tpu.vector_store %arg6[%swap3A, %swap3A_47], %mul3A_46 {strides = array<i32>} : memref<6400x32xf32, #tpu.memory_space<vmem>>, vector<6400x32xf32>,
    return
  }
  func.func @transform_0(%arg0: i32) -> (i32, i32) {
    %c0_i32 = arith.constant 0 : i32
    %c0_i32_0 = arith.constant 0 : i32
    return %c0_i32, %arg0 : i32, i32
  }
  func.func @transform_1(%arg0: i32) -> (i32, i32) {
    %c0_i32 = arith.constant 0 : i32
    %c0_i32_0 = arith.constant 0 : i32
    return %c0_i32, %arg0 : i32, i32
  }
  func.func @transform_2(%arg0: i32) -> (i32, i32) {
    %c0_i32 = arith.constant 0 : i32
    %c0_i32_0 = arith.constant 0 : i32
    return %c0_i32, %arg0 : i32, i32
  }
  func.func @transform_3(%arg0: i32) -> (i32, i32) {
    %c0_i32 = arith.constant 0 : i32
    %c0_i32_0 = arith.constant 0 : i32
    %c0_i32_1 = arith.constant 0 : i32
    return %c0_i32, %c0_i32_0 : i32, i32
  }
  func.func @transform_4(%arg0: i32) -> (i32, i32) {
    %c0_i32 = arith.constant 0 : i32
    %c0_i32_0 = arith.constant 0 : i32
    %c0_i32_1 = arith.constant 0 : i32
    return %c0_i32, %c0_i32_0 : i32, i32
  }
  func.func @transform_5(%arg0: i32) -> (i32, i32) {
    %c0_i32 = arith.constant 0 : i32
    %c0_i32_0 = arith.constant 0 : i32
    return %arg0, %c0_i32 : i32, i32
  }
}

module attributes {stable_mosaic.version = 14 : i64} {
  func.func @_tc_final_body(%arg0: i32, %arg1: memref<6400x32xf32, #tpu.memory_space<vmem>>, %arg2: memref<6400x32xf32, #tpu.memory_space<vmem>>, %arg3: memref<1x6400xf32, #tpu.memory_space<vmem>>, %arg4: memref<32x32xf32, #tpu.memory_space<vmem>>, %arg5: memref<1x32xf32, #tpu.memory_space<vmem>>, %arg6: memref<32x32xf32, #tpu.memory_space<vmem>>, %arg7: memref<1x32xf32, #tpu.memory_space<vmem>>, %arg8: memref<32x1xf32, #tpu.memory_space<vmem>>, %arg9: memref<1x1xf32, #tpu.memory_space<vmem>>, %arg10: memref<6400x1xf32, #tpu.memory_space<vmem>>) attributes {dimension_semantics = [#tpu.dimension_semantics<arbitrary>], iteration_bounds = array<i64: 16>, scalar_prefetch = 0 : i64, scratch_operands = 0 : i64, tpu.core_type = #tpu.core_type<tc>, window_params = [{transform_indices = @transform_0, window_bounds = array<i64: 6400, 32>}, {transform_indices = @transform_1, window_bounds = array<i64: 6400, 32>}, {transform_indices = @transform_2, window_bounds = array<i64: 1, 6400>}, {pipeline_mode = #tpu.pipeline_mode<synchronous>, transform_indices = @transform_3, window_bounds = array<i64: 32, 32>}, {pipeline_mode = #tpu.pipeline_mode<synchronous>, transform_indices = @transform_4, window_bounds = array<i64: 1, 32>}, {pipeline_mode = #tpu.pipeline_mode<synchronous>, transform_indices = @transform_5, window_bounds = array<i64: 32, 32>}, {pipeline_mode = #tpu.pipeline_mode<synchronous>, transform_indices = @transform_6, window_bounds = array<i64: 1, 32>}, {pipeline_mode = #tpu.pipeline_mode<synchronous>, transform_indices = @transform_7, window_bounds = array<i64: 32, 1>}, {pipeline_mode = #tpu.pipeline_mode<synchronous>, transform_indices = @transform_8, window_bounds = array<i64: 1, 1>}, {transform_indices = @transform_9, window_bounds = array<i64: 6400, 1>}]} {
    %get3A = arith.constant 0 : index
    %get3A_0 = arith.constant 0 : index
    %get3A_1 = vector.load %arg3[%get3A, %get3A_0] : memref<1x6400xf32, #tpu.memory_space<vmem>>, vector<1x6400xf32>
    %get3A_2 = vector.shape_cast %get3A_1 : vector<1x6400xf32> to vector<6400xf32>
    %broadcast_in_dim3A = vector.shape_cast %get3A_2 : vector<6400xf32> to vector<6400x1xf32>
    %get3A_3 = arith.constant 0 : index
    %get3A_4 = arith.constant 0 : index
    %get3A_5 = vector.load %arg1[%get3A_3, %get3A_4] : memref<6400x32xf32, #tpu.memory_space<vmem>>, vector<6400x32xf32>
    %get3A_6 = arith.constant 0 : index
    %get3A_7 = arith.constant 0 : index
    %get3A_8 = vector.load %arg2[%get3A_6, %get3A_7] : memref<6400x32xf32, #tpu.memory_space<vmem>>, vector<6400x32xf32>
    %add3A = arith.addf %get3A_5, %get3A_8 : vector<6400x32xf32>
    %mul3A = vector.broadcast %broadcast_in_dim3A : vector<6400x1xf32> to vector<6400x32xf32>
    %mul3A_9 = arith.mulf %mul3A, %add3A : vector<6400x32xf32>
    %get3A_10 = arith.constant 0 : index
    %get3A_11 = arith.constant 0 : index
    %get3A_12 = vector.load %arg4[%get3A_10, %get3A_11] : memref<32x32xf32, #tpu.memory_space<vmem>>, vector<32x32xf32>
    %dot_general3A = arith.constant dense<0.000000e+00> : vector<6400x32xf32>
    %dot_general3A_13 = tpu.matmul %mul3A_9, %get3A_12, %dot_general3A {dimension_numbers = #tpu.dot_dimension_numbers<[1], [0], [0], [1], [0, 0, 1, 1], [], []>, transpose_lhs_hint = false} : vector<6400x32xf32>, vector<32x32xf32>, vector<6400x32xf32> -> vector<6400x32xf32>
    %get3A_14 = arith.constant 0 : index
    %get3A_15 = arith.constant 0 : index
    %get3A_16 = vector.load %arg5[%get3A_14, %get3A_15] : memref<1x32xf32, #tpu.memory_space<vmem>>, vector<1x32xf32>
    %add3A_17 = vector.broadcast %get3A_16 : vector<1x32xf32> to vector<6400x32xf32>
    %add3A_18 = arith.addf %dot_general3A_13, %add3A_17 : vector<6400x32xf32>
    %max3A = arith.constant 0.000000e+00 : f32
    %max3A_19 = vector.broadcast %max3A : f32 to vector<6400x32xf32>
    %max3A_20 = arith.maximumf %add3A_18, %max3A_19 : vector<6400x32xf32>
    %get3A_21 = arith.constant 0 : index
    %get3A_22 = arith.constant 0 : index
    %get3A_23 = vector.load %arg6[%get3A_21, %get3A_22] : memref<32x32xf32, #tpu.memory_space<vmem>>, vector<32x32xf32>
    %dot_general3A_24 = arith.constant dense<0.000000e+00> : vector<6400x32xf32>
    %dot_general3A_25 = tpu.matmul %max3A_20, %get3A_23, %dot_general3A_24 {dimension_numbers = #tpu.dot_dimension_numbers<[1], [0], [0], [1], [0, 0, 1, 1], [], []>, transpose_lhs_hint = false} : vector<6400x32xf32>, vector<32x32xf32>, vector<6400x32xf32> -> vector<6400x32xf32>
    %get3A_26 = arith.constant 0 : index
    %get3A_27 = arith.constant 0 : index
    %get3A_28 = vector.load %arg7[%get3A_26, %get3A_27] : memref<1x32xf32, #tpu.memory_space<vmem>>, vector<1x32xf32>
    %add3A_29 = vector.broadcast %get3A_28 : vector<1x32xf32> to vector<6400x32xf32>
    %add3A_30 = arith.addf %dot_general3A_25, %add3A_29 : vector<6400x32xf32>
    %max3A_31 = arith.constant 0.000000e+00 : f32
    %max3A_32 = vector.broadcast %max3A_31 : f32 to vector<6400x32xf32>
    %max3A_33 = arith.maximumf %add3A_30, %max3A_32 : vector<6400x32xf32>
    %get3A_34 = arith.constant 0 : index
    %get3A_35 = arith.constant 0 : index
    %get3A_36 = vector.load %arg8[%get3A_34, %get3A_35] : memref<32x1xf32, #tpu.memory_space<vmem>>, vector<32x1xf32>
    %dot_general3A_37 = arith.constant dense<0.000000e+00> : vector<6400x1xf32>
    %dot_general3A_38 = tpu.matmul %max3A_33, %get3A_36, %dot_general3A_37 {dimension_numbers = #tpu.dot_dimension_numbers<[1], [0], [0], [1], [0, 0, 1, 1], [], []>, transpose_lhs_hint = false} : vector<6400x32xf32>, vector<32x1xf32>, vector<6400x1xf32> -> vector<6400x1xf32>
    %get3A_39 = arith.constant 0 : index
    %get3A_40 = arith.constant 0 : index
    %get3A_41 = vector.load %arg9[%get3A_39, %get3A_40] : memref<1x1xf32, #tpu.memory_space<vmem>>, vector<1x1xf32>
    %add3A_42 = vector.broadcast %get3A_41 : vector<1x1xf32> to vector<6400x1xf32>
    %add3A_43 = arith.addf %dot_general3A_38, %add3A_42 : vector<6400x1xf32>
    %swap3A = arith.constant 0 : index
    %swap3A_44 = arith.constant 0 : index
    %swap3A_45 = vector.load %arg10[%swap3A, %swap3A_44] : memref<6400x1xf32, #tpu.memory_space<vmem>>, vector<6400x1xf32>
    tpu.vector_store %arg10[%swap3A, %swap3A_44], %add3A_43 {strides = array<i32>} : memref<6400x1xf32, #tpu.memory_space<vmem>>, vector<6400x1xf32>,
    return
  }
  func.func @transform_0(%arg0: i32) -> (i32, i32) {
    %c0_i32 = arith.constant 0 : i32
    %c0_i32_0 = arith.constant 0 : i32
    return %arg0, %c0_i32 : i32, i32
  }
  func.func @transform_1(%arg0: i32) -> (i32, i32) {
    %c0_i32 = arith.constant 0 : i32
    %c0_i32_0 = arith.constant 0 : i32
    return %arg0, %c0_i32 : i32, i32
  }
  func.func @transform_2(%arg0: i32) -> (i32, i32) {
    %c0_i32 = arith.constant 0 : i32
    %c0_i32_0 = arith.constant 0 : i32
    return %c0_i32, %arg0 : i32, i32
  }
  func.func @transform_3(%arg0: i32) -> (i32, i32) {
    %c0_i32 = arith.constant 0 : i32
    %c0_i32_0 = arith.constant 0 : i32
    %c0_i32_1 = arith.constant 0 : i32
    return %c0_i32, %c0_i32_0 : i32, i32
  }
  func.func @transform_4(%arg0: i32) -> (i32, i32) {
    %c0_i32 = arith.constant 0 : i32
    %c0_i32_0 = arith.constant 0 : i32
    %c0_i32_1 = arith.constant 0 : i32
    return %c0_i32, %c0_i32_0 : i32, i32
  }
  func.func @transform_5(%arg0: i32) -> (i32, i32) {
    %c0_i32 = arith.constant 0 : i32
    %c0_i32_0 = arith.constant 0 : i32
    %c0_i32_1 = arith.constant 0 : i32
    return %c0_i32, %c0_i32_0 : i32, i32
  }
  func.func @transform_6(%arg0: i32) -> (i32, i32) {
    %c0_i32 = arith.constant 0 : i32
    %c0_i32_0 = arith.constant 0 : i32
    %c0_i32_1 = arith.constant 0 : i32
    return %c0_i32, %c0_i32_0 : i32, i32
  }
  func.func @transform_7(%arg0: i32) -> (i32, i32) {
    %c0_i32 = arith.constant 0 : i32
    %c0_i32_0 = arith.constant 0 : i32
    %c0_i32_1 = arith.constant 0 : i32
    return %c0_i32, %c0_i32_0 : i32, i32
  }
  func.func @transform_8(%arg0: i32) -> (i32, i32) {
    %c0_i32 = arith.constant 0 : i32
    %c0_i32_0 = arith.constant 0 : i32
    %c0_i32_1 = arith.constant 0 : i32
    return %c0_i32, %c0_i32_0 : i32, i32
  }
  func.func @transform_9(%arg0: i32) -> (i32, i32) {
    %c0_i32 = arith.constant 0 : i32
    %c0_i32_0 = arith.constant 0 : i32
    return %arg0, %c0_i32 : i32, i32
  }
}

</mosaic_0001>

<sc_bundles>
// kernel: kernel.10.cloned.1.call-start
scs
__scs_entry_jumppad:
0x0: {  	(pc) =	sbr.rel $0x88, $3  }
0x1: {  	(tag) =	ssettag $0x0;
	lr =	simm.s32 $0x1  }
0x2: {  	[smem:$0x3F97] =	sst lr;
	_ =	strace $0xD0000000  }
0x3: {  	_ = 	snop  }
0x4: {  	_ = 	snop  }
0x5: {  	_ = 	snop  }
0x6: {  	_ = 	snop  }
0x7: {  	_ = 	snop  }
__scs_overlays_trampoline_lowered:
0x8: {  	[smem:$0x3FA6] =	sst s0  }
0x9: {  	[smem:$0x3FA7] =	sst s1  }
0xa: {  	[smem:$0x3FA8] =	sst s2  }
0xb: {  	[smem:$0x3FA9] =	sst s3  }
0xc: {  	[smem:$0x3FAA] =	sst s4  }
0xd: {  	[smem:$0x3FAB] =	sst s5  }
0xe: {  	[smem:$0x3FAC] =	sst s6  }
0xf: {  	[smem:$0x3FAD] =	sst s7  }
0x10: {  	[smem:$0x3FAE] =	sst s8  }
0x11: {  	[smem:$0x3FAF] =	sst s9;
	s0 =	simm.s32 @!p0 $0x0  }
0x12: {  	s1 =	sld [smem:$0x3F95];
	s0 =	simm.s32 @p0 $0x1  }
0x13: {  	[smem:$0x3FB0] =	sst s0;
	s0 =	simm.s32 @!p1 $0x0  }
0x14: {  	s2 =	sld [smem:$0x3F94];
	s0 =	simm.s32 @p1 $0x1  }
0x15: {  	[smem:$0x3FB1] =	sst s0;
	s0 =	simm.s32 @!p2 $0x0  }
0x16: {  	s3 =	sld [smem:$0x3FDB];
	s0 =	simm.s32 @p2 $0x1  }
0x17: {  	s4 =	simm.s32 $0x1BF5;
	[smem:$0x3FB3] =	sst s0  }
0x18: {  	s0 =	sld [smem:$0x3F96];
	_ =	swait.ge [sflag:s4], $0x0  }
0x19: {  	s7 =	sld [smem:$0x3F97]  }
0x1a: {  	s8 =	sadd.s32 $0xFFFFE003, lr  }
0x1b: {  	s9 =	sadd.s32 $0xFFFFFEF7, lr;
	s5 =	simm.s32 $0xFFFFFFFF;
	p2 =	slt.u32 s8, $0xFFFFF086  }
0x1c: {  	p1 =	slt.u32 s9, $0xF7A;
	s5 =	simm.s32 @!p2 $0x0  }
0x1d: {  	s5 =	simm.s32 @p1 $0x1;
	p0 =	seq.s32 s7, s2  }
0x1e: {  	s7 =	smul.u32 @!p0 $0xF7A, s2;
	p2 =	seq.s32 @!p0 s5, $0x0  }
0x1f: {  	s9 =	smul.u32 $0xF7A, s1;
	s8 =	simm.s32 @!p0 $0x1BF5;
	p2 =	por !p2, p0  }
0x20: {  	[sflag:s8] =	ssyncset.s32 @!p0 $0xFFFFF086;
	s6 =	sadd.s32 @!p0 s3, s7;
	s7 =	simm.s32 @!p0 $0x108  }
0x21: {  	s3 =	sadd.s32 s3, s9;
	s6 =	sadd.s32 @!p0 $0x88, s6;
	s7 =	simm.s32 @p2 $0x1082  }
0x22: {  	[simem:s7], [sflag:s8] =	dma.local @!p0 [hbm:s6], $0xF7A  }
0x23: {  	s9 =	sor.u32 $0xD0000000, s2;
	s6 =	simm.s32 $0x108;
	_ =	swait.ge @!p0 [sflag:s8], $0x0  }
0x24: {  	s3 =	sadd.s32 $0x88, s3;
	s6 =	simm.s32 @!p1 $0x1082;
	[sflag:s4] =	ssyncset.s32 $0xFFFFF086  }
0x25: {  	[simem:s6], [sflag:s4] =	dma.local [hbm:s3], $0xF7A  }
0x26: {  	[smem:$0x3F97] =	sst s1;
	(tag) =	ssettag s2;
	_ =	strace s9  }
0x27: {  	s1 =	sld [smem:$0x3FA7]  }
0x28: {  	s2 =	sld [smem:$0x3FA8]  }
0x29: {  	s4 =	sld [smem:$0x3FAA]  }
0x2a: {  	p0 =	seq.s32 s5, $0x0;
	s5 =	sld [smem:$0x3FAB]  }
0x2b: {  	s6 =	sld [smem:$0x3FAC]  }
0x2c: {  	s7 =	sld [smem:$0x3FAD]  }
0x2d: {  	s3 =	simm.s32 $0x108;
	s8 =	sld [smem:$0x3FAE]  }
0x2e: {  	s3 =	simm.s32 @!p0 $0x1082;
	s9 =	sld [smem:$0x3FAF]  }
0x2f: {  	lr =	sadd.s32 s0, s3;
	s0 =	sld [smem:$0x3FA6]  }
0x30: {  	s3 =	sld [smem:$0x3FA9]  }
0x31: {  	[smem:$0x3FB2] =	sst s10  }
0x32: {  	s10 =	sld [smem:$0x3FB0];
	_ =	sdelay $0x3  }
0x33: {  	p0 =	seq.s32 s10, $0x1;
	s10 =	sld [smem:$0x3FB2];
	_ =	sdelay $0x3  }
0x34: {  	[smem:$0x3FB2] =	sst s10  }
0x35: {  	s10 =	sld [smem:$0x3FB1];
	_ =	sdelay $0x3  }
0x36: {  	p1 =	seq.s32 s10, $0x1;
	s10 =	sld [smem:$0x3FB2];
	_ =	sdelay $0x3  }
0x37: {  	[smem:$0x3FB2] =	sst s10  }
0x38: {  	s10 =	sld [smem:$0x3FB3]  }
0x39: {  	_ = 	snop;
	(pc) =	sbr.ind lr, $3  }
0x3a: {  	_ = 	snop  }
0x3b: {  	_ = 	snop  }
0x3c: {  	p2 =	seq.s32 s10, $0x1;
	s10 =	sld [smem:$0x3FB2]  }
0x3d: {  	_ =	shalt  }
0x3e: {  	_ =	shalt  }
0x3f: {  	_ =	shalt  }
0x40: {  	_ =	shalt  }
0x41: {  	_ =	shalt  }
0x42: {  	_ =	shalt  }
0x43: {  	_ =	shalt  }
0x44: {  	_ =	shalt  }
0x45: {  	_ =	shalt  }
0x46: {  	_ =	shalt  }
0x47: {  	_ =	shalt  }
0x48: {  	_ =	shalt  }
0x49: {  	_ =	shalt  }
0x4a: {  	_ =	shalt  }
0x4b: {  	_ =	shalt  }
0x4c: {  	_ =	shalt  }
0x4d: {  	_ =	shalt  }
0x4e: {  	_ =	shalt  }
0x4f: {  	_ =	shalt  }
0x50: {  	_ =	shalt  }
0x51: {  	_ =	shalt  }
0x52: {  	_ =	shalt  }
0x53: {  	_ =	shalt  }
0x54: {  	_ =	shalt  }
0x55: {  	_ =	shalt  }
0x56: {  	_ =	shalt  }
0x57: {  	_ =	shalt  }
0x58: {  	_ =	shalt  }
0x59: {  	_ =	shalt  }
0x5a: {  	_ =	shalt  }
0x5b: {  	_ =	shalt  }
0x5c: {  	_ =	shalt  }
0x5d: {  	_ =	shalt  }
0x5e: {  	_ =	shalt  }
0x5f: {  	_ =	shalt  }
0x60: {  	_ =	shalt  }
0x61: {  	_ =	shalt  }
0x62: {  	_ =	shalt  }
0x63: {  	_ =	shalt  }
0x64: {  	_ =	shalt  }
0x65: {  	_ =	shalt  }
0x66: {  	_ =	shalt  }
0x67: {  	_ =	shalt  }
0x68: {  	_ =	shalt  }
0x69: {  	_ =	shalt  }
0x6a: {  	_ =	shalt  }
0x6b: {  	_ =	shalt  }
0x6c: {  	_ =	shalt  }
0x6d: {  	_ =	shalt  }
0x6e: {  	_ =	shalt  }
0x6f: {  	_ =	shalt  }
0x70: {  	_ =	shalt  }
0x71: {  	_ =	shalt  }
0x72: {  	_ =	shalt  }
0x73: {  	_ =	shalt  }
0x74: {  	_ =	shalt  }
0x75: {  	_ =	shalt  }
0x76: {  	_ =	shalt  }
0x77: {  	_ =	shalt  }
0x78: {  	_ =	shalt  }
0x79: {  	_ =	shalt  }
0x7a: {  	_ =	shalt  }
0x7b: {  	_ =	shalt  }
0x7c: {  	_ =	shalt  }
0x7d: {  	_ =	shalt  }
0x7e: {  	_ =	shalt  }
0x7f: {  	_ =	shalt  }
0x80: {  	_ =	shalt  }
0x81: {  	_ =	shalt  }
0x82: {  	_ =	shalt  }
0x83: {  	_ =	shalt  }
0x84: {  	_ =	shalt  }
0x85: {  	_ =	shalt  }
0x86: {  	_ =	shalt  }
0x87: {  	_ =	shalt  }
.Lfunc_end0:
.L_simem_size_0:
called_computation.1_lowered:
.L_overlay_start_0:
0x88: {  	s2 =	sld [smem:$0x3FD9]  }
0x89: {  	s3 =	sld [smem:$0x3FFE];
	_ =	sdelay $0x1  }
0x8a: {  	s1 =	srdreg.scid  }
0x8b: {  	s0 =	sand.u32 $0x1, s1  }
0x8c: {  	s16 =	sshll.u32 s0, $0xA;
	s2 =	sadd.s32 s3, s2  }
0x8d: {  	s2 =	sadd.s32 s2, s16  }
0x8e: {  	[smem:$0x3FBE] =	sst s2  }
0x8f: {  	_ = 	snop  }
0x90: {  	(tm) =	ssettm $0x1  }
0x91: {  	s17 =	sld [smem:$0x3FFB];
	_ =	sdelay $0x3  }
0x92: {  	_ =	strace s17  }
0x93: {  	s2 =	sld [smem:$0x3FFC];
	_ =	sdelay $0x3  }
0x94: {  	_ =	strace s2  }
0x95: {  	s2 =	sld [smem:$0x3FFD];
	_ =	sdelay $0x3  }
0x96: {  	_ =	strace s2  }
0x97: {  	_ =	strace $0x8FFFFFFF  }
0x98: {  	s18 =	sld [smem:$0x3FDB];
	_ =	sdelay $0x1  }
0x99: {  	s19 =	simm.s32 $_scs_section_size  }
0x9a: {  	s4 =	simm.s32 $_size__tile_overlayer_lowered;
	s5 =	simm.s32 $_tile_overlayer_lowered  }
0x9b: {  	s22 =	simm.s32 $0x1BFF;
	s21 =	sshll.u32 s5, $0x1;
	s2 =	sadd.s32 s19, s18  }
0x9c: {  	s6 =	simm.s32 $0x0;
	s20 =	sshll.u32 s4, $0x1;
	s4 =	sadd.s32 s21, s2  }
0x9d: {  	[timem:s6], [sflag:s22] =	dma.local [hbm:s4], s20  }
0x9e: {  	_ =	swait.ge [sflag:s22], s20  }
0x9f: {  	s3 =	ssub.s32 $0x0, s20;
	[sflag:s22] =	ssyncset.done $0x0  }
0xa0: {  	[sflag:s22] =	ssyncadd.s32 s3;
	_ =	sdelay $0x1  }
0xa1: {  	s23 =	simm.s32 $0x1B8B  }
0xa2: {  	_ =	swait.ge [sflag:s23], $0x1  }
0xa3: {  	[sflag:s23] =	ssyncset.done $0x0  }
0xa4: {  	s25 =	simm.s32 $0x1B8E;
	s24 =	sld [smem:$0x3FFE];
	[sflag:s23] =	ssyncadd.s32 $0xFFFFFFFF  }
0xa5: {  	s26 =	simm.s32 $execute0_lowered;
	[smem:$0x3FD2] =	sst s25  }
0xa6: {  	s4 =	sshll.u32 s26, $0x1;
	_ =	strace $0x80000049;
	[dreg:$0x1] =	wrdreg $0xFFFFFFFF  }
0xa7: {  	s28 =	simm.s32 $_size_execute0_lowered;
	s2 =	sadd.s32 s2, s4;
	[dreg:$0x0] =	wrdreg $0x0  }
0xa8: {  	s4 =	sshll.u32 s28, $0x1;
	[dreg:$0x2] =	wrdreg s2  }
0xa9: {  	[dreg:$0x3] =	wrdreg s4  }
0xaa: {  	[dreg:$0x4] =	wrdreg $0xC0  }
0xab: {  	_ =	task [dreg:s6], $0x5FFFF  }
0xac: {  	[dreg:$0x1] =	wrdreg $0xFFFFFFFF  }
0xad: {  	[dreg:$0x0] =	wrdreg $0x60  }
0xae: {  	[dreg:$0x2] =	wrdreg s24  }
0xaf: {  	[dreg:$0x3] =	wrdreg $0x0  }
0xb0: {  	[dreg:$0x4] =	wrdreg $0x9  }
0xb1: {  	_ =	task.clear_ibuf [dreg:s6], $0x5FFFF;
	_ =	strace $0x90000049  }
0xb2: {  	s29 =	simm.s32 $0x9;
	_ =	strace $0x8000004B  }
0xb3: {  	_ =	swait.ge [sflag:s29], $0x1  }
0xb4: {  	[sflag:s29] =	ssyncadd.s32 $0xFFFFFFFF  }
0xb5: {  	_ =	strace $0x9000004B  }
0xb6: {  	_ =	sfence  }
0xb7: {  	s30 =	sld [smem:$0x0];
	_ =	sdelay $0x2  }
0xb8: {  	s31 =	sshll.u32 s1, $0xD;
	s1 =	sshrl.u32 s1, $0x2  }
0xb9: {  	s3 =	sand.u32 $0x4000, s31;
	s1 =	sadd.s32 s1, s30  }
0xba: {  	s0 =	sor.u32 s3, s0;
	s1 =	sshll.u32 s1, $0x11  }
0xbb: {  	s0 =	sor.u32 s1, s0  }
0xbc: {  	s0 =	sadd.s32 $0x8F2B, s0  }
0xbd: {  	[sflag:s0] =	ssyncadd.remote.s32 $0x1  }
0xbe: {  	_ =	sfence.sel $0xFFFF  }
0xbf: {  	[dreg:$0x0] =	wrdreg $0xFFFFFFFF;
	(pc) =	sbr.abs _section_cstart, $3  }
0xc0: {  	[dreg:$0x1] =	wrdreg $0xFFFFFFFF  }
0xc1: {  	_ =	task.clear_ibuf [dreg:s6], $0x2FFFF;
	_ =	strace $0x9FFFFFFF  }
0xc2: {  	(tm) =	ssettm $0x7FFFFFFF  }
0xc3: {  	_ =	shalt  }
tec
execute0_lowered:
.L_overlay_start_1:
0x0: {  	(tag) =	ssettag $0x1  }
0x1: {  	s0 =	rddreg [dreg:$0x0]  }
0x2: {  	s1 =	rddreg [dreg:$0x1]  }
0x3: {  	s2 =	srdreg.scid;
	s11 =	simm.s32 $0x0;
	s6 =	stileid.u32  }
0x4: {  	s15 =	simm.s32 $0x1EE80;
	s14 =	simm.s32 $0x13;
	s19 =	simm.s32 $0x7D  }
0x5: {  	s18 =	simm.s32 $0x10;
	s16 =	simm.s32 $0x1B000;
	s10 =	simm.s32 $0x1C770  }
0x6: {  	s17 =	simm.s32 $0x1;
	s2 =	sand.u32 $0x1, s2;
	s4 =	smul.u32 $0x32000, s6  }
0x7: {  	[smem:$0x7FF] =	sst s11;
	s7 =	sadd.s32 $0x12400, s0;
	s5 =	smul.u32 $0x64000, s6  }
0x8: {  	s8 =	sadd.s32 $0x76400, s0;
	s29 =	smul.u32 $0x6400, s6;
	s6 =	simm.s32 $0x1E6B0  }
0x9: {  	s3 =	sshll.u32 s2, $0x1;
	_ =	strace $0x8000004A;
	[dreg:$0x5] =	wrdreg s7  }
0xa: {  	s26 =	ssub.s32 $0x2, s2;
	[dreg:$0x6] =	wrdreg s8;
	s3 =	sadd.s32 s3, s0  }
0xb: {  	s2 =	sshrl.u32 s26, $0x1;
	[dreg:$0x4] =	wrdreg s4;
	s4 =	sshrl.u32 s4, $0x3  }
0xc: {  	s30 =	sshrl.u32 s5, $0x2;
	s5 =	simm.s32 $0x1DEE0;
	s28 =	sadd.s32 s7, s4  }
0xd: {  	s0 =	ssub.s32 s26, s2;
	s4 =	sadd.s32 s8, s4;
	[dreg:$0x7] =	wrdreg s28  }
0xe: {  	s9 =	sadd.s32 $0x26A400, s3;
	s13 =	sadd.s32 s30, s1;
	[dreg:$0x8] =	wrdreg s4  }
0xf: {  	s31 =	sadd.s32 s29, s3;
	s0 =	smax.u32 s0, $0x1;
	[dreg:$0xa] =	wrdreg s13  }
0x10: {  	s7 =	simm.s32 $0x1B7D0;
	s2 =	sadd.s32 $0x2CE400, s31;
	[dreg:$0x9] =	wrdreg s0  }
0x11: {  	v0 =	vimm.f32 $0.0e+00;
	s8 =	simm.s32 $0x1BFA0;
	s4 =	simm.s32 $0x1D710;
	[dreg:$0xb] =	wrdreg s2  }
.LBB2_1:
0x12: {  	[dreg:$0x3] =	wrdreg s11;
	s11 =	simm.s32 $0x0  }
.LBB2_2:
0x13: {  	p0 =	sne.s32 s11, $0x18C0  }
.Ltmp0:
0x14: {  	_ = 	snop;
	(pc) =	sbr.rel @p0 .LBB2_2-.Ltmp0, $3  }
0x15: {  	_ =	sdelay $0x1  }
0x16: {  	s12 =	sshra.s32 s11, $0x2  }
0x17: {  	s11 =	sadd.s32 $0x40, s11;
	[tilespmem:s12+$0x1EE80] =	vst v0  }
0x18: {  	s11 =	sadd.s32 $0x0, s13  }
0x19: {  	[spmem:s11] =	stream.linear.scatter [tilespmem:s15], [sflag:$0x13], $0x640, $0x38;
	[tilespmem:$0x1F4C0] =	vst v63  }
0x1a: {  	s11 =	simm.s32 $0x1900;
	_ =	swait.ge [sflag:s14], $0x640  }
.LBB2_4:
0x1b: {  	s12 =	sshra.s32 s11, $0x2;
	[sflag:s14] =	ssyncset.done $0x0;
	p0 =	sne.s32 s11, $0x62700  }
.Ltmp1:
0x1c: {  	s12 =	sadd.s32 s12, s13;
	[sflag:s14] =	ssyncadd.s32 $0xFFFFF9C0;
	(pc) =	sbr.rel @p0 .LBB2_4-.Ltmp1, $3  }
0x1d: {  	[spmem:s12] =	stream.linear.scatter [tilespmem:s15], [sflag:$0x13], $0x640, $0x38;
	[tilespmem:$0x1F4C0] =	vst v63  }
0x1e: {  	s11 =	sadd.s32 $0x1900, s11;
	_ =	sdelay $0x1  }
0x1f: {  	_ =	swait.ge [sflag:s14], $0x640  }
0x20: {  	[sflag:s14] =	ssyncset.done $0x0  }
0x21: {  	[sflag:s14] =	ssyncadd.s32 $0xFFFFF9C0  }
0x22: {  	[bflag:$0x0] =	sbarrier.arrive $0xFFFF  }
0x23: {  	s11 =	simm.s32 $0x0;
	s2 =	simm.s32 $0x19000;
	s0 =	rddreg [dreg:$0x7]  }
0x24: {  	[tilespmem:s2], [sflag:$0x11] =	stream.linear.gather [hbm4b:s0+s11], $0x800, $0x38;
	[tilespmem:$0x1F4C0] =	vst v63  }
0x25: {  	s31 =	simm.s32 $0x1A000;
	s30 =	rddreg [dreg:$0x8]  }
0x26: {  	[tilespmem:s31], [sflag:$0x12] =	stream.linear.gather [hbm4b:s30+s11], $0x800, $0x38;
	[tilespmem:$0x1F4C0] =	vst v63  }
.LBB2_7:
0x27: {  	s0 =	simm.s32 $0x11  }
0x28: {  	_ =	swait.ge [sflag:s0], $0x800  }
0x29: {  	p0 =	seq.s32 s11, $0x63;
	s2 =	simm.s32 $0x12;
	[sflag:s0] =	ssyncset.done $0x0  }
0x2a: {  	s26 =	simm.s32 $0x0;
	[sflag:s0] =	ssyncadd.s32 $0xFFFFF800;
	s0 =	sadd.s32 $0x1, s11  }
0x2b: {  	s3 =	simm.s32 $0x1CF40;
	_ =	swait.ge [sflag:s2], $0x800;
	[dreg:$0xc] =	wrdreg s0  }
0x2c: {  	s22 =	simm.s32 @!p0 $0x0;
	s12 =	sshll.u32 @!p0 s0, $0xB;
	s0 =	rddreg [dreg:$0x4]  }
0x2d: {  	s11 =	sshll.u32 @!p0 s11, $0xB;
	[sflag:s2] =	ssyncset.done $0x0;
	s20 =	sadd.s32 @!p0 s0, s12  }
0x2e: {  	s12 =	sand.u32 @!p0 $0x800, s11;
	s0 =	rddreg [dreg:$0x5];
	s11 =	sshrl.u32 @!p0 s20, $0x3  }
0x2f: {  	[sflag:s2] =	ssyncadd.s32 $0xFFFFF800;
	s20 =	sxor.u32 @!p0 $0x19800, s12;
	s21 =	sadd.s32 @!p0 s0, s11  }
0x30: {  	[tilespmem:s20], [sflag:$0x11] =	stream.linear.gather @!p0 [hbm4b:s21+s22], $0x800, $0x38;
	[tilespmem:$0x1F4C0] =	vst v63  }
0x31: {  	s0 =	rddreg [dreg:$0x6];
	s20 =	sxor.u32 @!p0 $0x1A800, s12;
	s12 =	simm.s32 @p0 $0x800  }
0x32: {  	s11 =	sadd.s32 @!p0 s0, s11;
	s21 =	sor.u32 $0x180, s12;
	s23 =	sor.u32 $0x280, s12  }
0x33: {  	[tilespmem:s20], [sflag:$0x12] =	stream.linear.gather @!p0 [hbm4b:s11+s22], $0x800, $0x38;
	[tilespmem:$0x1F4C0] =	vst v63  }
0x34: {  	s24 =	sor.u32 $0x300, s12;
	s25 =	sor.u32 $0x380, s12;
	s11 =	sor.u32 $0x80, s12  }
0x35: {  	s20 =	sor.u32 $0x100, s12;
	s22 =	sor.u32 $0x200, s12;
	p0 =	por $0x1, $0x1  }
.LBB2_8:
0x36: {  	s28 =	sor.u32 s12, s26  }
0x37: {  	s13 =	sadd.s32 $0x19000, s28  }
0x38: {  	[tilespmem:s16], [sflag:$0x1] =	stream.indirect.gather [hbm4b:s9+s19], $0x10, s13, s19, $0xb8;
	[tilespmem:$0x1F4C0] =	vst v63  }
0x39: {  	s13 =	sor.u32 s11, s26  }
0x3a: {  	s29 =	sadd.s32 $0x19000, s13  }
0x3b: {  	[tilespmem:s7], [sflag:$0x2] =	stream.indirect.gather [hbm4b:s9+s19], $0x10, s29, s19, $0xb8;
	[tilespmem:$0x1F4C0] =	vst v63  }
0x3c: {  	s29 =	sor.u32 s20, s26  }
0x3d: {  	s30 =	sadd.s32 $0x19000, s29  }
0x3e: {  	[tilespmem:s8], [sflag:$0x3] =	stream.indirect.gather [hbm4b:s9+s19], $0x10, s30, s19, $0xb8;
	[tilespmem:$0x1F4C0] =	vst v63  }
0x3f: {  	s30 =	sor.u32 s21, s26  }
0x40: {  	s31 =	sadd.s32 $0x19000, s30  }
0x41: {  	[tilespmem:s10], [sflag:$0x4] =	stream.indirect.gather [hbm4b:s9+s19], $0x10, s31, s19, $0xb8;
	[tilespmem:$0x1F4C0] =	vst v63  }
0x42: {  	s31 =	sor.u32 s22, s26  }
0x43: {  	s0 =	sadd.s32 $0x19000, s31  }
0x44: {  	[tilespmem:s3], [sflag:$0x5] =	stream.indirect.gather [hbm4b:s9+s19], $0x10, s0, s19, $0xb8;
	[tilespmem:$0x1F4C0] =	vst v63  }
0x45: {  	s0 =	sor.u32 s23, s26  }
0x46: {  	s2 =	sadd.s32 $0x19000, s0  }
0x47: {  	[tilespmem:s4], [sflag:$0x6] =	stream.indirect.gather [hbm4b:s9+s19], $0x10, s2, s19, $0xb8;
	[tilespmem:$0x1F4C0] =	vst v63  }
0x48: {  	s2 =	sor.u32 s24, s26  }
0x49: {  	s15 =	sadd.s32 $0x19000, s2  }
0x4a: {  	[tilespmem:s5], [sflag:$0x7] =	stream.indirect.gather [hbm4b:s9+s19], $0x10, s15, s19, $0xb8;
	[tilespmem:$0x1F4C0] =	vst v63  }
0x4b: {  	s15 =	sor.u32 s25, s26  }
0x4c: {  	s26 =	sadd.s32 $0x19000, s15  }
0x4d: {  	[tilespmem:s6], [sflag:$0x8] =	stream.indirect.gather [hbm4b:s9+s19], $0x10, s26, s19, $0xb8;
	[tilespmem:$0x1F4C0] =	vst v63  }
0x4e: {  	_ =	swait.ge [sflag:s17], $0x7D0  }
0x4f: {  	[sflag:s17] =	ssyncset.done $0x0  }
0x50: {  	s26 =	sadd.s32 $0x1A000, s28;
	s28 =	simm.s32 $0x2;
	[sflag:s17] =	ssyncadd.s32 $0xFFFFF830  }
0x51: {  	[spmem:s1] =	stream.indirect.scatter.add.f32 [tilespmem:s16], [sflag:$0x9], $0x10, s26, s19, $0xb8;
	[tilespmem:$0x1F4C0] =	vst v63  }
0x52: {  	_ =	swait.ge [sflag:s28], $0x7D0  }
0x53: {  	[sflag:s28] =	ssyncset.done $0x0  }
0x54: {  	s13 =	sadd.s32 $0x1A000, s13;
	s26 =	simm.s32 $0x3;
	[sflag:s28] =	ssyncadd.s32 $0xFFFFF830  }
0x55: {  	[spmem:s1] =	stream.indirect.scatter.add.f32 [tilespmem:s7], [sflag:$0xA], $0x10, s13, s19, $0xb8;
	[tilespmem:$0x1F4C0] =	vst v63  }
0x56: {  	_ =	swait.ge [sflag:s26], $0x7D0  }
0x57: {  	[sflag:s26] =	ssyncset.done $0x0  }
0x58: {  	s28 =	simm.s32 $0x4;
	[sflag:s26] =	ssyncadd.s32 $0xFFFFF830;
	s26 =	sadd.s32 $0x1A000, s29  }
0x59: {  	[spmem:s1] =	stream.indirect.scatter.add.f32 [tilespmem:s8], [sflag:$0xB], $0x10, s26, s19, $0xb8;
	[tilespmem:$0x1F4C0] =	vst v63  }
0x5a: {  	_ =	swait.ge [sflag:s28], $0x7D0  }
0x5b: {  	[sflag:s28] =	ssyncset.done $0x0  }
0x5c: {  	s30 =	sadd.s32 $0x1A000, s30;
	s29 =	simm.s32 $0x5;
	[sflag:s28] =	ssyncadd.s32 $0xFFFFF830  }
0x5d: {  	[spmem:s1] =	stream.indirect.scatter.add.f32 [tilespmem:s10], [sflag:$0xC], $0x10, s30, s19, $0xb8;
	[tilespmem:$0x1F4C0] =	vst v63  }
0x5e: {  	_ =	swait.ge [sflag:s29], $0x7D0  }
0x5f: {  	[sflag:s29] =	ssyncset.done $0x0  }
0x60: {  	s26 =	sadd.s32 $0x1A000, s31;
	s28 =	simm.s32 $0x6;
	[sflag:s29] =	ssyncadd.s32 $0xFFFFF830  }
0x61: {  	[spmem:s1] =	stream.indirect.scatter.add.f32 [tilespmem:s3], [sflag:$0xD], $0x10, s26, s19, $0xb8;
	[tilespmem:$0x1F4C0] =	vst v63  }
0x62: {  	_ =	swait.ge [sflag:s28], $0x7D0  }
0x63: {  	[sflag:s28] =	ssyncset.done $0x0  }
0x64: {  	s0 =	sadd.s32 $0x1A000, s0;
	s31 =	simm.s32 $0x7;
	[sflag:s28] =	ssyncadd.s32 $0xFFFFF830  }
0x65: {  	[spmem:s1] =	stream.indirect.scatter.add.f32 [tilespmem:s4], [sflag:$0xE], $0x10, s0, s19, $0xb8;
	[tilespmem:$0x1F4C0] =	vst v63  }
0x66: {  	_ =	swait.ge [sflag:s31], $0x7D0  }
0x67: {  	[sflag:s31] =	ssyncset.done $0x0  }
0x68: {  	s13 =	sadd.s32 $0x1A000, s2;
	s30 =	simm.s32 $0x8;
	[sflag:s31] =	ssyncadd.s32 $0xFFFFF830  }
0x69: {  	[spmem:s1] =	stream.indirect.scatter.add.f32 [tilespmem:s5], [sflag:$0xF], $0x10, s13, s19, $0xb8;
	[tilespmem:$0x1F4C0] =	vst v63  }
0x6a: {  	_ =	swait.ge [sflag:s30], $0x7D0  }
0x6b: {  	[sflag:s30] =	ssyncset.done $0x0  }
0x6c: {  	s29 =	simm.s32 $0x9;
	s26 =	sadd.s32 $0x1A000, s15;
	[sflag:s30] =	ssyncadd.s32 $0xFFFFF830  }
0x6d: {  	[spmem:s1] =	stream.indirect.scatter.add.f32 [tilespmem:s6], [sflag:$0x10], $0x10, s26, s19, $0xb8;
	[tilespmem:$0x1F4C0] =	vst v63  }
0x6e: {  	_ =	swait.ge [sflag:s29], $0x7D0  }
0x6f: {  	[sflag:s29] =	ssyncset.done $0x0  }
0x70: {  	s31 =	simm.s32 $0xA;
	[sflag:s29] =	ssyncadd.s32 $0xFFFFF830  }
0x71: {  	_ =	swait.ge [sflag:s31], $0x7D0  }
0x72: {  	[sflag:s31] =	ssyncset.done $0x0  }
0x73: {  	s30 =	simm.s32 $0xB;
	[sflag:s31] =	ssyncadd.s32 $0xFFFFF830  }
0x74: {  	_ =	swait.ge [sflag:s30], $0x7D0  }
0x75: {  	[sflag:s30] =	ssyncset.done $0x0  }
0x76: {  	s29 =	simm.s32 $0xC;
	[sflag:s30] =	ssyncadd.s32 $0xFFFFF830  }
0x77: {  	_ =	swait.ge [sflag:s29], $0x7D0  }
0x78: {  	[sflag:s29] =	ssyncset.done $0x0  }
0x79: {  	s15 =	simm.s32 $0xD;
	[sflag:s29] =	ssyncadd.s32 $0xFFFFF830  }
0x7a: {  	_ =	swait.ge [sflag:s15], $0x7D0  }
0x7b: {  	[sflag:s15] =	ssyncset.done $0x0  }
0x7c: {  	s26 =	simm.s32 $0xE;
	[sflag:s15] =	ssyncadd.s32 $0xFFFFF830  }
0x7d: {  	_ =	swait.ge [sflag:s26], $0x7D0  }
0x7e: {  	[sflag:s26] =	ssyncset.done $0x0  }
0x7f: {  	s28 =	simm.s32 $0xF;
	[sflag:s26] =	ssyncadd.s32 $0xFFFFF830  }
0x80: {  	p1 =	por p0, p0;
	_ =	swait.ge [sflag:s28], $0x7D0  }
.Ltmp2:
0x81: {  	[sflag:s28] =	ssyncset.done $0x0;
	(pc) =	sbr.rel @p1 .LBB2_8-.Ltmp2, $4  }
0x82: {  	[sflag:s28] =	ssyncadd.s32 $0xFFFFF830  }
0x83: {  	_ =	swait.ge [sflag:s18], $0x7D0  }
0x84: {  	[sflag:s18] =	ssyncset.done $0x0  }
0x85: {  	p0 =	por $0x0, $0x0;
	s26 =	simm.s32 $0x400;
	[sflag:s18] =	ssyncadd.s32 $0xFFFFF830  }
0x86: {  	s11 =	rddreg [dreg:$0xc]  }
0x87: {  	p0 =	seq.s32 s11, $0x64  }
.Ltmp3:
0x88: {  	_ = 	snop;
	(pc) =	sbr.rel @!p0 .LBB2_7-.Ltmp3, $1  }
0x89: {  	_ =	sdelay $0x3  }
0x8a: {  	[bflag:$0x0] =	sbarrier.arrive $0xFFFF  }
0x8b: {  	s15 =	simm.s32 $0x1EE80;
	s13 =	rddreg [dreg:$0xa]  }
0x8c: {  	[tilespmem:s15], [sflag:$0x13] =	stream.linear.gather [spmem:s13], $0x640, $0x38;
	[tilespmem:$0x1F4C0] =	vst v63  }
0x8d: {  	_ =	swait.ge [sflag:s14], $0x640  }
0x8e: {  	[sflag:s14] =	ssyncset.done $0x0;
	s2 =	rddreg [dreg:$0xb]  }
0x8f: {  	s3 =	simm.s32 $0x20;
	[sflag:s14] =	ssyncadd.s32 $0xFFFFF9C0;
	s0 =	sadd.s32 $0x0, s2  }
0x90: {  	[hbm4b:s0+s18] =	stream.strided.scatter [tilespmem:s15], [sflag:$0x13], $0x640, s3, s18, $0x38;
	[tilespmem:$0x1F4C0] =	vst v63  }
0x91: {  	_ =	swait.ge [sflag:s14], $0x640  }
0x92: {  	s11 =	simm.s32 $0x190;
	s12 =	smov.u32 s13;
	[sflag:s14] =	ssyncset.done $0x0  }
.LBB2_10:
0x93: {  	p0 =	sne.s32 s11, $0x6270;
	[sflag:s14] =	ssyncadd.s32 $0xFFFFF9C0;
	s12 =	sadd.s32 $0x640, s12  }
0x94: {  	[tilespmem:s15], [sflag:$0x13] =	stream.linear.gather [spmem:s12], $0x640, $0x38;
	[tilespmem:$0x1F4C0] =	vst v63  }
0x95: {  	s0 =	smov.u32 s11;
	s11 =	sadd.s32 $0x190, s11;
	_ =	swait.ge [sflag:s14], $0x640  }
.Ltmp4:
0x96: {  	[sflag:s14] =	ssyncset.done $0x0;
	(pc) =	sbr.rel @p0 .LBB2_10-.Ltmp4, $4  }
0x97: {  	s0 =	sadd.s32 s0, s2;
	[sflag:s14] =	ssyncadd.s32 $0xFFFFF9C0  }
0x98: {  	[hbm4b:s0+s18] =	stream.strided.scatter [tilespmem:s15], [sflag:$0x13], $0x640, s3, s18, $0x38;
	[tilespmem:$0x1F4C0] =	vst v63  }
0x99: {  	_ =	swait.ge [sflag:s14], $0x640  }
0x9a: {  	[sflag:s14] =	ssyncset.done $0x0  }
0x9b: {  	s11 =	rddreg [dreg:$0x3]  }
0x9c: {  	s0 =	rddreg [dreg:$0x9];
	s11 =	sadd.s32 $0x1, s11  }
0x9d: {  	p0 =	sne.s32 s11, s0  }
.Ltmp5:
0x9e: {  	_ = 	snop;
	(pc) =	sbr.rel @p0 .LBB2_1-.Ltmp5, $2  }
0x9f: {  	_ =	sdelay $0x2  }
0xa0: {  	[sflag:s14] =	ssyncadd.s32 $0xFFFFF9C0  }
0xa1: {  	_ =	sfence.sel $0x180000  }
0xa2: {  	[bflag:$0x0] =	sbarrier.arrive $0xFFFF  }
0xa3: {  	_ =	strace $0x9000004A  }
0xa4: {  	s0 =	stileid.u32;
	[bflag:$0x2] =	sbarrier.arrive $0xFFFF  }
0xa5: {  	p0 =	sne.s32 s0, $0x0;
	s0 =	rddreg [dreg:$0x2]  }
0xa6: {  	s0 =	sadd.s32 @!p0 $0x100000, s0  }
0xa7: {  	[sflag:s0] =	ssyncadd.tile.s32 @!p0 $0x1;
	_ =	shalt  }
.Lfunc_end2:
_tile_overlayer_lowered:
.L_overlay_start_2:
0xa8: {  	(tag) =	ssettag $0x2  }
0xa9: {  	s0 =	rddreg [dreg:$0x0];
	s2 =	stileid.u32  }
0xaa: {  	s1 =	rddreg [dreg:$0x1];
	p0 =	sne.s32 s2, $0x0  }
0xab: {  	s3 =	rddreg [dreg:$0x2];
	[bflag:$0x3] =	sbarrier.arrive $0xFFFF;
	s2 =	simm.s32 @!p0 $0x1C13  }
0xac: {  	[timem:s3], [sflag:s2] =	dma.local @!p0 [hbm:s0], s1  }
0xad: {  	s0 =	simm.s32 @!p0 $0x13  }
0xae: {  	_ =	swait.ge @!p0 [sflag:s0], s1  }
0xaf: {  	s1 =	ssub.s32 @!p0 $0x0, s1;
	[sflag:s0] =	ssyncset.done @!p0 $0x0  }
0xb0: {  	[sflag:s0] =	ssyncadd.s32 @!p0 s1  }
0xb1: {  	[bflag:$0x3] =	sbarrier.arrive $0xFFFF  }
0xb2: {  	_ =	shalt  }

// kernel: kernel.7.cloned.1.call-start
scs
__scs_entry_jumppad:
0x0: {  	(pc) =	sbr.rel $0x88, $3  }
0x1: {  	(tag) =	ssettag $0x0;
	lr =	simm.s32 $0x1  }
0x2: {  	[smem:$0x3F97] =	sst lr;
	_ =	strace $0xD0000000  }
0x3: {  	_ = 	snop  }
0x4: {  	_ = 	snop  }
0x5: {  	_ = 	snop  }
0x6: {  	_ = 	snop  }
0x7: {  	_ = 	snop  }
__scs_overlays_trampoline_lowered:
0x8: {  	[smem:$0x3FA6] =	sst s0  }
0x9: {  	[smem:$0x3FA7] =	sst s1  }
0xa: {  	[smem:$0x3FA8] =	sst s2  }
0xb: {  	[smem:$0x3FA9] =	sst s3  }
0xc: {  	[smem:$0x3FAA] =	sst s4  }
0xd: {  	[smem:$0x3FAB] =	sst s5  }
0xe: {  	[smem:$0x3FAC] =	sst s6  }
0xf: {  	[smem:$0x3FAD] =	sst s7  }
0x10: {  	[smem:$0x3FAE] =	sst s8  }
0x11: {  	[smem:$0x3FAF] =	sst s9;
	s0 =	simm.s32 @!p0 $0x0  }
0x12: {  	s1 =	sld [smem:$0x3F95];
	s0 =	simm.s32 @p0 $0x1  }
0x13: {  	[smem:$0x3FB0] =	sst s0;
	s0 =	simm.s32 @!p1 $0x0  }
0x14: {  	s2 =	sld [smem:$0x3F94];
	s0 =	simm.s32 @p1 $0x1  }
0x15: {  	[smem:$0x3FB1] =	sst s0;
	s0 =	simm.s32 @!p2 $0x0  }
0x16: {  	s3 =	sld [smem:$0x3FDB];
	s0 =	simm.s32 @p2 $0x1  }
0x17: {  	s4 =	simm.s32 $0x1BF5;
	[smem:$0x3FB3] =	sst s0  }
0x18: {  	s0 =	sld [smem:$0x3F96];
	_ =	swait.ge [sflag:s4], $0x0  }
0x19: {  	s7 =	sld [smem:$0x3F97]  }
0x1a: {  	s8 =	sadd.s32 $0xFFFFE003, lr  }
0x1b: {  	s9 =	sadd.s32 $0xFFFFFEF7, lr;
	s5 =	simm.s32 $0xFFFFFFFF;
	p2 =	slt.u32 s8, $0xFFFFF086  }
0x1c: {  	p1 =	slt.u32 s9, $0xF7A;
	s5 =	simm.s32 @!p2 $0x0  }
0x1d: {  	s5 =	simm.s32 @p1 $0x1;
	p0 =	seq.s32 s7, s2  }
0x1e: {  	s7 =	smul.u32 @!p0 $0xF7A, s2;
	p2 =	seq.s32 @!p0 s5, $0x0  }
0x1f: {  	s9 =	smul.u32 $0xF7A, s1;
	s8 =	simm.s32 @!p0 $0x1BF5;
	p2 =	por !p2, p0  }
0x20: {  	[sflag:s8] =	ssyncset.s32 @!p0 $0xFFFFF086;
	s6 =	sadd.s32 @!p0 s3, s7;
	s7 =	simm.s32 @!p0 $0x108  }
0x21: {  	s3 =	sadd.s32 s3, s9;
	s6 =	sadd.s32 @!p0 $0x88, s6;
	s7 =	simm.s32 @p2 $0x1082  }
0x22: {  	[simem:s7], [sflag:s8] =	dma.local @!p0 [hbm:s6], $0xF7A  }
0x23: {  	s9 =	sor.u32 $0xD0000000, s2;
	s6 =	simm.s32 $0x108;
	_ =	swait.ge @!p0 [sflag:s8], $0x0  }
0x24: {  	s3 =	sadd.s32 $0x88, s3;
	s6 =	simm.s32 @!p1 $0x1082;
	[sflag:s4] =	ssyncset.s32 $0xFFFFF086  }
0x25: {  	[simem:s6], [sflag:s4] =	dma.local [hbm:s3], $0xF7A  }
0x26: {  	[smem:$0x3F97] =	sst s1;
	(tag) =	ssettag s2;
	_ =	strace s9  }
0x27: {  	s1 =	sld [smem:$0x3FA7]  }
0x28: {  	s2 =	sld [smem:$0x3FA8]  }
0x29: {  	s4 =	sld [smem:$0x3FAA]  }
0x2a: {  	p0 =	seq.s32 s5, $0x0;
	s5 =	sld [smem:$0x3FAB]  }
0x2b: {  	s6 =	sld [smem:$0x3FAC]  }
0x2c: {  	s7 =	sld [smem:$0x3FAD]  }
0x2d: {  	s3 =	simm.s32 $0x108;
	s8 =	sld [smem:$0x3FAE]  }
0x2e: {  	s3 =	simm.s32 @!p0 $0x1082;
	s9 =	sld [smem:$0x3FAF]  }
0x2f: {  	lr =	sadd.s32 s0, s3;
	s0 =	sld [smem:$0x3FA6]  }
0x30: {  	s3 =	sld [smem:$0x3FA9]  }
0x31: {  	[smem:$0x3FB2] =	sst s10  }
0x32: {  	s10 =	sld [smem:$0x3FB0];
	_ =	sdelay $0x3  }
0x33: {  	p0 =	seq.s32 s10, $0x1;
	s10 =	sld [smem:$0x3FB2];
	_ =	sdelay $0x3  }
0x34: {  	[smem:$0x3FB2] =	sst s10  }
0x35: {  	s10 =	sld [smem:$0x3FB1];
	_ =	sdelay $0x3  }
0x36: {  	p1 =	seq.s32 s10, $0x1;
	s10 =	sld [smem:$0x3FB2];
	_ =	sdelay $0x3  }
0x37: {  	[smem:$0x3FB2] =	sst s10  }
0x38: {  	s10 =	sld [smem:$0x3FB3]  }
0x39: {  	_ = 	snop;
	(pc) =	sbr.ind lr, $3  }
0x3a: {  	_ = 	snop  }
0x3b: {  	_ = 	snop  }
0x3c: {  	p2 =	seq.s32 s10, $0x1;
	s10 =	sld [smem:$0x3FB2]  }
0x3d: {  	_ =	shalt  }
0x3e: {  	_ =	shalt  }
0x3f: {  	_ =	shalt  }
0x40: {  	_ =	shalt  }
0x41: {  	_ =	shalt  }
0x42: {  	_ =	shalt  }
0x43: {  	_ =	shalt  }
0x44: {  	_ =	shalt  }
0x45: {  	_ =	shalt  }
0x46: {  	_ =	shalt  }
0x47: {  	_ =	shalt  }
0x48: {  	_ =	shalt  }
0x49: {  	_ =	shalt  }
0x4a: {  	_ =	shalt  }
0x4b: {  	_ =	shalt  }
0x4c: {  	_ =	shalt  }
0x4d: {  	_ =	shalt  }
0x4e: {  	_ =	shalt  }
0x4f: {  	_ =	shalt  }
0x50: {  	_ =	shalt  }
0x51: {  	_ =	shalt  }
0x52: {  	_ =	shalt  }
0x53: {  	_ =	shalt  }
0x54: {  	_ =	shalt  }
0x55: {  	_ =	shalt  }
0x56: {  	_ =	shalt  }
0x57: {  	_ =	shalt  }
0x58: {  	_ =	shalt  }
0x59: {  	_ =	shalt  }
0x5a: {  	_ =	shalt  }
0x5b: {  	_ =	shalt  }
0x5c: {  	_ =	shalt  }
0x5d: {  	_ =	shalt  }
0x5e: {  	_ =	shalt  }
0x5f: {  	_ =	shalt  }
0x60: {  	_ =	shalt  }
0x61: {  	_ =	shalt  }
0x62: {  	_ =	shalt  }
0x63: {  	_ =	shalt  }
0x64: {  	_ =	shalt  }
0x65: {  	_ =	shalt  }
0x66: {  	_ =	shalt  }
0x67: {  	_ =	shalt  }
0x68: {  	_ =	shalt  }
0x69: {  	_ =	shalt  }
0x6a: {  	_ =	shalt  }
0x6b: {  	_ =	shalt  }
0x6c: {  	_ =	shalt  }
0x6d: {  	_ =	shalt  }
0x6e: {  	_ =	shalt  }
0x6f: {  	_ =	shalt  }
0x70: {  	_ =	shalt  }
0x71: {  	_ =	shalt  }
0x72: {  	_ =	shalt  }
0x73: {  	_ =	shalt  }
0x74: {  	_ =	shalt  }
0x75: {  	_ =	shalt  }
0x76: {  	_ =	shalt  }
0x77: {  	_ =	shalt  }
0x78: {  	_ =	shalt  }
0x79: {  	_ =	shalt  }
0x7a: {  	_ =	shalt  }
0x7b: {  	_ =	shalt  }
0x7c: {  	_ =	shalt  }
0x7d: {  	_ =	shalt  }
0x7e: {  	_ =	shalt  }
0x7f: {  	_ =	shalt  }
0x80: {  	_ =	shalt  }
0x81: {  	_ =	shalt  }
0x82: {  	_ =	shalt  }
0x83: {  	_ =	shalt  }
0x84: {  	_ =	shalt  }
0x85: {  	_ =	shalt  }
0x86: {  	_ =	shalt  }
0x87: {  	_ =	shalt  }
.Lfunc_end0:
.L_simem_size_0:
called_computation_lowered:
.L_overlay_start_0:
0x88: {  	s2 =	sld [smem:$0x3FD9]  }
0x89: {  	s3 =	sld [smem:$0x3FFE];
	_ =	sdelay $0x1  }
0x8a: {  	s1 =	srdreg.scid  }
0x8b: {  	s0 =	sand.u32 $0x1, s1  }
0x8c: {  	s16 =	sshll.u32 s0, $0xA;
	s2 =	sadd.s32 s3, s2  }
0x8d: {  	s2 =	sadd.s32 s2, s16  }
0x8e: {  	[smem:$0x3FBE] =	sst s2  }
0x8f: {  	_ = 	snop  }
0x90: {  	(tm) =	ssettm $0x1  }
0x91: {  	s17 =	sld [smem:$0x3FFB];
	_ =	sdelay $0x3  }
0x92: {  	_ =	strace s17  }
0x93: {  	s2 =	sld [smem:$0x3FFC];
	_ =	sdelay $0x3  }
0x94: {  	_ =	strace s2  }
0x95: {  	s2 =	sld [smem:$0x3FFD];
	_ =	sdelay $0x3  }
0x96: {  	_ =	strace s2  }
0x97: {  	_ =	strace $0x8FFFFFFF  }
0x98: {  	s18 =	sld [smem:$0x3FDB];
	_ =	sdelay $0x1  }
0x99: {  	s19 =	simm.s32 $_scs_section_size  }
0x9a: {  	s4 =	simm.s32 $_size__tile_overlayer_lowered;
	s5 =	simm.s32 $_tile_overlayer_lowered  }
0x9b: {  	s22 =	simm.s32 $0x1BFF;
	s21 =	sshll.u32 s5, $0x1;
	s2 =	sadd.s32 s19, s18  }
0x9c: {  	s6 =	simm.s32 $0x0;
	s20 =	sshll.u32 s4, $0x1;
	s4 =	sadd.s32 s21, s2  }
0x9d: {  	[timem:s6], [sflag:s22] =	dma.local [hbm:s4], s20  }
0x9e: {  	_ =	swait.ge [sflag:s22], s20  }
0x9f: {  	s3 =	ssub.s32 $0x0, s20;
	[sflag:s22] =	ssyncset.done $0x0  }
0xa0: {  	[sflag:s22] =	ssyncadd.s32 s3;
	_ =	sdelay $0x1  }
0xa1: {  	s23 =	simm.s32 $0x1B8B  }
0xa2: {  	_ =	swait.ge [sflag:s23], $0x1  }
0xa3: {  	[sflag:s23] =	ssyncset.done $0x0  }
0xa4: {  	s25 =	simm.s32 $0x1B8E;
	s24 =	sld [smem:$0x3FFE];
	[sflag:s23] =	ssyncadd.s32 $0xFFFFFFFF  }
0xa5: {  	s26 =	simm.s32 $execute0_lowered;
	[smem:$0x3FD2] =	sst s25  }
0xa6: {  	s4 =	sshll.u32 s26, $0x1;
	_ =	strace $0x80000046;
	[dreg:$0x1] =	wrdreg $0xFFFFFFFF  }
0xa7: {  	s28 =	simm.s32 $_size_execute0_lowered;
	s2 =	sadd.s32 s2, s4;
	[dreg:$0x0] =	wrdreg $0x0  }
0xa8: {  	s4 =	sshll.u32 s28, $0x1;
	[dreg:$0x2] =	wrdreg s2  }
0xa9: {  	[dreg:$0x3] =	wrdreg s4  }
0xaa: {  	[dreg:$0x4] =	wrdreg $0xC0  }
0xab: {  	_ =	task [dreg:s6], $0x5FFFF  }
0xac: {  	[dreg:$0x1] =	wrdreg $0xFFFFFFFF  }
0xad: {  	[dreg:$0x0] =	wrdreg $0x60  }
0xae: {  	[dreg:$0x2] =	wrdreg s24  }
0xaf: {  	[dreg:$0x3] =	wrdreg $0x0  }
0xb0: {  	[dreg:$0x4] =	wrdreg $0x32000  }
0xb1: {  	[dreg:$0x5] =	wrdreg $0x19000  }
0xb2: {  	[dreg:$0x6] =	wrdreg $0x9  }
0xb3: {  	_ =	task.clear_ibuf [dreg:s6], $0x7FFFF;
	_ =	strace $0x90000046  }
0xb4: {  	s29 =	simm.s32 $0x9;
	_ =	strace $0x80000048  }
0xb5: {  	_ =	swait.ge [sflag:s29], $0x1  }
0xb6: {  	[sflag:s29] =	ssyncadd.s32 $0xFFFFFFFF  }
0xb7: {  	_ =	strace $0x90000048  }
0xb8: {  	_ =	sfence  }
0xb9: {  	s30 =	sld [smem:$0x0];
	_ =	sdelay $0x2  }
0xba: {  	s31 =	sshll.u32 s1, $0xD;
	s1 =	sshrl.u32 s1, $0x2  }
0xbb: {  	s3 =	sand.u32 $0x4000, s31;
	s1 =	sadd.s32 s1, s30  }
0xbc: {  	s0 =	sor.u32 s3, s0;
	s1 =	sshll.u32 s1, $0x11  }
0xbd: {  	s0 =	sor.u32 s1, s0  }
0xbe: {  	s0 =	sadd.s32 $0x8F2B, s0  }
0xbf: {  	[sflag:s0] =	ssyncadd.remote.s32 $0x1  }
0xc0: {  	_ =	sfence.sel $0xFFFF  }
0xc1: {  	[dreg:$0x0] =	wrdreg $0xFFFFFFFF;
	(pc) =	sbr.abs _section_cstart, $3  }
0xc2: {  	[dreg:$0x1] =	wrdreg $0xFFFFFFFF  }
0xc3: {  	_ =	task.clear_ibuf [dreg:s6], $0x2FFFF;
	_ =	strace $0x9FFFFFFF  }
0xc4: {  	(tm) =	ssettm $0x7FFFFFFF  }
0xc5: {  	_ =	shalt  }
tec
execute0_lowered:
.L_overlay_start_1:
0x0: {  	(tag) =	ssettag $0x1  }
0x1: {  	s0 =	rddreg [dreg:$0x0]  }
0x2: {  	s1 =	rddreg [dreg:$0x1]  }
0x3: {  	s3 =	rddreg [dreg:$0x2]  }
0x4: {  	s4 =	rddreg [dreg:$0x3]  }
0x5: {  	s2 =	srdreg.scid;
	s8 =	stileid.u32  }
0x6: {  	s6 =	simm.s32 $0x0;
	s28 =	simm.s32 $0x4;
	s29 =	simm.s32 $0x5  }
0x7: {  	s30 =	simm.s32 $0x6;
	s31 =	simm.s32 $0x7;
	s12 =	simm.s32 $0x12  }
0x8: {  	s14 =	simm.s32 $0x0;
	s2 =	sand.u32 $0x1, s2;
	s5 =	smul.u32 $0x1900, s8  }
0x9: {  	[smem:$0x7FF] =	sst s6;
	s10 =	sadd.s32 $0x18BE00, s0;
	s11 =	smul.u32 $0x32000, s8  }
0xa: {  	s17 =	sadd.s32 $0x127E00, s0;
	s8 =	simm.s32 $0x14;
	s18 =	smul.u32 $0x19000, s2  }
0xb: {  	_ =	strace $0x80000047;
	s7 =	ssub.s32 $0x2, s2;
	[dreg:$0x6] =	wrdreg s10  }
0xc: {  	p0 =	sne.s32 s2, $0x0;
	s2 =	simm.s32 $0x9;
	[dreg:$0x7] =	wrdreg s17  }
0xd: {  	s19 =	sshrl.u32 s5, $0x3;
	s9 =	sshrl.u32 s7, $0x1;
	[dreg:$0x8] =	wrdreg s11  }
0xe: {  	s20 =	sshrl.u32 s11, $0x3;
	s21 =	sadd.s32 s5, s1;
	s15 =	sadd.s32 s5, s3  }
0xf: {  	s11 =	simm.s32 $0xE;
	s6 =	sadd.s32 s5, s18;
	s7 =	ssub.s32 s7, s9  }
0x10: {  	[dreg:$0x9] =	wrdreg s21;
	s22 =	sadd.s32 s17, s20;
	s5 =	sadd.s32 s5, s4  }
0x11: {  	s24 =	sadd.s32 s10, s20;
	s21 =	simm.s32 $0x1;
	[dreg:$0xa] =	wrdreg s15  }
0x12: {  	s20 =	simm.s32 $0xB;
	s9 =	simm.s32 $0xC;
	[dreg:$0xb] =	wrdreg s22  }
0x13: {  	s10 =	simm.s32 $0xD;
	s18 =	simm.s32 $0xF;
	[dreg:$0xd] =	wrdreg s5  }
0x14: {  	s6 =	sshrl.u32 s6, $0x3;
	[dreg:$0xf] =	wrdreg s24;
	s26 =	smax.u32 s7, $0x1  }
0x15: {  	s24 =	simm.s32 $0x11300;
	s5 =	simm.s32 $0xA;
	s6 =	sadd.s32 s6, s0  }
0x16: {  	s0 =	sadd.s32 s19, s0;
	[dreg:$0x11] =	wrdreg s26;
	s23 =	sadd.s32 $0x2A00, s6  }
0x17: {  	s7 =	simm.s32 $0x13;
	s0 =	sadd.s32 $0xF200, s0;
	[dreg:$0xc] =	wrdreg s23  }
0x18: {  	s26 =	simm.s32 $0x3;
	s25 =	sadd.s32 $0x8E00, s6;
	[dreg:$0xe] =	wrdreg s0  }
0x19: {  	s19 =	simm.s32 $0x10;
	s6 =	simm.s32 $0x11;
	[dreg:$0x10] =	wrdreg s25  }
0x1a: {  	v0 =	vimm.f32 $0.0e+00;
	v1 =	vimm.f32 $1.000000000e+00;
	s23 =	simm.s32 $0x7D;
	s25 =	simm.s32 $0x2;
	s0 =	simm.s32 $0x8  }
.LBB2_1:
0x1b: {  	[dreg:$0x12] =	wrdreg s14;
	s13 =	simm.s32 $0x40;
	s14 =	simm.s32 $0x0  }
.LBB2_2:
0x1c: {  	p1 =	sne.s32 s13, $0x63C0;
	[tilespmem:s14+$0x12F00] =	vst v0;
	s14 =	smov.u32 s13;
	s13 =	sadd.s32 $0x40, s13  }
.Ltmp0:
0x1d: {  	(pc) =	sbr.rel @p1 .LBB2_2-.Ltmp0, $2  }
0x1e: {  	_ =	sdelay $0x2  }
0x1f: {  	s14 =	sshra.s32 s14, $0x2  }
0x20: {  	[tilespmem:s14+$0x12F00] =	vst v0;
	s13 =	rddreg [dreg:$0x9];
	s16 =	simm.s32 $0x12F00;
	s22 =	simm.s32 $0x17  }
0x21: {  	[spmem:s13] =	stream.linear.scatter [tilespmem:s16], [sflag:$0x17], $0x1900, $0x38;
	[tilespmem:$0x16100] =	vst v63  }
0x22: {  	_ =	swait.ge [sflag:s22], $0x1900  }
0x23: {  	[sflag:s22] =	ssyncset.done $0x0  }
0x24: {  	[sflag:s22] =	ssyncadd.s32 $0xFFFFE700  }
0x25: {  	[spmem:s15] =	stream.linear.scatter [tilespmem:s16], [sflag:$0x17], $0x1900, $0x38;
	[tilespmem:$0x16100] =	vst v63  }
0x26: {  	_ =	swait.ge [sflag:s22], $0x1900  }
0x27: {  	[sflag:s22] =	ssyncset.done $0x0  }
0x28: {  	[sflag:s22] =	ssyncadd.s32 $0xFFFFE700  }
0x29: {  	[tilespmem:$0x11300] =	vst v1  }
0x2a: {  	[tilespmem:$0x11310] =	vst v1  }
0x2b: {  	[tilespmem:$0x11320] =	vst v1  }
0x2c: {  	[tilespmem:$0x11330] =	vst v1  }
0x2d: {  	[tilespmem:$0x11340] =	vst v1  }
0x2e: {  	[tilespmem:$0x11350] =	vst v1  }
0x2f: {  	[tilespmem:$0x11360] =	vst v1  }
0x30: {  	[tilespmem:$0x11370] =	vst v1  }
0x31: {  	p1 =	por $0x0, $0x0;
	[bflag:$0x0] =	sbarrier.arrive $0xFFFF  }
0x32: {  	s15 =	simm.s32 $0x0;
	s22 =	simm.s32 $0xAF00;
	s16 =	rddreg [dreg:$0xb]  }
0x33: {  	[tilespmem:s22], [sflag:$0x16] =	stream.linear.gather [hbm4b:s16+s15], $0x3200, $0x38;
	[tilespmem:$0x16100] =	vst v63  }
.LBB2_5:
0x34: {  	s13 =	simm.s32 $0x1  }
0x35: {  	s14 =	smov.u32 s15;
	s15 =	sand.u32 $0x1, s15;
	s13 =	simm.s32 @!p1 $0x0  }
0x36: {  	s16 =	sadd.s32 $0x1, s14;
	p2 =	seq.s32 s14, $0xF;
	s13 =	smul.u32 $0xC800, s13  }
0x37: {  	[dreg:$0x14] =	wrdreg s16;
	s14 =	smul.u32 @!p2 $0x3200, s16;
	s16 =	simm.s32 $0x16  }
0x38: {  	s15 =	sxor.u32 @!p2 $0x1, s15;
	_ =	swait.ge [sflag:s16], $0x3200;
	s13 =	sshrl.u32 s13, $0x2  }
0x39: {  	s15 =	smul.u32 @!p2 $0xC800, s15;
	s22 =	sadd.s32 $0xAF00, s13;
	s13 =	rddreg [dreg:$0x8]  }
0x3a: {  	[sflag:s16] =	ssyncset.done $0x0;
	s13 =	sadd.s32 @!p2 s13, s14  }
0x3b: {  	[sflag:s16] =	ssyncadd.s32 $0xFFFFCE00;
	s14 =	sshrl.u32 @!p2 s15, $0x2;
	s13 =	sshrl.u32 @!p2 s13, $0x3  }
0x3c: {  	s15 =	simm.s32 @!p2 $0x0;
	s14 =	sadd.s32 @!p2 $0xAF00, s14;
	s13 =	sadd.s32 @!p2 s17, s13  }
0x3d: {  	[tilespmem:s14], [sflag:$0x16] =	stream.linear.gather @!p2 [hbm4b:s13+s15], $0x3200, $0x38;
	[tilespmem:$0x16100] =	vst v63  }
0x3e: {  	s13 =	sadd.s32 $0x0, s22  }
0x3f: {  	[spmem:s1] =	stream.indirect.scatter.add.f32 [tilespmem:s24], [sflag:$0x1], $0x1, s13, s23, $0xb8;
	[tilespmem:$0x16100] =	vst v63  }
0x40: {  	s15 =	sadd.s32 $0x80, s13  }
0x41: {  	[spmem:s1] =	stream.indirect.scatter.add.f32 [tilespmem:s24], [sflag:$0x2], $0x1, s15, s23, $0xb8;
	[tilespmem:$0x16100] =	vst v63  }
0x42: {  	s16 =	sadd.s32 $0x100, s13  }
0x43: {  	[spmem:s1] =	stream.indirect.scatter.add.f32 [tilespmem:s24], [sflag:$0x3], $0x1, s16, s23, $0xb8;
	[tilespmem:$0x16100] =	vst v63  }
0x44: {  	s15 =	sadd.s32 $0x180, s13  }
0x45: {  	[spmem:s1] =	stream.indirect.scatter.add.f32 [tilespmem:s24], [sflag:$0x4], $0x1, s15, s23, $0xb8;
	[tilespmem:$0x16100] =	vst v63  }
0x46: {  	s16 =	sadd.s32 $0x200, s13  }
0x47: {  	[spmem:s1] =	stream.indirect.scatter.add.f32 [tilespmem:s24], [sflag:$0x5], $0x1, s16, s23, $0xb8;
	[tilespmem:$0x16100] =	vst v63  }
0x48: {  	s15 =	sadd.s32 $0x280, s13  }
0x49: {  	[spmem:s1] =	stream.indirect.scatter.add.f32 [tilespmem:s24], [sflag:$0x6], $0x1, s15, s23, $0xb8;
	[tilespmem:$0x16100] =	vst v63  }
0x4a: {  	s16 =	sadd.s32 $0x300, s13  }
0x4b: {  	[spmem:s1] =	stream.indirect.scatter.add.f32 [tilespmem:s24], [sflag:$0x7], $0x1, s16, s23, $0xb8;
	[tilespmem:$0x16100] =	vst v63  }
0x4c: {  	s15 =	sadd.s32 $0x380, s13  }
0x4d: {  	[spmem:s1] =	stream.indirect.scatter.add.f32 [tilespmem:s24], [sflag:$0x8], $0x1, s15, s23, $0xb8;
	[tilespmem:$0x16100] =	vst v63  }
0x4e: {  	s16 =	sadd.s32 $0x400, s13  }
0x4f: {  	[spmem:s1] =	stream.indirect.scatter.add.f32 [tilespmem:s24], [sflag:$0x9], $0x1, s16, s23, $0xb8;
	[tilespmem:$0x16100] =	vst v63  }
0x50: {  	s13 =	sadd.s32 $0x480, s13  }
0x51: {  	[spmem:s1] =	stream.indirect.scatter.add.f32 [tilespmem:s24], [sflag:$0xA], $0x1, s13, s23, $0xb8;
	[tilespmem:$0x16100] =	vst v63  }
0x52: {  	_ =	swait.ge [sflag:s21], $0x7D  }
0x53: {  	[sflag:s21] =	ssyncset.done $0x0  }
0x54: {  	[sflag:s21] =	ssyncadd.s32 $0xFFFFFF83  }
0x55: {  	_ =	swait.ge [sflag:s25], $0x7D  }
0x56: {  	[sflag:s25] =	ssyncset.done $0x0  }
0x57: {  	[sflag:s25] =	ssyncadd.s32 $0xFFFFFF83  }
0x58: {  	_ =	swait.ge [sflag:s26], $0x7D  }
0x59: {  	[sflag:s26] =	ssyncset.done $0x0  }
0x5a: {  	[sflag:s26] =	ssyncadd.s32 $0xFFFFFF83  }
0x5b: {  	_ =	swait.ge [sflag:s28], $0x7D  }
0x5c: {  	[sflag:s28] =	ssyncset.done $0x0  }
0x5d: {  	[sflag:s28] =	ssyncadd.s32 $0xFFFFFF83  }
0x5e: {  	_ =	swait.ge [sflag:s29], $0x7D  }
0x5f: {  	[sflag:s29] =	ssyncset.done $0x0  }
0x60: {  	[sflag:s29] =	ssyncadd.s32 $0xFFFFFF83  }
0x61: {  	_ =	swait.ge [sflag:s30], $0x7D  }
0x62: {  	[sflag:s30] =	ssyncset.done $0x0  }
0x63: {  	[sflag:s30] =	ssyncadd.s32 $0xFFFFFF83  }
0x64: {  	_ =	swait.ge [sflag:s31], $0x7D  }
0x65: {  	[sflag:s31] =	ssyncset.done $0x0  }
0x66: {  	[sflag:s31] =	ssyncadd.s32 $0xFFFFFF83  }
0x67: {  	_ =	swait.ge [sflag:s0], $0x7D  }
0x68: {  	[sflag:s0] =	ssyncset.done $0x0  }
0x69: {  	[sflag:s0] =	ssyncadd.s32 $0xFFFFFF83  }
0x6a: {  	_ =	swait.ge [sflag:s2], $0x7D  }
0x6b: {  	[sflag:s2] =	ssyncset.done $0x0  }
0x6c: {  	[sflag:s2] =	ssyncadd.s32 $0xFFFFFF83  }
0x6d: {  	_ =	swait.ge [sflag:s5], $0x7D  }
0x6e: {  	s14 =	simm.s32 $0x500;
	s15 =	simm.s32 $0x2800;
	[sflag:s5] =	ssyncset.done $0x0  }
.LBB2_6:
0x6f: {  	s16 =	sadd.s32 s14, s22  }
0x70: {  	[sflag:s5] =	ssyncadd.s32 $0xFFFFFF83;
	s14 =	smov.u32 s15;
	s13 =	sadd.s32 $0x1400, s15  }
0x71: {  	[spmem:s1] =	stream.indirect.scatter.add.f32 [tilespmem:s24], [sflag:$0x1], $0x1, s16, s23, $0xb8;
	[tilespmem:$0x16100] =	vst v63  }
0x72: {  	p2 =	seq.s32 s15, $0xB400;
	s15 =	sadd.s32 $0x80, s16  }
0x73: {  	[spmem:s1] =	stream.indirect.scatter.add.f32 [tilespmem:s24], [sflag:$0x2], $0x1, s15, s23, $0xb8;
	[tilespmem:$0x16100] =	vst v63  }
0x74: {  	s15 =	sadd.s32 $0x100, s16  }
0x75: {  	[spmem:s1] =	stream.indirect.scatter.add.f32 [tilespmem:s24], [sflag:$0x3], $0x1, s15, s23, $0xb8;
	[tilespmem:$0x16100] =	vst v63  }
0x76: {  	s15 =	sadd.s32 $0x180, s16  }
0x77: {  	[spmem:s1] =	stream.indirect.scatter.add.f32 [tilespmem:s24], [sflag:$0x4], $0x1, s15, s23, $0xb8;
	[tilespmem:$0x16100] =	vst v63  }
0x78: {  	s15 =	sadd.s32 $0x200, s16  }
0x79: {  	[spmem:s1] =	stream.indirect.scatter.add.f32 [tilespmem:s24], [sflag:$0x5], $0x1, s15, s23, $0xb8;
	[tilespmem:$0x16100] =	vst v63  }
0x7a: {  	s15 =	sadd.s32 $0x280, s16  }
0x7b: {  	[spmem:s1] =	stream.indirect.scatter.add.f32 [tilespmem:s24], [sflag:$0x6], $0x1, s15, s23, $0xb8;
	[tilespmem:$0x16100] =	vst v63  }
0x7c: {  	s15 =	sadd.s32 $0x300, s16  }
0x7d: {  	[spmem:s1] =	stream.indirect.scatter.add.f32 [tilespmem:s24], [sflag:$0x7], $0x1, s15, s23, $0xb8;
	[tilespmem:$0x16100] =	vst v63  }
0x7e: {  	s15 =	sadd.s32 $0x380, s16  }
0x7f: {  	[spmem:s1] =	stream.indirect.scatter.add.f32 [tilespmem:s24], [sflag:$0x8], $0x1, s15, s23, $0xb8;
	[tilespmem:$0x16100] =	vst v63  }
0x80: {  	s15 =	sadd.s32 $0x400, s16  }
0x81: {  	[spmem:s1] =	stream.indirect.scatter.add.f32 [tilespmem:s24], [sflag:$0x9], $0x1, s15, s23, $0xb8;
	[tilespmem:$0x16100] =	vst v63  }
0x82: {  	s15 =	sadd.s32 $0x480, s16  }
0x83: {  	[spmem:s1] =	stream.indirect.scatter.add.f32 [tilespmem:s24], [sflag:$0xA], $0x1, s15, s23, $0xb8;
	[tilespmem:$0x16100] =	vst v63  }
0x84: {  	_ =	swait.ge [sflag:s21], $0x7D  }
0x85: {  	[sflag:s21] =	ssyncset.done $0x0  }
0x86: {  	[sflag:s21] =	ssyncadd.s32 $0xFFFFFF83  }
0x87: {  	_ =	swait.ge [sflag:s25], $0x7D  }
0x88: {  	[sflag:s25] =	ssyncset.done $0x0  }
0x89: {  	[sflag:s25] =	ssyncadd.s32 $0xFFFFFF83  }
0x8a: {  	_ =	swait.ge [sflag:s26], $0x7D  }
0x8b: {  	[sflag:s26] =	ssyncset.done $0x0  }
0x8c: {  	[sflag:s26] =	ssyncadd.s32 $0xFFFFFF83  }
0x8d: {  	_ =	swait.ge [sflag:s28], $0x7D  }
0x8e: {  	[sflag:s28] =	ssyncset.done $0x0  }
0x8f: {  	[sflag:s28] =	ssyncadd.s32 $0xFFFFFF83  }
0x90: {  	_ =	swait.ge [sflag:s29], $0x7D  }
0x91: {  	[sflag:s29] =	ssyncset.done $0x0  }
0x92: {  	[sflag:s29] =	ssyncadd.s32 $0xFFFFFF83  }
0x93: {  	_ =	swait.ge [sflag:s30], $0x7D  }
0x94: {  	[sflag:s30] =	ssyncset.done $0x0  }
0x95: {  	[sflag:s30] =	ssyncadd.s32 $0xFFFFFF83  }
0x96: {  	_ =	swait.ge [sflag:s31], $0x7D  }
0x97: {  	[sflag:s31] =	ssyncset.done $0x0  }
0x98: {  	[sflag:s31] =	ssyncadd.s32 $0xFFFFFF83  }
0x99: {  	_ =	swait.ge [sflag:s0], $0x7D  }
0x9a: {  	[sflag:s0] =	ssyncset.done $0x0  }
0x9b: {  	[sflag:s0] =	ssyncadd.s32 $0xFFFFFF83  }
.Ltmp1:
0x9c: {  	_ =	swait.ge [sflag:s2], $0x7D;
	(pc) =	sbr.rel @!p2 .LBB2_6-.Ltmp1, $4  }
0x9d: {  	[sflag:s2] =	ssyncset.done $0x0  }
0x9e: {  	[sflag:s2] =	ssyncadd.s32 $0xFFFFFF83  }
0x9f: {  	_ =	swait.ge [sflag:s5], $0x7D  }
0xa0: {  	s14 =	sshra.s32 s14, $0x2;
	s15 =	smov.u32 s13;
	[sflag:s5] =	ssyncset.done $0x0  }
0xa1: {  	s13 =	sadd.s32 s14, s22;
	[sflag:s5] =	ssyncadd.s32 $0xFFFFFF83  }
0xa2: {  	[spmem:s1] =	stream.indirect.scatter.add.f32 [tilespmem:s24], [sflag:$0x1], $0x1, s13, s23, $0xb8;
	[tilespmem:$0x16100] =	vst v63  }
0xa3: {  	s14 =	sadd.s32 $0x80, s13  }
0xa4: {  	[spmem:s1] =	stream.indirect.scatter.add.f32 [tilespmem:s24], [sflag:$0x2], $0x1, s14, s23, $0xb8;
	[tilespmem:$0x16100] =	vst v63  }
0xa5: {  	s22 =	sadd.s32 $0x100, s13  }
0xa6: {  	[spmem:s1] =	stream.indirect.scatter.add.f32 [tilespmem:s24], [sflag:$0x3], $0x1, s22, s23, $0xb8;
	[tilespmem:$0x16100] =	vst v63  }
0xa7: {  	s15 =	sadd.s32 $0x180, s13  }
0xa8: {  	[spmem:s1] =	stream.indirect.scatter.add.f32 [tilespmem:s24], [sflag:$0x4], $0x1, s15, s23, $0xb8;
	[tilespmem:$0x16100] =	vst v63  }
0xa9: {  	s16 =	sadd.s32 $0x200, s13  }
0xaa: {  	[spmem:s1] =	stream.indirect.scatter.add.f32 [tilespmem:s24], [sflag:$0x5], $0x1, s16, s23, $0xb8;
	[tilespmem:$0x16100] =	vst v63  }
0xab: {  	s22 =	sadd.s32 $0x280, s13  }
0xac: {  	[spmem:s1] =	stream.indirect.scatter.add.f32 [tilespmem:s24], [sflag:$0x6], $0x1, s22, s23, $0xb8;
	[tilespmem:$0x16100] =	vst v63  }
0xad: {  	s15 =	sadd.s32 $0x300, s13  }
0xae: {  	[spmem:s1] =	stream.indirect.scatter.add.f32 [tilespmem:s24], [sflag:$0x7], $0x1, s15, s23, $0xb8;
	[tilespmem:$0x16100] =	vst v63  }
0xaf: {  	s16 =	sadd.s32 $0x380, s13  }
0xb0: {  	[spmem:s1] =	stream.indirect.scatter.add.f32 [tilespmem:s24], [sflag:$0x8], $0x1, s16, s23, $0xb8;
	[tilespmem:$0x16100] =	vst v63  }
0xb1: {  	s22 =	sadd.s32 $0x400, s13  }
0xb2: {  	[spmem:s1] =	stream.indirect.scatter.add.f32 [tilespmem:s24], [sflag:$0x9], $0x1, s22, s23, $0xb8;
	[tilespmem:$0x16100] =	vst v63  }
0xb3: {  	s13 =	sadd.s32 $0x480, s13  }
0xb4: {  	[spmem:s1] =	stream.indirect.scatter.add.f32 [tilespmem:s24], [sflag:$0xA], $0x1, s13, s23, $0xb8;
	[tilespmem:$0x16100] =	vst v63  }
0xb5: {  	_ =	swait.ge [sflag:s21], $0x7D  }
0xb6: {  	[sflag:s21] =	ssyncset.done $0x0  }
0xb7: {  	[sflag:s21] =	ssyncadd.s32 $0xFFFFFF83  }
0xb8: {  	_ =	swait.ge [sflag:s25], $0x7D  }
0xb9: {  	[sflag:s25] =	ssyncset.done $0x0  }
0xba: {  	[sflag:s25] =	ssyncadd.s32 $0xFFFFFF83  }
0xbb: {  	_ =	swait.ge [sflag:s26], $0x7D  }
0xbc: {  	[sflag:s26] =	ssyncset.done $0x0  }
0xbd: {  	[sflag:s26] =	ssyncadd.s32 $0xFFFFFF83  }
0xbe: {  	_ =	swait.ge [sflag:s28], $0x7D  }
0xbf: {  	[sflag:s28] =	ssyncset.done $0x0  }
0xc0: {  	[sflag:s28] =	ssyncadd.s32 $0xFFFFFF83  }
0xc1: {  	_ =	swait.ge [sflag:s29], $0x7D  }
0xc2: {  	[sflag:s29] =	ssyncset.done $0x0  }
0xc3: {  	[sflag:s29] =	ssyncadd.s32 $0xFFFFFF83  }
0xc4: {  	_ =	swait.ge [sflag:s30], $0x7D  }
0xc5: {  	[sflag:s30] =	ssyncset.done $0x0  }
0xc6: {  	[sflag:s30] =	ssyncadd.s32 $0xFFFFFF83  }
0xc7: {  	_ =	swait.ge [sflag:s31], $0x7D  }
0xc8: {  	[sflag:s31] =	ssyncset.done $0x0  }
0xc9: {  	[sflag:s31] =	ssyncadd.s32 $0xFFFFFF83  }
0xca: {  	_ =	swait.ge [sflag:s0], $0x7D  }
0xcb: {  	[sflag:s0] =	ssyncset.done $0x0  }
0xcc: {  	[sflag:s0] =	ssyncadd.s32 $0xFFFFFF83  }
0xcd: {  	_ =	swait.ge [sflag:s2], $0x7D  }
0xce: {  	[sflag:s2] =	ssyncset.done $0x0  }
0xcf: {  	[sflag:s2] =	ssyncadd.s32 $0xFFFFFF83  }
0xd0: {  	_ =	swait.ge [sflag:s5], $0x7D  }
0xd1: {  	[sflag:s5] =	ssyncset.done $0x0  }
0xd2: {  	[sflag:s5] =	ssyncadd.s32 $0xFFFFFF83  }
0xd3: {  	s15 =	rddreg [dreg:$0x14]  }
0xd4: {  	p2 =	seq.s32 s15, $0x10  }
.Ltmp2:
0xd5: {  	_ = 	snop;
	(pc) =	sbr.rel @!p2 .LBB2_5-.Ltmp2, $2  }
0xd6: {  	_ =	sdelay $0x2  }
0xd7: {  	p1 =	por !p1, !p1  }
0xd8: {  	[bflag:$0x0] =	sbarrier.arrive $0xFFFF  }
0xd9: {  	s14 =	simm.s32 $0x12F00;
	s15 =	simm.s32 $0x17;
	s13 =	rddreg [dreg:$0x9]  }
0xda: {  	[tilespmem:s14], [sflag:$0x17] =	stream.linear.gather [spmem:s13], $0x1900, $0x38;
	[tilespmem:$0x16100] =	vst v63  }
0xdb: {  	_ =	swait.ge [sflag:s15], $0x1900  }
0xdc: {  	s28 =	simm.s32 $0x0;
	[sflag:s15] =	ssyncset.done $0x0  }
0xdd: {  	s16 =	simm.s32 $0x11600;
	s29 =	rddreg [dreg:$0xc];
	[sflag:s15] =	ssyncadd.s32 $0xFFFFE700  }
0xde: {  	[tilespmem:s16], [sflag:$0x17] =	stream.linear.gather [hbm4b:s29+s28], $0x1900, $0x38;
	[tilespmem:$0x16100] =	vst v63  }
0xdf: {  	_ =	swait.ge [sflag:s15], $0x1900  }
0xe0: {  	[sflag:s15] =	ssyncset.done $0x0  }
0xe1: {  	s14 =	simm.s32 $0x0;
	[sflag:s15] =	ssyncadd.s32 $0xFFFFE700  }
0xe2: {  	v2 =	vld [tilespmem:s14+$0x12F00];
	_ =	sdelay $0x4  }
0xe3: {  	v2 =	vadd.f32 $1.000000000e+00, v2  }
0xe4: {  	s21 =	simm.s32 $0x10  }
0xe5: {  	v3 =	vshra.s32 v2, $0x1;
	v4 =	vmul.f32 $5.000000000e-01, v2;
	v2 =	vld [tilespmem:s21+$0x12F00]  }
0xe6: {  	v5 =	vsub.s32 $0x5F3759DF, v3  }
0xe7: {  	v3 =	vmul.f32 v5, v4;
	_ =	sdelay $0x1  }
0xe8: {  	v3 =	vmul.f32 v5, v3  }
0xe9: {  	v2 =	vadd.f32 $1.000000000e+00, v2  }
0xea: {  	v6 =	vsub.f32 $1.500000000e+00, v3  }
0xeb: {  	s16 =	simm.s32 $0x20;
	v7 =	vshra.s32 v2, $0x1;
	v3 =	vmul.f32 $5.000000000e-01, v2  }
0xec: {  	v2 =	vld [tilespmem:s16+$0x12F00];
	v5 =	vmul.f32 v5, v6;
	v6 =	vsub.s32 $0x5F3759DF, v7  }
0xed: {  	v7 =	vmul.f32 v6, v3  }
0xee: {  	v8 =	vmul.f32 v5, v4  }
0xef: {  	v7 =	vmul.f32 v6, v7  }
0xf0: {  	v8 =	vmul.f32 v8, v5  }
0xf1: {  	v2 =	vadd.f32 $1.000000000e+00, v2;
	v7 =	vsub.f32 $1.500000000e+00, v7  }
0xf2: {  	s15 =	simm.s32 $0x30;
	v8 =	vsub.f32 $1.500000000e+00, v8  }
0xf3: {  	v9 =	vshra.s32 v2, $0x1;
	v2 =	vmul.f32 $5.000000000e-01, v2;
	v10 =	vmul.f32 v6, v7;
	v6 =	vld [tilespmem:s15+$0x12F00]  }
0xf4: {  	v7 =	vsub.s32 $0x5F3759DF, v9;
	v11 =	vmul.f32 v8, v5  }
0xf5: {  	v5 =	vmul.f32 v7, v2;
	v8 =	vmul.f32 v10, v3  }
0xf6: {  	v4 =	vmul.f32 v11, v4  }
0xf7: {  	v5 =	vmul.f32 v7, v5;
	v8 =	vmul.f32 v8, v10  }
0xf8: {  	v4 =	vmul.f32 v4, v11;
	v6 =	vadd.f32 $1.000000000e+00, v6  }
0xf9: {  	v5 =	vsub.f32 $1.500000000e+00, v5;
	v12 =	vsub.f32 $1.500000000e+00, v8;
	v8 =	vld [tilespmem:s14+$0x11600]  }
0xfa: {  	v13 =	vsub.f32 $1.500000000e+00, v4  }
0xfb: {  	s13 =	simm.s32 $0x40;
	v14 =	vshra.s32 v6, $0x1;
	v4 =	vmul.f32 $5.000000000e-01, v6;
	v9 =	vmul.f32 v7, v5  }
0xfc: {  	s22 =	simm.s32 $0x140;
	v7 =	vld [tilespmem:s13+$0x12F00];
	v6 =	vsub.s32 $0x5F3759DF, v14;
	v5 =	vmul.f32 v12, v10;
	v10 =	vmul.f32 v13, v11  }
.LBB2_9:
0xfd: {  	p1 =	sne.s32 s22, $0x63C0;
	v11 =	vmul.f32 v6, v4;
	v12 =	vmul.f32 v9, v2;
	v13 =	vmov v9  }
0xfe: {  	v9 =	vmul.f32 v5, v3;
	[tilespmem:s14+$0x14800] =	vst v10;
	v8 =	vmul.f32 v10, v8;
	v3 =	vmovc v2;
	v2 =	vmov v4  }
0xff: {  	v4 =	vmul.f32 v6, v11  }
.Ltmp3:
0x100: {  	v10 =	vmul.f32 v12, v13;
	v9 =	vmul.f32 v9, v5;
	[tilespmem:s14+$0x11600] =	vst v8;
	s14 =	smov.u32 s21;
	s21 =	smov.u32 s16;
	(pc) =	sbr.rel @p1 .LBB2_9-.Ltmp3, $4  }
0x101: {  	s16 =	smov.u32 s15;
	s15 =	smov.u32 s13;
	v7 =	vadd.f32 $1.000000000e+00, v7;
	v11 =	vsub.f32 $1.500000000e+00, v4;
	v8 =	vld [tilespmem:s14+$0x11600]  }
0x102: {  	v12 =	vsub.f32 $1.500000000e+00, v10;
	v10 =	vsub.f32 $1.500000000e+00, v9  }
0x103: {  	s13 =	sshra.s32 s22, $0x2;
	v14 =	vshra.s32 v7, $0x1;
	v4 =	vmul.f32 $5.000000000e-01, v7;
	v9 =	vmul.f32 v6, v11  }
0x104: {  	s22 =	sadd.s32 $0x40, s22;
	v7 =	vld [tilespmem:s13+$0x12F00];
	v6 =	vsub.s32 $0x5F3759DF, v14;
	v10 =	vmul.f32 v10, v5;
	v5 =	vmul.f32 v12, v13  }
0x105: {  	v11 =	vmul.f32 v6, v4;
	v12 =	vmul.f32 v9, v2  }
0x106: {  	v3 =	vmul.f32 v5, v3;
	v8 =	vmul.f32 v10, v8  }
0x107: {  	[tilespmem:s14+$0x14800] =	vst v10;
	v47 =	vmul.f32 v6, v11  }
0x108: {  	v48 =	vmul.f32 v12, v9;
	v3 =	vmul.f32 v3, v5;
	[tilespmem:s14+$0x11600] =	vst v8  }
0x109: {  	v7 =	vadd.f32 $1.000000000e+00, v7;
	v49 =	vsub.f32 $1.500000000e+00, v47;
	v50 =	vld [tilespmem:s21+$0x11600]  }
0x10a: {  	v11 =	vsub.f32 $1.500000000e+00, v48;
	v3 =	vsub.f32 $1.500000000e+00, v3  }
0x10b: {  	v51 =	vshra.s32 v7, $0x1;
	v7 =	vmul.f32 $5.000000000e-01, v7;
	v52 =	vmul.f32 v6, v49  }
0x10c: {  	v54 =	vmul.f32 v11, v9;
	v53 =	vsub.s32 $0x5F3759DF, v51;
	v3 =	vmul.f32 v3, v5  }
0x10d: {  	v55 =	vmul.f32 v53, v7;
	v56 =	vmul.f32 v52, v4  }
0x10e: {  	v2 =	vmul.f32 v54, v2;
	v10 =	vmul.f32 v3, v50  }
0x10f: {  	[tilespmem:s21+$0x14800] =	vst v3;
	v3 =	vmul.f32 v53, v55  }
0x110: {  	v57 =	vmul.f32 v56, v52;
	v2 =	vmul.f32 v2, v54;
	[tilespmem:s21+$0x11600] =	vst v10  }
0x111: {  	v3 =	vsub.f32 $1.500000000e+00, v3;
	v10 =	vld [tilespmem:s16+$0x11600]  }
0x112: {  	v5 =	vsub.f32 $1.500000000e+00, v57;
	v2 =	vsub.f32 $1.500000000e+00, v2  }
0x113: {  	v3 =	vmul.f32 v53, v3  }
0x114: {  	v5 =	vmul.f32 v5, v52;
	v2 =	vmul.f32 v2, v54  }
0x115: {  	v58 =	vmul.f32 v3, v7  }
0x116: {  	v59 =	vmul.f32 v5, v4;
	v60 =	vmul.f32 v2, v10  }
0x117: {  	[tilespmem:s16+$0x14800] =	vst v2  }
0x118: {  	v2 =	vmul.f32 v58, v3;
	v4 =	vmul.f32 v59, v5;
	[tilespmem:s16+$0x11600] =	vst v60  }
0x119: {  	v61 =	vld [tilespmem:s15+$0x11600]  }
0x11a: {  	v2 =	vsub.f32 $1.500000000e+00, v2;
	v4 =	vsub.f32 $1.500000000e+00, v4;
	_ =	sdelay $0x1  }
0x11b: {  	v2 =	vmul.f32 v2, v3;
	v3 =	vmul.f32 v4, v5;
	_ =	sdelay $0x1  }
0x11c: {  	v62 =	vmul.f32 v2, v7;
	v5 =	vmul.f32 v3, v61  }
0x11d: {  	[tilespmem:s15+$0x14800] =	vst v3  }
0x11e: {  	v3 =	vmul.f32 v62, v2;
	[tilespmem:s15+$0x11600] =	vst v5  }
0x11f: {  	v63 =	vld [tilespmem:s13+$0x11600]  }
0x120: {  	v3 =	vsub.f32 $1.500000000e+00, v3;
	_ =	sdelay $0x1  }
0x121: {  	v2 =	vmul.f32 v3, v2;
	_ =	sdelay $0x1  }
0x122: {  	v3 =	vmul.f32 v2, v63  }
0x123: {  	[tilespmem:s13+$0x14800] =	vst v2  }
0x124: {  	s22 =	simm.s32 $0x17;
	s21 =	simm.s32 $0x11600;
	s16 =	rddreg [dreg:$0xd];
	[tilespmem:s13+$0x11600] =	vst v3  }
0x125: {  	[spmem:s16] =	stream.linear.scatter [tilespmem:s21], [sflag:$0x17], $0x1900, $0x38;
	[tilespmem:$0x16100] =	vst v63  }
0x126: {  	_ =	swait.ge [sflag:s22], $0x1900  }
0x127: {  	s14 =	simm.s32 @!p0 $0x14800;
	[sflag:s22] =	ssyncset.done $0x0  }
0x128: {  	s13 =	simm.s32 @!p0 $0x0;
	s15 =	rddreg [dreg:$0xe];
	[sflag:s22] =	ssyncadd.s32 $0xFFFFE700  }
0x129: {  	[hbm4b:s15+s13] =	stream.linear.scatter @!p0 [tilespmem:s14], [sflag:$0x17], $0x1900, $0x38;
	[tilespmem:$0x16100] =	vst v63  }
0x12a: {  	s13 =	simm.s32 @!p0 $0x17  }
0x12b: {  	_ =	swait.ge @!p0 [sflag:s13], $0x1900  }
0x12c: {  	[sflag:s13] =	ssyncset.done @!p0 $0x0  }
0x12d: {  	[sflag:s13] =	ssyncadd.s32 @!p0 $0xFFFFE700  }
0x12e: {  	[bflag:$0x0] =	sbarrier.arrive $0xFFFF  }
0x12f: {  	s26 =	simm.s32 $0x4B00;
	s15 =	simm.s32 $0x0;
	s25 =	rddreg [dreg:$0xf]  }
0x130: {  	[tilespmem:s26], [sflag:$0x15] =	stream.linear.gather [hbm4b:s25+s15], $0x3200, $0x38;
	[tilespmem:$0x16100] =	vst v63  }
0x131: {  	s29 =	simm.s32 $0xAF00;
	p1 =	por $0x0, $0x0;
	s28 =	rddreg [dreg:$0xb]  }
0x132: {  	[tilespmem:s29], [sflag:$0x16] =	stream.linear.gather [hbm4b:s28+s15], $0x3200, $0x38;
	[tilespmem:$0x16100] =	vst v63  }
.LBB2_12:
0x133: {  	s13 =	simm.s32 $0x1  }
0x134: {  	s13 =	simm.s32 @!p1 $0x0  }
0x135: {  	s13 =	smul.u32 $0xC800, s13;
	_ =	sdelay $0x1  }
0x136: {  	s13 =	sshrl.u32 s13, $0x2  }
0x137: {  	s14 =	sadd.s32 $0x4B00, s13  }
0x138: {  	s25 =	simm.s32 $0x15;
	[dreg:$0x5] =	wrdreg s14  }
0x139: {  	s21 =	smov.u32 s17;
	s22 =	smov.u32 s15;
	_ =	swait.ge [sflag:s25], $0x3200  }
0x13a: {  	s15 =	sadd.s32 $0x1, s15;
	s16 =	simm.s32 $0x16;
	[sflag:s25] =	ssyncset.done $0x0  }
0x13b: {  	p2 =	seq.s32 s22, $0xF;
	[dreg:$0x13] =	wrdreg s15;
	[sflag:s25] =	ssyncadd.s32 $0xFFFFCE00  }
0x13c: {  	s14 =	sand.u32 $0x1, s22;
	s15 =	smul.u32 @!p2 $0x3200, s15;
	_ =	swait.ge [sflag:s16], $0x3200  }
0x13d: {  	s17 =	smov.u32 s13;
	s14 =	sxor.u32 @!p2 $0x1, s14;
	s13 =	rddreg [dreg:$0x8]  }
0x13e: {  	s14 =	smul.u32 @!p2 $0x3200, s14;
	[sflag:s16] =	ssyncset.done $0x0;
	s15 =	sadd.s32 @!p2 s13, s15  }
0x13f: {  	[sflag:s16] =	ssyncadd.s32 $0xFFFFCE00;
	s13 =	rddreg [dreg:$0x6];
	s15 =	sshrl.u32 @!p2 s15, $0x3  }
0x140: {  	s16 =	sadd.s32 @!p2 $0x4B00, s14;
	s22 =	sadd.s32 @!p2 s13, s15;
	s13 =	simm.s32 @!p2 $0x0  }
0x141: {  	[tilespmem:s16], [sflag:$0x15] =	stream.linear.gather @!p2 [hbm4b:s22+s13], $0x3200, $0x38;
	[tilespmem:$0x16100] =	vst v63  }
0x142: {  	s26 =	rddreg [dreg:$0x5];
	s14 =	sadd.s32 @!p2 $0xAF00, s14;
	s15 =	sadd.s32 @!p2 s21, s15  }
0x143: {  	[tilespmem:s14], [sflag:$0x16] =	stream.linear.gather @!p2 [hbm4b:s15+s13], $0x3200, $0x38;
	[tilespmem:$0x16100] =	vst v63  }
0x144: {  	s21 =	simm.s32 $0x11380;
	s13 =	sadd.s32 $0x0, s26  }
0x145: {  	[tilespmem:s21], [sflag:$0xB] =	stream.indirect.gather [spmem:s4], $0x1, s13, s23, $0xb8;
	[tilespmem:$0x16100] =	vst v63  }
0x146: {  	s25 =	simm.s32 $0x11400;
	s15 =	sadd.s32 $0x80, s13  }
0x147: {  	[tilespmem:s25], [sflag:$0xC] =	stream.indirect.gather [spmem:s4], $0x1, s15, s23, $0xb8;
	[tilespmem:$0x16100] =	vst v63  }
0x148: {  	s26 =	simm.s32 $0x11480;
	s16 =	sadd.s32 $0x100, s13  }
0x149: {  	[tilespmem:s26], [sflag:$0xD] =	stream.indirect.gather [spmem:s4], $0x1, s16, s23, $0xb8;
	[tilespmem:$0x16100] =	vst v63  }
0x14a: {  	s28 =	simm.s32 $0x11500;
	s22 =	sadd.s32 $0x180, s13  }
0x14b: {  	[tilespmem:s28], [sflag:$0xE] =	stream.indirect.gather [spmem:s4], $0x1, s22, s23, $0xb8;
	[tilespmem:$0x16100] =	vst v63  }
0x14c: {  	s29 =	simm.s32 $0x11580;
	s13 =	sadd.s32 $0x200, s13  }
0x14d: {  	[tilespmem:s29], [sflag:$0xF] =	stream.indirect.gather [spmem:s4], $0x1, s13, s23, $0xb8;
	[tilespmem:$0x16100] =	vst v63  }
0x14e: {  	_ =	swait.ge [sflag:s20], $0x7D  }
0x14f: {  	s22 =	sadd.s32 $0xAF00, s17;
	[sflag:s20] =	ssyncset.done $0x0  }
0x150: {  	s13 =	sadd.s32 $0x0, s22;
	[sflag:s20] =	ssyncadd.s32 $0xFFFFFF83  }
0x151: {  	[spmem:s3] =	stream.indirect.scatter.add.f32 [tilespmem:s21], [sflag:$0x10], $0x1, s13, s23, $0xb8;
	[tilespmem:$0x16100] =	vst v63  }
0x152: {  	_ =	swait.ge [sflag:s9], $0x7D  }
0x153: {  	[sflag:s9] =	ssyncset.done $0x0  }
0x154: {  	s15 =	sadd.s32 $0x80, s13;
	[sflag:s9] =	ssyncadd.s32 $0xFFFFFF83  }
0x155: {  	[spmem:s3] =	stream.indirect.scatter.add.f32 [tilespmem:s25], [sflag:$0x11], $0x1, s15, s23, $0xb8;
	[tilespmem:$0x16100] =	vst v63  }
0x156: {  	_ =	swait.ge [sflag:s10], $0x7D  }
0x157: {  	[sflag:s10] =	ssyncset.done $0x0  }
0x158: {  	s16 =	sadd.s32 $0x100, s13;
	[sflag:s10] =	ssyncadd.s32 $0xFFFFFF83  }
0x159: {  	[spmem:s3] =	stream.indirect.scatter.add.f32 [tilespmem:s26], [sflag:$0x12], $0x1, s16, s23, $0xb8;
	[tilespmem:$0x16100] =	vst v63  }
0x15a: {  	_ =	swait.ge [sflag:s11], $0x7D  }
0x15b: {  	[sflag:s11] =	ssyncset.done $0x0  }
0x15c: {  	s17 =	sadd.s32 $0x180, s13;
	[sflag:s11] =	ssyncadd.s32 $0xFFFFFF83  }
0x15d: {  	[spmem:s3] =	stream.indirect.scatter.add.f32 [tilespmem:s28], [sflag:$0x13], $0x1, s17, s23, $0xb8;
	[tilespmem:$0x16100] =	vst v63  }
0x15e: {  	_ =	swait.ge [sflag:s18], $0x7D  }
0x15f: {  	[sflag:s18] =	ssyncset.done $0x0  }
0x160: {  	s13 =	sadd.s32 $0x200, s13;
	[sflag:s18] =	ssyncadd.s32 $0xFFFFFF83  }
0x161: {  	[spmem:s3] =	stream.indirect.scatter.add.f32 [tilespmem:s29], [sflag:$0x14], $0x1, s13, s23, $0xb8;
	[tilespmem:$0x16100] =	vst v63  }
0x162: {  	_ =	swait.ge [sflag:s19], $0x7D  }
0x163: {  	[sflag:s19] =	ssyncset.done $0x0  }
0x164: {  	[sflag:s19] =	ssyncadd.s32 $0xFFFFFF83  }
0x165: {  	_ =	swait.ge [sflag:s6], $0x7D  }
0x166: {  	[sflag:s6] =	ssyncset.done $0x0  }
0x167: {  	[sflag:s6] =	ssyncadd.s32 $0xFFFFFF83  }
0x168: {  	_ =	swait.ge [sflag:s12], $0x7D  }
0x169: {  	[sflag:s12] =	ssyncset.done $0x0  }
0x16a: {  	[sflag:s12] =	ssyncadd.s32 $0xFFFFFF83  }
0x16b: {  	_ =	swait.ge [sflag:s7], $0x7D  }
0x16c: {  	[sflag:s7] =	ssyncset.done $0x0  }
0x16d: {  	[sflag:s7] =	ssyncadd.s32 $0xFFFFFF83  }
0x16e: {  	s14 =	simm.s32 $0x1400;
	_ =	swait.ge [sflag:s8], $0x7D  }
0x16f: {  	s13 =	simm.s32 $0xA00;
	s15 =	rddreg [dreg:$0x5];
	[sflag:s8] =	ssyncset.done $0x0  }
.LBB2_13:
0x170: {  	s17 =	sshra.s32 s13, $0x2  }
0x171: {  	[sflag:s8] =	ssyncadd.s32 $0xFFFFFF83;
	s16 =	smov.u32 s14;
	s15 =	sadd.s32 s17, s15  }
0x172: {  	[tilespmem:s21], [sflag:$0xB] =	stream.indirect.gather [spmem:s4], $0x1, s15, s23, $0xb8;
	[tilespmem:$0x16100] =	vst v63  }
0x173: {  	s13 =	smov.u32 s16;
	s16 =	sadd.s32 $0x80, s15  }
0x174: {  	[tilespmem:s25], [sflag:$0xC] =	stream.indirect.gather [spmem:s4], $0x1, s16, s23, $0xb8;
	[tilespmem:$0x16100] =	vst v63  }
0x175: {  	s16 =	sadd.s32 $0x100, s15  }
0x176: {  	[tilespmem:s26], [sflag:$0xD] =	stream.indirect.gather [spmem:s4], $0x1, s16, s23, $0xb8;
	[tilespmem:$0x16100] =	vst v63  }
0x177: {  	s16 =	sadd.s32 $0x180, s15  }
0x178: {  	[tilespmem:s28], [sflag:$0xE] =	stream.indirect.gather [spmem:s4], $0x1, s16, s23, $0xb8;
	[tilespmem:$0x16100] =	vst v63  }
0x179: {  	s15 =	sadd.s32 $0x200, s15  }
0x17a: {  	[tilespmem:s29], [sflag:$0xF] =	stream.indirect.gather [spmem:s4], $0x1, s15, s23, $0xb8;
	[tilespmem:$0x16100] =	vst v63  }
0x17b: {  	_ =	swait.ge [sflag:s20], $0x7D  }
0x17c: {  	[sflag:s20] =	ssyncset.done $0x0  }
0x17d: {  	s15 =	sadd.s32 s17, s22;
	[sflag:s20] =	ssyncadd.s32 $0xFFFFFF83  }
0x17e: {  	[spmem:s3] =	stream.indirect.scatter.add.f32 [tilespmem:s21], [sflag:$0x10], $0x1, s15, s23, $0xb8;
	[tilespmem:$0x16100] =	vst v63  }
0x17f: {  	_ =	swait.ge [sflag:s9], $0x7D  }
0x180: {  	[sflag:s9] =	ssyncset.done $0x0  }
0x181: {  	s17 =	sadd.s32 $0x80, s15;
	[sflag:s9] =	ssyncadd.s32 $0xFFFFFF83  }
0x182: {  	[spmem:s3] =	stream.indirect.scatter.add.f32 [tilespmem:s25], [sflag:$0x11], $0x1, s17, s23, $0xb8;
	[tilespmem:$0x16100] =	vst v63  }
0x183: {  	_ =	swait.ge [sflag:s10], $0x7D  }
0x184: {  	[sflag:s10] =	ssyncset.done $0x0  }
0x185: {  	s17 =	sadd.s32 $0x100, s15;
	[sflag:s10] =	ssyncadd.s32 $0xFFFFFF83  }
0x186: {  	[spmem:s3] =	stream.indirect.scatter.add.f32 [tilespmem:s26], [sflag:$0x12], $0x1, s17, s23, $0xb8;
	[tilespmem:$0x16100] =	vst v63  }
0x187: {  	_ =	swait.ge [sflag:s11], $0x7D  }
0x188: {  	[sflag:s11] =	ssyncset.done $0x0  }
0x189: {  	s17 =	sadd.s32 $0x180, s15;
	[sflag:s11] =	ssyncadd.s32 $0xFFFFFF83  }
0x18a: {  	[spmem:s3] =	stream.indirect.scatter.add.f32 [tilespmem:s28], [sflag:$0x13], $0x1, s17, s23, $0xb8;
	[tilespmem:$0x16100] =	vst v63  }
0x18b: {  	_ =	swait.ge [sflag:s18], $0x7D  }
0x18c: {  	[sflag:s18] =	ssyncset.done $0x0  }
0x18d: {  	s15 =	sadd.s32 $0x200, s15;
	[sflag:s18] =	ssyncadd.s32 $0xFFFFFF83  }
0x18e: {  	[spmem:s3] =	stream.indirect.scatter.add.f32 [tilespmem:s29], [sflag:$0x14], $0x1, s15, s23, $0xb8;
	[tilespmem:$0x16100] =	vst v63  }
0x18f: {  	_ =	swait.ge [sflag:s19], $0x7D  }
0x190: {  	[sflag:s19] =	ssyncset.done $0x0  }
0x191: {  	[sflag:s19] =	ssyncadd.s32 $0xFFFFFF83  }
0x192: {  	_ =	swait.ge [sflag:s6], $0x7D  }
0x193: {  	[sflag:s6] =	ssyncset.done $0x0  }
0x194: {  	[sflag:s6] =	ssyncadd.s32 $0xFFFFFF83  }
0x195: {  	_ =	swait.ge [sflag:s12], $0x7D  }
0x196: {  	[sflag:s12] =	ssyncset.done $0x0  }
0x197: {  	p2 =	seq.s32 s14, $0xBE00;
	[sflag:s12] =	ssyncadd.s32 $0xFFFFFF83  }
.Ltmp4:
0x198: {  	_ =	swait.ge [sflag:s7], $0x7D;
	(pc) =	sbr.rel @!p2 .LBB2_13-.Ltmp4, $4  }
0x199: {  	[sflag:s7] =	ssyncset.done $0x0  }
0x19a: {  	[sflag:s7] =	ssyncadd.s32 $0xFFFFFF83  }
0x19b: {  	_ =	swait.ge [sflag:s8], $0x7D  }
0x19c: {  	s14 =	sadd.s32 $0xA00, s14;
	s15 =	rddreg [dreg:$0x5];
	[sflag:s8] =	ssyncset.done $0x0  }
0x19d: {  	s13 =	sshra.s32 s13, $0x2  }
0x19e: {  	[sflag:s8] =	ssyncadd.s32 $0xFFFFFF83;
	s14 =	sadd.s32 s13, s15  }
0x19f: {  	[tilespmem:s21], [sflag:$0xB] =	stream.indirect.gather [spmem:s4], $0x1, s14, s23, $0xb8;
	[tilespmem:$0x16100] =	vst v63  }
0x1a0: {  	s15 =	sadd.s32 $0x80, s14  }
0x1a1: {  	[tilespmem:s25], [sflag:$0xC] =	stream.indirect.gather [spmem:s4], $0x1, s15, s23, $0xb8;
	[tilespmem:$0x16100] =	vst v63  }
0x1a2: {  	s16 =	sadd.s32 $0x100, s14  }
0x1a3: {  	[tilespmem:s26], [sflag:$0xD] =	stream.indirect.gather [spmem:s4], $0x1, s16, s23, $0xb8;
	[tilespmem:$0x16100] =	vst v63  }
0x1a4: {  	s17 =	sadd.s32 $0x180, s14  }
0x1a5: {  	[tilespmem:s28], [sflag:$0xE] =	stream.indirect.gather [spmem:s4], $0x1, s17, s23, $0xb8;
	[tilespmem:$0x16100] =	vst v63  }
0x1a6: {  	s14 =	sadd.s32 $0x200, s14  }
0x1a7: {  	[tilespmem:s29], [sflag:$0xF] =	stream.indirect.gather [spmem:s4], $0x1, s14, s23, $0xb8;
	[tilespmem:$0x16100] =	vst v63  }
0x1a8: {  	_ =	swait.ge [sflag:s20], $0x7D  }
0x1a9: {  	[sflag:s20] =	ssyncset.done $0x0  }
0x1aa: {  	s13 =	sadd.s32 s13, s22;
	[sflag:s20] =	ssyncadd.s32 $0xFFFFFF83  }
0x1ab: {  	[spmem:s3] =	stream.indirect.scatter.add.f32 [tilespmem:s21], [sflag:$0x10], $0x1, s13, s23, $0xb8;
	[tilespmem:$0x16100] =	vst v63  }
0x1ac: {  	_ =	swait.ge [sflag:s9], $0x7D  }
0x1ad: {  	[sflag:s9] =	ssyncset.done $0x0  }
0x1ae: {  	s22 =	sadd.s32 $0x80, s13;
	[sflag:s9] =	ssyncadd.s32 $0xFFFFFF83  }
0x1af: {  	[spmem:s3] =	stream.indirect.scatter.add.f32 [tilespmem:s25], [sflag:$0x11], $0x1, s22, s23, $0xb8;
	[tilespmem:$0x16100] =	vst v63  }
0x1b0: {  	_ =	swait.ge [sflag:s10], $0x7D  }
0x1b1: {  	[sflag:s10] =	ssyncset.done $0x0  }
0x1b2: {  	s25 =	sadd.s32 $0x100, s13;
	[sflag:s10] =	ssyncadd.s32 $0xFFFFFF83  }
0x1b3: {  	[spmem:s3] =	stream.indirect.scatter.add.f32 [tilespmem:s26], [sflag:$0x12], $0x1, s25, s23, $0xb8;
	[tilespmem:$0x16100] =	vst v63  }
0x1b4: {  	_ =	swait.ge [sflag:s11], $0x7D  }
0x1b5: {  	[sflag:s11] =	ssyncset.done $0x0  }
0x1b6: {  	s26 =	sadd.s32 $0x180, s13;
	[sflag:s11] =	ssyncadd.s32 $0xFFFFFF83  }
0x1b7: {  	[spmem:s3] =	stream.indirect.scatter.add.f32 [tilespmem:s28], [sflag:$0x13], $0x1, s26, s23, $0xb8;
	[tilespmem:$0x16100] =	vst v63  }
0x1b8: {  	_ =	swait.ge [sflag:s18], $0x7D  }
0x1b9: {  	[sflag:s18] =	ssyncset.done $0x0  }
0x1ba: {  	s13 =	sadd.s32 $0x200, s13;
	[sflag:s18] =	ssyncadd.s32 $0xFFFFFF83  }
0x1bb: {  	[spmem:s3] =	stream.indirect.scatter.add.f32 [tilespmem:s29], [sflag:$0x14], $0x1, s13, s23, $0xb8;
	[tilespmem:$0x16100] =	vst v63  }
0x1bc: {  	_ =	swait.ge [sflag:s19], $0x7D  }
0x1bd: {  	[sflag:s19] =	ssyncset.done $0x0  }
0x1be: {  	[sflag:s19] =	ssyncadd.s32 $0xFFFFFF83  }
0x1bf: {  	_ =	swait.ge [sflag:s6], $0x7D  }
0x1c0: {  	[sflag:s6] =	ssyncset.done $0x0  }
0x1c1: {  	[sflag:s6] =	ssyncadd.s32 $0xFFFFFF83  }
0x1c2: {  	_ =	swait.ge [sflag:s12], $0x7D  }
0x1c3: {  	[sflag:s12] =	ssyncset.done $0x0  }
0x1c4: {  	[sflag:s12] =	ssyncadd.s32 $0xFFFFFF83  }
0x1c5: {  	_ =	swait.ge [sflag:s7], $0x7D  }
0x1c6: {  	[sflag:s7] =	ssyncset.done $0x0  }
0x1c7: {  	[sflag:s7] =	ssyncadd.s32 $0xFFFFFF83  }
0x1c8: {  	_ =	swait.ge [sflag:s8], $0x7D  }
0x1c9: {  	[sflag:s8] =	ssyncset.done $0x0  }
0x1ca: {  	[sflag:s8] =	ssyncadd.s32 $0xFFFFFF83  }
0x1cb: {  	s15 =	rddreg [dreg:$0x13]  }
0x1cc: {  	p2 =	seq.s32 s15, $0x10  }
.Ltmp5:
0x1cd: {  	_ = 	snop;
	(pc) =	sbr.rel @!p2 .LBB2_12-.Ltmp5, $2  }
0x1ce: {  	_ =	sdelay $0x2  }
0x1cf: {  	p1 =	por !p1, !p1;
	s17 =	rddreg [dreg:$0x7]  }
0x1d0: {  	[bflag:$0x0] =	sbarrier.arrive $0xFFFF  }
0x1d1: {  	s16 =	simm.s32 $0x12F00;
	s22 =	simm.s32 $0x17;
	s15 =	rddreg [dreg:$0xa]  }
0x1d2: {  	[tilespmem:s16], [sflag:$0x17] =	stream.linear.gather [spmem:s15], $0x1900, $0x38;
	[tilespmem:$0x16100] =	vst v63  }
0x1d3: {  	_ =	swait.ge [sflag:s22], $0x1900  }
0x1d4: {  	[sflag:s22] =	ssyncset.done $0x0  }
0x1d5: {  	s13 =	simm.s32 $0x0;
	s14 =	rddreg [dreg:$0x10];
	[sflag:s22] =	ssyncadd.s32 $0xFFFFE700  }
0x1d6: {  	[hbm4b:s14+s13] =	stream.linear.scatter [tilespmem:s16], [sflag:$0x17], $0x1900, $0x38;
	[tilespmem:$0x16100] =	vst v63  }
0x1d7: {  	_ =	swait.ge [sflag:s22], $0x1900  }
0x1d8: {  	s25 =	rddreg [dreg:$0x12]  }
0x1d9: {  	s26 =	rddreg [dreg:$0x11];
	s14 =	sadd.s32 $0x1, s25  }
0x1da: {  	p1 =	sne.s32 s14, s26  }
.Ltmp6:
0x1db: {  	_ = 	snop;
	(pc) =	sbr.rel @p1 .LBB2_1-.Ltmp6, $4  }
0x1dc: {  	_ = 	snop  }
0x1dd: {  	s21 =	simm.s32 $0x1  }
0x1de: {  	s28 =	simm.s32 $0x4;
	s29 =	simm.s32 $0x5;
	[sflag:s22] =	ssyncset.done $0x0  }
0x1df: {  	[sflag:s22] =	ssyncadd.s32 $0xFFFFE700;
	s25 =	simm.s32 $0x2;
	s26 =	simm.s32 $0x3  }
0x1e0: {  	_ =	sfence.sel $0x180000  }
0x1e1: {  	[bflag:$0x0] =	sbarrier.arrive $0xFFFF  }
0x1e2: {  	_ =	strace $0x90000047  }
0x1e3: {  	s0 =	stileid.u32;
	[bflag:$0x2] =	sbarrier.arrive $0xFFFF  }
0x1e4: {  	p0 =	sne.s32 s0, $0x0;
	s0 =	rddreg [dreg:$0x4]  }
0x1e5: {  	s0 =	sadd.s32 @!p0 $0x100000, s0  }
0x1e6: {  	[sflag:s0] =	ssyncadd.tile.s32 @!p0 $0x1;
	_ =	shalt  }
.Lfunc_end2:
_tile_overlayer_lowered:
.L_overlay_start_2:
0x1e7: {  	(tag) =	ssettag $0x2  }
0x1e8: {  	s0 =	rddreg [dreg:$0x0];
	s2 =	stileid.u32  }
0x1e9: {  	s1 =	rddreg [dreg:$0x1];
	p0 =	sne.s32 s2, $0x0  }
0x1ea: {  	s3 =	rddreg [dreg:$0x2];
	[bflag:$0x3] =	sbarrier.arrive $0xFFFF;
	s2 =	simm.s32 @!p0 $0x1C17  }
0x1eb: {  	[timem:s3], [sflag:s2] =	dma.local @!p0 [hbm:s0], s1  }
0x1ec: {  	s0 =	simm.s32 @!p0 $0x17  }
0x1ed: {  	_ =	swait.ge @!p0 [sflag:s0], s1  }
0x1ee: {  	s1 =	ssub.s32 @!p0 $0x0, s1;
	[sflag:s0] =	ssyncset.done @!p0 $0x0  }
0x1ef: {  	[sflag:s0] =	ssyncadd.s32 @!p0 s1  }
0x1f0: {  	[bflag:$0x3] =	sbarrier.arrive $0xFFFF  }
0x1f1: {  	_ =	shalt  }

</sc_bundles>
